<compile_context>
chip_gen: v7x
topology: tpu7x:2x2x1
jax: 0.10.2.dev20260603
libtpu: 0.0.44.dev20260713+nightly
codegen_flags: <defaults>
</compile_context>

<pallas_src>
import functools

import jax
import jax.numpy as jnp
from jax import lax
from jax.experimental import pallas as pl
from jax.experimental.pallas import tpu as pltpu
from jax.experimental.pallas import tpu_sc as plsc

N = 10000
E = 320000
D = 128
H = 128
C = 64

NC = 2
NS = 16
NW = NC * NS
EPT = E // NW
K = 80
CPT = EPT // K
SB = 25
NB = CPT // SB
RPT = 624
TAIL = N - NS * RPT
ZR = 16


def _make_sc_aggregate(dp: int, with_counts: bool):
    mesh = plsc.VectorSubcoreMesh(core_axis_name="c", subcore_axis_name="s",
                                  num_cores=NC, num_subcores=NS)
    out_type = [jax.ShapeDtypeStruct((NC * N, dp), jnp.float32)]
    scratch = [
        pltpu.VMEM((SB, K), jnp.int32),
        pltpu.VMEM((SB, K), jnp.int32),
        pltpu.VMEM((K, dp), jnp.float32),
        pltpu.VMEM((K, dp), jnp.float32),
        pltpu.VMEM((ZR, dp), jnp.float32),
        pltpu.VMEM_SHARED((N, dp), jnp.float32),
        pltpu.SemaphoreType.DMA,
        pltpu.SemaphoreType.DMA,
    ]
    if with_counts:
        out_type.append(jax.ShapeDtypeStruct((NC * N, 16), jnp.float32))
        scratch.extend([
            pltpu.VMEM((K, 16), jnp.float32),
            pltpu.VMEM((ZR, 16), jnp.float32),
            pltpu.VMEM_SHARED((N, 16), jnp.float32),
        ])

    def body(feat_hbm, src_hbm, dst_hbm, out_hbm, *rest):
        if with_counts:
            (cnt_hbm, src_loc, dst_loc, rows0, rows1, zbuf, accum,
             sem0, sem1, ones_loc, zcnt, cnt_sp) = rest
        else:
            src_loc, dst_loc, rows0, rows1, zbuf, accum, sem0, sem1 = rest
        c = lax.axis_index("c")
        s = lax.axis_index("s")
        wid = c * NS + s

        zeros16 = jnp.zeros((16,), jnp.float32)
        ones16 = jnp.full((16,), 1.0, jnp.float32)
        for r in range(ZR):
            for c0 in range(dp // 16):
                zbuf[r, c0 * 16:(c0 + 1) * 16] = zeros16
        if with_counts:
            for r in range(ZR):
                zcnt[r, 0:16] = zeros16
            for r in range(K):
                ones_loc[r, 0:16] = ones16

        def zcp(j, carry):
            pltpu.sync_copy(zbuf, accum.at[pl.ds(s * RPT + j * ZR, ZR)])
            if with_counts:
                pltpu.sync_copy(zcnt, cnt_sp.at[pl.ds(s * RPT + j * ZR, ZR)])
            return carry
        lax.fori_loop(0, RPT // ZR, zcp, 0)

        @pl.when(s == NS - 1)
        def _():
            pltpu.sync_copy(zbuf.at[pl.ds(0, TAIL)],
                            accum.at[pl.ds(NS * RPT, TAIL)])
            if with_counts:
                pltpu.sync_copy(zcnt.at[pl.ds(0, TAIL)],
                                cnt_sp.at[pl.ds(NS * RPT, TAIL)])

        plsc.subcore_barrier()

        def block(b, carry):
            pltpu.sync_copy(src_hbm.at[wid, b], src_loc)
            pltpu.sync_copy(dst_hbm.at[wid, b], dst_loc)

            pltpu.async_copy(feat_hbm.at[src_loc.at[0]], rows0, sem0)

            def chunk(i, carry2):
                nxt = i + 1
                @pl.when(jnp.logical_and(nxt < SB, lax.rem(nxt, 2) == 0))
                def _():
                    pltpu.async_copy(feat_hbm.at[src_loc.at[nxt]], rows0,
                                     sem0)

                @pl.when(jnp.logical_and(nxt < SB, lax.rem(nxt, 2) == 1))
                def _():
                    pltpu.async_copy(feat_hbm.at[src_loc.at[nxt]], rows1,
                                     sem1)

                @pl.when(lax.rem(i, 2) == 0)
                def _():
                    pltpu.make_async_copy(feat_hbm.at[src_loc.at[i]], rows0,
                                          sem0).wait()
                    pltpu.sync_copy(rows0, accum.at[dst_loc.at[i]], add=True)

                @pl.when(lax.rem(i, 2) == 1)
                def _():
                    pltpu.make_async_copy(feat_hbm.at[src_loc.at[i]], rows1,
                                          sem1).wait()
                    pltpu.sync_copy(rows1, accum.at[dst_loc.at[i]], add=True)

                if with_counts:
                    pltpu.sync_copy(ones_loc, cnt_sp.at[dst_loc.at[i]],
                                    add=True)
                return carry2
            lax.fori_loop(0, SB, chunk, 0)
            return carry
        lax.fori_loop(0, NB, block, 0)

        plsc.subcore_barrier()
        pltpu.sync_copy(accum.at[pl.ds(s * RPT, RPT)],
                        out_hbm.at[pl.ds(c * N + s * RPT, RPT)])
        if with_counts:
            pltpu.sync_copy(cnt_sp.at[pl.ds(s * RPT, RPT)],
                            cnt_hbm.at[pl.ds(c * N + s * RPT, RPT)])

        @pl.when(s == NS - 1)
        def _():
            pltpu.sync_copy(accum.at[pl.ds(NS * RPT, TAIL)],
                            out_hbm.at[pl.ds(c * N + NS * RPT, TAIL)])
            if with_counts:
                pltpu.sync_copy(cnt_sp.at[pl.ds(NS * RPT, TAIL)],
                                cnt_hbm.at[pl.ds(c * N + NS * RPT, TAIL)])

    params = pltpu.CompilerParams(use_tc_tiling_on_sc=False)
    return pl.kernel(body, out_type=out_type, mesh=mesh,
                     scratch_types=scratch, compiler_params=params)


@functools.lru_cache(maxsize=None)
def _sc_aggregate(dp: int, with_counts: bool):
    return _make_sc_aggregate(dp, with_counts)

RB = 1000


def _tc1_body(p0, p1, c0, c1, x, wl, b1, wr, w2l, h_ref, y2_ref):
    cs = c0[...][:, 0] + c1[...][:, 0]
    inv = 1.0 / jnp.maximum(cs, 1.0)
    mean = (p0[...] + p1[...]) * inv[:, None]
    dims = (((1,), (1,)), ((), ()))
    h = lax.dot_general(mean, wl[...], dims,
                        preferred_element_type=jnp.float32)
    h = h + b1[...] + lax.dot_general(x[...], wr[...], dims,
                                      preferred_element_type=jnp.float32)
    h = jnp.maximum(h, 0.0)
    h_ref[...] = h
    y2_ref[...] = lax.dot_general(h, w2l[...], dims,
                                  preferred_element_type=jnp.float32)


def _tc2_body(q0, q1, c0, c1, h, wr, b2, out_ref):
    cs = c0[...][:, 0] + c1[...][:, 0]
    inv = 1.0 / jnp.maximum(cs, 1.0)
    dims = (((1,), (1,)), ((), ()))
    o = (q0[...] + q1[...]) * inv[:, None] + b2[...]
    o = o + lax.dot_general(h[...], wr[...], dims,
                            preferred_element_type=jnp.float32)
    m = jnp.max(o, axis=1, keepdims=True)
    e = jnp.exp(o - m)
    lse = jnp.log(jnp.sum(e, axis=1, keepdims=True))
    out_ref[...] = o - m - lse


def _rows_spec(width):
    return pl.BlockSpec((RB, width), lambda i: (i, 0))


def _full_spec(shape):
    return pl.BlockSpec(shape, lambda i: tuple(0 for _ in shape))


_tc1 = pl.pallas_call(
    _tc1_body,
    grid=(N // RB,),
    in_specs=[
        _rows_spec(D), _rows_spec(D),
        _rows_spec(16), _rows_spec(16),
        _rows_spec(D),
        _full_spec((H, D)), _full_spec((1, H)), _full_spec((H, D)),
        _full_spec((C, H)),
    ],
    out_specs=[_rows_spec(H), _rows_spec(C)],
    out_shape=[jax.ShapeDtypeStruct((N, H), jnp.float32),
               jax.ShapeDtypeStruct((N, C), jnp.float32)],
)

_tc2 = pl.pallas_call(
    _tc2_body,
    grid=(N // RB,),
    in_specs=[
        _rows_spec(C), _rows_spec(C),
        _rows_spec(16), _rows_spec(16),
        _rows_spec(H),
        _full_spec((C, H)), _full_spec((1, C)),
    ],
    out_specs=_rows_spec(C),
    out_shape=jax.ShapeDtypeStruct((N, C), jnp.float32),
)


def _as_list(x):
    return list(x) if isinstance(x, (tuple, list)) else [x]


@jax.jit
def kernel(x, edge_index, W1_l, b1_l, W1_r, W2_l, b2_l, W2_r):
    src4d = edge_index[0].reshape(NW, NB, SB, K)
    dst4d = edge_index[1].reshape(NW, NB, SB, K)

    sums1, cnt = _as_list(_sc_aggregate(D, True)(x, src4d, dst4d))
    h, y2 = _tc1(sums1[:N], sums1[N:], cnt[:N], cnt[N:], x,
                 W1_l, b1_l.reshape(1, H), W1_r, W2_l)
    sums2, = _as_list(_sc_aggregate(C, False)(y2, src4d, dst4d))
    out = _tc2(sums2[:N], sums2[N:], cnt[:N], cnt[N:], h,
               W2_r, b2_l.reshape(1, C))
    return out

# --- scband reference (transcript-rebuilt; emitter-appended) ---
"""Pipeline reference for scband-graph-sage-38628935860964 (READ-ONLY COPY).

The authoritative reference and input builder live on the scoring server;
editing this copy changes nothing except your own understanding.
"""

import jax, jax.numpy as jnp
import numpy as np

N = 10000
E = 320000
D = 128
H = 128
C = 64


def setup_inputs(seed: int = 0) -> dict:
    key = jax.random.key(seed)
    ks = jax.random.split(key, 8)
    x = jax.random.normal(ks[0], (N, D), dtype=jnp.float32)
    edge_index = jax.random.randint(ks[1], (2, E), 0, N, dtype=jnp.int32)
    # SAGEConv 1: lin_l (D->H, bias), lin_r (D->H, no bias)
    W1_l = jax.random.normal(ks[2], (H, D), dtype=jnp.float32) * (1.0 / np.sqrt(D))
    b1_l = jnp.zeros((H,), dtype=jnp.float32)
    W1_r = jax.random.normal(ks[3], (H, D), dtype=jnp.float32) * (1.0 / np.sqrt(D))
    # SAGEConv 2 (out_conv): lin_l (H->C, bias), lin_r (H->C, no bias)
    W2_l = jax.random.normal(ks[4], (C, H), dtype=jnp.float32) * (1.0 / np.sqrt(H))
    b2_l = jnp.zeros((C,), dtype=jnp.float32)
    W2_r = jax.random.normal(ks[5], (C, H), dtype=jnp.float32) * (1.0 / np.sqrt(H))
    return {"x": x, "edge_index": edge_index, "W1_l": W1_l, "b1_l": b1_l,
            "W1_r": W1_r, "W2_l": W2_l, "b2_l": b2_l, "W2_r": W2_r}


def _sage_conv(x, edge_index, W_l, b_l, W_r):
    # message: x_j gathered from source nodes; aggregate: mean over edges into dst
    src = edge_index[0]
    dst = edge_index[1]
    msgs = jnp.take(x, src, axis=0)                       # gather  [E, d]
    summed = jax.ops.segment_sum(msgs, dst, num_segments=N)  # scatter-add [N, d]
    counts = jax.ops.segment_sum(jnp.ones((msgs.shape[0],), dtype=x.dtype), dst,
                                 num_segments=N)
    mean = summed / jnp.maximum(counts, 1.0)[:, None]
    out = mean @ W_l.T + b_l                               # lin_l on aggregated
    out = out + x @ W_r.T                                  # root weight lin_r
    return out


def reference(x, edge_index, W1_l, b1_l, W1_r, W2_l, b2_l, W2_r):
    h = _sage_conv(x, edge_index, W1_l, b1_l, W1_r)
    h = jax.nn.relu(h)
    # dropout p=0.0 / eval mode -> identity
    out = _sage_conv(h, edge_index, W2_l, b2_l, W2_r)
    return jax.nn.log_softmax(out, axis=1)

if __name__ == "__main__":
    import jax
    _d = setup_inputs()
    print(jax.jit(kernel)(*tuple(_d.values())))

</pallas_src>

<mosaic_0001>
#map = affine_map<(d0, d1) -> (0, 0)>
#map1 = affine_map<(d0, d1) -> (0, 0, 0, 0)>
module attributes {stable_mosaic.version = 14 : i64} {
  func.func @body(%arg0: i32, %arg1: i32, %arg2: memref<10000x64xf32, #tpu.memory_space<hbm>>, %arg3: memref<32x5x25x80xi32, #tpu.memory_space<hbm>>, %arg4: memref<32x5x25x80xi32, #tpu.memory_space<hbm>>, %arg5: memref<20000x64xf32, #tpu.memory_space<hbm>>, %arg6: memref<25x80xi32, #tpu.memory_space<vmem>>, %arg7: memref<25x80xi32, #tpu.memory_space<vmem>>, %arg8: memref<80x64xf32, #tpu.memory_space<vmem>>, %arg9: memref<80x64xf32, #tpu.memory_space<vmem>>, %arg10: memref<16x64xf32, #tpu.memory_space<vmem>>, %arg11: memref<10000x64xf32, #tpu.memory_space<vmem_shared>>, %arg12: memref<!tpu.dma_semaphore, #tpu.memory_space<semaphore_mem>>, %arg13: memref<!tpu.dma_semaphore, #tpu.memory_space<semaphore_mem>>) attributes {dimension_semantics = [#tpu.dimension_semantics<core_parallel>, #tpu.dimension_semantics<subcore_parallel>], iteration_bounds = array<i64: 2, 16>, scalar_prefetch = 0 : i64, scratch_operands = 8 : i64, tpu.core_type = #tpu.core_type<sc_vector_subcore>, window_params = [{transform_indices = #map}, {transform_indices = #map1}, {transform_indices = #map1}, {transform_indices = #map}]} {
    %mul3A = arith.constant 16 : i32
    %mul3A_0 = arith.muli %arg0, %mul3A : i32
    %add3A = arith.addi %mul3A_0, %arg1 : i32
    %broadcast_in_dim3A = arith.constant 0.000000e+00 : f32
    %broadcast_in_dim3A_1 = vector.broadcast %broadcast_in_dim3A : f32 to vector<16xf32>
    %broadcast_in_dim3A_2 = arith.constant 1.000000e+00 : f32
    %broadcast_in_dim3A_3 = vector.broadcast %broadcast_in_dim3A_2 : f32 to vector<16xf32>
    %swap3A = arith.constant 0 : i32
    %swap3A_4 = arith.index_cast %swap3A : i32 to index
    %swap3A_5 = arith.constant 0 : index
    %swap3A_6 = tpu.vector_load %arg10[%swap3A_4, %swap3A_5] {strides = array<i32>} : memref<16x64xf32, #tpu.memory_space<vmem>>, vector<1x16xf32>,
    %swap3A_7 = vector.shape_cast %swap3A_6 : vector<1x16xf32> to vector<16xf32>
    %swap3A_8 = vector.shape_cast %broadcast_in_dim3A_1 : vector<16xf32> to vector<1x16xf32>
    tpu.vector_store %arg10[%swap3A_4, %swap3A_5], %swap3A_8 {strides = array<i32>} : memref<16x64xf32, #tpu.memory_space<vmem>>, vector<1x16xf32>,
    %swap3A_9 = arith.constant 0 : i32
    %swap3A_10 = arith.index_cast %swap3A_9 : i32 to index
    %swap3A_11 = arith.constant 16 : index
    %swap3A_12 = tpu.vector_load %arg10[%swap3A_10, %swap3A_11] {strides = array<i32>} : memref<16x64xf32, #tpu.memory_space<vmem>>, vector<1x16xf32>,
    %swap3A_13 = vector.shape_cast %swap3A_12 : vector<1x16xf32> to vector<16xf32>
    %swap3A_14 = vector.shape_cast %broadcast_in_dim3A_1 : vector<16xf32> to vector<1x16xf32>
    tpu.vector_store %arg10[%swap3A_10, %swap3A_11], %swap3A_14 {strides = array<i32>} : memref<16x64xf32, #tpu.memory_space<vmem>>, vector<1x16xf32>,
    %swap3A_15 = arith.constant 0 : i32
    %swap3A_16 = arith.index_cast %swap3A_15 : i32 to index
    %swap3A_17 = arith.constant 32 : index
    %swap3A_18 = tpu.vector_load %arg10[%swap3A_16, %swap3A_17] {strides = array<i32>} : memref<16x64xf32, #tpu.memory_space<vmem>>, vector<1x16xf32>,
    %swap3A_19 = vector.shape_cast %swap3A_18 : vector<1x16xf32> to vector<16xf32>
    %swap3A_20 = vector.shape_cast %broadcast_in_dim3A_1 : vector<16xf32> to vector<1x16xf32>
    tpu.vector_store %arg10[%swap3A_16, %swap3A_17], %swap3A_20 {strides = array<i32>} : memref<16x64xf32, #tpu.memory_space<vmem>>, vector<1x16xf32>,
    %swap3A_21 = arith.constant 0 : i32
    %swap3A_22 = arith.index_cast %swap3A_21 : i32 to index
    %swap3A_23 = arith.constant 48 : index
    %swap3A_24 = tpu.vector_load %arg10[%swap3A_22, %swap3A_23] {strides = array<i32>} : memref<16x64xf32, #tpu.memory_space<vmem>>, vector<1x16xf32>,
    %swap3A_25 = vector.shape_cast %swap3A_24 : vector<1x16xf32> to vector<16xf32>
    %swap3A_26 = vector.shape_cast %broadcast_in_dim3A_1 : vector<16xf32> to vector<1x16xf32>
    tpu.vector_store %arg10[%swap3A_22, %swap3A_23], %swap3A_26 {strides = array<i32>} : memref<16x64xf32, #tpu.memory_space<vmem>>, vector<1x16xf32>,
    %swap3A_27 = arith.constant 1 : i32
    %swap3A_28 = arith.index_cast %swap3A_27 : i32 to index
    %swap3A_29 = arith.constant 0 : index
    %swap3A_30 = tpu.vector_load %arg10[%swap3A_28, %swap3A_29] {strides = array<i32>} : memref<16x64xf32, #tpu.memory_space<vmem>>, vector<1x16xf32>,
    %swap3A_31 = vector.shape_cast %swap3A_30 : vector<1x16xf32> to vector<16xf32>
    %swap3A_32 = vector.shape_cast %broadcast_in_dim3A_1 : vector<16xf32> to vector<1x16xf32>
    tpu.vector_store %arg10[%swap3A_28, %swap3A_29], %swap3A_32 {strides = array<i32>} : memref<16x64xf32, #tpu.memory_space<vmem>>, vector<1x16xf32>,
    %swap3A_33 = arith.constant 1 : i32
    %swap3A_34 = arith.index_cast %swap3A_33 : i32 to index
    %swap3A_35 = arith.constant 16 : index
    %swap3A_36 = tpu.vector_load %arg10[%swap3A_34, %swap3A_35] {strides = array<i32>} : memref<16x64xf32, #tpu.memory_space<vmem>>, vector<1x16xf32>,
    %swap3A_37 = vector.shape_cast %swap3A_36 : vector<1x16xf32> to vector<16xf32>
    %swap3A_38 = vector.shape_cast %broadcast_in_dim3A_1 : vector<16xf32> to vector<1x16xf32>
    tpu.vector_store %arg10[%swap3A_34, %swap3A_35], %swap3A_38 {strides = array<i32>} : memref<16x64xf32, #tpu.memory_space<vmem>>, vector<1x16xf32>,
    %swap3A_39 = arith.constant 1 : i32
    %swap3A_40 = arith.index_cast %swap3A_39 : i32 to index
    %swap3A_41 = arith.constant 32 : index
    %swap3A_42 = tpu.vector_load %arg10[%swap3A_40, %swap3A_41] {strides = array<i32>} : memref<16x64xf32, #tpu.memory_space<vmem>>, vector<1x16xf32>,
    %swap3A_43 = vector.shape_cast %swap3A_42 : vector<1x16xf32> to vector<16xf32>
    %swap3A_44 = vector.shape_cast %broadcast_in_dim3A_1 : vector<16xf32> to vector<1x16xf32>
    tpu.vector_store %arg10[%swap3A_40, %swap3A_41], %swap3A_44 {strides = array<i32>} : memref<16x64xf32, #tpu.memory_space<vmem>>, vector<1x16xf32>,
    %swap3A_45 = arith.constant 1 : i32
    %swap3A_46 = arith.index_cast %swap3A_45 : i32 to index
    %swap3A_47 = arith.constant 48 : index
    %swap3A_48 = tpu.vector_load %arg10[%swap3A_46, %swap3A_47] {strides = array<i32>} : memref<16x64xf32, #tpu.memory_space<vmem>>, vector<1x16xf32>,
    %swap3A_49 = vector.shape_cast %swap3A_48 : vector<1x16xf32> to vector<16xf32>
    %swap3A_50 = vector.shape_cast %broadcast_in_dim3A_1 : vector<16xf32> to vector<1x16xf32>
    tpu.vector_store %arg10[%swap3A_46, %swap3A_47], %swap3A_50 {strides = array<i32>} : memref<16x64xf32, #tpu.memory_space<vmem>>, vector<1x16xf32>,
    %swap3A_51 = arith.constant 2 : i32
    %swap3A_52 = arith.index_cast %swap3A_51 : i32 to index
    %swap3A_53 = arith.constant 0 : index
    %swap3A_54 = tpu.vector_load %arg10[%swap3A_52, %swap3A_53] {strides = array<i32>} : memref<16x64xf32, #tpu.memory_space<vmem>>, vector<1x16xf32>,
    %swap3A_55 = vector.shape_cast %swap3A_54 : vector<1x16xf32> to vector<16xf32>
    %swap3A_56 = vector.shape_cast %broadcast_in_dim3A_1 : vector<16xf32> to vector<1x16xf32>
    tpu.vector_store %arg10[%swap3A_52, %swap3A_53], %swap3A_56 {strides = array<i32>} : memref<16x64xf32, #tpu.memory_space<vmem>>, vector<1x16xf32>,
    %swap3A_57 = arith.constant 2 : i32
    %swap3A_58 = arith.index_cast %swap3A_57 : i32 to index
    %swap3A_59 = arith.constant 16 : index
    %swap3A_60 = tpu.vector_load %arg10[%swap3A_58, %swap3A_59] {strides = array<i32>} : memref<16x64xf32, #tpu.memory_space<vmem>>, vector<1x16xf32>,
    %swap3A_61 = vector.shape_cast %swap3A_60 : vector<1x16xf32> to vector<16xf32>
    %swap3A_62 = vector.shape_cast %broadcast_in_dim3A_1 : vector<16xf32> to vector<1x16xf32>
    tpu.vector_store %arg10[%swap3A_58, %swap3A_59], %swap3A_62 {strides = array<i32>} : memref<16x64xf32, #tpu.memory_space<vmem>>, vector<1x16xf32>,
    %swap3A_63 = arith.constant 2 : i32
    %swap3A_64 = arith.index_cast %swap3A_63 : i32 to index
    %swap3A_65 = arith.constant 32 : index
    %swap3A_66 = tpu.vector_load %arg10[%swap3A_64, %swap3A_65] {strides = array<i32>} : memref<16x64xf32, #tpu.memory_space<vmem>>, vector<1x16xf32>,
    %swap3A_67 = vector.shape_cast %swap3A_66 : vector<1x16xf32> to vector<16xf32>
    %swap3A_68 = vector.shape_cast %broadcast_in_dim3A_1 : vector<16xf32> to vector<1x16xf32>
    tpu.vector_store %arg10[%swap3A_64, %swap3A_65], %swap3A_68 {strides = array<i32>} : memref<16x64xf32, #tpu.memory_space<vmem>>, vector<1x16xf32>,
    %swap3A_69 = arith.constant 2 : i32
    %swap3A_70 = arith.index_cast %swap3A_69 : i32 to index
    %swap3A_71 = arith.constant 48 : index
    %swap3A_72 = tpu.vector_load %arg10[%swap3A_70, %swap3A_71] {strides = array<i32>} : memref<16x64xf32, #tpu.memory_space<vmem>>, vector<1x16xf32>,
    %swap3A_73 = vector.shape_cast %swap3A_72 : vector<1x16xf32> to vector<16xf32>
    %swap3A_74 = vector.shape_cast %broadcast_in_dim3A_1 : vector<16xf32> to vector<1x16xf32>
    tpu.vector_store %arg10[%swap3A_70, %swap3A_71], %swap3A_74 {strides = array<i32>} : memref<16x64xf32, #tpu.memory_space<vmem>>, vector<1x16xf32>,
    %swap3A_75 = arith.constant 3 : i32
    %swap3A_76 = arith.index_cast %swap3A_75 : i32 to index
    %swap3A_77 = arith.constant 0 : index
    %swap3A_78 = tpu.vector_load %arg10[%swap3A_76, %swap3A_77] {strides = array<i32>} : memref<16x64xf32, #tpu.memory_space<vmem>>, vector<1x16xf32>,
    %swap3A_79 = vector.shape_cast %swap3A_78 : vector<1x16xf32> to vector<16xf32>
    %swap3A_80 = vector.shape_cast %broadcast_in_dim3A_1 : vector<16xf32> to vector<1x16xf32>
    tpu.vector_store %arg10[%swap3A_76, %swap3A_77], %swap3A_80 {strides = array<i32>} : memref<16x64xf32, #tpu.memory_space<vmem>>, vector<1x16xf32>,
    %swap3A_81 = arith.constant 3 : i32
    %swap3A_82 = arith.index_cast %swap3A_81 : i32 to index
    %swap3A_83 = arith.constant 16 : index
    %swap3A_84 = tpu.vector_load %arg10[%swap3A_82, %swap3A_83] {strides = array<i32>} : memref<16x64xf32, #tpu.memory_space<vmem>>, vector<1x16xf32>,
    %swap3A_85 = vector.shape_cast %swap3A_84 : vector<1x16xf32> to vector<16xf32>
    %swap3A_86 = vector.shape_cast %broadcast_in_dim3A_1 : vector<16xf32> to vector<1x16xf32>
    tpu.vector_store %arg10[%swap3A_82, %swap3A_83], %swap3A_86 {strides = array<i32>} : memref<16x64xf32, #tpu.memory_space<vmem>>, vector<1x16xf32>,
    %swap3A_87 = arith.constant 3 : i32
    %swap3A_88 = arith.index_cast %swap3A_87 : i32 to index
    %swap3A_89 = arith.constant 32 : index
    %swap3A_90 = tpu.vector_load %arg10[%swap3A_88, %swap3A_89] {strides = array<i32>} : memref<16x64xf32, #tpu.memory_space<vmem>>, vector<1x16xf32>,
    %swap3A_91 = vector.shape_cast %swap3A_90 : vector<1x16xf32> to vector<16xf32>
    %swap3A_92 = vector.shape_cast %broadcast_in_dim3A_1 : vector<16xf32> to vector<1x16xf32>
    tpu.vector_store %arg10[%swap3A_88, %swap3A_89], %swap3A_92 {strides = array<i32>} : memref<16x64xf32, #tpu.memory_space<vmem>>, vector<1x16xf32>,
    %swap3A_93 = arith.constant 3 : i32
    %swap3A_94 = arith.index_cast %swap3A_93 : i32 to index
    %swap3A_95 = arith.constant 48 : index
    %swap3A_96 = tpu.vector_load %arg10[%swap3A_94, %swap3A_95] {strides = array<i32>} : memref<16x64xf32, #tpu.memory_space<vmem>>, vector<1x16xf32>,
    %swap3A_97 = vector.shape_cast %swap3A_96 : vector<1x16xf32> to vector<16xf32>
    %swap3A_98 = vector.shape_cast %broadcast_in_dim3A_1 : vector<16xf32> to vector<1x16xf32>
    tpu.vector_store %arg10[%swap3A_94, %swap3A_95], %swap3A_98 {strides = array<i32>} : memref<16x64xf32, #tpu.memory_space<vmem>>, vector<1x16xf32>,
    %swap3A_99 = arith.constant 4 : i32
    %swap3A_100 = arith.index_cast %swap3A_99 : i32 to index
    %swap3A_101 = arith.constant 0 : index
    %swap3A_102 = tpu.vector_load %arg10[%swap3A_100, %swap3A_101] {strides = array<i32>} : memref<16x64xf32, #tpu.memory_space<vmem>>, vector<1x16xf32>,
    %swap3A_103 = vector.shape_cast %swap3A_102 : vector<1x16xf32> to vector<16xf32>
    %swap3A_104 = vector.shape_cast %broadcast_in_dim3A_1 : vector<16xf32> to vector<1x16xf32>
    tpu.vector_store %arg10[%swap3A_100, %swap3A_101], %swap3A_104 {strides = array<i32>} : memref<16x64xf32, #tpu.memory_space<vmem>>, vector<1x16xf32>,
    %swap3A_105 = arith.constant 4 : i32
    %swap3A_106 = arith.index_cast %swap3A_105 : i32 to index
    %swap3A_107 = arith.constant 16 : index
    %swap3A_108 = tpu.vector_load %arg10[%swap3A_106, %swap3A_107] {strides = array<i32>} : memref<16x64xf32, #tpu.memory_space<vmem>>, vector<1x16xf32>,
    %swap3A_109 = vector.shape_cast %swap3A_108 : vector<1x16xf32> to vector<16xf32>
    %swap3A_110 = vector.shape_cast %broadcast_in_dim3A_1 : vector<16xf32> to vector<1x16xf32>
    tpu.vector_store %arg10[%swap3A_106, %swap3A_107], %swap3A_110 {strides = array<i32>} : memref<16x64xf32, #tpu.memory_space<vmem>>, vector<1x16xf32>,
    %swap3A_111 = arith.constant 4 : i32
    %swap3A_112 = arith.index_cast %swap3A_111 : i32 to index
    %swap3A_113 = arith.constant 32 : index
    %swap3A_114 = tpu.vector_load %arg10[%swap3A_112, %swap3A_113] {strides = array<i32>} : memref<16x64xf32, #tpu.memory_space<vmem>>, vector<1x16xf32>,
    %swap3A_115 = vector.shape_cast %swap3A_114 : vector<1x16xf32> to vector<16xf32>
    %swap3A_116 = vector.shape_cast %broadcast_in_dim3A_1 : vector<16xf32> to vector<1x16xf32>
    tpu.vector_store %arg10[%swap3A_112, %swap3A_113], %swap3A_116 {strides = array<i32>} : memref<16x64xf32, #tpu.memory_space<vmem>>, vector<1x16xf32>,
    %swap3A_117 = arith.constant 4 : i32
    %swap3A_118 = arith.index_cast %swap3A_117 : i32 to index
    %swap3A_119 = arith.constant 48 : index
    %swap3A_120 = tpu.vector_load %arg10[%swap3A_118, %swap3A_119] {strides = array<i32>} : memref<16x64xf32, #tpu.memory_space<vmem>>, vector<1x16xf32>,
    %swap3A_121 = vector.shape_cast %swap3A_120 : vector<1x16xf32> to vector<16xf32>
    %swap3A_122 = vector.shape_cast %broadcast_in_dim3A_1 : vector<16xf32> to vector<1x16xf32>
    tpu.vector_store %arg10[%swap3A_118, %swap3A_119], %swap3A_122 {strides = array<i32>} : memref<16x64xf32, #tpu.memory_space<vmem>>, vector<1x16xf32>,
    %swap3A_123 = arith.constant 5 : i32
    %swap3A_124 = arith.index_cast %swap3A_123 : i32 to index
    %swap3A_125 = arith.constant 0 : index
    %swap3A_126 = tpu.vector_load %arg10[%swap3A_124, %swap3A_125] {strides = array<i32>} : memref<16x64xf32, #tpu.memory_space<vmem>>, vector<1x16xf32>,
    %swap3A_127 = vector.shape_cast %swap3A_126 : vector<1x16xf32> to vector<16xf32>
    %swap3A_128 = vector.shape_cast %broadcast_in_dim3A_1 : vector<16xf32> to vector<1x16xf32>
    tpu.vector_store %arg10[%swap3A_124, %swap3A_125], %swap3A_128 {strides = array<i32>} : memref<16x64xf32, #tpu.memory_space<vmem>>, vector<1x16xf32>,
    %swap3A_129 = arith.constant 5 : i32
    %swap3A_130 = arith.index_cast %swap3A_129 : i32 to index
    %swap3A_131 = arith.constant 16 : index
    %swap3A_132 = tpu.vector_load %arg10[%swap3A_130, %swap3A_131] {strides = array<i32>} : memref<16x64xf32, #tpu.memory_space<vmem>>, vector<1x16xf32>,
    %swap3A_133 = vector.shape_cast %swap3A_132 : vector<1x16xf32> to vector<16xf32>
    %swap3A_134 = vector.shape_cast %broadcast_in_dim3A_1 : vector<16xf32> to vector<1x16xf32>
    tpu.vector_store %arg10[%swap3A_130, %swap3A_131], %swap3A_134 {strides = array<i32>} : memref<16x64xf32, #tpu.memory_space<vmem>>, vector<1x16xf32>,
    %swap3A_135 = arith.constant 5 : i32
    %swap3A_136 = arith.index_cast %swap3A_135 : i32 to index
    %swap3A_137 = arith.constant 32 : index
    %swap3A_138 = tpu.vector_load %arg10[%swap3A_136, %swap3A_137] {strides = array<i32>} : memref<16x64xf32, #tpu.memory_space<vmem>>, vector<1x16xf32>,
    %swap3A_139 = vector.shape_cast %swap3A_138 : vector<1x16xf32> to vector<16xf32>
    %swap3A_140 = vector.shape_cast %broadcast_in_dim3A_1 : vector<16xf32> to vector<1x16xf32>
    tpu.vector_store %arg10[%swap3A_136, %swap3A_137], %swap3A_140 {strides = array<i32>} : memref<16x64xf32, #tpu.memory_space<vmem>>, vector<1x16xf32>,
    %swap3A_141 = arith.constant 5 : i32
    %swap3A_142 = arith.index_cast %swap3A_141 : i32 to index
    %swap3A_143 = arith.constant 48 : index
    %swap3A_144 = tpu.vector_load %arg10[%swap3A_142, %swap3A_143] {strides = array<i32>} : memref<16x64xf32, #tpu.memory_space<vmem>>, vector<1x16xf32>,
    %swap3A_145 = vector.shape_cast %swap3A_144 : vector<1x16xf32> to vector<16xf32>
    %swap3A_146 = vector.shape_cast %broadcast_in_dim3A_1 : vector<16xf32> to vector<1x16xf32>
    tpu.vector_store %arg10[%swap3A_142, %swap3A_143], %swap3A_146 {strides = array<i32>} : memref<16x64xf32, #tpu.memory_space<vmem>>, vector<1x16xf32>,
    %swap3A_147 = arith.constant 6 : i32
    %swap3A_148 = arith.index_cast %swap3A_147 : i32 to index
    %swap3A_149 = arith.constant 0 : index
    %swap3A_150 = tpu.vector_load %arg10[%swap3A_148, %swap3A_149] {strides = array<i32>} : memref<16x64xf32, #tpu.memory_space<vmem>>, vector<1x16xf32>,
    %swap3A_151 = vector.shape_cast %swap3A_150 : vector<1x16xf32> to vector<16xf32>
    %swap3A_152 = vector.shape_cast %broadcast_in_dim3A_1 : vector<16xf32> to vector<1x16xf32>
    tpu.vector_store %arg10[%swap3A_148, %swap3A_149], %swap3A_152 {strides = array<i32>} : memref<16x64xf32, #tpu.memory_space<vmem>>, vector<1x16xf32>,
    %swap3A_153 = arith.constant 6 : i32
    %swap3A_154 = arith.index_cast %swap3A_153 : i32 to index
    %swap3A_155 = arith.constant 16 : index
    %swap3A_156 = tpu.vector_load %arg10[%swap3A_154, %swap3A_155] {strides = array<i32>} : memref<16x64xf32, #tpu.memory_space<vmem>>, vector<1x16xf32>,
    %swap3A_157 = vector.shape_cast %swap3A_156 : vector<1x16xf32> to vector<16xf32>
    %swap3A_158 = vector.shape_cast %broadcast_in_dim3A_1 : vector<16xf32> to vector<1x16xf32>
    tpu.vector_store %arg10[%swap3A_154, %swap3A_155], %swap3A_158 {strides = array<i32>} : memref<16x64xf32, #tpu.memory_space<vmem>>, vector<1x16xf32>,
    %swap3A_159 = arith.constant 6 : i32
    %swap3A_160 = arith.index_cast %swap3A_159 : i32 to index
    %swap3A_161 = arith.constant 32 : index
    %swap3A_162 = tpu.vector_load %arg10[%swap3A_160, %swap3A_161] {strides = array<i32>} : memref<16x64xf32, #tpu.memory_space<vmem>>, vector<1x16xf32>,
    %swap3A_163 = vector.shape_cast %swap3A_162 : vector<1x16xf32> to vector<16xf32>
    %swap3A_164 = vector.shape_cast %broadcast_in_dim3A_1 : vector<16xf32> to vector<1x16xf32>
    tpu.vector_store %arg10[%swap3A_160, %swap3A_161], %swap3A_164 {strides = array<i32>} : memref<16x64xf32, #tpu.memory_space<vmem>>, vector<1x16xf32>,
    %swap3A_165 = arith.constant 6 : i32
    %swap3A_166 = arith.index_cast %swap3A_165 : i32 to index
    %swap3A_167 = arith.constant 48 : index
    %swap3A_168 = tpu.vector_load %arg10[%swap3A_166, %swap3A_167] {strides = array<i32>} : memref<16x64xf32, #tpu.memory_space<vmem>>, vector<1x16xf32>,
    %swap3A_169 = vector.shape_cast %swap3A_168 : vector<1x16xf32> to vector<16xf32>
    %swap3A_170 = vector.shape_cast %broadcast_in_dim3A_1 : vector<16xf32> to vector<1x16xf32>
    tpu.vector_store %arg10[%swap3A_166, %swap3A_167], %swap3A_170 {strides = array<i32>} : memref<16x64xf32, #tpu.memory_space<vmem>>, vector<1x16xf32>,
    %swap3A_171 = arith.constant 7 : i32
    %swap3A_172 = arith.index_cast %swap3A_171 : i32 to index
    %swap3A_173 = arith.constant 0 : index
    %swap3A_174 = tpu.vector_load %arg10[%swap3A_172, %swap3A_173] {strides = array<i32>} : memref<16x64xf32, #tpu.memory_space<vmem>>, vector<1x16xf32>,
    %swap3A_175 = vector.shape_cast %swap3A_174 : vector<1x16xf32> to vector<16xf32>
    %swap3A_176 = vector.shape_cast %broadcast_in_dim3A_1 : vector<16xf32> to vector<1x16xf32>
    tpu.vector_store %arg10[%swap3A_172, %swap3A_173], %swap3A_176 {strides = array<i32>} : memref<16x64xf32, #tpu.memory_space<vmem>>, vector<1x16xf32>,
    %swap3A_177 = arith.constant 7 : i32
    %swap3A_178 = arith.index_cast %swap3A_177 : i32 to index
    %swap3A_179 = arith.constant 16 : index
    %swap3A_180 = tpu.vector_load %arg10[%swap3A_178, %swap3A_179] {strides = array<i32>} : memref<16x64xf32, #tpu.memory_space<vmem>>, vector<1x16xf32>,
    %swap3A_181 = vector.shape_cast %swap3A_180 : vector<1x16xf32> to vector<16xf32>
    %swap3A_182 = vector.shape_cast %broadcast_in_dim3A_1 : vector<16xf32> to vector<1x16xf32>
    tpu.vector_store %arg10[%swap3A_178, %swap3A_179], %swap3A_182 {strides = array<i32>} : memref<16x64xf32, #tpu.memory_space<vmem>>, vector<1x16xf32>,
    %swap3A_183 = arith.constant 7 : i32
    %swap3A_184 = arith.index_cast %swap3A_183 : i32 to index
    %swap3A_185 = arith.constant 32 : index
    %swap3A_186 = tpu.vector_load %arg10[%swap3A_184, %swap3A_185] {strides = array<i32>} : memref<16x64xf32, #tpu.memory_space<vmem>>, vector<1x16xf32>,
    %swap3A_187 = vector.shape_cast %swap3A_186 : vector<1x16xf32> to vector<16xf32>
    %swap3A_188 = vector.shape_cast %broadcast_in_dim3A_1 : vector<16xf32> to vector<1x16xf32>
    tpu.vector_store %arg10[%swap3A_184, %swap3A_185], %swap3A_188 {strides = array<i32>} : memref<16x64xf32, #tpu.memory_space<vmem>>, vector<1x16xf32>,
    %swap3A_189 = arith.constant 7 : i32
    %swap3A_190 = arith.index_cast %swap3A_189 : i32 to index
    %swap3A_191 = arith.constant 48 : index
    %swap3A_192 = tpu.vector_load %arg10[%swap3A_190, %swap3A_191] {strides = array<i32>} : memref<16x64xf32, #tpu.memory_space<vmem>>, vector<1x16xf32>,
    %swap3A_193 = vector.shape_cast %swap3A_192 : vector<1x16xf32> to vector<16xf32>
    %swap3A_194 = vector.shape_cast %broadcast_in_dim3A_1 : vector<16xf32> to vector<1x16xf32>
    tpu.vector_store %arg10[%swap3A_190, %swap3A_191], %swap3A_194 {strides = array<i32>} : memref<16x64xf32, #tpu.memory_space<vmem>>, vector<1x16xf32>,
    %swap3A_195 = arith.constant 8 : i32
    %swap3A_196 = arith.index_cast %swap3A_195 : i32 to index
    %swap3A_197 = arith.constant 0 : index
    %swap3A_198 = tpu.vector_load %arg10[%swap3A_196, %swap3A_197] {strides = array<i32>} : memref<16x64xf32, #tpu.memory_space<vmem>>, vector<1x16xf32>,
    %swap3A_199 = vector.shape_cast %swap3A_198 : vector<1x16xf32> to vector<16xf32>
    %swap3A_200 = vector.shape_cast %broadcast_in_dim3A_1 : vector<16xf32> to vector<1x16xf32>
    tpu.vector_store %arg10[%swap3A_196, %swap3A_197], %swap3A_200 {strides = array<i32>} : memref<16x64xf32, #tpu.memory_space<vmem>>, vector<1x16xf32>,
    %swap3A_201 = arith.constant 8 : i32
    %swap3A_202 = arith.index_cast %swap3A_201 : i32 to index
    %swap3A_203 = arith.constant 16 : index
    %swap3A_204 = tpu.vector_load %arg10[%swap3A_202, %swap3A_203] {strides = array<i32>} : memref<16x64xf32, #tpu.memory_space<vmem>>, vector<1x16xf32>,
    %swap3A_205 = vector.shape_cast %swap3A_204 : vector<1x16xf32> to vector<16xf32>
    %swap3A_206 = vector.shape_cast %broadcast_in_dim3A_1 : vector<16xf32> to vector<1x16xf32>
    tpu.vector_store %arg10[%swap3A_202, %swap3A_203], %swap3A_206 {strides = array<i32>} : memref<16x64xf32, #tpu.memory_space<vmem>>, vector<1x16xf32>,
    %swap3A_207 = arith.constant 8 : i32
    %swap3A_208 = arith.index_cast %swap3A_207 : i32 to index
    %swap3A_209 = arith.constant 32 : index
    %swap3A_210 = tpu.vector_load %arg10[%swap3A_208, %swap3A_209] {strides = array<i32>} : memref<16x64xf32, #tpu.memory_space<vmem>>, vector<1x16xf32>,
    %swap3A_211 = vector.shape_cast %swap3A_210 : vector<1x16xf32> to vector<16xf32>
    %swap3A_212 = vector.shape_cast %broadcast_in_dim3A_1 : vector<16xf32> to vector<1x16xf32>
    tpu.vector_store %arg10[%swap3A_208, %swap3A_209], %swap3A_212 {strides = array<i32>} : memref<16x64xf32, #tpu.memory_space<vmem>>, vector<1x16xf32>,
    %swap3A_213 = arith.constant 8 : i32
    %swap3A_214 = arith.index_cast %swap3A_213 : i32 to index
    %swap3A_215 = arith.constant 48 : index
    %swap3A_216 = tpu.vector_load %arg10[%swap3A_214, %swap3A_215] {strides = array<i32>} : memref<16x64xf32, #tpu.memory_space<vmem>>, vector<1x16xf32>,
    %swap3A_217 = vector.shape_cast %swap3A_216 : vector<1x16xf32> to vector<16xf32>
    %swap3A_218 = vector.shape_cast %broadcast_in_dim3A_1 : vector<16xf32> to vector<1x16xf32>
    tpu.vector_store %arg10[%swap3A_214, %swap3A_215], %swap3A_218 {strides = array<i32>} : memref<16x64xf32, #tpu.memory_space<vmem>>, vector<1x16xf32>,
    %swap3A_219 = arith.constant 9 : i32
    %swap3A_220 = arith.index_cast %swap3A_219 : i32 to index
    %swap3A_221 = arith.constant 0 : index
    %swap3A_222 = tpu.vector_load %arg10[%swap3A_220, %swap3A_221] {strides = array<i32>} : memref<16x64xf32, #tpu.memory_space<vmem>>, vector<1x16xf32>,
    %swap3A_223 = vector.shape_cast %swap3A_222 : vector<1x16xf32> to vector<16xf32>
    %swap3A_224 = vector.shape_cast %broadcast_in_dim3A_1 : vector<16xf32> to vector<1x16xf32>
    tpu.vector_store %arg10[%swap3A_220, %swap3A_221], %swap3A_224 {strides = array<i32>} : memref<16x64xf32, #tpu.memory_space<vmem>>, vector<1x16xf32>,
    %swap3A_225 = arith.constant 9 : i32
    %swap3A_226 = arith.index_cast %swap3A_225 : i32 to index
    %swap3A_227 = arith.constant 16 : index
    %swap3A_228 = tpu.vector_load %arg10[%swap3A_226, %swap3A_227] {strides = array<i32>} : memref<16x64xf32, #tpu.memory_space<vmem>>, vector<1x16xf32>,
    %swap3A_229 = vector.shape_cast %swap3A_228 : vector<1x16xf32> to vector<16xf32>
    %swap3A_230 = vector.shape_cast %broadcast_in_dim3A_1 : vector<16xf32> to vector<1x16xf32>
    tpu.vector_store %arg10[%swap3A_226, %swap3A_227], %swap3A_230 {strides = array<i32>} : memref<16x64xf32, #tpu.memory_space<vmem>>, vector<1x16xf32>,
    %swap3A_231 = arith.constant 9 : i32
    %swap3A_232 = arith.index_cast %swap3A_231 : i32 to index
    %swap3A_233 = arith.constant 32 : index
    %swap3A_234 = tpu.vector_load %arg10[%swap3A_232, %swap3A_233] {strides = array<i32>} : memref<16x64xf32, #tpu.memory_space<vmem>>, vector<1x16xf32>,
    %swap3A_235 = vector.shape_cast %swap3A_234 : vector<1x16xf32> to vector<16xf32>
    %swap3A_236 = vector.shape_cast %broadcast_in_dim3A_1 : vector<16xf32> to vector<1x16xf32>
    tpu.vector_store %arg10[%swap3A_232, %swap3A_233], %swap3A_236 {strides = array<i32>} : memref<16x64xf32, #tpu.memory_space<vmem>>, vector<1x16xf32>,
    %swap3A_237 = arith.constant 9 : i32
    %swap3A_238 = arith.index_cast %swap3A_237 : i32 to index
    %swap3A_239 = arith.constant 48 : index
    %swap3A_240 = tpu.vector_load %arg10[%swap3A_238, %swap3A_239] {strides = array<i32>} : memref<16x64xf32, #tpu.memory_space<vmem>>, vector<1x16xf32>,
    %swap3A_241 = vector.shape_cast %swap3A_240 : vector<1x16xf32> to vector<16xf32>
    %swap3A_242 = vector.shape_cast %broadcast_in_dim3A_1 : vector<16xf32> to vector<1x16xf32>
    tpu.vector_store %arg10[%swap3A_238, %swap3A_239], %swap3A_242 {strides = array<i32>} : memref<16x64xf32, #tpu.memory_space<vmem>>, vector<1x16xf32>,
    %swap3A_243 = arith.constant 10 : i32
    %swap3A_244 = arith.index_cast %swap3A_243 : i32 to index
    %swap3A_245 = arith.constant 0 : index
    %swap3A_246 = tpu.vector_load %arg10[%swap3A_244, %swap3A_245] {strides = array<i32>} : memref<16x64xf32, #tpu.memory_space<vmem>>, vector<1x16xf32>,
    %swap3A_247 = vector.shape_cast %swap3A_246 : vector<1x16xf32> to vector<16xf32>
    %swap3A_248 = vector.shape_cast %broadcast_in_dim3A_1 : vector<16xf32> to vector<1x16xf32>
    tpu.vector_store %arg10[%swap3A_244, %swap3A_245], %swap3A_248 {strides = array<i32>} : memref<16x64xf32, #tpu.memory_space<vmem>>, vector<1x16xf32>,
    %swap3A_249 = arith.constant 10 : i32
    %swap3A_250 = arith.index_cast %swap3A_249 : i32 to index
    %swap3A_251 = arith.constant 16 : index
    %swap3A_252 = tpu.vector_load %arg10[%swap3A_250, %swap3A_251] {strides = array<i32>} : memref<16x64xf32, #tpu.memory_space<vmem>>, vector<1x16xf32>,
    %swap3A_253 = vector.shape_cast %swap3A_252 : vector<1x16xf32> to vector<16xf32>
    %swap3A_254 = vector.shape_cast %broadcast_in_dim3A_1 : vector<16xf32> to vector<1x16xf32>
    tpu.vector_store %arg10[%swap3A_250, %swap3A_251], %swap3A_254 {strides = array<i32>} : memref<16x64xf32, #tpu.memory_space<vmem>>, vector<1x16xf32>,
    %swap3A_255 = arith.constant 10 : i32
    %swap3A_256 = arith.index_cast %swap3A_255 : i32 to index
    %swap3A_257 = arith.constant 32 : index
    %swap3A_258 = tpu.vector_load %arg10[%swap3A_256, %swap3A_257] {strides = array<i32>} : memref<16x64xf32, #tpu.memory_space<vmem>>, vector<1x16xf32>,
    %swap3A_259 = vector.shape_cast %swap3A_258 : vector<1x16xf32> to vector<16xf32>
    %swap3A_260 = vector.shape_cast %broadcast_in_dim3A_1 : vector<16xf32> to vector<1x16xf32>
    tpu.vector_store %arg10[%swap3A_256, %swap3A_257], %swap3A_260 {strides = array<i32>} : memref<16x64xf32, #tpu.memory_space<vmem>>, vector<1x16xf32>,
    %swap3A_261 = arith.constant 10 : i32
    %swap3A_262 = arith.index_cast %swap3A_261 : i32 to index
    %swap3A_263 = arith.constant 48 : index
    %swap3A_264 = tpu.vector_load %arg10[%swap3A_262, %swap3A_263] {strides = array<i32>} : memref<16x64xf32, #tpu.memory_space<vmem>>, vector<1x16xf32>,
    %swap3A_265 = vector.shape_cast %swap3A_264 : vector<1x16xf32> to vector<16xf32>
    %swap3A_266 = vector.shape_cast %broadcast_in_dim3A_1 : vector<16xf32> to vector<1x16xf32>
    tpu.vector_store %arg10[%swap3A_262, %swap3A_263], %swap3A_266 {strides = array<i32>} : memref<16x64xf32, #tpu.memory_space<vmem>>, vector<1x16xf32>,
    %swap3A_267 = arith.constant 11 : i32
    %swap3A_268 = arith.index_cast %swap3A_267 : i32 to index
    %swap3A_269 = arith.constant 0 : index
    %swap3A_270 = tpu.vector_load %arg10[%swap3A_268, %swap3A_269] {strides = array<i32>} : memref<16x64xf32, #tpu.memory_space<vmem>>, vector<1x16xf32>,
    %swap3A_271 = vector.shape_cast %swap3A_270 : vector<1x16xf32> to vector<16xf32>
    %swap3A_272 = vector.shape_cast %broadcast_in_dim3A_1 : vector<16xf32> to vector<1x16xf32>
    tpu.vector_store %arg10[%swap3A_268, %swap3A_269], %swap3A_272 {strides = array<i32>} : memref<16x64xf32, #tpu.memory_space<vmem>>, vector<1x16xf32>,
    %swap3A_273 = arith.constant 11 : i32
    %swap3A_274 = arith.index_cast %swap3A_273 : i32 to index
    %swap3A_275 = arith.constant 16 : index
    %swap3A_276 = tpu.vector_load %arg10[%swap3A_274, %swap3A_275] {strides = array<i32>} : memref<16x64xf32, #tpu.memory_space<vmem>>, vector<1x16xf32>,
    %swap3A_277 = vector.shape_cast %swap3A_276 : vector<1x16xf32> to vector<16xf32>
    %swap3A_278 = vector.shape_cast %broadcast_in_dim3A_1 : vector<16xf32> to vector<1x16xf32>
    tpu.vector_store %arg10[%swap3A_274, %swap3A_275], %swap3A_278 {strides = array<i32>} : memref<16x64xf32, #tpu.memory_space<vmem>>, vector<1x16xf32>,
    %swap3A_279 = arith.constant 11 : i32
    %swap3A_280 = arith.index_cast %swap3A_279 : i32 to index
    %swap3A_281 = arith.constant 32 : index
    %swap3A_282 = tpu.vector_load %arg10[%swap3A_280, %swap3A_281] {strides = array<i32>} : memref<16x64xf32, #tpu.memory_space<vmem>>, vector<1x16xf32>,
    %swap3A_283 = vector.shape_cast %swap3A_282 : vector<1x16xf32> to vector<16xf32>
    %swap3A_284 = vector.shape_cast %broadcast_in_dim3A_1 : vector<16xf32> to vector<1x16xf32>
    tpu.vector_store %arg10[%swap3A_280, %swap3A_281], %swap3A_284 {strides = array<i32>} : memref<16x64xf32, #tpu.memory_space<vmem>>, vector<1x16xf32>,
    %swap3A_285 = arith.constant 11 : i32
    %swap3A_286 = arith.index_cast %swap3A_285 : i32 to index
    %swap3A_287 = arith.constant 48 : index
    %swap3A_288 = tpu.vector_load %arg10[%swap3A_286, %swap3A_287] {strides = array<i32>} : memref<16x64xf32, #tpu.memory_space<vmem>>, vector<1x16xf32>,
    %swap3A_289 = vector.shape_cast %swap3A_288 : vector<1x16xf32> to vector<16xf32>
    %swap3A_290 = vector.shape_cast %broadcast_in_dim3A_1 : vector<16xf32> to vector<1x16xf32>
    tpu.vector_store %arg10[%swap3A_286, %swap3A_287], %swap3A_290 {strides = array<i32>} : memref<16x64xf32, #tpu.memory_space<vmem>>, vector<1x16xf32>,
    %swap3A_291 = arith.constant 12 : i32
    %swap3A_292 = arith.index_cast %swap3A_291 : i32 to index
    %swap3A_293 = arith.constant 0 : index
    %swap3A_294 = tpu.vector_load %arg10[%swap3A_292, %swap3A_293] {strides = array<i32>} : memref<16x64xf32, #tpu.memory_space<vmem>>, vector<1x16xf32>,
    %swap3A_295 = vector.shape_cast %swap3A_294 : vector<1x16xf32> to vector<16xf32>
    %swap3A_296 = vector.shape_cast %broadcast_in_dim3A_1 : vector<16xf32> to vector<1x16xf32>
    tpu.vector_store %arg10[%swap3A_292, %swap3A_293], %swap3A_296 {strides = array<i32>} : memref<16x64xf32, #tpu.memory_space<vmem>>, vector<1x16xf32>,
    %swap3A_297 = arith.constant 12 : i32
    %swap3A_298 = arith.index_cast %swap3A_297 : i32 to index
    %swap3A_299 = arith.constant 16 : index
    %swap3A_300 = tpu.vector_load %arg10[%swap3A_298, %swap3A_299] {strides = array<i32>} : memref<16x64xf32, #tpu.memory_space<vmem>>, vector<1x16xf32>,
    %swap3A_301 = vector.shape_cast %swap3A_300 : vector<1x16xf32> to vector<16xf32>
    %swap3A_302 = vector.shape_cast %broadcast_in_dim3A_1 : vector<16xf32> to vector<1x16xf32>
    tpu.vector_store %arg10[%swap3A_298, %swap3A_299], %swap3A_302 {strides = array<i32>} : memref<16x64xf32, #tpu.memory_space<vmem>>, vector<1x16xf32>,
    %swap3A_303 = arith.constant 12 : i32
    %swap3A_304 = arith.index_cast %swap3A_303 : i32 to index
    %swap3A_305 = arith.constant 32 : index
    %swap3A_306 = tpu.vector_load %arg10[%swap3A_304, %swap3A_305] {strides = array<i32>} : memref<16x64xf32, #tpu.memory_space<vmem>>, vector<1x16xf32>,
    %swap3A_307 = vector.shape_cast %swap3A_306 : vector<1x16xf32> to vector<16xf32>
    %swap3A_308 = vector.shape_cast %broadcast_in_dim3A_1 : vector<16xf32> to vector<1x16xf32>
    tpu.vector_store %arg10[%swap3A_304, %swap3A_305], %swap3A_308 {strides = array<i32>} : memref<16x64xf32, #tpu.memory_space<vmem>>, vector<1x16xf32>,
    %swap3A_309 = arith.constant 12 : i32
    %swap3A_310 = arith.index_cast %swap3A_309 : i32 to index
    %swap3A_311 = arith.constant 48 : index
    %swap3A_312 = tpu.vector_load %arg10[%swap3A_310, %swap3A_311] {strides = array<i32>} : memref<16x64xf32, #tpu.memory_space<vmem>>, vector<1x16xf32>,
    %swap3A_313 = vector.shape_cast %swap3A_312 : vector<1x16xf32> to vector<16xf32>
    %swap3A_314 = vector.shape_cast %broadcast_in_dim3A_1 : vector<16xf32> to vector<1x16xf32>
    tpu.vector_store %arg10[%swap3A_310, %swap3A_311], %swap3A_314 {strides = array<i32>} : memref<16x64xf32, #tpu.memory_space<vmem>>, vector<1x16xf32>,
    %swap3A_315 = arith.constant 13 : i32
    %swap3A_316 = arith.index_cast %swap3A_315 : i32 to index
    %swap3A_317 = arith.constant 0 : index
    %swap3A_318 = tpu.vector_load %arg10[%swap3A_316, %swap3A_317] {strides = array<i32>} : memref<16x64xf32, #tpu.memory_space<vmem>>, vector<1x16xf32>,
    %swap3A_319 = vector.shape_cast %swap3A_318 : vector<1x16xf32> to vector<16xf32>
    %swap3A_320 = vector.shape_cast %broadcast_in_dim3A_1 : vector<16xf32> to vector<1x16xf32>
    tpu.vector_store %arg10[%swap3A_316, %swap3A_317], %swap3A_320 {strides = array<i32>} : memref<16x64xf32, #tpu.memory_space<vmem>>, vector<1x16xf32>,
    %swap3A_321 = arith.constant 13 : i32
    %swap3A_322 = arith.index_cast %swap3A_321 : i32 to index
    %swap3A_323 = arith.constant 16 : index
    %swap3A_324 = tpu.vector_load %arg10[%swap3A_322, %swap3A_323] {strides = array<i32>} : memref<16x64xf32, #tpu.memory_space<vmem>>, vector<1x16xf32>,
    %swap3A_325 = vector.shape_cast %swap3A_324 : vector<1x16xf32> to vector<16xf32>
    %swap3A_326 = vector.shape_cast %broadcast_in_dim3A_1 : vector<16xf32> to vector<1x16xf32>
    tpu.vector_store %arg10[%swap3A_322, %swap3A_323], %swap3A_326 {strides = array<i32>} : memref<16x64xf32, #tpu.memory_space<vmem>>, vector<1x16xf32>,
    %swap3A_327 = arith.constant 13 : i32
    %swap3A_328 = arith.index_cast %swap3A_327 : i32 to index
    %swap3A_329 = arith.constant 32 : index
    %swap3A_330 = tpu.vector_load %arg10[%swap3A_328, %swap3A_329] {strides = array<i32>} : memref<16x64xf32, #tpu.memory_space<vmem>>, vector<1x16xf32>,
    %swap3A_331 = vector.shape_cast %swap3A_330 : vector<1x16xf32> to vector<16xf32>
    %swap3A_332 = vector.shape_cast %broadcast_in_dim3A_1 : vector<16xf32> to vector<1x16xf32>
    tpu.vector_store %arg10[%swap3A_328, %swap3A_329], %swap3A_332 {strides = array<i32>} : memref<16x64xf32, #tpu.memory_space<vmem>>, vector<1x16xf32>,
    %swap3A_333 = arith.constant 13 : i32
    %swap3A_334 = arith.index_cast %swap3A_333 : i32 to index
    %swap3A_335 = arith.constant 48 : index
    %swap3A_336 = tpu.vector_load %arg10[%swap3A_334, %swap3A_335] {strides = array<i32>} : memref<16x64xf32, #tpu.memory_space<vmem>>, vector<1x16xf32>,
    %swap3A_337 = vector.shape_cast %swap3A_336 : vector<1x16xf32> to vector<16xf32>
    %swap3A_338 = vector.shape_cast %broadcast_in_dim3A_1 : vector<16xf32> to vector<1x16xf32>
    tpu.vector_store %arg10[%swap3A_334, %swap3A_335], %swap3A_338 {strides = array<i32>} : memref<16x64xf32, #tpu.memory_space<vmem>>, vector<1x16xf32>,
    %swap3A_339 = arith.constant 14 : i32
    %swap3A_340 = arith.index_cast %swap3A_339 : i32 to index
    %swap3A_341 = arith.constant 0 : index
    %swap3A_342 = tpu.vector_load %arg10[%swap3A_340, %swap3A_341] {strides = array<i32>} : memref<16x64xf32, #tpu.memory_space<vmem>>, vector<1x16xf32>,
    %swap3A_343 = vector.shape_cast %swap3A_342 : vector<1x16xf32> to vector<16xf32>
    %swap3A_344 = vector.shape_cast %broadcast_in_dim3A_1 : vector<16xf32> to vector<1x16xf32>
    tpu.vector_store %arg10[%swap3A_340, %swap3A_341], %swap3A_344 {strides = array<i32>} : memref<16x64xf32, #tpu.memory_space<vmem>>, vector<1x16xf32>,
    %swap3A_345 = arith.constant 14 : i32
    %swap3A_346 = arith.index_cast %swap3A_345 : i32 to index
    %swap3A_347 = arith.constant 16 : index
    %swap3A_348 = tpu.vector_load %arg10[%swap3A_346, %swap3A_347] {strides = array<i32>} : memref<16x64xf32, #tpu.memory_space<vmem>>, vector<1x16xf32>,
    %swap3A_349 = vector.shape_cast %swap3A_348 : vector<1x16xf32> to vector<16xf32>
    %swap3A_350 = vector.shape_cast %broadcast_in_dim3A_1 : vector<16xf32> to vector<1x16xf32>
    tpu.vector_store %arg10[%swap3A_346, %swap3A_347], %swap3A_350 {strides = array<i32>} : memref<16x64xf32, #tpu.memory_space<vmem>>, vector<1x16xf32>,
    %swap3A_351 = arith.constant 14 : i32
    %swap3A_352 = arith.index_cast %swap3A_351 : i32 to index
    %swap3A_353 = arith.constant 32 : index
    %swap3A_354 = tpu.vector_load %arg10[%swap3A_352, %swap3A_353] {strides = array<i32>} : memref<16x64xf32, #tpu.memory_space<vmem>>, vector<1x16xf32>,
    %swap3A_355 = vector.shape_cast %swap3A_354 : vector<1x16xf32> to vector<16xf32>
    %swap3A_356 = vector.shape_cast %broadcast_in_dim3A_1 : vector<16xf32> to vector<1x16xf32>
    tpu.vector_store %arg10[%swap3A_352, %swap3A_353], %swap3A_356 {strides = array<i32>} : memref<16x64xf32, #tpu.memory_space<vmem>>, vector<1x16xf32>,
    %swap3A_357 = arith.constant 14 : i32
    %swap3A_358 = arith.index_cast %swap3A_357 : i32 to index
    %swap3A_359 = arith.constant 48 : index
    %swap3A_360 = tpu.vector_load %arg10[%swap3A_358, %swap3A_359] {strides = array<i32>} : memref<16x64xf32, #tpu.memory_space<vmem>>, vector<1x16xf32>,
    %swap3A_361 = vector.shape_cast %swap3A_360 : vector<1x16xf32> to vector<16xf32>
    %swap3A_362 = vector.shape_cast %broadcast_in_dim3A_1 : vector<16xf32> to vector<1x16xf32>
    tpu.vector_store %arg10[%swap3A_358, %swap3A_359], %swap3A_362 {strides = array<i32>} : memref<16x64xf32, #tpu.memory_space<vmem>>, vector<1x16xf32>,
    %swap3A_363 = arith.constant 15 : i32
    %swap3A_364 = arith.index_cast %swap3A_363 : i32 to index
    %swap3A_365 = arith.constant 0 : index
    %swap3A_366 = tpu.vector_load %arg10[%swap3A_364, %swap3A_365] {strides = array<i32>} : memref<16x64xf32, #tpu.memory_space<vmem>>, vector<1x16xf32>,
    %swap3A_367 = vector.shape_cast %swap3A_366 : vector<1x16xf32> to vector<16xf32>
    %swap3A_368 = vector.shape_cast %broadcast_in_dim3A_1 : vector<16xf32> to vector<1x16xf32>
    tpu.vector_store %arg10[%swap3A_364, %swap3A_365], %swap3A_368 {strides = array<i32>} : memref<16x64xf32, #tpu.memory_space<vmem>>, vector<1x16xf32>,
    %swap3A_369 = arith.constant 15 : i32
    %swap3A_370 = arith.index_cast %swap3A_369 : i32 to index
    %swap3A_371 = arith.constant 16 : index
    %swap3A_372 = tpu.vector_load %arg10[%swap3A_370, %swap3A_371] {strides = array<i32>} : memref<16x64xf32, #tpu.memory_space<vmem>>, vector<1x16xf32>,
    %swap3A_373 = vector.shape_cast %swap3A_372 : vector<1x16xf32> to vector<16xf32>
    %swap3A_374 = vector.shape_cast %broadcast_in_dim3A_1 : vector<16xf32> to vector<1x16xf32>
    tpu.vector_store %arg10[%swap3A_370, %swap3A_371], %swap3A_374 {strides = array<i32>} : memref<16x64xf32, #tpu.memory_space<vmem>>, vector<1x16xf32>,
    %swap3A_375 = arith.constant 15 : i32
    %swap3A_376 = arith.index_cast %swap3A_375 : i32 to index
    %swap3A_377 = arith.constant 32 : index
    %swap3A_378 = tpu.vector_load %arg10[%swap3A_376, %swap3A_377] {strides = array<i32>} : memref<16x64xf32, #tpu.memory_space<vmem>>, vector<1x16xf32>,
    %swap3A_379 = vector.shape_cast %swap3A_378 : vector<1x16xf32> to vector<16xf32>
    %swap3A_380 = vector.shape_cast %broadcast_in_dim3A_1 : vector<16xf32> to vector<1x16xf32>
    tpu.vector_store %arg10[%swap3A_376, %swap3A_377], %swap3A_380 {strides = array<i32>} : memref<16x64xf32, #tpu.memory_space<vmem>>, vector<1x16xf32>,
    %swap3A_381 = arith.constant 15 : i32
    %swap3A_382 = arith.index_cast %swap3A_381 : i32 to index
    %swap3A_383 = arith.constant 48 : index
    %swap3A_384 = tpu.vector_load %arg10[%swap3A_382, %swap3A_383] {strides = array<i32>} : memref<16x64xf32, #tpu.memory_space<vmem>>, vector<1x16xf32>,
    %swap3A_385 = vector.shape_cast %swap3A_384 : vector<1x16xf32> to vector<16xf32>
    %swap3A_386 = vector.shape_cast %broadcast_in_dim3A_1 : vector<16xf32> to vector<1x16xf32>
    tpu.vector_store %arg10[%swap3A_382, %swap3A_383], %swap3A_386 {strides = array<i32>} : memref<16x64xf32, #tpu.memory_space<vmem>>, vector<1x16xf32>,
    %scan3A = arith.constant 0 : i32
    %scan3A_387 = arith.constant 0 : i32
    %scan3A_388 = arith.constant 39 : i32
    %scan3A_389 = arith.addi %scan3A_387, %scan3A_388 : i32
    %scan3A_390 = arith.constant 1 : i32
    scf.for %scan3A_413 = %scan3A_387 to %scan3A_389 step %scan3A_390  : i32 {
      %mul3A_414 = arith.constant 624 : i32
      %mul3A_415 = arith.muli %arg1, %mul3A_414 : i32
      %mul3A_416 = arith.constant 16 : i32
      %mul3A_417 = arith.muli %scan3A_413, %mul3A_416 : i32
      %add3A_418 = arith.addi %mul3A_415, %mul3A_417 : i32
      "tpu.region"() ({
        %run_scoped3A = tpu.sem_alloc : memref<!tpu.dma_semaphore, #tpu.memory_space<semaphore_mem>>
        %dma_start3A = arith.constant 0 : i32
        %dma_start3A_419 = tpu.memref_slice %arg11[%add3A_418, %dma_start3A] : memref<10000x64xf32, #tpu.memory_space<vmem_shared>> -> memref<16x64xf32, #tpu.memory_space<vmem_shared>>
        %dma_start3A_420 = arith.constant 0 : i32
        %dma_start3A_421 = tpu.memref_slice %arg11[%add3A_418, %dma_start3A_420] : memref<10000x64xf32, #tpu.memory_space<vmem_shared>> -> memref<16x64xf32, #tpu.memory_space<vmem_shared>>
        tpu.enqueue_dma source(%arg10 : memref<16x64xf32, #tpu.memory_space<vmem>>) target(%dma_start3A_421 : memref<16x64xf32, #tpu.memory_space<vmem_shared>>) target_semaphore(%run_scoped3A : memref<!tpu.dma_semaphore, #tpu.memory_space<semaphore_mem>>)
        %dma_wait3A = arith.constant 0 : i32
        %dma_wait3A_422 = tpu.memref_slice %arg11[%add3A_418, %dma_wait3A] : memref<10000x64xf32, #tpu.memory_space<vmem_shared>> -> memref<16x64xf32, #tpu.memory_space<vmem_shared>>
        %dma_wait3A_423 = arith.constant 0 : i32
        %dma_wait3A_424 = tpu.memref_slice %arg11[%add3A_418, %dma_wait3A_423] : memref<10000x64xf32, #tpu.memory_space<vmem_shared>> -> memref<16x64xf32, #tpu.memory_space<vmem_shared>>
        tpu.wait_dma2 semaphore(%run_scoped3A : memref<!tpu.dma_semaphore, #tpu.memory_space<semaphore_mem>>) src(%arg10 : memref<16x64xf32, #tpu.memory_space<vmem>>) dst(%dma_wait3A_424 : memref<16x64xf32, #tpu.memory_space<vmem_shared>>)
        tpu.yield
      }) : () -> ()
    }
    %scan3A_391 = arith.constant 39 : i32
    %eq3A = arith.constant 15 : i32
    %eq3A_392 = arith.cmpi eq, %arg1, %eq3A : i32
    %convert_element_type3A = arith.extui %eq3A_392 : i1 to i32
    %cond3A = arith.constant 0 : i32
    %cond3A_393 = arith.cmpi ne, %convert_element_type3A, %cond3A : i32
    scf.if %cond3A_393 {
      "tpu.region"() ({
        %run_scoped3A = tpu.sem_alloc : memref<!tpu.dma_semaphore, #tpu.memory_space<semaphore_mem>>
        %dma_start3A = arith.constant 0 : i32
        %dma_start3A_413 = arith.constant 0 : i32
        %dma_start3A_414 = tpu.memref_slice %arg10[%dma_start3A, %dma_start3A_413] : memref<16x64xf32, #tpu.memory_space<vmem>> -> memref<16x64xf32, #tpu.memory_space<vmem>>
        %dma_start3A_415 = arith.constant 9984 : i32
        %dma_start3A_416 = arith.constant 0 : i32
        %dma_start3A_417 = tpu.memref_slice %arg11[%dma_start3A_415, %dma_start3A_416] : memref<10000x64xf32, #tpu.memory_space<vmem_shared>> -> memref<16x64xf32, #tpu.memory_space<vmem_shared>>
        %dma_start3A_418 = arith.constant 9984 : i32
        %dma_start3A_419 = arith.constant 0 : i32
        %dma_start3A_420 = tpu.memref_slice %arg11[%dma_start3A_418, %dma_start3A_419] : memref<10000x64xf32, #tpu.memory_space<vmem_shared>> -> memref<16x64xf32, #tpu.memory_space<vmem_shared>>
        %dma_start3A_421 = arith.constant 0 : i32
        %dma_start3A_422 = arith.constant 0 : i32
        %dma_start3A_423 = tpu.memref_slice %arg10[%dma_start3A_421, %dma_start3A_422] : memref<16x64xf32, #tpu.memory_space<vmem>> -> memref<16x64xf32, #tpu.memory_space<vmem>>
        tpu.enqueue_dma source(%dma_start3A_423 : memref<16x64xf32, #tpu.memory_space<vmem>>) target(%dma_start3A_420 : memref<16x64xf32, #tpu.memory_space<vmem_shared>>) target_semaphore(%run_scoped3A : memref<!tpu.dma_semaphore, #tpu.memory_space<semaphore_mem>>)
        %dma_wait3A = arith.constant 0 : i32
        %dma_wait3A_424 = arith.constant 0 : i32
        %dma_wait3A_425 = tpu.memref_slice %arg10[%dma_wait3A, %dma_wait3A_424] : memref<16x64xf32, #tpu.memory_space<vmem>> -> memref<16x64xf32, #tpu.memory_space<vmem>>
        %dma_wait3A_426 = arith.constant 9984 : i32
        %dma_wait3A_427 = arith.constant 0 : i32
        %dma_wait3A_428 = tpu.memref_slice %arg11[%dma_wait3A_426, %dma_wait3A_427] : memref<10000x64xf32, #tpu.memory_space<vmem_shared>> -> memref<16x64xf32, #tpu.memory_space<vmem_shared>>
        %dma_wait3A_429 = arith.constant 9984 : i32
        %dma_wait3A_430 = arith.constant 0 : i32
        %dma_wait3A_431 = tpu.memref_slice %arg11[%dma_wait3A_429, %dma_wait3A_430] : memref<10000x64xf32, #tpu.memory_space<vmem_shared>> -> memref<16x64xf32, #tpu.memory_space<vmem_shared>>
        %dma_wait3A_432 = arith.constant 0 : i32
        %dma_wait3A_433 = arith.constant 0 : i32
        %dma_wait3A_434 = tpu.memref_slice %arg10[%dma_wait3A_432, %dma_wait3A_433] : memref<16x64xf32, #tpu.memory_space<vmem>> -> memref<16x64xf32, #tpu.memory_space<vmem>>
        tpu.wait_dma2 semaphore(%run_scoped3A : memref<!tpu.dma_semaphore, #tpu.memory_space<semaphore_mem>>) src(%dma_wait3A_434 : memref<16x64xf32, #tpu.memory_space<vmem>>) dst(%dma_wait3A_431 : memref<16x64xf32, #tpu.memory_space<vmem_shared>>)
        tpu.yield
      }) : () -> ()
    } else {
    }
    %barrier3A = arith.constant 0 : index
    tpu.barrier barrier_id(%barrier3A)
    %scan3A_394 = arith.constant 0 : i32
    %scan3A_395 = arith.constant 0 : i32
    %scan3A_396 = arith.constant 5 : i32
    %scan3A_397 = arith.addi %scan3A_395, %scan3A_396 : i32
    %scan3A_398 = arith.constant 1 : i32
    scf.for %scan3A_413 = %scan3A_395 to %scan3A_397 step %scan3A_398  : i32 {
      "tpu.region"() ({
        %run_scoped3A = tpu.sem_alloc : memref<!tpu.dma_semaphore, #tpu.memory_space<semaphore_mem>>
        %dma_start3A_426 = arith.constant 0 : i32
        %dma_start3A_427 = arith.constant 0 : i32
        %dma_start3A_428 = tpu.memref_slice %arg3[%add3A, %scan3A_413, %dma_start3A_426, %dma_start3A_427] : memref<32x5x25x80xi32, #tpu.memory_space<hbm>> -> memref<1x1x25x80xi32, #tpu.memory_space<hbm>>
        %dma_start3A_429 = tpu.memref_squeeze %dma_start3A_428 : memref<1x1x25x80xi32, #tpu.memory_space<hbm>> -> memref<25x80xi32, #tpu.memory_space<hbm>>
        %dma_start3A_430 = arith.constant 0 : i32
        %dma_start3A_431 = arith.constant 0 : i32
        %dma_start3A_432 = tpu.memref_slice %arg3[%add3A, %scan3A_413, %dma_start3A_430, %dma_start3A_431] : memref<32x5x25x80xi32, #tpu.memory_space<hbm>> -> memref<1x1x25x80xi32, #tpu.memory_space<hbm>>
        %dma_start3A_433 = tpu.memref_squeeze %dma_start3A_432 : memref<1x1x25x80xi32, #tpu.memory_space<hbm>> -> memref<25x80xi32, #tpu.memory_space<hbm>>
        tpu.enqueue_dma source(%dma_start3A_433 : memref<25x80xi32, #tpu.memory_space<hbm>>) target(%arg6 : memref<25x80xi32, #tpu.memory_space<vmem>>) target_semaphore(%run_scoped3A : memref<!tpu.dma_semaphore, #tpu.memory_space<semaphore_mem>>)
        %dma_wait3A = arith.constant 0 : i32
        %dma_wait3A_434 = arith.constant 0 : i32
        %dma_wait3A_435 = tpu.memref_slice %arg3[%add3A, %scan3A_413, %dma_wait3A, %dma_wait3A_434] : memref<32x5x25x80xi32, #tpu.memory_space<hbm>> -> memref<1x1x25x80xi32, #tpu.memory_space<hbm>>
        %dma_wait3A_436 = tpu.memref_squeeze %dma_wait3A_435 : memref<1x1x25x80xi32, #tpu.memory_space<hbm>> -> memref<25x80xi32, #tpu.memory_space<hbm>>
        %dma_wait3A_437 = arith.constant 0 : i32
        %dma_wait3A_438 = arith.constant 0 : i32
        %dma_wait3A_439 = tpu.memref_slice %arg3[%add3A, %scan3A_413, %dma_wait3A_437, %dma_wait3A_438] : memref<32x5x25x80xi32, #tpu.memory_space<hbm>> -> memref<1x1x25x80xi32, #tpu.memory_space<hbm>>
        %dma_wait3A_440 = tpu.memref_squeeze %dma_wait3A_439 : memref<1x1x25x80xi32, #tpu.memory_space<hbm>> -> memref<25x80xi32, #tpu.memory_space<hbm>>
        tpu.wait_dma2 semaphore(%run_scoped3A : memref<!tpu.dma_semaphore, #tpu.memory_space<semaphore_mem>>) src(%dma_wait3A_440 : memref<25x80xi32, #tpu.memory_space<hbm>>) dst(%arg6 : memref<25x80xi32, #tpu.memory_space<vmem>>)
        tpu.yield
      }) : () -> ()
      "tpu.region"() ({
        %run_scoped3A = tpu.sem_alloc : memref<!tpu.dma_semaphore, #tpu.memory_space<semaphore_mem>>
        %dma_start3A_426 = arith.constant 0 : i32
        %dma_start3A_427 = arith.constant 0 : i32
        %dma_start3A_428 = tpu.memref_slice %arg4[%add3A, %scan3A_413, %dma_start3A_426, %dma_start3A_427] : memref<32x5x25x80xi32, #tpu.memory_space<hbm>> -> memref<1x1x25x80xi32, #tpu.memory_space<hbm>>
        %dma_start3A_429 = tpu.memref_squeeze %dma_start3A_428 : memref<1x1x25x80xi32, #tpu.memory_space<hbm>> -> memref<25x80xi32, #tpu.memory_space<hbm>>
        %dma_start3A_430 = arith.constant 0 : i32
        %dma_start3A_431 = arith.constant 0 : i32
        %dma_start3A_432 = tpu.memref_slice %arg4[%add3A, %scan3A_413, %dma_start3A_430, %dma_start3A_431] : memref<32x5x25x80xi32, #tpu.memory_space<hbm>> -> memref<1x1x25x80xi32, #tpu.memory_space<hbm>>
        %dma_start3A_433 = tpu.memref_squeeze %dma_start3A_432 : memref<1x1x25x80xi32, #tpu.memory_space<hbm>> -> memref<25x80xi32, #tpu.memory_space<hbm>>
        tpu.enqueue_dma source(%dma_start3A_433 : memref<25x80xi32, #tpu.memory_space<hbm>>) target(%arg7 : memref<25x80xi32, #tpu.memory_space<vmem>>) target_semaphore(%run_scoped3A : memref<!tpu.dma_semaphore, #tpu.memory_space<semaphore_mem>>)
        %dma_wait3A = arith.constant 0 : i32
        %dma_wait3A_434 = arith.constant 0 : i32
        %dma_wait3A_435 = tpu.memref_slice %arg4[%add3A, %scan3A_413, %dma_wait3A, %dma_wait3A_434] : memref<32x5x25x80xi32, #tpu.memory_space<hbm>> -> memref<1x1x25x80xi32, #tpu.memory_space<hbm>>
        %dma_wait3A_436 = tpu.memref_squeeze %dma_wait3A_435 : memref<1x1x25x80xi32, #tpu.memory_space<hbm>> -> memref<25x80xi32, #tpu.memory_space<hbm>>
        %dma_wait3A_437 = arith.constant 0 : i32
        %dma_wait3A_438 = arith.constant 0 : i32
        %dma_wait3A_439 = tpu.memref_slice %arg4[%add3A, %scan3A_413, %dma_wait3A_437, %dma_wait3A_438] : memref<32x5x25x80xi32, #tpu.memory_space<hbm>> -> memref<1x1x25x80xi32, #tpu.memory_space<hbm>>
        %dma_wait3A_440 = tpu.memref_squeeze %dma_wait3A_439 : memref<1x1x25x80xi32, #tpu.memory_space<hbm>> -> memref<25x80xi32, #tpu.memory_space<hbm>>
        tpu.wait_dma2 semaphore(%run_scoped3A : memref<!tpu.dma_semaphore, #tpu.memory_space<semaphore_mem>>) src(%dma_wait3A_440 : memref<25x80xi32, #tpu.memory_space<hbm>>) dst(%arg7 : memref<25x80xi32, #tpu.memory_space<vmem>>)
        tpu.yield
      }) : () -> ()
      %dma_start3A = arith.constant 0 : i32
      %dma_start3A_414 = arith.constant 0 : i32
      %dma_start3A_415 = tpu.memref_slice %arg6[%dma_start3A, %dma_start3A_414] : memref<25x80xi32, #tpu.memory_space<vmem>> -> memref<1x80xi32, #tpu.memory_space<vmem>>
      %dma_start3A_416 = tpu.memref_squeeze %dma_start3A_415 : memref<1x80xi32, #tpu.memory_space<vmem>> -> memref<80xi32, #tpu.memory_space<vmem>>
      %dma_start3A_417 = arith.constant 0 : i32
      %dma_start3A_418 = arith.constant 0 : i32
      %dma_start3A_419 = tpu.memref_slice %arg2[%dma_start3A_417, %dma_start3A_418] : memref<10000x64xf32, #tpu.memory_space<hbm>> -> memref<10000x64xf32, #tpu.memory_space<hbm>>
      tpu.enqueue_indirect_dma source(%dma_start3A_419 : memref<10000x64xf32, #tpu.memory_space<hbm>>) target(%arg8 : memref<80x64xf32, #tpu.memory_space<vmem>>) offsets(%dma_start3A_416 : memref<80xi32, #tpu.memory_space<vmem>>) semaphore(%arg12 : memref<!tpu.dma_semaphore, #tpu.memory_space<semaphore_mem>>)
      %scan3A_420 = arith.constant 0 : i32
      %scan3A_421 = arith.constant 0 : i32
      %scan3A_422 = arith.constant 25 : i32
      %scan3A_423 = arith.addi %scan3A_421, %scan3A_422 : i32
      %scan3A_424 = arith.constant 1 : i32
      scf.for %scan3A_426 = %scan3A_421 to %scan3A_423 step %scan3A_424  : i32 {
        %add3A_427 = arith.constant 1 : i32
        %add3A_428 = arith.addi %scan3A_426, %add3A_427 : i32
        %lt3A = arith.constant 25 : i32
        %lt3A_429 = arith.cmpi slt, %add3A_428, %lt3A : i32
        %rem3A = arith.constant 2 : i32
        %rem3A_430 = arith.remsi %add3A_428, %rem3A : i32
        %eq3A_431 = arith.constant 0 : i32
        %eq3A_432 = arith.cmpi eq, %rem3A_430, %eq3A_431 : i32
        %and3A = arith.andi %lt3A_429, %eq3A_432 : i1
        %convert_element_type3A_433 = arith.extui %and3A : i1 to i32
        %cond3A_434 = arith.constant 0 : i32
        %cond3A_435 = arith.cmpi ne, %convert_element_type3A_433, %cond3A_434 : i32
        scf.if %cond3A_435 {
          %dma_start3A_460 = arith.constant 0 : i32
          %dma_start3A_461 = tpu.memref_slice %arg6[%add3A_428, %dma_start3A_460] : memref<25x80xi32, #tpu.memory_space<vmem>> -> memref<1x80xi32, #tpu.memory_space<vmem>>
          %dma_start3A_462 = tpu.memref_squeeze %dma_start3A_461 : memref<1x80xi32, #tpu.memory_space<vmem>> -> memref<80xi32, #tpu.memory_space<vmem>>
          %dma_start3A_463 = arith.constant 0 : i32
          %dma_start3A_464 = arith.constant 0 : i32
          %dma_start3A_465 = tpu.memref_slice %arg2[%dma_start3A_463, %dma_start3A_464] : memref<10000x64xf32, #tpu.memory_space<hbm>> -> memref<10000x64xf32, #tpu.memory_space<hbm>>
          tpu.enqueue_indirect_dma source(%dma_start3A_465 : memref<10000x64xf32, #tpu.memory_space<hbm>>) target(%arg8 : memref<80x64xf32, #tpu.memory_space<vmem>>) offsets(%dma_start3A_462 : memref<80xi32, #tpu.memory_space<vmem>>) semaphore(%arg12 : memref<!tpu.dma_semaphore, #tpu.memory_space<semaphore_mem>>)
        } else {
        }
        %lt3A_436 = arith.constant 25 : i32
        %lt3A_437 = arith.cmpi slt, %add3A_428, %lt3A_436 : i32
        %rem3A_438 = arith.constant 2 : i32
        %rem3A_439 = arith.remsi %add3A_428, %rem3A_438 : i32
        %eq3A_440 = arith.constant 1 : i32
        %eq3A_441 = arith.cmpi eq, %rem3A_439, %eq3A_440 : i32
        %and3A_442 = arith.andi %lt3A_437, %eq3A_441 : i1
        %convert_element_type3A_443 = arith.extui %and3A_442 : i1 to i32
        %cond3A_444 = arith.constant 0 : i32
        %cond3A_445 = arith.cmpi ne, %convert_element_type3A_443, %cond3A_444 : i32
        scf.if %cond3A_445 {
          %dma_start3A_460 = arith.constant 0 : i32
          %dma_start3A_461 = tpu.memref_slice %arg6[%add3A_428, %dma_start3A_460] : memref<25x80xi32, #tpu.memory_space<vmem>> -> memref<1x80xi32, #tpu.memory_space<vmem>>
          %dma_start3A_462 = tpu.memref_squeeze %dma_start3A_461 : memref<1x80xi32, #tpu.memory_space<vmem>> -> memref<80xi32, #tpu.memory_space<vmem>>
          %dma_start3A_463 = arith.constant 0 : i32
          %dma_start3A_464 = arith.constant 0 : i32
          %dma_start3A_465 = tpu.memref_slice %arg2[%dma_start3A_463, %dma_start3A_464] : memref<10000x64xf32, #tpu.memory_space<hbm>> -> memref<10000x64xf32, #tpu.memory_space<hbm>>
          tpu.enqueue_indirect_dma source(%dma_start3A_465 : memref<10000x64xf32, #tpu.memory_space<hbm>>) target(%arg9 : memref<80x64xf32, #tpu.memory_space<vmem>>) offsets(%dma_start3A_462 : memref<80xi32, #tpu.memory_space<vmem>>) semaphore(%arg13 : memref<!tpu.dma_semaphore, #tpu.memory_space<semaphore_mem>>)
        } else {
        }
        %rem3A_446 = arith.constant 2 : i32
        %rem3A_447 = arith.remsi %scan3A_426, %rem3A_446 : i32
        %eq3A_448 = arith.constant 0 : i32
        %eq3A_449 = arith.cmpi eq, %rem3A_447, %eq3A_448 : i32
        %convert_element_type3A_450 = arith.extui %eq3A_449 : i1 to i32
        %cond3A_451 = arith.constant 0 : i32
        %cond3A_452 = arith.cmpi ne, %convert_element_type3A_450, %cond3A_451 : i32
        scf.if %cond3A_452 {
          %dma_wait3A = arith.constant 0 : i32
          %dma_wait3A_460 = tpu.memref_slice %arg6[%scan3A_426, %dma_wait3A] : memref<25x80xi32, #tpu.memory_space<vmem>> -> memref<1x80xi32, #tpu.memory_space<vmem>>
          %dma_wait3A_461 = tpu.memref_squeeze %dma_wait3A_460 : memref<1x80xi32, #tpu.memory_space<vmem>> -> memref<80xi32, #tpu.memory_space<vmem>>
          %dma_wait3A_462 = arith.constant 0 : i32
          %dma_wait3A_463 = arith.constant 0 : i32
          %dma_wait3A_464 = tpu.memref_slice %arg2[%dma_wait3A_462, %dma_wait3A_463] : memref<10000x64xf32, #tpu.memory_space<hbm>> -> memref<10000x64xf32, #tpu.memory_space<hbm>>
          tpu.wait_indirect_dma semaphore(%arg12 : memref<!tpu.dma_semaphore, #tpu.memory_space<semaphore_mem>>) src(%dma_wait3A_464 : memref<10000x64xf32, #tpu.memory_space<hbm>>) dst(%arg8 : memref<80x64xf32, #tpu.memory_space<vmem>>)
          "tpu.region"() ({
            %run_scoped3A = tpu.sem_alloc : memref<!tpu.dma_semaphore, #tpu.memory_space<semaphore_mem>>
            %dma_start3A_465 = arith.constant 0 : i32
            %dma_start3A_466 = tpu.memref_slice %arg7[%scan3A_426, %dma_start3A_465] : memref<25x80xi32, #tpu.memory_space<vmem>> -> memref<1x80xi32, #tpu.memory_space<vmem>>
            %dma_start3A_467 = tpu.memref_squeeze %dma_start3A_466 : memref<1x80xi32, #tpu.memory_space<vmem>> -> memref<80xi32, #tpu.memory_space<vmem>>
            %dma_start3A_468 = arith.constant 0 : i32
            %dma_start3A_469 = arith.constant 0 : i32
            %dma_start3A_470 = tpu.memref_slice %arg11[%dma_start3A_468, %dma_start3A_469] : memref<10000x64xf32, #tpu.memory_space<vmem_shared>> -> memref<10000x64xf32, #tpu.memory_space<vmem_shared>>
            tpu.enqueue_indirect_dma source(%arg8 : memref<80x64xf32, #tpu.memory_space<vmem>>) target(%dma_start3A_470 : memref<10000x64xf32, #tpu.memory_space<vmem_shared>>) offsets(%dma_start3A_467 : memref<80xi32, #tpu.memory_space<vmem>>) semaphore(%run_scoped3A : memref<!tpu.dma_semaphore, #tpu.memory_space<semaphore_mem>>) {add = true}
            %dma_wait3A_471 = arith.constant 0 : i32
            %dma_wait3A_472 = tpu.memref_slice %arg7[%scan3A_426, %dma_wait3A_471] : memref<25x80xi32, #tpu.memory_space<vmem>> -> memref<1x80xi32, #tpu.memory_space<vmem>>
            %dma_wait3A_473 = tpu.memref_squeeze %dma_wait3A_472 : memref<1x80xi32, #tpu.memory_space<vmem>> -> memref<80xi32, #tpu.memory_space<vmem>>
            %dma_wait3A_474 = arith.constant 0 : i32
            %dma_wait3A_475 = arith.constant 0 : i32
            %dma_wait3A_476 = tpu.memref_slice %arg11[%dma_wait3A_474, %dma_wait3A_475] : memref<10000x64xf32, #tpu.memory_space<vmem_shared>> -> memref<10000x64xf32, #tpu.memory_space<vmem_shared>>
            tpu.wait_indirect_dma semaphore(%run_scoped3A : memref<!tpu.dma_semaphore, #tpu.memory_space<semaphore_mem>>) src(%arg8 : memref<80x64xf32, #tpu.memory_space<vmem>>) dst(%dma_wait3A_476 : memref<10000x64xf32, #tpu.memory_space<vmem_shared>>)
            tpu.yield
          }) : () -> ()
        } else {
        }
        %rem3A_453 = arith.constant 2 : i32
        %rem3A_454 = arith.remsi %scan3A_426, %rem3A_453 : i32
        %eq3A_455 = arith.constant 1 : i32
        %eq3A_456 = arith.cmpi eq, %rem3A_454, %eq3A_455 : i32
        %convert_element_type3A_457 = arith.extui %eq3A_456 : i1 to i32
        %cond3A_458 = arith.constant 0 : i32
        %cond3A_459 = arith.cmpi ne, %convert_element_type3A_457, %cond3A_458 : i32
        scf.if %cond3A_459 {
          %dma_wait3A = arith.constant 0 : i32
          %dma_wait3A_460 = tpu.memref_slice %arg6[%scan3A_426, %dma_wait3A] : memref<25x80xi32, #tpu.memory_space<vmem>> -> memref<1x80xi32, #tpu.memory_space<vmem>>
          %dma_wait3A_461 = tpu.memref_squeeze %dma_wait3A_460 : memref<1x80xi32, #tpu.memory_space<vmem>> -> memref<80xi32, #tpu.memory_space<vmem>>
          %dma_wait3A_462 = arith.constant 0 : i32
          %dma_wait3A_463 = arith.constant 0 : i32
          %dma_wait3A_464 = tpu.memref_slice %arg2[%dma_wait3A_462, %dma_wait3A_463] : memref<10000x64xf32, #tpu.memory_space<hbm>> -> memref<10000x64xf32, #tpu.memory_space<hbm>>
          tpu.wait_indirect_dma semaphore(%arg13 : memref<!tpu.dma_semaphore, #tpu.memory_space<semaphore_mem>>) src(%dma_wait3A_464 : memref<10000x64xf32, #tpu.memory_space<hbm>>) dst(%arg9 : memref<80x64xf32, #tpu.memory_space<vmem>>)
          "tpu.region"() ({
            %run_scoped3A = tpu.sem_alloc : memref<!tpu.dma_semaphore, #tpu.memory_space<semaphore_mem>>
            %dma_start3A_465 = arith.constant 0 : i32
            %dma_start3A_466 = tpu.memref_slice %arg7[%scan3A_426, %dma_start3A_465] : memref<25x80xi32, #tpu.memory_space<vmem>> -> memref<1x80xi32, #tpu.memory_space<vmem>>
            %dma_start3A_467 = tpu.memref_squeeze %dma_start3A_466 : memref<1x80xi32, #tpu.memory_space<vmem>> -> memref<80xi32, #tpu.memory_space<vmem>>
            %dma_start3A_468 = arith.constant 0 : i32
            %dma_start3A_469 = arith.constant 0 : i32
            %dma_start3A_470 = tpu.memref_slice %arg11[%dma_start3A_468, %dma_start3A_469] : memref<10000x64xf32, #tpu.memory_space<vmem_shared>> -> memref<10000x64xf32, #tpu.memory_space<vmem_shared>>
            tpu.enqueue_indirect_dma source(%arg9 : memref<80x64xf32, #tpu.memory_space<vmem>>) target(%dma_start3A_470 : memref<10000x64xf32, #tpu.memory_space<vmem_shared>>) offsets(%dma_start3A_467 : memref<80xi32, #tpu.memory_space<vmem>>) semaphore(%run_scoped3A : memref<!tpu.dma_semaphore, #tpu.memory_space<semaphore_mem>>) {add = true}
            %dma_wait3A_471 = arith.constant 0 : i32
            %dma_wait3A_472 = tpu.memref_slice %arg7[%scan3A_426, %dma_wait3A_471] : memref<25x80xi32, #tpu.memory_space<vmem>> -> memref<1x80xi32, #tpu.memory_space<vmem>>
            %dma_wait3A_473 = tpu.memref_squeeze %dma_wait3A_472 : memref<1x80xi32, #tpu.memory_space<vmem>> -> memref<80xi32, #tpu.memory_space<vmem>>
            %dma_wait3A_474 = arith.constant 0 : i32
            %dma_wait3A_475 = arith.constant 0 : i32
            %dma_wait3A_476 = tpu.memref_slice %arg11[%dma_wait3A_474, %dma_wait3A_475] : memref<10000x64xf32, #tpu.memory_space<vmem_shared>> -> memref<10000x64xf32, #tpu.memory_space<vmem_shared>>
            tpu.wait_indirect_dma semaphore(%run_scoped3A : memref<!tpu.dma_semaphore, #tpu.memory_space<semaphore_mem>>) src(%arg9 : memref<80x64xf32, #tpu.memory_space<vmem>>) dst(%dma_wait3A_476 : memref<10000x64xf32, #tpu.memory_space<vmem_shared>>)
            tpu.yield
          }) : () -> ()
        } else {
        }
      }
      %scan3A_425 = arith.constant 25 : i32
    }
    %scan3A_399 = arith.constant 5 : i32
    %barrier3A_400 = arith.constant 0 : index
    tpu.barrier barrier_id(%barrier3A_400)
    %mul3A_401 = arith.constant 624 : i32
    %mul3A_402 = arith.muli %arg1, %mul3A_401 : i32
    %mul3A_403 = arith.constant 10000 : i32
    %mul3A_404 = arith.muli %arg0, %mul3A_403 : i32
    %mul3A_405 = arith.constant 624 : i32
    %mul3A_406 = arith.muli %arg1, %mul3A_405 : i32
    %add3A_407 = arith.addi %mul3A_404, %mul3A_406 : i32
    "tpu.region"() ({
      %run_scoped3A = tpu.sem_alloc : memref<!tpu.dma_semaphore, #tpu.memory_space<semaphore_mem>>
      %dma_start3A = arith.constant 0 : i32
      %dma_start3A_413 = tpu.memref_slice %arg5[%add3A_407, %dma_start3A] : memref<20000x64xf32, #tpu.memory_space<hbm>> -> memref<624x64xf32, #tpu.memory_space<hbm>>
      %dma_start3A_414 = arith.constant 0 : i32
      %dma_start3A_415 = tpu.memref_slice %arg11[%mul3A_402, %dma_start3A_414] : memref<10000x64xf32, #tpu.memory_space<vmem_shared>> -> memref<624x64xf32, #tpu.memory_space<vmem_shared>>
      tpu.enqueue_dma source(%dma_start3A_415 : memref<624x64xf32, #tpu.memory_space<vmem_shared>>) target(%dma_start3A_413 : memref<624x64xf32, #tpu.memory_space<hbm>>) target_semaphore(%run_scoped3A : memref<!tpu.dma_semaphore, #tpu.memory_space<semaphore_mem>>)
      %dma_wait3A = arith.constant 0 : i32
      %dma_wait3A_416 = tpu.memref_slice %arg5[%add3A_407, %dma_wait3A] : memref<20000x64xf32, #tpu.memory_space<hbm>> -> memref<624x64xf32, #tpu.memory_space<hbm>>
      %dma_wait3A_417 = arith.constant 0 : i32
      %dma_wait3A_418 = tpu.memref_slice %arg11[%mul3A_402, %dma_wait3A_417] : memref<10000x64xf32, #tpu.memory_space<vmem_shared>> -> memref<624x64xf32, #tpu.memory_space<vmem_shared>>
      tpu.wait_dma2 semaphore(%run_scoped3A : memref<!tpu.dma_semaphore, #tpu.memory_space<semaphore_mem>>) src(%dma_wait3A_418 : memref<624x64xf32, #tpu.memory_space<vmem_shared>>) dst(%dma_wait3A_416 : memref<624x64xf32, #tpu.memory_space<hbm>>)
      tpu.yield
    }) : () -> ()
    %eq3A_408 = arith.constant 15 : i32
    %eq3A_409 = arith.cmpi eq, %arg1, %eq3A_408 : i32
    %convert_element_type3A_410 = arith.extui %eq3A_409 : i1 to i32
    %cond3A_411 = arith.constant 0 : i32
    %cond3A_412 = arith.cmpi ne, %convert_element_type3A_410, %cond3A_411 : i32
    scf.if %cond3A_412 {
      %mul3A_413 = arith.constant 10000 : i32
      %mul3A_414 = arith.muli %arg0, %mul3A_413 : i32
      %add3A_415 = arith.constant 9984 : i32
      %add3A_416 = arith.addi %mul3A_414, %add3A_415 : i32
      "tpu.region"() ({
        %run_scoped3A = tpu.sem_alloc : memref<!tpu.dma_semaphore, #tpu.memory_space<semaphore_mem>>
        %dma_start3A = arith.constant 0 : i32
        %dma_start3A_417 = tpu.memref_slice %arg5[%add3A_416, %dma_start3A] : memref<20000x64xf32, #tpu.memory_space<hbm>> -> memref<16x64xf32, #tpu.memory_space<hbm>>
        %dma_start3A_418 = arith.constant 9984 : i32
        %dma_start3A_419 = arith.constant 0 : i32
        %dma_start3A_420 = tpu.memref_slice %arg11[%dma_start3A_418, %dma_start3A_419] : memref<10000x64xf32, #tpu.memory_space<vmem_shared>> -> memref<16x64xf32, #tpu.memory_space<vmem_shared>>
        tpu.enqueue_dma source(%dma_start3A_420 : memref<16x64xf32, #tpu.memory_space<vmem_shared>>) target(%dma_start3A_417 : memref<16x64xf32, #tpu.memory_space<hbm>>) target_semaphore(%run_scoped3A : memref<!tpu.dma_semaphore, #tpu.memory_space<semaphore_mem>>)
        %dma_wait3A = arith.constant 0 : i32
        %dma_wait3A_421 = tpu.memref_slice %arg5[%add3A_416, %dma_wait3A] : memref<20000x64xf32, #tpu.memory_space<hbm>> -> memref<16x64xf32, #tpu.memory_space<hbm>>
        %dma_wait3A_422 = arith.constant 9984 : i32
        %dma_wait3A_423 = arith.constant 0 : i32
        %dma_wait3A_424 = tpu.memref_slice %arg11[%dma_wait3A_422, %dma_wait3A_423] : memref<10000x64xf32, #tpu.memory_space<vmem_shared>> -> memref<16x64xf32, #tpu.memory_space<vmem_shared>>
        tpu.wait_dma2 semaphore(%run_scoped3A : memref<!tpu.dma_semaphore, #tpu.memory_space<semaphore_mem>>) src(%dma_wait3A_424 : memref<16x64xf32, #tpu.memory_space<vmem_shared>>) dst(%dma_wait3A_421 : memref<16x64xf32, #tpu.memory_space<hbm>>)
        tpu.yield
      }) : () -> ()
    } else {
    }
    return
  }
}

#map = affine_map<(d0, d1) -> (0, 0)>
#map1 = affine_map<(d0, d1) -> (0, 0, 0, 0)>
module attributes {stable_mosaic.version = 14 : i64} {
  func.func @body(%arg0: i32, %arg1: i32, %arg2: memref<10000x128xf32, #tpu.memory_space<hbm>>, %arg3: memref<32x5x25x80xi32, #tpu.memory_space<hbm>>, %arg4: memref<32x5x25x80xi32, #tpu.memory_space<hbm>>, %arg5: memref<20000x128xf32, #tpu.memory_space<hbm>>, %arg6: memref<20000x16xf32, #tpu.memory_space<hbm>>, %arg7: memref<25x80xi32, #tpu.memory_space<vmem>>, %arg8: memref<25x80xi32, #tpu.memory_space<vmem>>, %arg9: memref<80x128xf32, #tpu.memory_space<vmem>>, %arg10: memref<80x128xf32, #tpu.memory_space<vmem>>, %arg11: memref<16x128xf32, #tpu.memory_space<vmem>>, %arg12: memref<10000x128xf32, #tpu.memory_space<vmem_shared>>, %arg13: memref<!tpu.dma_semaphore, #tpu.memory_space<semaphore_mem>>, %arg14: memref<!tpu.dma_semaphore, #tpu.memory_space<semaphore_mem>>, %arg15: memref<80x16xf32, #tpu.memory_space<vmem>>, %arg16: memref<16x16xf32, #tpu.memory_space<vmem>>, %arg17: memref<10000x16xf32, #tpu.memory_space<vmem_shared>>) attributes {dimension_semantics = [#tpu.dimension_semantics<core_parallel>, #tpu.dimension_semantics<subcore_parallel>], iteration_bounds = array<i64: 2, 16>, scalar_prefetch = 0 : i64, scratch_operands = 11 : i64, tpu.core_type = #tpu.core_type<sc_vector_subcore>, window_params = [{transform_indices = #map}, {transform_indices = #map1}, {transform_indices = #map1}, {transform_indices = #map}, {transform_indices = #map}]} {
    %mul3A = arith.constant 16 : i32
    %mul3A_0 = arith.muli %arg0, %mul3A : i32
    %add3A = arith.addi %mul3A_0, %arg1 : i32
    %broadcast_in_dim3A = arith.constant 0.000000e+00 : f32
    %broadcast_in_dim3A_1 = vector.broadcast %broadcast_in_dim3A : f32 to vector<16xf32>
    %broadcast_in_dim3A_2 = arith.constant 1.000000e+00 : f32
    %broadcast_in_dim3A_3 = vector.broadcast %broadcast_in_dim3A_2 : f32 to vector<16xf32>
    %swap3A = arith.constant 0 : i32
    %swap3A_4 = arith.index_cast %swap3A : i32 to index
    %swap3A_5 = arith.constant 0 : index
    %swap3A_6 = tpu.vector_load %arg11[%swap3A_4, %swap3A_5] {strides = array<i32>} : memref<16x128xf32, #tpu.memory_space<vmem>>, vector<1x16xf32>,
    %swap3A_7 = vector.shape_cast %swap3A_6 : vector<1x16xf32> to vector<16xf32>
    %swap3A_8 = vector.shape_cast %broadcast_in_dim3A_1 : vector<16xf32> to vector<1x16xf32>
    tpu.vector_store %arg11[%swap3A_4, %swap3A_5], %swap3A_8 {strides = array<i32>} : memref<16x128xf32, #tpu.memory_space<vmem>>, vector<1x16xf32>,
    %swap3A_9 = arith.constant 0 : i32
    %swap3A_10 = arith.index_cast %swap3A_9 : i32 to index
    %swap3A_11 = arith.constant 16 : index
    %swap3A_12 = tpu.vector_load %arg11[%swap3A_10, %swap3A_11] {strides = array<i32>} : memref<16x128xf32, #tpu.memory_space<vmem>>, vector<1x16xf32>,
    %swap3A_13 = vector.shape_cast %swap3A_12 : vector<1x16xf32> to vector<16xf32>
    %swap3A_14 = vector.shape_cast %broadcast_in_dim3A_1 : vector<16xf32> to vector<1x16xf32>
    tpu.vector_store %arg11[%swap3A_10, %swap3A_11], %swap3A_14 {strides = array<i32>} : memref<16x128xf32, #tpu.memory_space<vmem>>, vector<1x16xf32>,
    %swap3A_15 = arith.constant 0 : i32
    %swap3A_16 = arith.index_cast %swap3A_15 : i32 to index
    %swap3A_17 = arith.constant 32 : index
    %swap3A_18 = tpu.vector_load %arg11[%swap3A_16, %swap3A_17] {strides = array<i32>} : memref<16x128xf32, #tpu.memory_space<vmem>>, vector<1x16xf32>,
    %swap3A_19 = vector.shape_cast %swap3A_18 : vector<1x16xf32> to vector<16xf32>
    %swap3A_20 = vector.shape_cast %broadcast_in_dim3A_1 : vector<16xf32> to vector<1x16xf32>
    tpu.vector_store %arg11[%swap3A_16, %swap3A_17], %swap3A_20 {strides = array<i32>} : memref<16x128xf32, #tpu.memory_space<vmem>>, vector<1x16xf32>,
    %swap3A_21 = arith.constant 0 : i32
    %swap3A_22 = arith.index_cast %swap3A_21 : i32 to index
    %swap3A_23 = arith.constant 48 : index
    %swap3A_24 = tpu.vector_load %arg11[%swap3A_22, %swap3A_23] {strides = array<i32>} : memref<16x128xf32, #tpu.memory_space<vmem>>, vector<1x16xf32>,
    %swap3A_25 = vector.shape_cast %swap3A_24 : vector<1x16xf32> to vector<16xf32>
    %swap3A_26 = vector.shape_cast %broadcast_in_dim3A_1 : vector<16xf32> to vector<1x16xf32>
    tpu.vector_store %arg11[%swap3A_22, %swap3A_23], %swap3A_26 {strides = array<i32>} : memref<16x128xf32, #tpu.memory_space<vmem>>, vector<1x16xf32>,
    %swap3A_27 = arith.constant 0 : i32
    %swap3A_28 = arith.index_cast %swap3A_27 : i32 to index
    %swap3A_29 = arith.constant 64 : index
    %swap3A_30 = tpu.vector_load %arg11[%swap3A_28, %swap3A_29] {strides = array<i32>} : memref<16x128xf32, #tpu.memory_space<vmem>>, vector<1x16xf32>,
    %swap3A_31 = vector.shape_cast %swap3A_30 : vector<1x16xf32> to vector<16xf32>
    %swap3A_32 = vector.shape_cast %broadcast_in_dim3A_1 : vector<16xf32> to vector<1x16xf32>
    tpu.vector_store %arg11[%swap3A_28, %swap3A_29], %swap3A_32 {strides = array<i32>} : memref<16x128xf32, #tpu.memory_space<vmem>>, vector<1x16xf32>,
    %swap3A_33 = arith.constant 0 : i32
    %swap3A_34 = arith.index_cast %swap3A_33 : i32 to index
    %swap3A_35 = arith.constant 80 : index
    %swap3A_36 = tpu.vector_load %arg11[%swap3A_34, %swap3A_35] {strides = array<i32>} : memref<16x128xf32, #tpu.memory_space<vmem>>, vector<1x16xf32>,
    %swap3A_37 = vector.shape_cast %swap3A_36 : vector<1x16xf32> to vector<16xf32>
    %swap3A_38 = vector.shape_cast %broadcast_in_dim3A_1 : vector<16xf32> to vector<1x16xf32>
    tpu.vector_store %arg11[%swap3A_34, %swap3A_35], %swap3A_38 {strides = array<i32>} : memref<16x128xf32, #tpu.memory_space<vmem>>, vector<1x16xf32>,
    %swap3A_39 = arith.constant 0 : i32
    %swap3A_40 = arith.index_cast %swap3A_39 : i32 to index
    %swap3A_41 = arith.constant 96 : index
    %swap3A_42 = tpu.vector_load %arg11[%swap3A_40, %swap3A_41] {strides = array<i32>} : memref<16x128xf32, #tpu.memory_space<vmem>>, vector<1x16xf32>,
    %swap3A_43 = vector.shape_cast %swap3A_42 : vector<1x16xf32> to vector<16xf32>
    %swap3A_44 = vector.shape_cast %broadcast_in_dim3A_1 : vector<16xf32> to vector<1x16xf32>
    tpu.vector_store %arg11[%swap3A_40, %swap3A_41], %swap3A_44 {strides = array<i32>} : memref<16x128xf32, #tpu.memory_space<vmem>>, vector<1x16xf32>,
    %swap3A_45 = arith.constant 0 : i32
    %swap3A_46 = arith.index_cast %swap3A_45 : i32 to index
    %swap3A_47 = arith.constant 112 : index
    %swap3A_48 = tpu.vector_load %arg11[%swap3A_46, %swap3A_47] {strides = array<i32>} : memref<16x128xf32, #tpu.memory_space<vmem>>, vector<1x16xf32>,
    %swap3A_49 = vector.shape_cast %swap3A_48 : vector<1x16xf32> to vector<16xf32>
    %swap3A_50 = vector.shape_cast %broadcast_in_dim3A_1 : vector<16xf32> to vector<1x16xf32>
    tpu.vector_store %arg11[%swap3A_46, %swap3A_47], %swap3A_50 {strides = array<i32>} : memref<16x128xf32, #tpu.memory_space<vmem>>, vector<1x16xf32>,
    %swap3A_51 = arith.constant 1 : i32
    %swap3A_52 = arith.index_cast %swap3A_51 : i32 to index
    %swap3A_53 = arith.constant 0 : index
    %swap3A_54 = tpu.vector_load %arg11[%swap3A_52, %swap3A_53] {strides = array<i32>} : memref<16x128xf32, #tpu.memory_space<vmem>>, vector<1x16xf32>,
    %swap3A_55 = vector.shape_cast %swap3A_54 : vector<1x16xf32> to vector<16xf32>
    %swap3A_56 = vector.shape_cast %broadcast_in_dim3A_1 : vector<16xf32> to vector<1x16xf32>
    tpu.vector_store %arg11[%swap3A_52, %swap3A_53], %swap3A_56 {strides = array<i32>} : memref<16x128xf32, #tpu.memory_space<vmem>>, vector<1x16xf32>,
    %swap3A_57 = arith.constant 1 : i32
    %swap3A_58 = arith.index_cast %swap3A_57 : i32 to index
    %swap3A_59 = arith.constant 16 : index
    %swap3A_60 = tpu.vector_load %arg11[%swap3A_58, %swap3A_59] {strides = array<i32>} : memref<16x128xf32, #tpu.memory_space<vmem>>, vector<1x16xf32>,
    %swap3A_61 = vector.shape_cast %swap3A_60 : vector<1x16xf32> to vector<16xf32>
    %swap3A_62 = vector.shape_cast %broadcast_in_dim3A_1 : vector<16xf32> to vector<1x16xf32>
    tpu.vector_store %arg11[%swap3A_58, %swap3A_59], %swap3A_62 {strides = array<i32>} : memref<16x128xf32, #tpu.memory_space<vmem>>, vector<1x16xf32>,
    %swap3A_63 = arith.constant 1 : i32
    %swap3A_64 = arith.index_cast %swap3A_63 : i32 to index
    %swap3A_65 = arith.constant 32 : index
    %swap3A_66 = tpu.vector_load %arg11[%swap3A_64, %swap3A_65] {strides = array<i32>} : memref<16x128xf32, #tpu.memory_space<vmem>>, vector<1x16xf32>,
    %swap3A_67 = vector.shape_cast %swap3A_66 : vector<1x16xf32> to vector<16xf32>
    %swap3A_68 = vector.shape_cast %broadcast_in_dim3A_1 : vector<16xf32> to vector<1x16xf32>
    tpu.vector_store %arg11[%swap3A_64, %swap3A_65], %swap3A_68 {strides = array<i32>} : memref<16x128xf32, #tpu.memory_space<vmem>>, vector<1x16xf32>,
    %swap3A_69 = arith.constant 1 : i32
    %swap3A_70 = arith.index_cast %swap3A_69 : i32 to index
    %swap3A_71 = arith.constant 48 : index
    %swap3A_72 = tpu.vector_load %arg11[%swap3A_70, %swap3A_71] {strides = array<i32>} : memref<16x128xf32, #tpu.memory_space<vmem>>, vector<1x16xf32>,
    %swap3A_73 = vector.shape_cast %swap3A_72 : vector<1x16xf32> to vector<16xf32>
    %swap3A_74 = vector.shape_cast %broadcast_in_dim3A_1 : vector<16xf32> to vector<1x16xf32>
    tpu.vector_store %arg11[%swap3A_70, %swap3A_71], %swap3A_74 {strides = array<i32>} : memref<16x128xf32, #tpu.memory_space<vmem>>, vector<1x16xf32>,
    %swap3A_75 = arith.constant 1 : i32
    %swap3A_76 = arith.index_cast %swap3A_75 : i32 to index
    %swap3A_77 = arith.constant 64 : index
    %swap3A_78 = tpu.vector_load %arg11[%swap3A_76, %swap3A_77] {strides = array<i32>} : memref<16x128xf32, #tpu.memory_space<vmem>>, vector<1x16xf32>,
    %swap3A_79 = vector.shape_cast %swap3A_78 : vector<1x16xf32> to vector<16xf32>
    %swap3A_80 = vector.shape_cast %broadcast_in_dim3A_1 : vector<16xf32> to vector<1x16xf32>
    tpu.vector_store %arg11[%swap3A_76, %swap3A_77], %swap3A_80 {strides = array<i32>} : memref<16x128xf32, #tpu.memory_space<vmem>>, vector<1x16xf32>,
    %swap3A_81 = arith.constant 1 : i32
    %swap3A_82 = arith.index_cast %swap3A_81 : i32 to index
    %swap3A_83 = arith.constant 80 : index
    %swap3A_84 = tpu.vector_load %arg11[%swap3A_82, %swap3A_83] {strides = array<i32>} : memref<16x128xf32, #tpu.memory_space<vmem>>, vector<1x16xf32>,
    %swap3A_85 = vector.shape_cast %swap3A_84 : vector<1x16xf32> to vector<16xf32>
    %swap3A_86 = vector.shape_cast %broadcast_in_dim3A_1 : vector<16xf32> to vector<1x16xf32>
    tpu.vector_store %arg11[%swap3A_82, %swap3A_83], %swap3A_86 {strides = array<i32>} : memref<16x128xf32, #tpu.memory_space<vmem>>, vector<1x16xf32>,
    %swap3A_87 = arith.constant 1 : i32
    %swap3A_88 = arith.index_cast %swap3A_87 : i32 to index
    %swap3A_89 = arith.constant 96 : index
    %swap3A_90 = tpu.vector_load %arg11[%swap3A_88, %swap3A_89] {strides = array<i32>} : memref<16x128xf32, #tpu.memory_space<vmem>>, vector<1x16xf32>,
    %swap3A_91 = vector.shape_cast %swap3A_90 : vector<1x16xf32> to vector<16xf32>
    %swap3A_92 = vector.shape_cast %broadcast_in_dim3A_1 : vector<16xf32> to vector<1x16xf32>
    tpu.vector_store %arg11[%swap3A_88, %swap3A_89], %swap3A_92 {strides = array<i32>} : memref<16x128xf32, #tpu.memory_space<vmem>>, vector<1x16xf32>,
    %swap3A_93 = arith.constant 1 : i32
    %swap3A_94 = arith.index_cast %swap3A_93 : i32 to index
    %swap3A_95 = arith.constant 112 : index
    %swap3A_96 = tpu.vector_load %arg11[%swap3A_94, %swap3A_95] {strides = array<i32>} : memref<16x128xf32, #tpu.memory_space<vmem>>, vector<1x16xf32>,
    %swap3A_97 = vector.shape_cast %swap3A_96 : vector<1x16xf32> to vector<16xf32>
    %swap3A_98 = vector.shape_cast %broadcast_in_dim3A_1 : vector<16xf32> to vector<1x16xf32>
    tpu.vector_store %arg11[%swap3A_94, %swap3A_95], %swap3A_98 {strides = array<i32>} : memref<16x128xf32, #tpu.memory_space<vmem>>, vector<1x16xf32>,
    %swap3A_99 = arith.constant 2 : i32
    %swap3A_100 = arith.index_cast %swap3A_99 : i32 to index
    %swap3A_101 = arith.constant 0 : index
    %swap3A_102 = tpu.vector_load %arg11[%swap3A_100, %swap3A_101] {strides = array<i32>} : memref<16x128xf32, #tpu.memory_space<vmem>>, vector<1x16xf32>,
    %swap3A_103 = vector.shape_cast %swap3A_102 : vector<1x16xf32> to vector<16xf32>
    %swap3A_104 = vector.shape_cast %broadcast_in_dim3A_1 : vector<16xf32> to vector<1x16xf32>
    tpu.vector_store %arg11[%swap3A_100, %swap3A_101], %swap3A_104 {strides = array<i32>} : memref<16x128xf32, #tpu.memory_space<vmem>>, vector<1x16xf32>,
    %swap3A_105 = arith.constant 2 : i32
    %swap3A_106 = arith.index_cast %swap3A_105 : i32 to index
    %swap3A_107 = arith.constant 16 : index
    %swap3A_108 = tpu.vector_load %arg11[%swap3A_106, %swap3A_107] {strides = array<i32>} : memref<16x128xf32, #tpu.memory_space<vmem>>, vector<1x16xf32>,
    %swap3A_109 = vector.shape_cast %swap3A_108 : vector<1x16xf32> to vector<16xf32>
    %swap3A_110 = vector.shape_cast %broadcast_in_dim3A_1 : vector<16xf32> to vector<1x16xf32>
    tpu.vector_store %arg11[%swap3A_106, %swap3A_107], %swap3A_110 {strides = array<i32>} : memref<16x128xf32, #tpu.memory_space<vmem>>, vector<1x16xf32>,
    %swap3A_111 = arith.constant 2 : i32
    %swap3A_112 = arith.index_cast %swap3A_111 : i32 to index
    %swap3A_113 = arith.constant 32 : index
    %swap3A_114 = tpu.vector_load %arg11[%swap3A_112, %swap3A_113] {strides = array<i32>} : memref<16x128xf32, #tpu.memory_space<vmem>>, vector<1x16xf32>,
    %swap3A_115 = vector.shape_cast %swap3A_114 : vector<1x16xf32> to vector<16xf32>
    %swap3A_116 = vector.shape_cast %broadcast_in_dim3A_1 : vector<16xf32> to vector<1x16xf32>
    tpu.vector_store %arg11[%swap3A_112, %swap3A_113], %swap3A_116 {strides = array<i32>} : memref<16x128xf32, #tpu.memory_space<vmem>>, vector<1x16xf32>,
    %swap3A_117 = arith.constant 2 : i32
    %swap3A_118 = arith.index_cast %swap3A_117 : i32 to index
    %swap3A_119 = arith.constant 48 : index
    %swap3A_120 = tpu.vector_load %arg11[%swap3A_118, %swap3A_119] {strides = array<i32>} : memref<16x128xf32, #tpu.memory_space<vmem>>, vector<1x16xf32>,
    %swap3A_121 = vector.shape_cast %swap3A_120 : vector<1x16xf32> to vector<16xf32>
    %swap3A_122 = vector.shape_cast %broadcast_in_dim3A_1 : vector<16xf32> to vector<1x16xf32>
    tpu.vector_store %arg11[%swap3A_118, %swap3A_119], %swap3A_122 {strides = array<i32>} : memref<16x128xf32, #tpu.memory_space<vmem>>, vector<1x16xf32>,
    %swap3A_123 = arith.constant 2 : i32
    %swap3A_124 = arith.index_cast %swap3A_123 : i32 to index
    %swap3A_125 = arith.constant 64 : index
    %swap3A_126 = tpu.vector_load %arg11[%swap3A_124, %swap3A_125] {strides = array<i32>} : memref<16x128xf32, #tpu.memory_space<vmem>>, vector<1x16xf32>,
    %swap3A_127 = vector.shape_cast %swap3A_126 : vector<1x16xf32> to vector<16xf32>
    %swap3A_128 = vector.shape_cast %broadcast_in_dim3A_1 : vector<16xf32> to vector<1x16xf32>
    tpu.vector_store %arg11[%swap3A_124, %swap3A_125], %swap3A_128 {strides = array<i32>} : memref<16x128xf32, #tpu.memory_space<vmem>>, vector<1x16xf32>,
    %swap3A_129 = arith.constant 2 : i32
    %swap3A_130 = arith.index_cast %swap3A_129 : i32 to index
    %swap3A_131 = arith.constant 80 : index
    %swap3A_132 = tpu.vector_load %arg11[%swap3A_130, %swap3A_131] {strides = array<i32>} : memref<16x128xf32, #tpu.memory_space<vmem>>, vector<1x16xf32>,
    %swap3A_133 = vector.shape_cast %swap3A_132 : vector<1x16xf32> to vector<16xf32>
    %swap3A_134 = vector.shape_cast %broadcast_in_dim3A_1 : vector<16xf32> to vector<1x16xf32>
    tpu.vector_store %arg11[%swap3A_130, %swap3A_131], %swap3A_134 {strides = array<i32>} : memref<16x128xf32, #tpu.memory_space<vmem>>, vector<1x16xf32>,
    %swap3A_135 = arith.constant 2 : i32
    %swap3A_136 = arith.index_cast %swap3A_135 : i32 to index
    %swap3A_137 = arith.constant 96 : index
    %swap3A_138 = tpu.vector_load %arg11[%swap3A_136, %swap3A_137] {strides = array<i32>} : memref<16x128xf32, #tpu.memory_space<vmem>>, vector<1x16xf32>,
    %swap3A_139 = vector.shape_cast %swap3A_138 : vector<1x16xf32> to vector<16xf32>
    %swap3A_140 = vector.shape_cast %broadcast_in_dim3A_1 : vector<16xf32> to vector<1x16xf32>
    tpu.vector_store %arg11[%swap3A_136, %swap3A_137], %swap3A_140 {strides = array<i32>} : memref<16x128xf32, #tpu.memory_space<vmem>>, vector<1x16xf32>,
    %swap3A_141 = arith.constant 2 : i32
    %swap3A_142 = arith.index_cast %swap3A_141 : i32 to index
    %swap3A_143 = arith.constant 112 : index
    %swap3A_144 = tpu.vector_load %arg11[%swap3A_142, %swap3A_143] {strides = array<i32>} : memref<16x128xf32, #tpu.memory_space<vmem>>, vector<1x16xf32>,
    %swap3A_145 = vector.shape_cast %swap3A_144 : vector<1x16xf32> to vector<16xf32>
    %swap3A_146 = vector.shape_cast %broadcast_in_dim3A_1 : vector<16xf32> to vector<1x16xf32>
    tpu.vector_store %arg11[%swap3A_142, %swap3A_143], %swap3A_146 {strides = array<i32>} : memref<16x128xf32, #tpu.memory_space<vmem>>, vector<1x16xf32>,
    %swap3A_147 = arith.constant 3 : i32
    %swap3A_148 = arith.index_cast %swap3A_147 : i32 to index
    %swap3A_149 = arith.constant 0 : index
    %swap3A_150 = tpu.vector_load %arg11[%swap3A_148, %swap3A_149] {strides = array<i32>} : memref<16x128xf32, #tpu.memory_space<vmem>>, vector<1x16xf32>,
    %swap3A_151 = vector.shape_cast %swap3A_150 : vector<1x16xf32> to vector<16xf32>
    %swap3A_152 = vector.shape_cast %broadcast_in_dim3A_1 : vector<16xf32> to vector<1x16xf32>
    tpu.vector_store %arg11[%swap3A_148, %swap3A_149], %swap3A_152 {strides = array<i32>} : memref<16x128xf32, #tpu.memory_space<vmem>>, vector<1x16xf32>,
    %swap3A_153 = arith.constant 3 : i32
    %swap3A_154 = arith.index_cast %swap3A_153 : i32 to index
    %swap3A_155 = arith.constant 16 : index
    %swap3A_156 = tpu.vector_load %arg11[%swap3A_154, %swap3A_155] {strides = array<i32>} : memref<16x128xf32, #tpu.memory_space<vmem>>, vector<1x16xf32>,
    %swap3A_157 = vector.shape_cast %swap3A_156 : vector<1x16xf32> to vector<16xf32>
    %swap3A_158 = vector.shape_cast %broadcast_in_dim3A_1 : vector<16xf32> to vector<1x16xf32>
    tpu.vector_store %arg11[%swap3A_154, %swap3A_155], %swap3A_158 {strides = array<i32>} : memref<16x128xf32, #tpu.memory_space<vmem>>, vector<1x16xf32>,
    %swap3A_159 = arith.constant 3 : i32
    %swap3A_160 = arith.index_cast %swap3A_159 : i32 to index
    %swap3A_161 = arith.constant 32 : index
    %swap3A_162 = tpu.vector_load %arg11[%swap3A_160, %swap3A_161] {strides = array<i32>} : memref<16x128xf32, #tpu.memory_space<vmem>>, vector<1x16xf32>,
    %swap3A_163 = vector.shape_cast %swap3A_162 : vector<1x16xf32> to vector<16xf32>
    %swap3A_164 = vector.shape_cast %broadcast_in_dim3A_1 : vector<16xf32> to vector<1x16xf32>
    tpu.vector_store %arg11[%swap3A_160, %swap3A_161], %swap3A_164 {strides = array<i32>} : memref<16x128xf32, #tpu.memory_space<vmem>>, vector<1x16xf32>,
    %swap3A_165 = arith.constant 3 : i32
    %swap3A_166 = arith.index_cast %swap3A_165 : i32 to index
    %swap3A_167 = arith.constant 48 : index
    %swap3A_168 = tpu.vector_load %arg11[%swap3A_166, %swap3A_167] {strides = array<i32>} : memref<16x128xf32, #tpu.memory_space<vmem>>, vector<1x16xf32>,
    %swap3A_169 = vector.shape_cast %swap3A_168 : vector<1x16xf32> to vector<16xf32>
    %swap3A_170 = vector.shape_cast %broadcast_in_dim3A_1 : vector<16xf32> to vector<1x16xf32>
    tpu.vector_store %arg11[%swap3A_166, %swap3A_167], %swap3A_170 {strides = array<i32>} : memref<16x128xf32, #tpu.memory_space<vmem>>, vector<1x16xf32>,
    %swap3A_171 = arith.constant 3 : i32
    %swap3A_172 = arith.index_cast %swap3A_171 : i32 to index
    %swap3A_173 = arith.constant 64 : index
    %swap3A_174 = tpu.vector_load %arg11[%swap3A_172, %swap3A_173] {strides = array<i32>} : memref<16x128xf32, #tpu.memory_space<vmem>>, vector<1x16xf32>,
    %swap3A_175 = vector.shape_cast %swap3A_174 : vector<1x16xf32> to vector<16xf32>
    %swap3A_176 = vector.shape_cast %broadcast_in_dim3A_1 : vector<16xf32> to vector<1x16xf32>
    tpu.vector_store %arg11[%swap3A_172, %swap3A_173], %swap3A_176 {strides = array<i32>} : memref<16x128xf32, #tpu.memory_space<vmem>>, vector<1x16xf32>,
    %swap3A_177 = arith.constant 3 : i32
    %swap3A_178 = arith.index_cast %swap3A_177 : i32 to index
    %swap3A_179 = arith.constant 80 : index
    %swap3A_180 = tpu.vector_load %arg11[%swap3A_178, %swap3A_179] {strides = array<i32>} : memref<16x128xf32, #tpu.memory_space<vmem>>, vector<1x16xf32>,
    %swap3A_181 = vector.shape_cast %swap3A_180 : vector<1x16xf32> to vector<16xf32>
    %swap3A_182 = vector.shape_cast %broadcast_in_dim3A_1 : vector<16xf32> to vector<1x16xf32>
    tpu.vector_store %arg11[%swap3A_178, %swap3A_179], %swap3A_182 {strides = array<i32>} : memref<16x128xf32, #tpu.memory_space<vmem>>, vector<1x16xf32>,
    %swap3A_183 = arith.constant 3 : i32
    %swap3A_184 = arith.index_cast %swap3A_183 : i32 to index
    %swap3A_185 = arith.constant 96 : index
    %swap3A_186 = tpu.vector_load %arg11[%swap3A_184, %swap3A_185] {strides = array<i32>} : memref<16x128xf32, #tpu.memory_space<vmem>>, vector<1x16xf32>,
    %swap3A_187 = vector.shape_cast %swap3A_186 : vector<1x16xf32> to vector<16xf32>
    %swap3A_188 = vector.shape_cast %broadcast_in_dim3A_1 : vector<16xf32> to vector<1x16xf32>
    tpu.vector_store %arg11[%swap3A_184, %swap3A_185], %swap3A_188 {strides = array<i32>} : memref<16x128xf32, #tpu.memory_space<vmem>>, vector<1x16xf32>,
    %swap3A_189 = arith.constant 3 : i32
    %swap3A_190 = arith.index_cast %swap3A_189 : i32 to index
    %swap3A_191 = arith.constant 112 : index
    %swap3A_192 = tpu.vector_load %arg11[%swap3A_190, %swap3A_191] {strides = array<i32>} : memref<16x128xf32, #tpu.memory_space<vmem>>, vector<1x16xf32>,
    %swap3A_193 = vector.shape_cast %swap3A_192 : vector<1x16xf32> to vector<16xf32>
    %swap3A_194 = vector.shape_cast %broadcast_in_dim3A_1 : vector<16xf32> to vector<1x16xf32>
    tpu.vector_store %arg11[%swap3A_190, %swap3A_191], %swap3A_194 {strides = array<i32>} : memref<16x128xf32, #tpu.memory_space<vmem>>, vector<1x16xf32>,
    %swap3A_195 = arith.constant 4 : i32
    %swap3A_196 = arith.index_cast %swap3A_195 : i32 to index
    %swap3A_197 = arith.constant 0 : index
    %swap3A_198 = tpu.vector_load %arg11[%swap3A_196, %swap3A_197] {strides = array<i32>} : memref<16x128xf32, #tpu.memory_space<vmem>>, vector<1x16xf32>,
    %swap3A_199 = vector.shape_cast %swap3A_198 : vector<1x16xf32> to vector<16xf32>
    %swap3A_200 = vector.shape_cast %broadcast_in_dim3A_1 : vector<16xf32> to vector<1x16xf32>
    tpu.vector_store %arg11[%swap3A_196, %swap3A_197], %swap3A_200 {strides = array<i32>} : memref<16x128xf32, #tpu.memory_space<vmem>>, vector<1x16xf32>,
    %swap3A_201 = arith.constant 4 : i32
    %swap3A_202 = arith.index_cast %swap3A_201 : i32 to index
    %swap3A_203 = arith.constant 16 : index
    %swap3A_204 = tpu.vector_load %arg11[%swap3A_202, %swap3A_203] {strides = array<i32>} : memref<16x128xf32, #tpu.memory_space<vmem>>, vector<1x16xf32>,
    %swap3A_205 = vector.shape_cast %swap3A_204 : vector<1x16xf32> to vector<16xf32>
    %swap3A_206 = vector.shape_cast %broadcast_in_dim3A_1 : vector<16xf32> to vector<1x16xf32>
    tpu.vector_store %arg11[%swap3A_202, %swap3A_203], %swap3A_206 {strides = array<i32>} : memref<16x128xf32, #tpu.memory_space<vmem>>, vector<1x16xf32>,
    %swap3A_207 = arith.constant 4 : i32
    %swap3A_208 = arith.index_cast %swap3A_207 : i32 to index
    %swap3A_209 = arith.constant 32 : index
    %swap3A_210 = tpu.vector_load %arg11[%swap3A_208, %swap3A_209] {strides = array<i32>} : memref<16x128xf32, #tpu.memory_space<vmem>>, vector<1x16xf32>,
    %swap3A_211 = vector.shape_cast %swap3A_210 : vector<1x16xf32> to vector<16xf32>
    %swap3A_212 = vector.shape_cast %broadcast_in_dim3A_1 : vector<16xf32> to vector<1x16xf32>
    tpu.vector_store %arg11[%swap3A_208, %swap3A_209], %swap3A_212 {strides = array<i32>} : memref<16x128xf32, #tpu.memory_space<vmem>>, vector<1x16xf32>,
    %swap3A_213 = arith.constant 4 : i32
    %swap3A_214 = arith.index_cast %swap3A_213 : i32 to index
    %swap3A_215 = arith.constant 48 : index
    %swap3A_216 = tpu.vector_load %arg11[%swap3A_214, %swap3A_215] {strides = array<i32>} : memref<16x128xf32, #tpu.memory_space<vmem>>, vector<1x16xf32>,
    %swap3A_217 = vector.shape_cast %swap3A_216 : vector<1x16xf32> to vector<16xf32>
    %swap3A_218 = vector.shape_cast %broadcast_in_dim3A_1 : vector<16xf32> to vector<1x16xf32>
    tpu.vector_store %arg11[%swap3A_214, %swap3A_215], %swap3A_218 {strides = array<i32>} : memref<16x128xf32, #tpu.memory_space<vmem>>, vector<1x16xf32>,
    %swap3A_219 = arith.constant 4 : i32
    %swap3A_220 = arith.index_cast %swap3A_219 : i32 to index
    %swap3A_221 = arith.constant 64 : index
    %swap3A_222 = tpu.vector_load %arg11[%swap3A_220, %swap3A_221] {strides = array<i32>} : memref<16x128xf32, #tpu.memory_space<vmem>>, vector<1x16xf32>,
    %swap3A_223 = vector.shape_cast %swap3A_222 : vector<1x16xf32> to vector<16xf32>
    %swap3A_224 = vector.shape_cast %broadcast_in_dim3A_1 : vector<16xf32> to vector<1x16xf32>
    tpu.vector_store %arg11[%swap3A_220, %swap3A_221], %swap3A_224 {strides = array<i32>} : memref<16x128xf32, #tpu.memory_space<vmem>>, vector<1x16xf32>,
    %swap3A_225 = arith.constant 4 : i32
    %swap3A_226 = arith.index_cast %swap3A_225 : i32 to index
    %swap3A_227 = arith.constant 80 : index
    %swap3A_228 = tpu.vector_load %arg11[%swap3A_226, %swap3A_227] {strides = array<i32>} : memref<16x128xf32, #tpu.memory_space<vmem>>, vector<1x16xf32>,
    %swap3A_229 = vector.shape_cast %swap3A_228 : vector<1x16xf32> to vector<16xf32>
    %swap3A_230 = vector.shape_cast %broadcast_in_dim3A_1 : vector<16xf32> to vector<1x16xf32>
    tpu.vector_store %arg11[%swap3A_226, %swap3A_227], %swap3A_230 {strides = array<i32>} : memref<16x128xf32, #tpu.memory_space<vmem>>, vector<1x16xf32>,
    %swap3A_231 = arith.constant 4 : i32
    %swap3A_232 = arith.index_cast %swap3A_231 : i32 to index
    %swap3A_233 = arith.constant 96 : index
    %swap3A_234 = tpu.vector_load %arg11[%swap3A_232, %swap3A_233] {strides = array<i32>} : memref<16x128xf32, #tpu.memory_space<vmem>>, vector<1x16xf32>,
    %swap3A_235 = vector.shape_cast %swap3A_234 : vector<1x16xf32> to vector<16xf32>
    %swap3A_236 = vector.shape_cast %broadcast_in_dim3A_1 : vector<16xf32> to vector<1x16xf32>
    tpu.vector_store %arg11[%swap3A_232, %swap3A_233], %swap3A_236 {strides = array<i32>} : memref<16x128xf32, #tpu.memory_space<vmem>>, vector<1x16xf32>,
    %swap3A_237 = arith.constant 4 : i32
    %swap3A_238 = arith.index_cast %swap3A_237 : i32 to index
    %swap3A_239 = arith.constant 112 : index
    %swap3A_240 = tpu.vector_load %arg11[%swap3A_238, %swap3A_239] {strides = array<i32>} : memref<16x128xf32, #tpu.memory_space<vmem>>, vector<1x16xf32>,
    %swap3A_241 = vector.shape_cast %swap3A_240 : vector<1x16xf32> to vector<16xf32>
    %swap3A_242 = vector.shape_cast %broadcast_in_dim3A_1 : vector<16xf32> to vector<1x16xf32>
    tpu.vector_store %arg11[%swap3A_238, %swap3A_239], %swap3A_242 {strides = array<i32>} : memref<16x128xf32, #tpu.memory_space<vmem>>, vector<1x16xf32>,
    %swap3A_243 = arith.constant 5 : i32
    %swap3A_244 = arith.index_cast %swap3A_243 : i32 to index
    %swap3A_245 = arith.constant 0 : index
    %swap3A_246 = tpu.vector_load %arg11[%swap3A_244, %swap3A_245] {strides = array<i32>} : memref<16x128xf32, #tpu.memory_space<vmem>>, vector<1x16xf32>,
    %swap3A_247 = vector.shape_cast %swap3A_246 : vector<1x16xf32> to vector<16xf32>
    %swap3A_248 = vector.shape_cast %broadcast_in_dim3A_1 : vector<16xf32> to vector<1x16xf32>
    tpu.vector_store %arg11[%swap3A_244, %swap3A_245], %swap3A_248 {strides = array<i32>} : memref<16x128xf32, #tpu.memory_space<vmem>>, vector<1x16xf32>,
    %swap3A_249 = arith.constant 5 : i32
    %swap3A_250 = arith.index_cast %swap3A_249 : i32 to index
    %swap3A_251 = arith.constant 16 : index
    %swap3A_252 = tpu.vector_load %arg11[%swap3A_250, %swap3A_251] {strides = array<i32>} : memref<16x128xf32, #tpu.memory_space<vmem>>, vector<1x16xf32>,
    %swap3A_253 = vector.shape_cast %swap3A_252 : vector<1x16xf32> to vector<16xf32>
    %swap3A_254 = vector.shape_cast %broadcast_in_dim3A_1 : vector<16xf32> to vector<1x16xf32>
    tpu.vector_store %arg11[%swap3A_250, %swap3A_251], %swap3A_254 {strides = array<i32>} : memref<16x128xf32, #tpu.memory_space<vmem>>, vector<1x16xf32>,
    %swap3A_255 = arith.constant 5 : i32
    %swap3A_256 = arith.index_cast %swap3A_255 : i32 to index
    %swap3A_257 = arith.constant 32 : index
    %swap3A_258 = tpu.vector_load %arg11[%swap3A_256, %swap3A_257] {strides = array<i32>} : memref<16x128xf32, #tpu.memory_space<vmem>>, vector<1x16xf32>,
    %swap3A_259 = vector.shape_cast %swap3A_258 : vector<1x16xf32> to vector<16xf32>
    %swap3A_260 = vector.shape_cast %broadcast_in_dim3A_1 : vector<16xf32> to vector<1x16xf32>
    tpu.vector_store %arg11[%swap3A_256, %swap3A_257], %swap3A_260 {strides = array<i32>} : memref<16x128xf32, #tpu.memory_space<vmem>>, vector<1x16xf32>,
    %swap3A_261 = arith.constant 5 : i32
    %swap3A_262 = arith.index_cast %swap3A_261 : i32 to index
    %swap3A_263 = arith.constant 48 : index
    %swap3A_264 = tpu.vector_load %arg11[%swap3A_262, %swap3A_263] {strides = array<i32>} : memref<16x128xf32, #tpu.memory_space<vmem>>, vector<1x16xf32>,
    %swap3A_265 = vector.shape_cast %swap3A_264 : vector<1x16xf32> to vector<16xf32>
    %swap3A_266 = vector.shape_cast %broadcast_in_dim3A_1 : vector<16xf32> to vector<1x16xf32>
    tpu.vector_store %arg11[%swap3A_262, %swap3A_263], %swap3A_266 {strides = array<i32>} : memref<16x128xf32, #tpu.memory_space<vmem>>, vector<1x16xf32>,
    %swap3A_267 = arith.constant 5 : i32
    %swap3A_268 = arith.index_cast %swap3A_267 : i32 to index
    %swap3A_269 = arith.constant 64 : index
    %swap3A_270 = tpu.vector_load %arg11[%swap3A_268, %swap3A_269] {strides = array<i32>} : memref<16x128xf32, #tpu.memory_space<vmem>>, vector<1x16xf32>,
    %swap3A_271 = vector.shape_cast %swap3A_270 : vector<1x16xf32> to vector<16xf32>
    %swap3A_272 = vector.shape_cast %broadcast_in_dim3A_1 : vector<16xf32> to vector<1x16xf32>
    tpu.vector_store %arg11[%swap3A_268, %swap3A_269], %swap3A_272 {strides = array<i32>} : memref<16x128xf32, #tpu.memory_space<vmem>>, vector<1x16xf32>,
    %swap3A_273 = arith.constant 5 : i32
    %swap3A_274 = arith.index_cast %swap3A_273 : i32 to index
    %swap3A_275 = arith.constant 80 : index
    %swap3A_276 = tpu.vector_load %arg11[%swap3A_274, %swap3A_275] {strides = array<i32>} : memref<16x128xf32, #tpu.memory_space<vmem>>, vector<1x16xf32>,
    %swap3A_277 = vector.shape_cast %swap3A_276 : vector<1x16xf32> to vector<16xf32>
    %swap3A_278 = vector.shape_cast %broadcast_in_dim3A_1 : vector<16xf32> to vector<1x16xf32>
    tpu.vector_store %arg11[%swap3A_274, %swap3A_275], %swap3A_278 {strides = array<i32>} : memref<16x128xf32, #tpu.memory_space<vmem>>, vector<1x16xf32>,
    %swap3A_279 = arith.constant 5 : i32
    %swap3A_280 = arith.index_cast %swap3A_279 : i32 to index
    %swap3A_281 = arith.constant 96 : index
    %swap3A_282 = tpu.vector_load %arg11[%swap3A_280, %swap3A_281] {strides = array<i32>} : memref<16x128xf32, #tpu.memory_space<vmem>>, vector<1x16xf32>,
    %swap3A_283 = vector.shape_cast %swap3A_282 : vector<1x16xf32> to vector<16xf32>
    %swap3A_284 = vector.shape_cast %broadcast_in_dim3A_1 : vector<16xf32> to vector<1x16xf32>
    tpu.vector_store %arg11[%swap3A_280, %swap3A_281], %swap3A_284 {strides = array<i32>} : memref<16x128xf32, #tpu.memory_space<vmem>>, vector<1x16xf32>,
    %swap3A_285 = arith.constant 5 : i32
    %swap3A_286 = arith.index_cast %swap3A_285 : i32 to index
    %swap3A_287 = arith.constant 112 : index
    %swap3A_288 = tpu.vector_load %arg11[%swap3A_286, %swap3A_287] {strides = array<i32>} : memref<16x128xf32, #tpu.memory_space<vmem>>, vector<1x16xf32>,
    %swap3A_289 = vector.shape_cast %swap3A_288 : vector<1x16xf32> to vector<16xf32>
    %swap3A_290 = vector.shape_cast %broadcast_in_dim3A_1 : vector<16xf32> to vector<1x16xf32>
    tpu.vector_store %arg11[%swap3A_286, %swap3A_287], %swap3A_290 {strides = array<i32>} : memref<16x128xf32, #tpu.memory_space<vmem>>, vector<1x16xf32>,
    %swap3A_291 = arith.constant 6 : i32
    %swap3A_292 = arith.index_cast %swap3A_291 : i32 to index
    %swap3A_293 = arith.constant 0 : index
    %swap3A_294 = tpu.vector_load %arg11[%swap3A_292, %swap3A_293] {strides = array<i32>} : memref<16x128xf32, #tpu.memory_space<vmem>>, vector<1x16xf32>,
    %swap3A_295 = vector.shape_cast %swap3A_294 : vector<1x16xf32> to vector<16xf32>
    %swap3A_296 = vector.shape_cast %broadcast_in_dim3A_1 : vector<16xf32> to vector<1x16xf32>
    tpu.vector_store %arg11[%swap3A_292, %swap3A_293], %swap3A_296 {strides = array<i32>} : memref<16x128xf32, #tpu.memory_space<vmem>>, vector<1x16xf32>,
    %swap3A_297 = arith.constant 6 : i32
    %swap3A_298 = arith.index_cast %swap3A_297 : i32 to index
    %swap3A_299 = arith.constant 16 : index
    %swap3A_300 = tpu.vector_load %arg11[%swap3A_298, %swap3A_299] {strides = array<i32>} : memref<16x128xf32, #tpu.memory_space<vmem>>, vector<1x16xf32>,
    %swap3A_301 = vector.shape_cast %swap3A_300 : vector<1x16xf32> to vector<16xf32>
    %swap3A_302 = vector.shape_cast %broadcast_in_dim3A_1 : vector<16xf32> to vector<1x16xf32>
    tpu.vector_store %arg11[%swap3A_298, %swap3A_299], %swap3A_302 {strides = array<i32>} : memref<16x128xf32, #tpu.memory_space<vmem>>, vector<1x16xf32>,
    %swap3A_303 = arith.constant 6 : i32
    %swap3A_304 = arith.index_cast %swap3A_303 : i32 to index
    %swap3A_305 = arith.constant 32 : index
    %swap3A_306 = tpu.vector_load %arg11[%swap3A_304, %swap3A_305] {strides = array<i32>} : memref<16x128xf32, #tpu.memory_space<vmem>>, vector<1x16xf32>,
    %swap3A_307 = vector.shape_cast %swap3A_306 : vector<1x16xf32> to vector<16xf32>
    %swap3A_308 = vector.shape_cast %broadcast_in_dim3A_1 : vector<16xf32> to vector<1x16xf32>
    tpu.vector_store %arg11[%swap3A_304, %swap3A_305], %swap3A_308 {strides = array<i32>} : memref<16x128xf32, #tpu.memory_space<vmem>>, vector<1x16xf32>,
    %swap3A_309 = arith.constant 6 : i32
    %swap3A_310 = arith.index_cast %swap3A_309 : i32 to index
    %swap3A_311 = arith.constant 48 : index
    %swap3A_312 = tpu.vector_load %arg11[%swap3A_310, %swap3A_311] {strides = array<i32>} : memref<16x128xf32, #tpu.memory_space<vmem>>, vector<1x16xf32>,
    %swap3A_313 = vector.shape_cast %swap3A_312 : vector<1x16xf32> to vector<16xf32>
    %swap3A_314 = vector.shape_cast %broadcast_in_dim3A_1 : vector<16xf32> to vector<1x16xf32>
    tpu.vector_store %arg11[%swap3A_310, %swap3A_311], %swap3A_314 {strides = array<i32>} : memref<16x128xf32, #tpu.memory_space<vmem>>, vector<1x16xf32>,
    %swap3A_315 = arith.constant 6 : i32
    %swap3A_316 = arith.index_cast %swap3A_315 : i32 to index
    %swap3A_317 = arith.constant 64 : index
    %swap3A_318 = tpu.vector_load %arg11[%swap3A_316, %swap3A_317] {strides = array<i32>} : memref<16x128xf32, #tpu.memory_space<vmem>>, vector<1x16xf32>,
    %swap3A_319 = vector.shape_cast %swap3A_318 : vector<1x16xf32> to vector<16xf32>
    %swap3A_320 = vector.shape_cast %broadcast_in_dim3A_1 : vector<16xf32> to vector<1x16xf32>
    tpu.vector_store %arg11[%swap3A_316, %swap3A_317], %swap3A_320 {strides = array<i32>} : memref<16x128xf32, #tpu.memory_space<vmem>>, vector<1x16xf32>,
    %swap3A_321 = arith.constant 6 : i32
    %swap3A_322 = arith.index_cast %swap3A_321 : i32 to index
    %swap3A_323 = arith.constant 80 : index
    %swap3A_324 = tpu.vector_load %arg11[%swap3A_322, %swap3A_323] {strides = array<i32>} : memref<16x128xf32, #tpu.memory_space<vmem>>, vector<1x16xf32>,
    %swap3A_325 = vector.shape_cast %swap3A_324 : vector<1x16xf32> to vector<16xf32>
    %swap3A_326 = vector.shape_cast %broadcast_in_dim3A_1 : vector<16xf32> to vector<1x16xf32>
    tpu.vector_store %arg11[%swap3A_322, %swap3A_323], %swap3A_326 {strides = array<i32>} : memref<16x128xf32, #tpu.memory_space<vmem>>, vector<1x16xf32>,
    %swap3A_327 = arith.constant 6 : i32
    %swap3A_328 = arith.index_cast %swap3A_327 : i32 to index
    %swap3A_329 = arith.constant 96 : index
    %swap3A_330 = tpu.vector_load %arg11[%swap3A_328, %swap3A_329] {strides = array<i32>} : memref<16x128xf32, #tpu.memory_space<vmem>>, vector<1x16xf32>,
    %swap3A_331 = vector.shape_cast %swap3A_330 : vector<1x16xf32> to vector<16xf32>
    %swap3A_332 = vector.shape_cast %broadcast_in_dim3A_1 : vector<16xf32> to vector<1x16xf32>
    tpu.vector_store %arg11[%swap3A_328, %swap3A_329], %swap3A_332 {strides = array<i32>} : memref<16x128xf32, #tpu.memory_space<vmem>>, vector<1x16xf32>,
    %swap3A_333 = arith.constant 6 : i32
    %swap3A_334 = arith.index_cast %swap3A_333 : i32 to index
    %swap3A_335 = arith.constant 112 : index
    %swap3A_336 = tpu.vector_load %arg11[%swap3A_334, %swap3A_335] {strides = array<i32>} : memref<16x128xf32, #tpu.memory_space<vmem>>, vector<1x16xf32>,
    %swap3A_337 = vector.shape_cast %swap3A_336 : vector<1x16xf32> to vector<16xf32>
    %swap3A_338 = vector.shape_cast %broadcast_in_dim3A_1 : vector<16xf32> to vector<1x16xf32>
    tpu.vector_store %arg11[%swap3A_334, %swap3A_335], %swap3A_338 {strides = array<i32>} : memref<16x128xf32, #tpu.memory_space<vmem>>, vector<1x16xf32>,
    %swap3A_339 = arith.constant 7 : i32
    %swap3A_340 = arith.index_cast %swap3A_339 : i32 to index
    %swap3A_341 = arith.constant 0 : index
    %swap3A_342 = tpu.vector_load %arg11[%swap3A_340, %swap3A_341] {strides = array<i32>} : memref<16x128xf32, #tpu.memory_space<vmem>>, vector<1x16xf32>,
    %swap3A_343 = vector.shape_cast %swap3A_342 : vector<1x16xf32> to vector<16xf32>
    %swap3A_344 = vector.shape_cast %broadcast_in_dim3A_1 : vector<16xf32> to vector<1x16xf32>
    tpu.vector_store %arg11[%swap3A_340, %swap3A_341], %swap3A_344 {strides = array<i32>} : memref<16x128xf32, #tpu.memory_space<vmem>>, vector<1x16xf32>,
    %swap3A_345 = arith.constant 7 : i32
    %swap3A_346 = arith.index_cast %swap3A_345 : i32 to index
    %swap3A_347 = arith.constant 16 : index
    %swap3A_348 = tpu.vector_load %arg11[%swap3A_346, %swap3A_347] {strides = array<i32>} : memref<16x128xf32, #tpu.memory_space<vmem>>, vector<1x16xf32>,
    %swap3A_349 = vector.shape_cast %swap3A_348 : vector<1x16xf32> to vector<16xf32>
    %swap3A_350 = vector.shape_cast %broadcast_in_dim3A_1 : vector<16xf32> to vector<1x16xf32>
    tpu.vector_store %arg11[%swap3A_346, %swap3A_347], %swap3A_350 {strides = array<i32>} : memref<16x128xf32, #tpu.memory_space<vmem>>, vector<1x16xf32>,
    %swap3A_351 = arith.constant 7 : i32
    %swap3A_352 = arith.index_cast %swap3A_351 : i32 to index
    %swap3A_353 = arith.constant 32 : index
    %swap3A_354 = tpu.vector_load %arg11[%swap3A_352, %swap3A_353] {strides = array<i32>} : memref<16x128xf32, #tpu.memory_space<vmem>>, vector<1x16xf32>,
    %swap3A_355 = vector.shape_cast %swap3A_354 : vector<1x16xf32> to vector<16xf32>
    %swap3A_356 = vector.shape_cast %broadcast_in_dim3A_1 : vector<16xf32> to vector<1x16xf32>
    tpu.vector_store %arg11[%swap3A_352, %swap3A_353], %swap3A_356 {strides = array<i32>} : memref<16x128xf32, #tpu.memory_space<vmem>>, vector<1x16xf32>,
    %swap3A_357 = arith.constant 7 : i32
    %swap3A_358 = arith.index_cast %swap3A_357 : i32 to index
    %swap3A_359 = arith.constant 48 : index
    %swap3A_360 = tpu.vector_load %arg11[%swap3A_358, %swap3A_359] {strides = array<i32>} : memref<16x128xf32, #tpu.memory_space<vmem>>, vector<1x16xf32>,
    %swap3A_361 = vector.shape_cast %swap3A_360 : vector<1x16xf32> to vector<16xf32>
    %swap3A_362 = vector.shape_cast %broadcast_in_dim3A_1 : vector<16xf32> to vector<1x16xf32>
    tpu.vector_store %arg11[%swap3A_358, %swap3A_359], %swap3A_362 {strides = array<i32>} : memref<16x128xf32, #tpu.memory_space<vmem>>, vector<1x16xf32>,
    %swap3A_363 = arith.constant 7 : i32
    %swap3A_364 = arith.index_cast %swap3A_363 : i32 to index
    %swap3A_365 = arith.constant 64 : index
    %swap3A_366 = tpu.vector_load %arg11[%swap3A_364, %swap3A_365] {strides = array<i32>} : memref<16x128xf32, #tpu.memory_space<vmem>>, vector<1x16xf32>,
    %swap3A_367 = vector.shape_cast %swap3A_366 : vector<1x16xf32> to vector<16xf32>
    %swap3A_368 = vector.shape_cast %broadcast_in_dim3A_1 : vector<16xf32> to vector<1x16xf32>
    tpu.vector_store %arg11[%swap3A_364, %swap3A_365], %swap3A_368 {strides = array<i32>} : memref<16x128xf32, #tpu.memory_space<vmem>>, vector<1x16xf32>,
    %swap3A_369 = arith.constant 7 : i32
    %swap3A_370 = arith.index_cast %swap3A_369 : i32 to index
    %swap3A_371 = arith.constant 80 : index
    %swap3A_372 = tpu.vector_load %arg11[%swap3A_370, %swap3A_371] {strides = array<i32>} : memref<16x128xf32, #tpu.memory_space<vmem>>, vector<1x16xf32>,
    %swap3A_373 = vector.shape_cast %swap3A_372 : vector<1x16xf32> to vector<16xf32>
    %swap3A_374 = vector.shape_cast %broadcast_in_dim3A_1 : vector<16xf32> to vector<1x16xf32>
    tpu.vector_store %arg11[%swap3A_370, %swap3A_371], %swap3A_374 {strides = array<i32>} : memref<16x128xf32, #tpu.memory_space<vmem>>, vector<1x16xf32>,
    %swap3A_375 = arith.constant 7 : i32
    %swap3A_376 = arith.index_cast %swap3A_375 : i32 to index
    %swap3A_377 = arith.constant 96 : index
    %swap3A_378 = tpu.vector_load %arg11[%swap3A_376, %swap3A_377] {strides = array<i32>} : memref<16x128xf32, #tpu.memory_space<vmem>>, vector<1x16xf32>,
    %swap3A_379 = vector.shape_cast %swap3A_378 : vector<1x16xf32> to vector<16xf32>
    %swap3A_380 = vector.shape_cast %broadcast_in_dim3A_1 : vector<16xf32> to vector<1x16xf32>
    tpu.vector_store %arg11[%swap3A_376, %swap3A_377], %swap3A_380 {strides = array<i32>} : memref<16x128xf32, #tpu.memory_space<vmem>>, vector<1x16xf32>,
    %swap3A_381 = arith.constant 7 : i32
    %swap3A_382 = arith.index_cast %swap3A_381 : i32 to index
    %swap3A_383 = arith.constant 112 : index
    %swap3A_384 = tpu.vector_load %arg11[%swap3A_382, %swap3A_383] {strides = array<i32>} : memref<16x128xf32, #tpu.memory_space<vmem>>, vector<1x16xf32>,
    %swap3A_385 = vector.shape_cast %swap3A_384 : vector<1x16xf32> to vector<16xf32>
    %swap3A_386 = vector.shape_cast %broadcast_in_dim3A_1 : vector<16xf32> to vector<1x16xf32>
    tpu.vector_store %arg11[%swap3A_382, %swap3A_383], %swap3A_386 {strides = array<i32>} : memref<16x128xf32, #tpu.memory_space<vmem>>, vector<1x16xf32>,
    %swap3A_387 = arith.constant 8 : i32
    %swap3A_388 = arith.index_cast %swap3A_387 : i32 to index
    %swap3A_389 = arith.constant 0 : index
    %swap3A_390 = tpu.vector_load %arg11[%swap3A_388, %swap3A_389] {strides = array<i32>} : memref<16x128xf32, #tpu.memory_space<vmem>>, vector<1x16xf32>,
    %swap3A_391 = vector.shape_cast %swap3A_390 : vector<1x16xf32> to vector<16xf32>
    %swap3A_392 = vector.shape_cast %broadcast_in_dim3A_1 : vector<16xf32> to vector<1x16xf32>
    tpu.vector_store %arg11[%swap3A_388, %swap3A_389], %swap3A_392 {strides = array<i32>} : memref<16x128xf32, #tpu.memory_space<vmem>>, vector<1x16xf32>,
    %swap3A_393 = arith.constant 8 : i32
    %swap3A_394 = arith.index_cast %swap3A_393 : i32 to index
    %swap3A_395 = arith.constant 16 : index
    %swap3A_396 = tpu.vector_load %arg11[%swap3A_394, %swap3A_395] {strides = array<i32>} : memref<16x128xf32, #tpu.memory_space<vmem>>, vector<1x16xf32>,
    %swap3A_397 = vector.shape_cast %swap3A_396 : vector<1x16xf32> to vector<16xf32>
    %swap3A_398 = vector.shape_cast %broadcast_in_dim3A_1 : vector<16xf32> to vector<1x16xf32>
    tpu.vector_store %arg11[%swap3A_394, %swap3A_395], %swap3A_398 {strides = array<i32>} : memref<16x128xf32, #tpu.memory_space<vmem>>, vector<1x16xf32>,
    %swap3A_399 = arith.constant 8 : i32
    %swap3A_400 = arith.index_cast %swap3A_399 : i32 to index
    %swap3A_401 = arith.constant 32 : index
    %swap3A_402 = tpu.vector_load %arg11[%swap3A_400, %swap3A_401] {strides = array<i32>} : memref<16x128xf32, #tpu.memory_space<vmem>>, vector<1x16xf32>,
    %swap3A_403 = vector.shape_cast %swap3A_402 : vector<1x16xf32> to vector<16xf32>
    %swap3A_404 = vector.shape_cast %broadcast_in_dim3A_1 : vector<16xf32> to vector<1x16xf32>
    tpu.vector_store %arg11[%swap3A_400, %swap3A_401], %swap3A_404 {strides = array<i32>} : memref<16x128xf32, #tpu.memory_space<vmem>>, vector<1x16xf32>,
    %swap3A_405 = arith.constant 8 : i32
    %swap3A_406 = arith.index_cast %swap3A_405 : i32 to index
    %swap3A_407 = arith.constant 48 : index
    %swap3A_408 = tpu.vector_load %arg11[%swap3A_406, %swap3A_407] {strides = array<i32>} : memref<16x128xf32, #tpu.memory_space<vmem>>, vector<1x16xf32>,
    %swap3A_409 = vector.shape_cast %swap3A_408 : vector<1x16xf32> to vector<16xf32>
    %swap3A_410 = vector.shape_cast %broadcast_in_dim3A_1 : vector<16xf32> to vector<1x16xf32>
    tpu.vector_store %arg11[%swap3A_406, %swap3A_407], %swap3A_410 {strides = array<i32>} : memref<16x128xf32, #tpu.memory_space<vmem>>, vector<1x16xf32>,
    %swap3A_411 = arith.constant 8 : i32
    %swap3A_412 = arith.index_cast %swap3A_411 : i32 to index
    %swap3A_413 = arith.constant 64 : index
    %swap3A_414 = tpu.vector_load %arg11[%swap3A_412, %swap3A_413] {strides = array<i32>} : memref<16x128xf32, #tpu.memory_space<vmem>>, vector<1x16xf32>,
    %swap3A_415 = vector.shape_cast %swap3A_414 : vector<1x16xf32> to vector<16xf32>
    %swap3A_416 = vector.shape_cast %broadcast_in_dim3A_1 : vector<16xf32> to vector<1x16xf32>
    tpu.vector_store %arg11[%swap3A_412, %swap3A_413], %swap3A_416 {strides = array<i32>} : memref<16x128xf32, #tpu.memory_space<vmem>>, vector<1x16xf32>,
    %swap3A_417 = arith.constant 8 : i32
    %swap3A_418 = arith.index_cast %swap3A_417 : i32 to index
    %swap3A_419 = arith.constant 80 : index
    %swap3A_420 = tpu.vector_load %arg11[%swap3A_418, %swap3A_419] {strides = array<i32>} : memref<16x128xf32, #tpu.memory_space<vmem>>, vector<1x16xf32>,
    %swap3A_421 = vector.shape_cast %swap3A_420 : vector<1x16xf32> to vector<16xf32>
    %swap3A_422 = vector.shape_cast %broadcast_in_dim3A_1 : vector<16xf32> to vector<1x16xf32>
    tpu.vector_store %arg11[%swap3A_418, %swap3A_419], %swap3A_422 {strides = array<i32>} : memref<16x128xf32, #tpu.memory_space<vmem>>, vector<1x16xf32>,
    %swap3A_423 = arith.constant 8 : i32
    %swap3A_424 = arith.index_cast %swap3A_423 : i32 to index
    %swap3A_425 = arith.constant 96 : index
    %swap3A_426 = tpu.vector_load %arg11[%swap3A_424, %swap3A_425] {strides = array<i32>} : memref<16x128xf32, #tpu.memory_space<vmem>>, vector<1x16xf32>,
    %swap3A_427 = vector.shape_cast %swap3A_426 : vector<1x16xf32> to vector<16xf32>
    %swap3A_428 = vector.shape_cast %broadcast_in_dim3A_1 : vector<16xf32> to vector<1x16xf32>
    tpu.vector_store %arg11[%swap3A_424, %swap3A_425], %swap3A_428 {strides = array<i32>} : memref<16x128xf32, #tpu.memory_space<vmem>>, vector<1x16xf32>,
    %swap3A_429 = arith.constant 8 : i32
    %swap3A_430 = arith.index_cast %swap3A_429 : i32 to index
    %swap3A_431 = arith.constant 112 : index
    %swap3A_432 = tpu.vector_load %arg11[%swap3A_430, %swap3A_431] {strides = array<i32>} : memref<16x128xf32, #tpu.memory_space<vmem>>, vector<1x16xf32>,
    %swap3A_433 = vector.shape_cast %swap3A_432 : vector<1x16xf32> to vector<16xf32>
    %swap3A_434 = vector.shape_cast %broadcast_in_dim3A_1 : vector<16xf32> to vector<1x16xf32>
    tpu.vector_store %arg11[%swap3A_430, %swap3A_431], %swap3A_434 {strides = array<i32>} : memref<16x128xf32, #tpu.memory_space<vmem>>, vector<1x16xf32>,
    %swap3A_435 = arith.constant 9 : i32
    %swap3A_436 = arith.index_cast %swap3A_435 : i32 to index
    %swap3A_437 = arith.constant 0 : index
    %swap3A_438 = tpu.vector_load %arg11[%swap3A_436, %swap3A_437] {strides = array<i32>} : memref<16x128xf32, #tpu.memory_space<vmem>>, vector<1x16xf32>,
    %swap3A_439 = vector.shape_cast %swap3A_438 : vector<1x16xf32> to vector<16xf32>
    %swap3A_440 = vector.shape_cast %broadcast_in_dim3A_1 : vector<16xf32> to vector<1x16xf32>
    tpu.vector_store %arg11[%swap3A_436, %swap3A_437], %swap3A_440 {strides = array<i32>} : memref<16x128xf32, #tpu.memory_space<vmem>>, vector<1x16xf32>,
    %swap3A_441 = arith.constant 9 : i32
    %swap3A_442 = arith.index_cast %swap3A_441 : i32 to index
    %swap3A_443 = arith.constant 16 : index
    %swap3A_444 = tpu.vector_load %arg11[%swap3A_442, %swap3A_443] {strides = array<i32>} : memref<16x128xf32, #tpu.memory_space<vmem>>, vector<1x16xf32>,
    %swap3A_445 = vector.shape_cast %swap3A_444 : vector<1x16xf32> to vector<16xf32>
    %swap3A_446 = vector.shape_cast %broadcast_in_dim3A_1 : vector<16xf32> to vector<1x16xf32>
    tpu.vector_store %arg11[%swap3A_442, %swap3A_443], %swap3A_446 {strides = array<i32>} : memref<16x128xf32, #tpu.memory_space<vmem>>, vector<1x16xf32>,
    %swap3A_447 = arith.constant 9 : i32
    %swap3A_448 = arith.index_cast %swap3A_447 : i32 to index
    %swap3A_449 = arith.constant 32 : index
    %swap3A_450 = tpu.vector_load %arg11[%swap3A_448, %swap3A_449] {strides = array<i32>} : memref<16x128xf32, #tpu.memory_space<vmem>>, vector<1x16xf32>,
    %swap3A_451 = vector.shape_cast %swap3A_450 : vector<1x16xf32> to vector<16xf32>
    %swap3A_452 = vector.shape_cast %broadcast_in_dim3A_1 : vector<16xf32> to vector<1x16xf32>
    tpu.vector_store %arg11[%swap3A_448, %swap3A_449], %swap3A_452 {strides = array<i32>} : memref<16x128xf32, #tpu.memory_space<vmem>>, vector<1x16xf32>,
    %swap3A_453 = arith.constant 9 : i32
    %swap3A_454 = arith.index_cast %swap3A_453 : i32 to index
    %swap3A_455 = arith.constant 48 : index
    %swap3A_456 = tpu.vector_load %arg11[%swap3A_454, %swap3A_455] {strides = array<i32>} : memref<16x128xf32, #tpu.memory_space<vmem>>, vector<1x16xf32>,
    %swap3A_457 = vector.shape_cast %swap3A_456 : vector<1x16xf32> to vector<16xf32>
    %swap3A_458 = vector.shape_cast %broadcast_in_dim3A_1 : vector<16xf32> to vector<1x16xf32>
    tpu.vector_store %arg11[%swap3A_454, %swap3A_455], %swap3A_458 {strides = array<i32>} : memref<16x128xf32, #tpu.memory_space<vmem>>, vector<1x16xf32>,
    %swap3A_459 = arith.constant 9 : i32
    %swap3A_460 = arith.index_cast %swap3A_459 : i32 to index
    %swap3A_461 = arith.constant 64 : index
    %swap3A_462 = tpu.vector_load %arg11[%swap3A_460, %swap3A_461] {strides = array<i32>} : memref<16x128xf32, #tpu.memory_space<vmem>>, vector<1x16xf32>,
    %swap3A_463 = vector.shape_cast %swap3A_462 : vector<1x16xf32> to vector<16xf32>
    %swap3A_464 = vector.shape_cast %broadcast_in_dim3A_1 : vector<16xf32> to vector<1x16xf32>
    tpu.vector_store %arg11[%swap3A_460, %swap3A_461], %swap3A_464 {strides = array<i32>} : memref<16x128xf32, #tpu.memory_space<vmem>>, vector<1x16xf32>,
    %swap3A_465 = arith.constant 9 : i32
    %swap3A_466 = arith.index_cast %swap3A_465 : i32 to index
    %swap3A_467 = arith.constant 80 : index
    %swap3A_468 = tpu.vector_load %arg11[%swap3A_466, %swap3A_467] {strides = array<i32>} : memref<16x128xf32, #tpu.memory_space<vmem>>, vector<1x16xf32>,
    %swap3A_469 = vector.shape_cast %swap3A_468 : vector<1x16xf32> to vector<16xf32>
    %swap3A_470 = vector.shape_cast %broadcast_in_dim3A_1 : vector<16xf32> to vector<1x16xf32>
    tpu.vector_store %arg11[%swap3A_466, %swap3A_467], %swap3A_470 {strides = array<i32>} : memref<16x128xf32, #tpu.memory_space<vmem>>, vector<1x16xf32>,
    %swap3A_471 = arith.constant 9 : i32
    %swap3A_472 = arith.index_cast %swap3A_471 : i32 to index
    %swap3A_473 = arith.constant 96 : index
    %swap3A_474 = tpu.vector_load %arg11[%swap3A_472, %swap3A_473] {strides = array<i32>} : memref<16x128xf32, #tpu.memory_space<vmem>>, vector<1x16xf32>,
    %swap3A_475 = vector.shape_cast %swap3A_474 : vector<1x16xf32> to vector<16xf32>
    %swap3A_476 = vector.shape_cast %broadcast_in_dim3A_1 : vector<16xf32> to vector<1x16xf32>
    tpu.vector_store %arg11[%swap3A_472, %swap3A_473], %swap3A_476 {strides = array<i32>} : memref<16x128xf32, #tpu.memory_space<vmem>>, vector<1x16xf32>,
    %swap3A_477 = arith.constant 9 : i32
    %swap3A_478 = arith.index_cast %swap3A_477 : i32 to index
    %swap3A_479 = arith.constant 112 : index
    %swap3A_480 = tpu.vector_load %arg11[%swap3A_478, %swap3A_479] {strides = array<i32>} : memref<16x128xf32, #tpu.memory_space<vmem>>, vector<1x16xf32>,
    %swap3A_481 = vector.shape_cast %swap3A_480 : vector<1x16xf32> to vector<16xf32>
    %swap3A_482 = vector.shape_cast %broadcast_in_dim3A_1 : vector<16xf32> to vector<1x16xf32>
    tpu.vector_store %arg11[%swap3A_478, %swap3A_479], %swap3A_482 {strides = array<i32>} : memref<16x128xf32, #tpu.memory_space<vmem>>, vector<1x16xf32>,
    %swap3A_483 = arith.constant 10 : i32
    %swap3A_484 = arith.index_cast %swap3A_483 : i32 to index
    %swap3A_485 = arith.constant 0 : index
    %swap3A_486 = tpu.vector_load %arg11[%swap3A_484, %swap3A_485] {strides = array<i32>} : memref<16x128xf32, #tpu.memory_space<vmem>>, vector<1x16xf32>,
    %swap3A_487 = vector.shape_cast %swap3A_486 : vector<1x16xf32> to vector<16xf32>
    %swap3A_488 = vector.shape_cast %broadcast_in_dim3A_1 : vector<16xf32> to vector<1x16xf32>
    tpu.vector_store %arg11[%swap3A_484, %swap3A_485], %swap3A_488 {strides = array<i32>} : memref<16x128xf32, #tpu.memory_space<vmem>>, vector<1x16xf32>,
    %swap3A_489 = arith.constant 10 : i32
    %swap3A_490 = arith.index_cast %swap3A_489 : i32 to index
    %swap3A_491 = arith.constant 16 : index
    %swap3A_492 = tpu.vector_load %arg11[%swap3A_490, %swap3A_491] {strides = array<i32>} : memref<16x128xf32, #tpu.memory_space<vmem>>, vector<1x16xf32>,
    %swap3A_493 = vector.shape_cast %swap3A_492 : vector<1x16xf32> to vector<16xf32>
    %swap3A_494 = vector.shape_cast %broadcast_in_dim3A_1 : vector<16xf32> to vector<1x16xf32>
    tpu.vector_store %arg11[%swap3A_490, %swap3A_491], %swap3A_494 {strides = array<i32>} : memref<16x128xf32, #tpu.memory_space<vmem>>, vector<1x16xf32>,
    %swap3A_495 = arith.constant 10 : i32
    %swap3A_496 = arith.index_cast %swap3A_495 : i32 to index
    %swap3A_497 = arith.constant 32 : index
    %swap3A_498 = tpu.vector_load %arg11[%swap3A_496, %swap3A_497] {strides = array<i32>} : memref<16x128xf32, #tpu.memory_space<vmem>>, vector<1x16xf32>,
    %swap3A_499 = vector.shape_cast %swap3A_498 : vector<1x16xf32> to vector<16xf32>
    %swap3A_500 = vector.shape_cast %broadcast_in_dim3A_1 : vector<16xf32> to vector<1x16xf32>
    tpu.vector_store %arg11[%swap3A_496, %swap3A_497], %swap3A_500 {strides = array<i32>} : memref<16x128xf32, #tpu.memory_space<vmem>>, vector<1x16xf32>,
    %swap3A_501 = arith.constant 10 : i32
    %swap3A_502 = arith.index_cast %swap3A_501 : i32 to index
    %swap3A_503 = arith.constant 48 : index
    %swap3A_504 = tpu.vector_load %arg11[%swap3A_502, %swap3A_503] {strides = array<i32>} : memref<16x128xf32, #tpu.memory_space<vmem>>, vector<1x16xf32>,
    %swap3A_505 = vector.shape_cast %swap3A_504 : vector<1x16xf32> to vector<16xf32>
    %swap3A_506 = vector.shape_cast %broadcast_in_dim3A_1 : vector<16xf32> to vector<1x16xf32>
    tpu.vector_store %arg11[%swap3A_502, %swap3A_503], %swap3A_506 {strides = array<i32>} : memref<16x128xf32, #tpu.memory_space<vmem>>, vector<1x16xf32>,
    %swap3A_507 = arith.constant 10 : i32
    %swap3A_508 = arith.index_cast %swap3A_507 : i32 to index
    %swap3A_509 = arith.constant 64 : index
    %swap3A_510 = tpu.vector_load %arg11[%swap3A_508, %swap3A_509] {strides = array<i32>} : memref<16x128xf32, #tpu.memory_space<vmem>>, vector<1x16xf32>,
    %swap3A_511 = vector.shape_cast %swap3A_510 : vector<1x16xf32> to vector<16xf32>
    %swap3A_512 = vector.shape_cast %broadcast_in_dim3A_1 : vector<16xf32> to vector<1x16xf32>
    tpu.vector_store %arg11[%swap3A_508, %swap3A_509], %swap3A_512 {strides = array<i32>} : memref<16x128xf32, #tpu.memory_space<vmem>>, vector<1x16xf32>,
    %swap3A_513 = arith.constant 10 : i32
    %swap3A_514 = arith.index_cast %swap3A_513 : i32 to index
    %swap3A_515 = arith.constant 80 : index
    %swap3A_516 = tpu.vector_load %arg11[%swap3A_514, %swap3A_515] {strides = array<i32>} : memref<16x128xf32, #tpu.memory_space<vmem>>, vector<1x16xf32>,
    %swap3A_517 = vector.shape_cast %swap3A_516 : vector<1x16xf32> to vector<16xf32>
    %swap3A_518 = vector.shape_cast %broadcast_in_dim3A_1 : vector<16xf32> to vector<1x16xf32>
    tpu.vector_store %arg11[%swap3A_514, %swap3A_515], %swap3A_518 {strides = array<i32>} : memref<16x128xf32, #tpu.memory_space<vmem>>, vector<1x16xf32>,
    %swap3A_519 = arith.constant 10 : i32
    %swap3A_520 = arith.index_cast %swap3A_519 : i32 to index
    %swap3A_521 = arith.constant 96 : index
    %swap3A_522 = tpu.vector_load %arg11[%swap3A_520, %swap3A_521] {strides = array<i32>} : memref<16x128xf32, #tpu.memory_space<vmem>>, vector<1x16xf32>,
    %swap3A_523 = vector.shape_cast %swap3A_522 : vector<1x16xf32> to vector<16xf32>
    %swap3A_524 = vector.shape_cast %broadcast_in_dim3A_1 : vector<16xf32> to vector<1x16xf32>
    tpu.vector_store %arg11[%swap3A_520, %swap3A_521], %swap3A_524 {strides = array<i32>} : memref<16x128xf32, #tpu.memory_space<vmem>>, vector<1x16xf32>,
    %swap3A_525 = arith.constant 10 : i32
    %swap3A_526 = arith.index_cast %swap3A_525 : i32 to index
    %swap3A_527 = arith.constant 112 : index
    %swap3A_528 = tpu.vector_load %arg11[%swap3A_526, %swap3A_527] {strides = array<i32>} : memref<16x128xf32, #tpu.memory_space<vmem>>, vector<1x16xf32>,
    %swap3A_529 = vector.shape_cast %swap3A_528 : vector<1x16xf32> to vector<16xf32>
    %swap3A_530 = vector.shape_cast %broadcast_in_dim3A_1 : vector<16xf32> to vector<1x16xf32>
    tpu.vector_store %arg11[%swap3A_526, %swap3A_527], %swap3A_530 {strides = array<i32>} : memref<16x128xf32, #tpu.memory_space<vmem>>, vector<1x16xf32>,
    %swap3A_531 = arith.constant 11 : i32
    %swap3A_532 = arith.index_cast %swap3A_531 : i32 to index
    %swap3A_533 = arith.constant 0 : index
    %swap3A_534 = tpu.vector_load %arg11[%swap3A_532, %swap3A_533] {strides = array<i32>} : memref<16x128xf32, #tpu.memory_space<vmem>>, vector<1x16xf32>,
    %swap3A_535 = vector.shape_cast %swap3A_534 : vector<1x16xf32> to vector<16xf32>
    %swap3A_536 = vector.shape_cast %broadcast_in_dim3A_1 : vector<16xf32> to vector<1x16xf32>
    tpu.vector_store %arg11[%swap3A_532, %swap3A_533], %swap3A_536 {strides = array<i32>} : memref<16x128xf32, #tpu.memory_space<vmem>>, vector<1x16xf32>,
    %swap3A_537 = arith.constant 11 : i32
    %swap3A_538 = arith.index_cast %swap3A_537 : i32 to index
    %swap3A_539 = arith.constant 16 : index
    %swap3A_540 = tpu.vector_load %arg11[%swap3A_538, %swap3A_539] {strides = array<i32>} : memref<16x128xf32, #tpu.memory_space<vmem>>, vector<1x16xf32>,
    %swap3A_541 = vector.shape_cast %swap3A_540 : vector<1x16xf32> to vector<16xf32>
    %swap3A_542 = vector.shape_cast %broadcast_in_dim3A_1 : vector<16xf32> to vector<1x16xf32>
    tpu.vector_store %arg11[%swap3A_538, %swap3A_539], %swap3A_542 {strides = array<i32>} : memref<16x128xf32, #tpu.memory_space<vmem>>, vector<1x16xf32>,
    %swap3A_543 = arith.constant 11 : i32
    %swap3A_544 = arith.index_cast %swap3A_543 : i32 to index
    %swap3A_545 = arith.constant 32 : index
    %swap3A_546 = tpu.vector_load %arg11[%swap3A_544, %swap3A_545] {strides = array<i32>} : memref<16x128xf32, #tpu.memory_space<vmem>>, vector<1x16xf32>,
    %swap3A_547 = vector.shape_cast %swap3A_546 : vector<1x16xf32> to vector<16xf32>
    %swap3A_548 = vector.shape_cast %broadcast_in_dim3A_1 : vector<16xf32> to vector<1x16xf32>
    tpu.vector_store %arg11[%swap3A_544, %swap3A_545], %swap3A_548 {strides = array<i32>} : memref<16x128xf32, #tpu.memory_space<vmem>>, vector<1x16xf32>,
    %swap3A_549 = arith.constant 11 : i32
    %swap3A_550 = arith.index_cast %swap3A_549 : i32 to index
    %swap3A_551 = arith.constant 48 : index
    %swap3A_552 = tpu.vector_load %arg11[%swap3A_550, %swap3A_551] {strides = array<i32>} : memref<16x128xf32, #tpu.memory_space<vmem>>, vector<1x16xf32>,
    %swap3A_553 = vector.shape_cast %swap3A_552 : vector<1x16xf32> to vector<16xf32>
    %swap3A_554 = vector.shape_cast %broadcast_in_dim3A_1 : vector<16xf32> to vector<1x16xf32>
    tpu.vector_store %arg11[%swap3A_550, %swap3A_551], %swap3A_554 {strides = array<i32>} : memref<16x128xf32, #tpu.memory_space<vmem>>, vector<1x16xf32>,
    %swap3A_555 = arith.constant 11 : i32
    %swap3A_556 = arith.index_cast %swap3A_555 : i32 to index
    %swap3A_557 = arith.constant 64 : index
    %swap3A_558 = tpu.vector_load %arg11[%swap3A_556, %swap3A_557] {strides = array<i32>} : memref<16x128xf32, #tpu.memory_space<vmem>>, vector<1x16xf32>,
    %swap3A_559 = vector.shape_cast %swap3A_558 : vector<1x16xf32> to vector<16xf32>
    %swap3A_560 = vector.shape_cast %broadcast_in_dim3A_1 : vector<16xf32> to vector<1x16xf32>
    tpu.vector_store %arg11[%swap3A_556, %swap3A_557], %swap3A_560 {strides = array<i32>} : memref<16x128xf32, #tpu.memory_space<vmem>>, vector<1x16xf32>,
    %swap3A_561 = arith.constant 11 : i32
    %swap3A_562 = arith.index_cast %swap3A_561 : i32 to index
    %swap3A_563 = arith.constant 80 : index
    %swap3A_564 = tpu.vector_load %arg11[%swap3A_562, %swap3A_563] {strides = array<i32>} : memref<16x128xf32, #tpu.memory_space<vmem>>, vector<1x16xf32>,
    %swap3A_565 = vector.shape_cast %swap3A_564 : vector<1x16xf32> to vector<16xf32>
    %swap3A_566 = vector.shape_cast %broadcast_in_dim3A_1 : vector<16xf32> to vector<1x16xf32>
    tpu.vector_store %arg11[%swap3A_562, %swap3A_563], %swap3A_566 {strides = array<i32>} : memref<16x128xf32, #tpu.memory_space<vmem>>, vector<1x16xf32>,
    %swap3A_567 = arith.constant 11 : i32
    %swap3A_568 = arith.index_cast %swap3A_567 : i32 to index
    %swap3A_569 = arith.constant 96 : index
    %swap3A_570 = tpu.vector_load %arg11[%swap3A_568, %swap3A_569] {strides = array<i32>} : memref<16x128xf32, #tpu.memory_space<vmem>>, vector<1x16xf32>,
    %swap3A_571 = vector.shape_cast %swap3A_570 : vector<1x16xf32> to vector<16xf32>
    %swap3A_572 = vector.shape_cast %broadcast_in_dim3A_1 : vector<16xf32> to vector<1x16xf32>
    tpu.vector_store %arg11[%swap3A_568, %swap3A_569], %swap3A_572 {strides = array<i32>} : memref<16x128xf32, #tpu.memory_space<vmem>>, vector<1x16xf32>,
    %swap3A_573 = arith.constant 11 : i32
    %swap3A_574 = arith.index_cast %swap3A_573 : i32 to index
    %swap3A_575 = arith.constant 112 : index
    %swap3A_576 = tpu.vector_load %arg11[%swap3A_574, %swap3A_575] {strides = array<i32>} : memref<16x128xf32, #tpu.memory_space<vmem>>, vector<1x16xf32>,
    %swap3A_577 = vector.shape_cast %swap3A_576 : vector<1x16xf32> to vector<16xf32>
    %swap3A_578 = vector.shape_cast %broadcast_in_dim3A_1 : vector<16xf32> to vector<1x16xf32>
    tpu.vector_store %arg11[%swap3A_574, %swap3A_575], %swap3A_578 {strides = array<i32>} : memref<16x128xf32, #tpu.memory_space<vmem>>, vector<1x16xf32>,
    %swap3A_579 = arith.constant 12 : i32
    %swap3A_580 = arith.index_cast %swap3A_579 : i32 to index
    %swap3A_581 = arith.constant 0 : index
    %swap3A_582 = tpu.vector_load %arg11[%swap3A_580, %swap3A_581] {strides = array<i32>} : memref<16x128xf32, #tpu.memory_space<vmem>>, vector<1x16xf32>,
    %swap3A_583 = vector.shape_cast %swap3A_582 : vector<1x16xf32> to vector<16xf32>
    %swap3A_584 = vector.shape_cast %broadcast_in_dim3A_1 : vector<16xf32> to vector<1x16xf32>
    tpu.vector_store %arg11[%swap3A_580, %swap3A_581], %swap3A_584 {strides = array<i32>} : memref<16x128xf32, #tpu.memory_space<vmem>>, vector<1x16xf32>,
    %swap3A_585 = arith.constant 12 : i32
    %swap3A_586 = arith.index_cast %swap3A_585 : i32 to index
    %swap3A_587 = arith.constant 16 : index
    %swap3A_588 = tpu.vector_load %arg11[%swap3A_586, %swap3A_587] {strides = array<i32>} : memref<16x128xf32, #tpu.memory_space<vmem>>, vector<1x16xf32>,
    %swap3A_589 = vector.shape_cast %swap3A_588 : vector<1x16xf32> to vector<16xf32>
    %swap3A_590 = vector.shape_cast %broadcast_in_dim3A_1 : vector<16xf32> to vector<1x16xf32>
    tpu.vector_store %arg11[%swap3A_586, %swap3A_587], %swap3A_590 {strides = array<i32>} : memref<16x128xf32, #tpu.memory_space<vmem>>, vector<1x16xf32>,
    %swap3A_591 = arith.constant 12 : i32
    %swap3A_592 = arith.index_cast %swap3A_591 : i32 to index
    %swap3A_593 = arith.constant 32 : index
    %swap3A_594 = tpu.vector_load %arg11[%swap3A_592, %swap3A_593] {strides = array<i32>} : memref<16x128xf32, #tpu.memory_space<vmem>>, vector<1x16xf32>,
    %swap3A_595 = vector.shape_cast %swap3A_594 : vector<1x16xf32> to vector<16xf32>
    %swap3A_596 = vector.shape_cast %broadcast_in_dim3A_1 : vector<16xf32> to vector<1x16xf32>
    tpu.vector_store %arg11[%swap3A_592, %swap3A_593], %swap3A_596 {strides = array<i32>} : memref<16x128xf32, #tpu.memory_space<vmem>>, vector<1x16xf32>,
    %swap3A_597 = arith.constant 12 : i32
    %swap3A_598 = arith.index_cast %swap3A_597 : i32 to index
    %swap3A_599 = arith.constant 48 : index
    %swap3A_600 = tpu.vector_load %arg11[%swap3A_598, %swap3A_599] {strides = array<i32>} : memref<16x128xf32, #tpu.memory_space<vmem>>, vector<1x16xf32>,
    %swap3A_601 = vector.shape_cast %swap3A_600 : vector<1x16xf32> to vector<16xf32>
    %swap3A_602 = vector.shape_cast %broadcast_in_dim3A_1 : vector<16xf32> to vector<1x16xf32>
    tpu.vector_store %arg11[%swap3A_598, %swap3A_599], %swap3A_602 {strides = array<i32>} : memref<16x128xf32, #tpu.memory_space<vmem>>, vector<1x16xf32>,
    %swap3A_603 = arith.constant 12 : i32
    %swap3A_604 = arith.index_cast %swap3A_603 : i32 to index
    %swap3A_605 = arith.constant 64 : index
    %swap3A_606 = tpu.vector_load %arg11[%swap3A_604, %swap3A_605] {strides = array<i32>} : memref<16x128xf32, #tpu.memory_space<vmem>>, vector<1x16xf32>,
    %swap3A_607 = vector.shape_cast %swap3A_606 : vector<1x16xf32> to vector<16xf32>
    %swap3A_608 = vector.shape_cast %broadcast_in_dim3A_1 : vector<16xf32> to vector<1x16xf32>
    tpu.vector_store %arg11[%swap3A_604, %swap3A_605], %swap3A_608 {strides = array<i32>} : memref<16x128xf32, #tpu.memory_space<vmem>>, vector<1x16xf32>,
    %swap3A_609 = arith.constant 12 : i32
    %swap3A_610 = arith.index_cast %swap3A_609 : i32 to index
    %swap3A_611 = arith.constant 80 : index
    %swap3A_612 = tpu.vector_load %arg11[%swap3A_610, %swap3A_611] {strides = array<i32>} : memref<16x128xf32, #tpu.memory_space<vmem>>, vector<1x16xf32>,
    %swap3A_613 = vector.shape_cast %swap3A_612 : vector<1x16xf32> to vector<16xf32>
    %swap3A_614 = vector.shape_cast %broadcast_in_dim3A_1 : vector<16xf32> to vector<1x16xf32>
    tpu.vector_store %arg11[%swap3A_610, %swap3A_611], %swap3A_614 {strides = array<i32>} : memref<16x128xf32, #tpu.memory_space<vmem>>, vector<1x16xf32>,
    %swap3A_615 = arith.constant 12 : i32
    %swap3A_616 = arith.index_cast %swap3A_615 : i32 to index
    %swap3A_617 = arith.constant 96 : index
    %swap3A_618 = tpu.vector_load %arg11[%swap3A_616, %swap3A_617] {strides = array<i32>} : memref<16x128xf32, #tpu.memory_space<vmem>>, vector<1x16xf32>,
    %swap3A_619 = vector.shape_cast %swap3A_618 : vector<1x16xf32> to vector<16xf32>
    %swap3A_620 = vector.shape_cast %broadcast_in_dim3A_1 : vector<16xf32> to vector<1x16xf32>
    tpu.vector_store %arg11[%swap3A_616, %swap3A_617], %swap3A_620 {strides = array<i32>} : memref<16x128xf32, #tpu.memory_space<vmem>>, vector<1x16xf32>,
    %swap3A_621 = arith.constant 12 : i32
    %swap3A_622 = arith.index_cast %swap3A_621 : i32 to index
    %swap3A_623 = arith.constant 112 : index
    %swap3A_624 = tpu.vector_load %arg11[%swap3A_622, %swap3A_623] {strides = array<i32>} : memref<16x128xf32, #tpu.memory_space<vmem>>, vector<1x16xf32>,
    %swap3A_625 = vector.shape_cast %swap3A_624 : vector<1x16xf32> to vector<16xf32>
    %swap3A_626 = vector.shape_cast %broadcast_in_dim3A_1 : vector<16xf32> to vector<1x16xf32>
    tpu.vector_store %arg11[%swap3A_622, %swap3A_623], %swap3A_626 {strides = array<i32>} : memref<16x128xf32, #tpu.memory_space<vmem>>, vector<1x16xf32>,
    %swap3A_627 = arith.constant 13 : i32
    %swap3A_628 = arith.index_cast %swap3A_627 : i32 to index
    %swap3A_629 = arith.constant 0 : index
    %swap3A_630 = tpu.vector_load %arg11[%swap3A_628, %swap3A_629] {strides = array<i32>} : memref<16x128xf32, #tpu.memory_space<vmem>>, vector<1x16xf32>,
    %swap3A_631 = vector.shape_cast %swap3A_630 : vector<1x16xf32> to vector<16xf32>
    %swap3A_632 = vector.shape_cast %broadcast_in_dim3A_1 : vector<16xf32> to vector<1x16xf32>
    tpu.vector_store %arg11[%swap3A_628, %swap3A_629], %swap3A_632 {strides = array<i32>} : memref<16x128xf32, #tpu.memory_space<vmem>>, vector<1x16xf32>,
    %swap3A_633 = arith.constant 13 : i32
    %swap3A_634 = arith.index_cast %swap3A_633 : i32 to index
    %swap3A_635 = arith.constant 16 : index
    %swap3A_636 = tpu.vector_load %arg11[%swap3A_634, %swap3A_635] {strides = array<i32>} : memref<16x128xf32, #tpu.memory_space<vmem>>, vector<1x16xf32>,
    %swap3A_637 = vector.shape_cast %swap3A_636 : vector<1x16xf32> to vector<16xf32>
    %swap3A_638 = vector.shape_cast %broadcast_in_dim3A_1 : vector<16xf32> to vector<1x16xf32>
    tpu.vector_store %arg11[%swap3A_634, %swap3A_635], %swap3A_638 {strides = array<i32>} : memref<16x128xf32, #tpu.memory_space<vmem>>, vector<1x16xf32>,
    %swap3A_639 = arith.constant 13 : i32
    %swap3A_640 = arith.index_cast %swap3A_639 : i32 to index
    %swap3A_641 = arith.constant 32 : index
    %swap3A_642 = tpu.vector_load %arg11[%swap3A_640, %swap3A_641] {strides = array<i32>} : memref<16x128xf32, #tpu.memory_space<vmem>>, vector<1x16xf32>,
    %swap3A_643 = vector.shape_cast %swap3A_642 : vector<1x16xf32> to vector<16xf32>
    %swap3A_644 = vector.shape_cast %broadcast_in_dim3A_1 : vector<16xf32> to vector<1x16xf32>
    tpu.vector_store %arg11[%swap3A_640, %swap3A_641], %swap3A_644 {strides = array<i32>} : memref<16x128xf32, #tpu.memory_space<vmem>>, vector<1x16xf32>,
    %swap3A_645 = arith.constant 13 : i32
    %swap3A_646 = arith.index_cast %swap3A_645 : i32 to index
    %swap3A_647 = arith.constant 48 : index
    %swap3A_648 = tpu.vector_load %arg11[%swap3A_646, %swap3A_647] {strides = array<i32>} : memref<16x128xf32, #tpu.memory_space<vmem>>, vector<1x16xf32>,
    %swap3A_649 = vector.shape_cast %swap3A_648 : vector<1x16xf32> to vector<16xf32>
    %swap3A_650 = vector.shape_cast %broadcast_in_dim3A_1 : vector<16xf32> to vector<1x16xf32>
    tpu.vector_store %arg11[%swap3A_646, %swap3A_647], %swap3A_650 {strides = array<i32>} : memref<16x128xf32, #tpu.memory_space<vmem>>, vector<1x16xf32>,
    %swap3A_651 = arith.constant 13 : i32
    %swap3A_652 = arith.index_cast %swap3A_651 : i32 to index
    %swap3A_653 = arith.constant 64 : index
    %swap3A_654 = tpu.vector_load %arg11[%swap3A_652, %swap3A_653] {strides = array<i32>} : memref<16x128xf32, #tpu.memory_space<vmem>>, vector<1x16xf32>,
    %swap3A_655 = vector.shape_cast %swap3A_654 : vector<1x16xf32> to vector<16xf32>
    %swap3A_656 = vector.shape_cast %broadcast_in_dim3A_1 : vector<16xf32> to vector<1x16xf32>
    tpu.vector_store %arg11[%swap3A_652, %swap3A_653], %swap3A_656 {strides = array<i32>} : memref<16x128xf32, #tpu.memory_space<vmem>>, vector<1x16xf32>,
    %swap3A_657 = arith.constant 13 : i32
    %swap3A_658 = arith.index_cast %swap3A_657 : i32 to index
    %swap3A_659 = arith.constant 80 : index
    %swap3A_660 = tpu.vector_load %arg11[%swap3A_658, %swap3A_659] {strides = array<i32>} : memref<16x128xf32, #tpu.memory_space<vmem>>, vector<1x16xf32>,
    %swap3A_661 = vector.shape_cast %swap3A_660 : vector<1x16xf32> to vector<16xf32>
    %swap3A_662 = vector.shape_cast %broadcast_in_dim3A_1 : vector<16xf32> to vector<1x16xf32>
    tpu.vector_store %arg11[%swap3A_658, %swap3A_659], %swap3A_662 {strides = array<i32>} : memref<16x128xf32, #tpu.memory_space<vmem>>, vector<1x16xf32>,
    %swap3A_663 = arith.constant 13 : i32
    %swap3A_664 = arith.index_cast %swap3A_663 : i32 to index
    %swap3A_665 = arith.constant 96 : index
    %swap3A_666 = tpu.vector_load %arg11[%swap3A_664, %swap3A_665] {strides = array<i32>} : memref<16x128xf32, #tpu.memory_space<vmem>>, vector<1x16xf32>,
    %swap3A_667 = vector.shape_cast %swap3A_666 : vector<1x16xf32> to vector<16xf32>
    %swap3A_668 = vector.shape_cast %broadcast_in_dim3A_1 : vector<16xf32> to vector<1x16xf32>
    tpu.vector_store %arg11[%swap3A_664, %swap3A_665], %swap3A_668 {strides = array<i32>} : memref<16x128xf32, #tpu.memory_space<vmem>>, vector<1x16xf32>,
    %swap3A_669 = arith.constant 13 : i32
    %swap3A_670 = arith.index_cast %swap3A_669 : i32 to index
    %swap3A_671 = arith.constant 112 : index
    %swap3A_672 = tpu.vector_load %arg11[%swap3A_670, %swap3A_671] {strides = array<i32>} : memref<16x128xf32, #tpu.memory_space<vmem>>, vector<1x16xf32>,
    %swap3A_673 = vector.shape_cast %swap3A_672 : vector<1x16xf32> to vector<16xf32>
    %swap3A_674 = vector.shape_cast %broadcast_in_dim3A_1 : vector<16xf32> to vector<1x16xf32>
    tpu.vector_store %arg11[%swap3A_670, %swap3A_671], %swap3A_674 {strides = array<i32>} : memref<16x128xf32, #tpu.memory_space<vmem>>, vector<1x16xf32>,
    %swap3A_675 = arith.constant 14 : i32
    %swap3A_676 = arith.index_cast %swap3A_675 : i32 to index
    %swap3A_677 = arith.constant 0 : index
    %swap3A_678 = tpu.vector_load %arg11[%swap3A_676, %swap3A_677] {strides = array<i32>} : memref<16x128xf32, #tpu.memory_space<vmem>>, vector<1x16xf32>,
    %swap3A_679 = vector.shape_cast %swap3A_678 : vector<1x16xf32> to vector<16xf32>
    %swap3A_680 = vector.shape_cast %broadcast_in_dim3A_1 : vector<16xf32> to vector<1x16xf32>
    tpu.vector_store %arg11[%swap3A_676, %swap3A_677], %swap3A_680 {strides = array<i32>} : memref<16x128xf32, #tpu.memory_space<vmem>>, vector<1x16xf32>,
    %swap3A_681 = arith.constant 14 : i32
    %swap3A_682 = arith.index_cast %swap3A_681 : i32 to index
    %swap3A_683 = arith.constant 16 : index
    %swap3A_684 = tpu.vector_load %arg11[%swap3A_682, %swap3A_683] {strides = array<i32>} : memref<16x128xf32, #tpu.memory_space<vmem>>, vector<1x16xf32>,
    %swap3A_685 = vector.shape_cast %swap3A_684 : vector<1x16xf32> to vector<16xf32>
    %swap3A_686 = vector.shape_cast %broadcast_in_dim3A_1 : vector<16xf32> to vector<1x16xf32>
    tpu.vector_store %arg11[%swap3A_682, %swap3A_683], %swap3A_686 {strides = array<i32>} : memref<16x128xf32, #tpu.memory_space<vmem>>, vector<1x16xf32>,
    %swap3A_687 = arith.constant 14 : i32
    %swap3A_688 = arith.index_cast %swap3A_687 : i32 to index
    %swap3A_689 = arith.constant 32 : index
    %swap3A_690 = tpu.vector_load %arg11[%swap3A_688, %swap3A_689] {strides = array<i32>} : memref<16x128xf32, #tpu.memory_space<vmem>>, vector<1x16xf32>,
    %swap3A_691 = vector.shape_cast %swap3A_690 : vector<1x16xf32> to vector<16xf32>
    %swap3A_692 = vector.shape_cast %broadcast_in_dim3A_1 : vector<16xf32> to vector<1x16xf32>
    tpu.vector_store %arg11[%swap3A_688, %swap3A_689], %swap3A_692 {strides = array<i32>} : memref<16x128xf32, #tpu.memory_space<vmem>>, vector<1x16xf32>,
    %swap3A_693 = arith.constant 14 : i32
    %swap3A_694 = arith.index_cast %swap3A_693 : i32 to index
    %swap3A_695 = arith.constant 48 : index
    %swap3A_696 = tpu.vector_load %arg11[%swap3A_694, %swap3A_695] {strides = array<i32>} : memref<16x128xf32, #tpu.memory_space<vmem>>, vector<1x16xf32>,
    %swap3A_697 = vector.shape_cast %swap3A_696 : vector<1x16xf32> to vector<16xf32>
    %swap3A_698 = vector.shape_cast %broadcast_in_dim3A_1 : vector<16xf32> to vector<1x16xf32>
    tpu.vector_store %arg11[%swap3A_694, %swap3A_695], %swap3A_698 {strides = array<i32>} : memref<16x128xf32, #tpu.memory_space<vmem>>, vector<1x16xf32>,
    %swap3A_699 = arith.constant 14 : i32
    %swap3A_700 = arith.index_cast %swap3A_699 : i32 to index
    %swap3A_701 = arith.constant 64 : index
    %swap3A_702 = tpu.vector_load %arg11[%swap3A_700, %swap3A_701] {strides = array<i32>} : memref<16x128xf32, #tpu.memory_space<vmem>>, vector<1x16xf32>,
    %swap3A_703 = vector.shape_cast %swap3A_702 : vector<1x16xf32> to vector<16xf32>
    %swap3A_704 = vector.shape_cast %broadcast_in_dim3A_1 : vector<16xf32> to vector<1x16xf32>
    tpu.vector_store %arg11[%swap3A_700, %swap3A_701], %swap3A_704 {strides = array<i32>} : memref<16x128xf32, #tpu.memory_space<vmem>>, vector<1x16xf32>,
    %swap3A_705 = arith.constant 14 : i32
    %swap3A_706 = arith.index_cast %swap3A_705 : i32 to index
    %swap3A_707 = arith.constant 80 : index
    %swap3A_708 = tpu.vector_load %arg11[%swap3A_706, %swap3A_707] {strides = array<i32>} : memref<16x128xf32, #tpu.memory_space<vmem>>, vector<1x16xf32>,
    %swap3A_709 = vector.shape_cast %swap3A_708 : vector<1x16xf32> to vector<16xf32>
    %swap3A_710 = vector.shape_cast %broadcast_in_dim3A_1 : vector<16xf32> to vector<1x16xf32>
    tpu.vector_store %arg11[%swap3A_706, %swap3A_707], %swap3A_710 {strides = array<i32>} : memref<16x128xf32, #tpu.memory_space<vmem>>, vector<1x16xf32>,
    %swap3A_711 = arith.constant 14 : i32
    %swap3A_712 = arith.index_cast %swap3A_711 : i32 to index
    %swap3A_713 = arith.constant 96 : index
    %swap3A_714 = tpu.vector_load %arg11[%swap3A_712, %swap3A_713] {strides = array<i32>} : memref<16x128xf32, #tpu.memory_space<vmem>>, vector<1x16xf32>,
    %swap3A_715 = vector.shape_cast %swap3A_714 : vector<1x16xf32> to vector<16xf32>
    %swap3A_716 = vector.shape_cast %broadcast_in_dim3A_1 : vector<16xf32> to vector<1x16xf32>
    tpu.vector_store %arg11[%swap3A_712, %swap3A_713], %swap3A_716 {strides = array<i32>} : memref<16x128xf32, #tpu.memory_space<vmem>>, vector<1x16xf32>,
    %swap3A_717 = arith.constant 14 : i32
    %swap3A_718 = arith.index_cast %swap3A_717 : i32 to index
    %swap3A_719 = arith.constant 112 : index
    %swap3A_720 = tpu.vector_load %arg11[%swap3A_718, %swap3A_719] {strides = array<i32>} : memref<16x128xf32, #tpu.memory_space<vmem>>, vector<1x16xf32>,
    %swap3A_721 = vector.shape_cast %swap3A_720 : vector<1x16xf32> to vector<16xf32>
    %swap3A_722 = vector.shape_cast %broadcast_in_dim3A_1 : vector<16xf32> to vector<1x16xf32>
    tpu.vector_store %arg11[%swap3A_718, %swap3A_719], %swap3A_722 {strides = array<i32>} : memref<16x128xf32, #tpu.memory_space<vmem>>, vector<1x16xf32>,
    %swap3A_723 = arith.constant 15 : i32
    %swap3A_724 = arith.index_cast %swap3A_723 : i32 to index
    %swap3A_725 = arith.constant 0 : index
    %swap3A_726 = tpu.vector_load %arg11[%swap3A_724, %swap3A_725] {strides = array<i32>} : memref<16x128xf32, #tpu.memory_space<vmem>>, vector<1x16xf32>,
    %swap3A_727 = vector.shape_cast %swap3A_726 : vector<1x16xf32> to vector<16xf32>
    %swap3A_728 = vector.shape_cast %broadcast_in_dim3A_1 : vector<16xf32> to vector<1x16xf32>
    tpu.vector_store %arg11[%swap3A_724, %swap3A_725], %swap3A_728 {strides = array<i32>} : memref<16x128xf32, #tpu.memory_space<vmem>>, vector<1x16xf32>,
    %swap3A_729 = arith.constant 15 : i32
    %swap3A_730 = arith.index_cast %swap3A_729 : i32 to index
    %swap3A_731 = arith.constant 16 : index
    %swap3A_732 = tpu.vector_load %arg11[%swap3A_730, %swap3A_731] {strides = array<i32>} : memref<16x128xf32, #tpu.memory_space<vmem>>, vector<1x16xf32>,
    %swap3A_733 = vector.shape_cast %swap3A_732 : vector<1x16xf32> to vector<16xf32>
    %swap3A_734 = vector.shape_cast %broadcast_in_dim3A_1 : vector<16xf32> to vector<1x16xf32>
    tpu.vector_store %arg11[%swap3A_730, %swap3A_731], %swap3A_734 {strides = array<i32>} : memref<16x128xf32, #tpu.memory_space<vmem>>, vector<1x16xf32>,
    %swap3A_735 = arith.constant 15 : i32
    %swap3A_736 = arith.index_cast %swap3A_735 : i32 to index
    %swap3A_737 = arith.constant 32 : index
    %swap3A_738 = tpu.vector_load %arg11[%swap3A_736, %swap3A_737] {strides = array<i32>} : memref<16x128xf32, #tpu.memory_space<vmem>>, vector<1x16xf32>,
    %swap3A_739 = vector.shape_cast %swap3A_738 : vector<1x16xf32> to vector<16xf32>
    %swap3A_740 = vector.shape_cast %broadcast_in_dim3A_1 : vector<16xf32> to vector<1x16xf32>
    tpu.vector_store %arg11[%swap3A_736, %swap3A_737], %swap3A_740 {strides = array<i32>} : memref<16x128xf32, #tpu.memory_space<vmem>>, vector<1x16xf32>,
    %swap3A_741 = arith.constant 15 : i32
    %swap3A_742 = arith.index_cast %swap3A_741 : i32 to index
    %swap3A_743 = arith.constant 48 : index
    %swap3A_744 = tpu.vector_load %arg11[%swap3A_742, %swap3A_743] {strides = array<i32>} : memref<16x128xf32, #tpu.memory_space<vmem>>, vector<1x16xf32>,
    %swap3A_745 = vector.shape_cast %swap3A_744 : vector<1x16xf32> to vector<16xf32>
    %swap3A_746 = vector.shape_cast %broadcast_in_dim3A_1 : vector<16xf32> to vector<1x16xf32>
    tpu.vector_store %arg11[%swap3A_742, %swap3A_743], %swap3A_746 {strides = array<i32>} : memref<16x128xf32, #tpu.memory_space<vmem>>, vector<1x16xf32>,
    %swap3A_747 = arith.constant 15 : i32
    %swap3A_748 = arith.index_cast %swap3A_747 : i32 to index
    %swap3A_749 = arith.constant 64 : index
    %swap3A_750 = tpu.vector_load %arg11[%swap3A_748, %swap3A_749] {strides = array<i32>} : memref<16x128xf32, #tpu.memory_space<vmem>>, vector<1x16xf32>,
    %swap3A_751 = vector.shape_cast %swap3A_750 : vector<1x16xf32> to vector<16xf32>
    %swap3A_752 = vector.shape_cast %broadcast_in_dim3A_1 : vector<16xf32> to vector<1x16xf32>
    tpu.vector_store %arg11[%swap3A_748, %swap3A_749], %swap3A_752 {strides = array<i32>} : memref<16x128xf32, #tpu.memory_space<vmem>>, vector<1x16xf32>,
    %swap3A_753 = arith.constant 15 : i32
    %swap3A_754 = arith.index_cast %swap3A_753 : i32 to index
    %swap3A_755 = arith.constant 80 : index
    %swap3A_756 = tpu.vector_load %arg11[%swap3A_754, %swap3A_755] {strides = array<i32>} : memref<16x128xf32, #tpu.memory_space<vmem>>, vector<1x16xf32>,
    %swap3A_757 = vector.shape_cast %swap3A_756 : vector<1x16xf32> to vector<16xf32>
    %swap3A_758 = vector.shape_cast %broadcast_in_dim3A_1 : vector<16xf32> to vector<1x16xf32>
    tpu.vector_store %arg11[%swap3A_754, %swap3A_755], %swap3A_758 {strides = array<i32>} : memref<16x128xf32, #tpu.memory_space<vmem>>, vector<1x16xf32>,
    %swap3A_759 = arith.constant 15 : i32
    %swap3A_760 = arith.index_cast %swap3A_759 : i32 to index
    %swap3A_761 = arith.constant 96 : index
    %swap3A_762 = tpu.vector_load %arg11[%swap3A_760, %swap3A_761] {strides = array<i32>} : memref<16x128xf32, #tpu.memory_space<vmem>>, vector<1x16xf32>,
    %swap3A_763 = vector.shape_cast %swap3A_762 : vector<1x16xf32> to vector<16xf32>
    %swap3A_764 = vector.shape_cast %broadcast_in_dim3A_1 : vector<16xf32> to vector<1x16xf32>
    tpu.vector_store %arg11[%swap3A_760, %swap3A_761], %swap3A_764 {strides = array<i32>} : memref<16x128xf32, #tpu.memory_space<vmem>>, vector<1x16xf32>,
    %swap3A_765 = arith.constant 15 : i32
    %swap3A_766 = arith.index_cast %swap3A_765 : i32 to index
    %swap3A_767 = arith.constant 112 : index
    %swap3A_768 = tpu.vector_load %arg11[%swap3A_766, %swap3A_767] {strides = array<i32>} : memref<16x128xf32, #tpu.memory_space<vmem>>, vector<1x16xf32>,
    %swap3A_769 = vector.shape_cast %swap3A_768 : vector<1x16xf32> to vector<16xf32>
    %swap3A_770 = vector.shape_cast %broadcast_in_dim3A_1 : vector<16xf32> to vector<1x16xf32>
    tpu.vector_store %arg11[%swap3A_766, %swap3A_767], %swap3A_770 {strides = array<i32>} : memref<16x128xf32, #tpu.memory_space<vmem>>, vector<1x16xf32>,
    %swap3A_771 = arith.constant 0 : i32
    %swap3A_772 = arith.index_cast %swap3A_771 : i32 to index
    %swap3A_773 = arith.constant 0 : index
    %swap3A_774 = tpu.vector_load %arg16[%swap3A_772, %swap3A_773] {strides = array<i32>} : memref<16x16xf32, #tpu.memory_space<vmem>>, vector<1x16xf32>,
    %swap3A_775 = vector.shape_cast %swap3A_774 : vector<1x16xf32> to vector<16xf32>
    %swap3A_776 = vector.shape_cast %broadcast_in_dim3A_1 : vector<16xf32> to vector<1x16xf32>
    tpu.vector_store %arg16[%swap3A_772, %swap3A_773], %swap3A_776 {strides = array<i32>} : memref<16x16xf32, #tpu.memory_space<vmem>>, vector<1x16xf32>,
    %swap3A_777 = arith.constant 1 : i32
    %swap3A_778 = arith.index_cast %swap3A_777 : i32 to index
    %swap3A_779 = arith.constant 0 : index
    %swap3A_780 = tpu.vector_load %arg16[%swap3A_778, %swap3A_779] {strides = array<i32>} : memref<16x16xf32, #tpu.memory_space<vmem>>, vector<1x16xf32>,
    %swap3A_781 = vector.shape_cast %swap3A_780 : vector<1x16xf32> to vector<16xf32>
    %swap3A_782 = vector.shape_cast %broadcast_in_dim3A_1 : vector<16xf32> to vector<1x16xf32>
    tpu.vector_store %arg16[%swap3A_778, %swap3A_779], %swap3A_782 {strides = array<i32>} : memref<16x16xf32, #tpu.memory_space<vmem>>, vector<1x16xf32>,
    %swap3A_783 = arith.constant 2 : i32
    %swap3A_784 = arith.index_cast %swap3A_783 : i32 to index
    %swap3A_785 = arith.constant 0 : index
    %swap3A_786 = tpu.vector_load %arg16[%swap3A_784, %swap3A_785] {strides = array<i32>} : memref<16x16xf32, #tpu.memory_space<vmem>>, vector<1x16xf32>,
    %swap3A_787 = vector.shape_cast %swap3A_786 : vector<1x16xf32> to vector<16xf32>
    %swap3A_788 = vector.shape_cast %broadcast_in_dim3A_1 : vector<16xf32> to vector<1x16xf32>
    tpu.vector_store %arg16[%swap3A_784, %swap3A_785], %swap3A_788 {strides = array<i32>} : memref<16x16xf32, #tpu.memory_space<vmem>>, vector<1x16xf32>,
    %swap3A_789 = arith.constant 3 : i32
    %swap3A_790 = arith.index_cast %swap3A_789 : i32 to index
    %swap3A_791 = arith.constant 0 : index
    %swap3A_792 = tpu.vector_load %arg16[%swap3A_790, %swap3A_791] {strides = array<i32>} : memref<16x16xf32, #tpu.memory_space<vmem>>, vector<1x16xf32>,
    %swap3A_793 = vector.shape_cast %swap3A_792 : vector<1x16xf32> to vector<16xf32>
    %swap3A_794 = vector.shape_cast %broadcast_in_dim3A_1 : vector<16xf32> to vector<1x16xf32>
    tpu.vector_store %arg16[%swap3A_790, %swap3A_791], %swap3A_794 {strides = array<i32>} : memref<16x16xf32, #tpu.memory_space<vmem>>, vector<1x16xf32>,
    %swap3A_795 = arith.constant 4 : i32
    %swap3A_796 = arith.index_cast %swap3A_795 : i32 to index
    %swap3A_797 = arith.constant 0 : index
    %swap3A_798 = tpu.vector_load %arg16[%swap3A_796, %swap3A_797] {strides = array<i32>} : memref<16x16xf32, #tpu.memory_space<vmem>>, vector<1x16xf32>,
    %swap3A_799 = vector.shape_cast %swap3A_798 : vector<1x16xf32> to vector<16xf32>
    %swap3A_800 = vector.shape_cast %broadcast_in_dim3A_1 : vector<16xf32> to vector<1x16xf32>
    tpu.vector_store %arg16[%swap3A_796, %swap3A_797], %swap3A_800 {strides = array<i32>} : memref<16x16xf32, #tpu.memory_space<vmem>>, vector<1x16xf32>,
    %swap3A_801 = arith.constant 5 : i32
    %swap3A_802 = arith.index_cast %swap3A_801 : i32 to index
    %swap3A_803 = arith.constant 0 : index
    %swap3A_804 = tpu.vector_load %arg16[%swap3A_802, %swap3A_803] {strides = array<i32>} : memref<16x16xf32, #tpu.memory_space<vmem>>, vector<1x16xf32>,
    %swap3A_805 = vector.shape_cast %swap3A_804 : vector<1x16xf32> to vector<16xf32>
    %swap3A_806 = vector.shape_cast %broadcast_in_dim3A_1 : vector<16xf32> to vector<1x16xf32>
    tpu.vector_store %arg16[%swap3A_802, %swap3A_803], %swap3A_806 {strides = array<i32>} : memref<16x16xf32, #tpu.memory_space<vmem>>, vector<1x16xf32>,
    %swap3A_807 = arith.constant 6 : i32
    %swap3A_808 = arith.index_cast %swap3A_807 : i32 to index
    %swap3A_809 = arith.constant 0 : index
    %swap3A_810 = tpu.vector_load %arg16[%swap3A_808, %swap3A_809] {strides = array<i32>} : memref<16x16xf32, #tpu.memory_space<vmem>>, vector<1x16xf32>,
    %swap3A_811 = vector.shape_cast %swap3A_810 : vector<1x16xf32> to vector<16xf32>
    %swap3A_812 = vector.shape_cast %broadcast_in_dim3A_1 : vector<16xf32> to vector<1x16xf32>
    tpu.vector_store %arg16[%swap3A_808, %swap3A_809], %swap3A_812 {strides = array<i32>} : memref<16x16xf32, #tpu.memory_space<vmem>>, vector<1x16xf32>,
    %swap3A_813 = arith.constant 7 : i32
    %swap3A_814 = arith.index_cast %swap3A_813 : i32 to index
    %swap3A_815 = arith.constant 0 : index
    %swap3A_816 = tpu.vector_load %arg16[%swap3A_814, %swap3A_815] {strides = array<i32>} : memref<16x16xf32, #tpu.memory_space<vmem>>, vector<1x16xf32>,
    %swap3A_817 = vector.shape_cast %swap3A_816 : vector<1x16xf32> to vector<16xf32>
    %swap3A_818 = vector.shape_cast %broadcast_in_dim3A_1 : vector<16xf32> to vector<1x16xf32>
    tpu.vector_store %arg16[%swap3A_814, %swap3A_815], %swap3A_818 {strides = array<i32>} : memref<16x16xf32, #tpu.memory_space<vmem>>, vector<1x16xf32>,
    %swap3A_819 = arith.constant 8 : i32
    %swap3A_820 = arith.index_cast %swap3A_819 : i32 to index
    %swap3A_821 = arith.constant 0 : index
    %swap3A_822 = tpu.vector_load %arg16[%swap3A_820, %swap3A_821] {strides = array<i32>} : memref<16x16xf32, #tpu.memory_space<vmem>>, vector<1x16xf32>,
    %swap3A_823 = vector.shape_cast %swap3A_822 : vector<1x16xf32> to vector<16xf32>
    %swap3A_824 = vector.shape_cast %broadcast_in_dim3A_1 : vector<16xf32> to vector<1x16xf32>
    tpu.vector_store %arg16[%swap3A_820, %swap3A_821], %swap3A_824 {strides = array<i32>} : memref<16x16xf32, #tpu.memory_space<vmem>>, vector<1x16xf32>,
    %swap3A_825 = arith.constant 9 : i32
    %swap3A_826 = arith.index_cast %swap3A_825 : i32 to index
    %swap3A_827 = arith.constant 0 : index
    %swap3A_828 = tpu.vector_load %arg16[%swap3A_826, %swap3A_827] {strides = array<i32>} : memref<16x16xf32, #tpu.memory_space<vmem>>, vector<1x16xf32>,
    %swap3A_829 = vector.shape_cast %swap3A_828 : vector<1x16xf32> to vector<16xf32>
    %swap3A_830 = vector.shape_cast %broadcast_in_dim3A_1 : vector<16xf32> to vector<1x16xf32>
    tpu.vector_store %arg16[%swap3A_826, %swap3A_827], %swap3A_830 {strides = array<i32>} : memref<16x16xf32, #tpu.memory_space<vmem>>, vector<1x16xf32>,
    %swap3A_831 = arith.constant 10 : i32
    %swap3A_832 = arith.index_cast %swap3A_831 : i32 to index
    %swap3A_833 = arith.constant 0 : index
    %swap3A_834 = tpu.vector_load %arg16[%swap3A_832, %swap3A_833] {strides = array<i32>} : memref<16x16xf32, #tpu.memory_space<vmem>>, vector<1x16xf32>,
    %swap3A_835 = vector.shape_cast %swap3A_834 : vector<1x16xf32> to vector<16xf32>
    %swap3A_836 = vector.shape_cast %broadcast_in_dim3A_1 : vector<16xf32> to vector<1x16xf32>
    tpu.vector_store %arg16[%swap3A_832, %swap3A_833], %swap3A_836 {strides = array<i32>} : memref<16x16xf32, #tpu.memory_space<vmem>>, vector<1x16xf32>,
    %swap3A_837 = arith.constant 11 : i32
    %swap3A_838 = arith.index_cast %swap3A_837 : i32 to index
    %swap3A_839 = arith.constant 0 : index
    %swap3A_840 = tpu.vector_load %arg16[%swap3A_838, %swap3A_839] {strides = array<i32>} : memref<16x16xf32, #tpu.memory_space<vmem>>, vector<1x16xf32>,
    %swap3A_841 = vector.shape_cast %swap3A_840 : vector<1x16xf32> to vector<16xf32>
    %swap3A_842 = vector.shape_cast %broadcast_in_dim3A_1 : vector<16xf32> to vector<1x16xf32>
    tpu.vector_store %arg16[%swap3A_838, %swap3A_839], %swap3A_842 {strides = array<i32>} : memref<16x16xf32, #tpu.memory_space<vmem>>, vector<1x16xf32>,
    %swap3A_843 = arith.constant 12 : i32
    %swap3A_844 = arith.index_cast %swap3A_843 : i32 to index
    %swap3A_845 = arith.constant 0 : index
    %swap3A_846 = tpu.vector_load %arg16[%swap3A_844, %swap3A_845] {strides = array<i32>} : memref<16x16xf32, #tpu.memory_space<vmem>>, vector<1x16xf32>,
    %swap3A_847 = vector.shape_cast %swap3A_846 : vector<1x16xf32> to vector<16xf32>
    %swap3A_848 = vector.shape_cast %broadcast_in_dim3A_1 : vector<16xf32> to vector<1x16xf32>
    tpu.vector_store %arg16[%swap3A_844, %swap3A_845], %swap3A_848 {strides = array<i32>} : memref<16x16xf32, #tpu.memory_space<vmem>>, vector<1x16xf32>,
    %swap3A_849 = arith.constant 13 : i32
    %swap3A_850 = arith.index_cast %swap3A_849 : i32 to index
    %swap3A_851 = arith.constant 0 : index
    %swap3A_852 = tpu.vector_load %arg16[%swap3A_850, %swap3A_851] {strides = array<i32>} : memref<16x16xf32, #tpu.memory_space<vmem>>, vector<1x16xf32>,
    %swap3A_853 = vector.shape_cast %swap3A_852 : vector<1x16xf32> to vector<16xf32>
    %swap3A_854 = vector.shape_cast %broadcast_in_dim3A_1 : vector<16xf32> to vector<1x16xf32>
    tpu.vector_store %arg16[%swap3A_850, %swap3A_851], %swap3A_854 {strides = array<i32>} : memref<16x16xf32, #tpu.memory_space<vmem>>, vector<1x16xf32>,
    %swap3A_855 = arith.constant 14 : i32
    %swap3A_856 = arith.index_cast %swap3A_855 : i32 to index
    %swap3A_857 = arith.constant 0 : index
    %swap3A_858 = tpu.vector_load %arg16[%swap3A_856, %swap3A_857] {strides = array<i32>} : memref<16x16xf32, #tpu.memory_space<vmem>>, vector<1x16xf32>,
    %swap3A_859 = vector.shape_cast %swap3A_858 : vector<1x16xf32> to vector<16xf32>
    %swap3A_860 = vector.shape_cast %broadcast_in_dim3A_1 : vector<16xf32> to vector<1x16xf32>
    tpu.vector_store %arg16[%swap3A_856, %swap3A_857], %swap3A_860 {strides = array<i32>} : memref<16x16xf32, #tpu.memory_space<vmem>>, vector<1x16xf32>,
    %swap3A_861 = arith.constant 15 : i32
    %swap3A_862 = arith.index_cast %swap3A_861 : i32 to index
    %swap3A_863 = arith.constant 0 : index
    %swap3A_864 = tpu.vector_load %arg16[%swap3A_862, %swap3A_863] {strides = array<i32>} : memref<16x16xf32, #tpu.memory_space<vmem>>, vector<1x16xf32>,
    %swap3A_865 = vector.shape_cast %swap3A_864 : vector<1x16xf32> to vector<16xf32>
    %swap3A_866 = vector.shape_cast %broadcast_in_dim3A_1 : vector<16xf32> to vector<1x16xf32>
    tpu.vector_store %arg16[%swap3A_862, %swap3A_863], %swap3A_866 {strides = array<i32>} : memref<16x16xf32, #tpu.memory_space<vmem>>, vector<1x16xf32>,
    %swap3A_867 = arith.constant 0 : i32
    %swap3A_868 = arith.index_cast %swap3A_867 : i32 to index
    %swap3A_869 = arith.constant 0 : index
    %swap3A_870 = tpu.vector_load %arg15[%swap3A_868, %swap3A_869] {strides = array<i32>} : memref<80x16xf32, #tpu.memory_space<vmem>>, vector<1x16xf32>,
    %swap3A_871 = vector.shape_cast %swap3A_870 : vector<1x16xf32> to vector<16xf32>
    %swap3A_872 = vector.shape_cast %broadcast_in_dim3A_3 : vector<16xf32> to vector<1x16xf32>
    tpu.vector_store %arg15[%swap3A_868, %swap3A_869], %swap3A_872 {strides = array<i32>} : memref<80x16xf32, #tpu.memory_space<vmem>>, vector<1x16xf32>,
    %swap3A_873 = arith.constant 1 : i32
    %swap3A_874 = arith.index_cast %swap3A_873 : i32 to index
    %swap3A_875 = arith.constant 0 : index
    %swap3A_876 = tpu.vector_load %arg15[%swap3A_874, %swap3A_875] {strides = array<i32>} : memref<80x16xf32, #tpu.memory_space<vmem>>, vector<1x16xf32>,
    %swap3A_877 = vector.shape_cast %swap3A_876 : vector<1x16xf32> to vector<16xf32>
    %swap3A_878 = vector.shape_cast %broadcast_in_dim3A_3 : vector<16xf32> to vector<1x16xf32>
    tpu.vector_store %arg15[%swap3A_874, %swap3A_875], %swap3A_878 {strides = array<i32>} : memref<80x16xf32, #tpu.memory_space<vmem>>, vector<1x16xf32>,
    %swap3A_879 = arith.constant 2 : i32
    %swap3A_880 = arith.index_cast %swap3A_879 : i32 to index
    %swap3A_881 = arith.constant 0 : index
    %swap3A_882 = tpu.vector_load %arg15[%swap3A_880, %swap3A_881] {strides = array<i32>} : memref<80x16xf32, #tpu.memory_space<vmem>>, vector<1x16xf32>,
    %swap3A_883 = vector.shape_cast %swap3A_882 : vector<1x16xf32> to vector<16xf32>
    %swap3A_884 = vector.shape_cast %broadcast_in_dim3A_3 : vector<16xf32> to vector<1x16xf32>
    tpu.vector_store %arg15[%swap3A_880, %swap3A_881], %swap3A_884 {strides = array<i32>} : memref<80x16xf32, #tpu.memory_space<vmem>>, vector<1x16xf32>,
    %swap3A_885 = arith.constant 3 : i32
    %swap3A_886 = arith.index_cast %swap3A_885 : i32 to index
    %swap3A_887 = arith.constant 0 : index
    %swap3A_888 = tpu.vector_load %arg15[%swap3A_886, %swap3A_887] {strides = array<i32>} : memref<80x16xf32, #tpu.memory_space<vmem>>, vector<1x16xf32>,
    %swap3A_889 = vector.shape_cast %swap3A_888 : vector<1x16xf32> to vector<16xf32>
    %swap3A_890 = vector.shape_cast %broadcast_in_dim3A_3 : vector<16xf32> to vector<1x16xf32>
    tpu.vector_store %arg15[%swap3A_886, %swap3A_887], %swap3A_890 {strides = array<i32>} : memref<80x16xf32, #tpu.memory_space<vmem>>, vector<1x16xf32>,
    %swap3A_891 = arith.constant 4 : i32
    %swap3A_892 = arith.index_cast %swap3A_891 : i32 to index
    %swap3A_893 = arith.constant 0 : index
    %swap3A_894 = tpu.vector_load %arg15[%swap3A_892, %swap3A_893] {strides = array<i32>} : memref<80x16xf32, #tpu.memory_space<vmem>>, vector<1x16xf32>,
    %swap3A_895 = vector.shape_cast %swap3A_894 : vector<1x16xf32> to vector<16xf32>
    %swap3A_896 = vector.shape_cast %broadcast_in_dim3A_3 : vector<16xf32> to vector<1x16xf32>
    tpu.vector_store %arg15[%swap3A_892, %swap3A_893], %swap3A_896 {strides = array<i32>} : memref<80x16xf32, #tpu.memory_space<vmem>>, vector<1x16xf32>,
    %swap3A_897 = arith.constant 5 : i32
    %swap3A_898 = arith.index_cast %swap3A_897 : i32 to index
    %swap3A_899 = arith.constant 0 : index
    %swap3A_900 = tpu.vector_load %arg15[%swap3A_898, %swap3A_899] {strides = array<i32>} : memref<80x16xf32, #tpu.memory_space<vmem>>, vector<1x16xf32>,
    %swap3A_901 = vector.shape_cast %swap3A_900 : vector<1x16xf32> to vector<16xf32>
    %swap3A_902 = vector.shape_cast %broadcast_in_dim3A_3 : vector<16xf32> to vector<1x16xf32>
    tpu.vector_store %arg15[%swap3A_898, %swap3A_899], %swap3A_902 {strides = array<i32>} : memref<80x16xf32, #tpu.memory_space<vmem>>, vector<1x16xf32>,
    %swap3A_903 = arith.constant 6 : i32
    %swap3A_904 = arith.index_cast %swap3A_903 : i32 to index
    %swap3A_905 = arith.constant 0 : index
    %swap3A_906 = tpu.vector_load %arg15[%swap3A_904, %swap3A_905] {strides = array<i32>} : memref<80x16xf32, #tpu.memory_space<vmem>>, vector<1x16xf32>,
    %swap3A_907 = vector.shape_cast %swap3A_906 : vector<1x16xf32> to vector<16xf32>
    %swap3A_908 = vector.shape_cast %broadcast_in_dim3A_3 : vector<16xf32> to vector<1x16xf32>
    tpu.vector_store %arg15[%swap3A_904, %swap3A_905], %swap3A_908 {strides = array<i32>} : memref<80x16xf32, #tpu.memory_space<vmem>>, vector<1x16xf32>,
    %swap3A_909 = arith.constant 7 : i32
    %swap3A_910 = arith.index_cast %swap3A_909 : i32 to index
    %swap3A_911 = arith.constant 0 : index
    %swap3A_912 = tpu.vector_load %arg15[%swap3A_910, %swap3A_911] {strides = array<i32>} : memref<80x16xf32, #tpu.memory_space<vmem>>, vector<1x16xf32>,
    %swap3A_913 = vector.shape_cast %swap3A_912 : vector<1x16xf32> to vector<16xf32>
    %swap3A_914 = vector.shape_cast %broadcast_in_dim3A_3 : vector<16xf32> to vector<1x16xf32>
    tpu.vector_store %arg15[%swap3A_910, %swap3A_911], %swap3A_914 {strides = array<i32>} : memref<80x16xf32, #tpu.memory_space<vmem>>, vector<1x16xf32>,
    %swap3A_915 = arith.constant 8 : i32
    %swap3A_916 = arith.index_cast %swap3A_915 : i32 to index
    %swap3A_917 = arith.constant 0 : index
    %swap3A_918 = tpu.vector_load %arg15[%swap3A_916, %swap3A_917] {strides = array<i32>} : memref<80x16xf32, #tpu.memory_space<vmem>>, vector<1x16xf32>,
    %swap3A_919 = vector.shape_cast %swap3A_918 : vector<1x16xf32> to vector<16xf32>
    %swap3A_920 = vector.shape_cast %broadcast_in_dim3A_3 : vector<16xf32> to vector<1x16xf32>
    tpu.vector_store %arg15[%swap3A_916, %swap3A_917], %swap3A_920 {strides = array<i32>} : memref<80x16xf32, #tpu.memory_space<vmem>>, vector<1x16xf32>,
    %swap3A_921 = arith.constant 9 : i32
    %swap3A_922 = arith.index_cast %swap3A_921 : i32 to index
    %swap3A_923 = arith.constant 0 : index
    %swap3A_924 = tpu.vector_load %arg15[%swap3A_922, %swap3A_923] {strides = array<i32>} : memref<80x16xf32, #tpu.memory_space<vmem>>, vector<1x16xf32>,
    %swap3A_925 = vector.shape_cast %swap3A_924 : vector<1x16xf32> to vector<16xf32>
    %swap3A_926 = vector.shape_cast %broadcast_in_dim3A_3 : vector<16xf32> to vector<1x16xf32>
    tpu.vector_store %arg15[%swap3A_922, %swap3A_923], %swap3A_926 {strides = array<i32>} : memref<80x16xf32, #tpu.memory_space<vmem>>, vector<1x16xf32>,
    %swap3A_927 = arith.constant 10 : i32
    %swap3A_928 = arith.index_cast %swap3A_927 : i32 to index
    %swap3A_929 = arith.constant 0 : index
    %swap3A_930 = tpu.vector_load %arg15[%swap3A_928, %swap3A_929] {strides = array<i32>} : memref<80x16xf32, #tpu.memory_space<vmem>>, vector<1x16xf32>,
    %swap3A_931 = vector.shape_cast %swap3A_930 : vector<1x16xf32> to vector<16xf32>
    %swap3A_932 = vector.shape_cast %broadcast_in_dim3A_3 : vector<16xf32> to vector<1x16xf32>
    tpu.vector_store %arg15[%swap3A_928, %swap3A_929], %swap3A_932 {strides = array<i32>} : memref<80x16xf32, #tpu.memory_space<vmem>>, vector<1x16xf32>,
    %swap3A_933 = arith.constant 11 : i32
    %swap3A_934 = arith.index_cast %swap3A_933 : i32 to index
    %swap3A_935 = arith.constant 0 : index
    %swap3A_936 = tpu.vector_load %arg15[%swap3A_934, %swap3A_935] {strides = array<i32>} : memref<80x16xf32, #tpu.memory_space<vmem>>, vector<1x16xf32>,
    %swap3A_937 = vector.shape_cast %swap3A_936 : vector<1x16xf32> to vector<16xf32>
    %swap3A_938 = vector.shape_cast %broadcast_in_dim3A_3 : vector<16xf32> to vector<1x16xf32>
    tpu.vector_store %arg15[%swap3A_934, %swap3A_935], %swap3A_938 {strides = array<i32>} : memref<80x16xf32, #tpu.memory_space<vmem>>, vector<1x16xf32>,
    %swap3A_939 = arith.constant 12 : i32
    %swap3A_940 = arith.index_cast %swap3A_939 : i32 to index
    %swap3A_941 = arith.constant 0 : index
    %swap3A_942 = tpu.vector_load %arg15[%swap3A_940, %swap3A_941] {strides = array<i32>} : memref<80x16xf32, #tpu.memory_space<vmem>>, vector<1x16xf32>,
    %swap3A_943 = vector.shape_cast %swap3A_942 : vector<1x16xf32> to vector<16xf32>
    %swap3A_944 = vector.shape_cast %broadcast_in_dim3A_3 : vector<16xf32> to vector<1x16xf32>
    tpu.vector_store %arg15[%swap3A_940, %swap3A_941], %swap3A_944 {strides = array<i32>} : memref<80x16xf32, #tpu.memory_space<vmem>>, vector<1x16xf32>,
    %swap3A_945 = arith.constant 13 : i32
    %swap3A_946 = arith.index_cast %swap3A_945 : i32 to index
    %swap3A_947 = arith.constant 0 : index
    %swap3A_948 = tpu.vector_load %arg15[%swap3A_946, %swap3A_947] {strides = array<i32>} : memref<80x16xf32, #tpu.memory_space<vmem>>, vector<1x16xf32>,
    %swap3A_949 = vector.shape_cast %swap3A_948 : vector<1x16xf32> to vector<16xf32>
    %swap3A_950 = vector.shape_cast %broadcast_in_dim3A_3 : vector<16xf32> to vector<1x16xf32>
    tpu.vector_store %arg15[%swap3A_946, %swap3A_947], %swap3A_950 {strides = array<i32>} : memref<80x16xf32, #tpu.memory_space<vmem>>, vector<1x16xf32>,
    %swap3A_951 = arith.constant 14 : i32
    %swap3A_952 = arith.index_cast %swap3A_951 : i32 to index
    %swap3A_953 = arith.constant 0 : index
    %swap3A_954 = tpu.vector_load %arg15[%swap3A_952, %swap3A_953] {strides = array<i32>} : memref<80x16xf32, #tpu.memory_space<vmem>>, vector<1x16xf32>,
    %swap3A_955 = vector.shape_cast %swap3A_954 : vector<1x16xf32> to vector<16xf32>
    %swap3A_956 = vector.shape_cast %broadcast_in_dim3A_3 : vector<16xf32> to vector<1x16xf32>
    tpu.vector_store %arg15[%swap3A_952, %swap3A_953], %swap3A_956 {strides = array<i32>} : memref<80x16xf32, #tpu.memory_space<vmem>>, vector<1x16xf32>,
    %swap3A_957 = arith.constant 15 : i32
    %swap3A_958 = arith.index_cast %swap3A_957 : i32 to index
    %swap3A_959 = arith.constant 0 : index
    %swap3A_960 = tpu.vector_load %arg15[%swap3A_958, %swap3A_959] {strides = array<i32>} : memref<80x16xf32, #tpu.memory_space<vmem>>, vector<1x16xf32>,
    %swap3A_961 = vector.shape_cast %swap3A_960 : vector<1x16xf32> to vector<16xf32>
    %swap3A_962 = vector.shape_cast %broadcast_in_dim3A_3 : vector<16xf32> to vector<1x16xf32>
    tpu.vector_store %arg15[%swap3A_958, %swap3A_959], %swap3A_962 {strides = array<i32>} : memref<80x16xf32, #tpu.memory_space<vmem>>, vector<1x16xf32>,
    %swap3A_963 = arith.constant 16 : i32
    %swap3A_964 = arith.index_cast %swap3A_963 : i32 to index
    %swap3A_965 = arith.constant 0 : index
    %swap3A_966 = tpu.vector_load %arg15[%swap3A_964, %swap3A_965] {strides = array<i32>} : memref<80x16xf32, #tpu.memory_space<vmem>>, vector<1x16xf32>,
    %swap3A_967 = vector.shape_cast %swap3A_966 : vector<1x16xf32> to vector<16xf32>
    %swap3A_968 = vector.shape_cast %broadcast_in_dim3A_3 : vector<16xf32> to vector<1x16xf32>
    tpu.vector_store %arg15[%swap3A_964, %swap3A_965], %swap3A_968 {strides = array<i32>} : memref<80x16xf32, #tpu.memory_space<vmem>>, vector<1x16xf32>,
    %swap3A_969 = arith.constant 17 : i32
    %swap3A_970 = arith.index_cast %swap3A_969 : i32 to index
    %swap3A_971 = arith.constant 0 : index
    %swap3A_972 = tpu.vector_load %arg15[%swap3A_970, %swap3A_971] {strides = array<i32>} : memref<80x16xf32, #tpu.memory_space<vmem>>, vector<1x16xf32>,
    %swap3A_973 = vector.shape_cast %swap3A_972 : vector<1x16xf32> to vector<16xf32>
    %swap3A_974 = vector.shape_cast %broadcast_in_dim3A_3 : vector<16xf32> to vector<1x16xf32>
    tpu.vector_store %arg15[%swap3A_970, %swap3A_971], %swap3A_974 {strides = array<i32>} : memref<80x16xf32, #tpu.memory_space<vmem>>, vector<1x16xf32>,
    %swap3A_975 = arith.constant 18 : i32
    %swap3A_976 = arith.index_cast %swap3A_975 : i32 to index
    %swap3A_977 = arith.constant 0 : index
    %swap3A_978 = tpu.vector_load %arg15[%swap3A_976, %swap3A_977] {strides = array<i32>} : memref<80x16xf32, #tpu.memory_space<vmem>>, vector<1x16xf32>,
    %swap3A_979 = vector.shape_cast %swap3A_978 : vector<1x16xf32> to vector<16xf32>
    %swap3A_980 = vector.shape_cast %broadcast_in_dim3A_3 : vector<16xf32> to vector<1x16xf32>
    tpu.vector_store %arg15[%swap3A_976, %swap3A_977], %swap3A_980 {strides = array<i32>} : memref<80x16xf32, #tpu.memory_space<vmem>>, vector<1x16xf32>,
    %swap3A_981 = arith.constant 19 : i32
    %swap3A_982 = arith.index_cast %swap3A_981 : i32 to index
    %swap3A_983 = arith.constant 0 : index
    %swap3A_984 = tpu.vector_load %arg15[%swap3A_982, %swap3A_983] {strides = array<i32>} : memref<80x16xf32, #tpu.memory_space<vmem>>, vector<1x16xf32>,
    %swap3A_985 = vector.shape_cast %swap3A_984 : vector<1x16xf32> to vector<16xf32>
    %swap3A_986 = vector.shape_cast %broadcast_in_dim3A_3 : vector<16xf32> to vector<1x16xf32>
    tpu.vector_store %arg15[%swap3A_982, %swap3A_983], %swap3A_986 {strides = array<i32>} : memref<80x16xf32, #tpu.memory_space<vmem>>, vector<1x16xf32>,
    %swap3A_987 = arith.constant 20 : i32
    %swap3A_988 = arith.index_cast %swap3A_987 : i32 to index
    %swap3A_989 = arith.constant 0 : index
    %swap3A_990 = tpu.vector_load %arg15[%swap3A_988, %swap3A_989] {strides = array<i32>} : memref<80x16xf32, #tpu.memory_space<vmem>>, vector<1x16xf32>,
    %swap3A_991 = vector.shape_cast %swap3A_990 : vector<1x16xf32> to vector<16xf32>
    %swap3A_992 = vector.shape_cast %broadcast_in_dim3A_3 : vector<16xf32> to vector<1x16xf32>
    tpu.vector_store %arg15[%swap3A_988, %swap3A_989], %swap3A_992 {strides = array<i32>} : memref<80x16xf32, #tpu.memory_space<vmem>>, vector<1x16xf32>,
    %swap3A_993 = arith.constant 21 : i32
    %swap3A_994 = arith.index_cast %swap3A_993 : i32 to index
    %swap3A_995 = arith.constant 0 : index
    %swap3A_996 = tpu.vector_load %arg15[%swap3A_994, %swap3A_995] {strides = array<i32>} : memref<80x16xf32, #tpu.memory_space<vmem>>, vector<1x16xf32>,
    %swap3A_997 = vector.shape_cast %swap3A_996 : vector<1x16xf32> to vector<16xf32>
    %swap3A_998 = vector.shape_cast %broadcast_in_dim3A_3 : vector<16xf32> to vector<1x16xf32>
    tpu.vector_store %arg15[%swap3A_994, %swap3A_995], %swap3A_998 {strides = array<i32>} : memref<80x16xf32, #tpu.memory_space<vmem>>, vector<1x16xf32>,
    %swap3A_999 = arith.constant 22 : i32
    %swap3A_1000 = arith.index_cast %swap3A_999 : i32 to index
    %swap3A_1001 = arith.constant 0 : index
    %swap3A_1002 = tpu.vector_load %arg15[%swap3A_1000, %swap3A_1001] {strides = array<i32>} : memref<80x16xf32, #tpu.memory_space<vmem>>, vector<1x16xf32>,
    %swap3A_1003 = vector.shape_cast %swap3A_1002 : vector<1x16xf32> to vector<16xf32>
    %swap3A_1004 = vector.shape_cast %broadcast_in_dim3A_3 : vector<16xf32> to vector<1x16xf32>
    tpu.vector_store %arg15[%swap3A_1000, %swap3A_1001], %swap3A_1004 {strides = array<i32>} : memref<80x16xf32, #tpu.memory_space<vmem>>, vector<1x16xf32>,
    %swap3A_1005 = arith.constant 23 : i32
    %swap3A_1006 = arith.index_cast %swap3A_1005 : i32 to index
    %swap3A_1007 = arith.constant 0 : index
    %swap3A_1008 = tpu.vector_load %arg15[%swap3A_1006, %swap3A_1007] {strides = array<i32>} : memref<80x16xf32, #tpu.memory_space<vmem>>, vector<1x16xf32>,
    %swap3A_1009 = vector.shape_cast %swap3A_1008 : vector<1x16xf32> to vector<16xf32>
    %swap3A_1010 = vector.shape_cast %broadcast_in_dim3A_3 : vector<16xf32> to vector<1x16xf32>
    tpu.vector_store %arg15[%swap3A_1006, %swap3A_1007], %swap3A_1010 {strides = array<i32>} : memref<80x16xf32, #tpu.memory_space<vmem>>, vector<1x16xf32>,
    %swap3A_1011 = arith.constant 24 : i32
    %swap3A_1012 = arith.index_cast %swap3A_1011 : i32 to index
    %swap3A_1013 = arith.constant 0 : index
    %swap3A_1014 = tpu.vector_load %arg15[%swap3A_1012, %swap3A_1013] {strides = array<i32>} : memref<80x16xf32, #tpu.memory_space<vmem>>, vector<1x16xf32>,
    %swap3A_1015 = vector.shape_cast %swap3A_1014 : vector<1x16xf32> to vector<16xf32>
    %swap3A_1016 = vector.shape_cast %broadcast_in_dim3A_3 : vector<16xf32> to vector<1x16xf32>
    tpu.vector_store %arg15[%swap3A_1012, %swap3A_1013], %swap3A_1016 {strides = array<i32>} : memref<80x16xf32, #tpu.memory_space<vmem>>, vector<1x16xf32>,
    %swap3A_1017 = arith.constant 25 : i32
    %swap3A_1018 = arith.index_cast %swap3A_1017 : i32 to index
    %swap3A_1019 = arith.constant 0 : index
    %swap3A_1020 = tpu.vector_load %arg15[%swap3A_1018, %swap3A_1019] {strides = array<i32>} : memref<80x16xf32, #tpu.memory_space<vmem>>, vector<1x16xf32>,
    %swap3A_1021 = vector.shape_cast %swap3A_1020 : vector<1x16xf32> to vector<16xf32>
    %swap3A_1022 = vector.shape_cast %broadcast_in_dim3A_3 : vector<16xf32> to vector<1x16xf32>
    tpu.vector_store %arg15[%swap3A_1018, %swap3A_1019], %swap3A_1022 {strides = array<i32>} : memref<80x16xf32, #tpu.memory_space<vmem>>, vector<1x16xf32>,
    %swap3A_1023 = arith.constant 26 : i32
    %swap3A_1024 = arith.index_cast %swap3A_1023 : i32 to index
    %swap3A_1025 = arith.constant 0 : index
    %swap3A_1026 = tpu.vector_load %arg15[%swap3A_1024, %swap3A_1025] {strides = array<i32>} : memref<80x16xf32, #tpu.memory_space<vmem>>, vector<1x16xf32>,
    %swap3A_1027 = vector.shape_cast %swap3A_1026 : vector<1x16xf32> to vector<16xf32>
    %swap3A_1028 = vector.shape_cast %broadcast_in_dim3A_3 : vector<16xf32> to vector<1x16xf32>
    tpu.vector_store %arg15[%swap3A_1024, %swap3A_1025], %swap3A_1028 {strides = array<i32>} : memref<80x16xf32, #tpu.memory_space<vmem>>, vector<1x16xf32>,
    %swap3A_1029 = arith.constant 27 : i32
    %swap3A_1030 = arith.index_cast %swap3A_1029 : i32 to index
    %swap3A_1031 = arith.constant 0 : index
    %swap3A_1032 = tpu.vector_load %arg15[%swap3A_1030, %swap3A_1031] {strides = array<i32>} : memref<80x16xf32, #tpu.memory_space<vmem>>, vector<1x16xf32>,
    %swap3A_1033 = vector.shape_cast %swap3A_1032 : vector<1x16xf32> to vector<16xf32>
    %swap3A_1034 = vector.shape_cast %broadcast_in_dim3A_3 : vector<16xf32> to vector<1x16xf32>
    tpu.vector_store %arg15[%swap3A_1030, %swap3A_1031], %swap3A_1034 {strides = array<i32>} : memref<80x16xf32, #tpu.memory_space<vmem>>, vector<1x16xf32>,
    %swap3A_1035 = arith.constant 28 : i32
    %swap3A_1036 = arith.index_cast %swap3A_1035 : i32 to index
    %swap3A_1037 = arith.constant 0 : index
    %swap3A_1038 = tpu.vector_load %arg15[%swap3A_1036, %swap3A_1037] {strides = array<i32>} : memref<80x16xf32, #tpu.memory_space<vmem>>, vector<1x16xf32>,
    %swap3A_1039 = vector.shape_cast %swap3A_1038 : vector<1x16xf32> to vector<16xf32>
    %swap3A_1040 = vector.shape_cast %broadcast_in_dim3A_3 : vector<16xf32> to vector<1x16xf32>
    tpu.vector_store %arg15[%swap3A_1036, %swap3A_1037], %swap3A_1040 {strides = array<i32>} : memref<80x16xf32, #tpu.memory_space<vmem>>, vector<1x16xf32>,
    %swap3A_1041 = arith.constant 29 : i32
    %swap3A_1042 = arith.index_cast %swap3A_1041 : i32 to index
    %swap3A_1043 = arith.constant 0 : index
    %swap3A_1044 = tpu.vector_load %arg15[%swap3A_1042, %swap3A_1043] {strides = array<i32>} : memref<80x16xf32, #tpu.memory_space<vmem>>, vector<1x16xf32>,
    %swap3A_1045 = vector.shape_cast %swap3A_1044 : vector<1x16xf32> to vector<16xf32>
    %swap3A_1046 = vector.shape_cast %broadcast_in_dim3A_3 : vector<16xf32> to vector<1x16xf32>
    tpu.vector_store %arg15[%swap3A_1042, %swap3A_1043], %swap3A_1046 {strides = array<i32>} : memref<80x16xf32, #tpu.memory_space<vmem>>, vector<1x16xf32>,
    %swap3A_1047 = arith.constant 30 : i32
    %swap3A_1048 = arith.index_cast %swap3A_1047 : i32 to index
    %swap3A_1049 = arith.constant 0 : index
    %swap3A_1050 = tpu.vector_load %arg15[%swap3A_1048, %swap3A_1049] {strides = array<i32>} : memref<80x16xf32, #tpu.memory_space<vmem>>, vector<1x16xf32>,
    %swap3A_1051 = vector.shape_cast %swap3A_1050 : vector<1x16xf32> to vector<16xf32>
    %swap3A_1052 = vector.shape_cast %broadcast_in_dim3A_3 : vector<16xf32> to vector<1x16xf32>
    tpu.vector_store %arg15[%swap3A_1048, %swap3A_1049], %swap3A_1052 {strides = array<i32>} : memref<80x16xf32, #tpu.memory_space<vmem>>, vector<1x16xf32>,
    %swap3A_1053 = arith.constant 31 : i32
    %swap3A_1054 = arith.index_cast %swap3A_1053 : i32 to index
    %swap3A_1055 = arith.constant 0 : index
    %swap3A_1056 = tpu.vector_load %arg15[%swap3A_1054, %swap3A_1055] {strides = array<i32>} : memref<80x16xf32, #tpu.memory_space<vmem>>, vector<1x16xf32>,
    %swap3A_1057 = vector.shape_cast %swap3A_1056 : vector<1x16xf32> to vector<16xf32>
    %swap3A_1058 = vector.shape_cast %broadcast_in_dim3A_3 : vector<16xf32> to vector<1x16xf32>
    tpu.vector_store %arg15[%swap3A_1054, %swap3A_1055], %swap3A_1058 {strides = array<i32>} : memref<80x16xf32, #tpu.memory_space<vmem>>, vector<1x16xf32>,
    %swap3A_1059 = arith.constant 32 : i32
    %swap3A_1060 = arith.index_cast %swap3A_1059 : i32 to index
    %swap3A_1061 = arith.constant 0 : index
    %swap3A_1062 = tpu.vector_load %arg15[%swap3A_1060, %swap3A_1061] {strides = array<i32>} : memref<80x16xf32, #tpu.memory_space<vmem>>, vector<1x16xf32>,
    %swap3A_1063 = vector.shape_cast %swap3A_1062 : vector<1x16xf32> to vector<16xf32>
    %swap3A_1064 = vector.shape_cast %broadcast_in_dim3A_3 : vector<16xf32> to vector<1x16xf32>
    tpu.vector_store %arg15[%swap3A_1060, %swap3A_1061], %swap3A_1064 {strides = array<i32>} : memref<80x16xf32, #tpu.memory_space<vmem>>, vector<1x16xf32>,
    %swap3A_1065 = arith.constant 33 : i32
    %swap3A_1066 = arith.index_cast %swap3A_1065 : i32 to index
    %swap3A_1067 = arith.constant 0 : index
    %swap3A_1068 = tpu.vector_load %arg15[%swap3A_1066, %swap3A_1067] {strides = array<i32>} : memref<80x16xf32, #tpu.memory_space<vmem>>, vector<1x16xf32>,
    %swap3A_1069 = vector.shape_cast %swap3A_1068 : vector<1x16xf32> to vector<16xf32>
    %swap3A_1070 = vector.shape_cast %broadcast_in_dim3A_3 : vector<16xf32> to vector<1x16xf32>
    tpu.vector_store %arg15[%swap3A_1066, %swap3A_1067], %swap3A_1070 {strides = array<i32>} : memref<80x16xf32, #tpu.memory_space<vmem>>, vector<1x16xf32>,
    %swap3A_1071 = arith.constant 34 : i32
    %swap3A_1072 = arith.index_cast %swap3A_1071 : i32 to index
    %swap3A_1073 = arith.constant 0 : index
    %swap3A_1074 = tpu.vector_load %arg15[%swap3A_1072, %swap3A_1073] {strides = array<i32>} : memref<80x16xf32, #tpu.memory_space<vmem>>, vector<1x16xf32>,
    %swap3A_1075 = vector.shape_cast %swap3A_1074 : vector<1x16xf32> to vector<16xf32>
    %swap3A_1076 = vector.shape_cast %broadcast_in_dim3A_3 : vector<16xf32> to vector<1x16xf32>
    tpu.vector_store %arg15[%swap3A_1072, %swap3A_1073], %swap3A_1076 {strides = array<i32>} : memref<80x16xf32, #tpu.memory_space<vmem>>, vector<1x16xf32>,
    %swap3A_1077 = arith.constant 35 : i32
    %swap3A_1078 = arith.index_cast %swap3A_1077 : i32 to index
    %swap3A_1079 = arith.constant 0 : index
    %swap3A_1080 = tpu.vector_load %arg15[%swap3A_1078, %swap3A_1079] {strides = array<i32>} : memref<80x16xf32, #tpu.memory_space<vmem>>, vector<1x16xf32>,
    %swap3A_1081 = vector.shape_cast %swap3A_1080 : vector<1x16xf32> to vector<16xf32>
    %swap3A_1082 = vector.shape_cast %broadcast_in_dim3A_3 : vector<16xf32> to vector<1x16xf32>
    tpu.vector_store %arg15[%swap3A_1078, %swap3A_1079], %swap3A_1082 {strides = array<i32>} : memref<80x16xf32, #tpu.memory_space<vmem>>, vector<1x16xf32>,
    %swap3A_1083 = arith.constant 36 : i32
    %swap3A_1084 = arith.index_cast %swap3A_1083 : i32 to index
    %swap3A_1085 = arith.constant 0 : index
    %swap3A_1086 = tpu.vector_load %arg15[%swap3A_1084, %swap3A_1085] {strides = array<i32>} : memref<80x16xf32, #tpu.memory_space<vmem>>, vector<1x16xf32>,
    %swap3A_1087 = vector.shape_cast %swap3A_1086 : vector<1x16xf32> to vector<16xf32>
    %swap3A_1088 = vector.shape_cast %broadcast_in_dim3A_3 : vector<16xf32> to vector<1x16xf32>
    tpu.vector_store %arg15[%swap3A_1084, %swap3A_1085], %swap3A_1088 {strides = array<i32>} : memref<80x16xf32, #tpu.memory_space<vmem>>, vector<1x16xf32>,
    %swap3A_1089 = arith.constant 37 : i32
    %swap3A_1090 = arith.index_cast %swap3A_1089 : i32 to index
    %swap3A_1091 = arith.constant 0 : index
    %swap3A_1092 = tpu.vector_load %arg15[%swap3A_1090, %swap3A_1091] {strides = array<i32>} : memref<80x16xf32, #tpu.memory_space<vmem>>, vector<1x16xf32>,
    %swap3A_1093 = vector.shape_cast %swap3A_1092 : vector<1x16xf32> to vector<16xf32>
    %swap3A_1094 = vector.shape_cast %broadcast_in_dim3A_3 : vector<16xf32> to vector<1x16xf32>
    tpu.vector_store %arg15[%swap3A_1090, %swap3A_1091], %swap3A_1094 {strides = array<i32>} : memref<80x16xf32, #tpu.memory_space<vmem>>, vector<1x16xf32>,
    %swap3A_1095 = arith.constant 38 : i32
    %swap3A_1096 = arith.index_cast %swap3A_1095 : i32 to index
    %swap3A_1097 = arith.constant 0 : index
    %swap3A_1098 = tpu.vector_load %arg15[%swap3A_1096, %swap3A_1097] {strides = array<i32>} : memref<80x16xf32, #tpu.memory_space<vmem>>, vector<1x16xf32>,
    %swap3A_1099 = vector.shape_cast %swap3A_1098 : vector<1x16xf32> to vector<16xf32>
    %swap3A_1100 = vector.shape_cast %broadcast_in_dim3A_3 : vector<16xf32> to vector<1x16xf32>
    tpu.vector_store %arg15[%swap3A_1096, %swap3A_1097], %swap3A_1100 {strides = array<i32>} : memref<80x16xf32, #tpu.memory_space<vmem>>, vector<1x16xf32>,
    %swap3A_1101 = arith.constant 39 : i32
    %swap3A_1102 = arith.index_cast %swap3A_1101 : i32 to index
    %swap3A_1103 = arith.constant 0 : index
    %swap3A_1104 = tpu.vector_load %arg15[%swap3A_1102, %swap3A_1103] {strides = array<i32>} : memref<80x16xf32, #tpu.memory_space<vmem>>, vector<1x16xf32>,
    %swap3A_1105 = vector.shape_cast %swap3A_1104 : vector<1x16xf32> to vector<16xf32>
    %swap3A_1106 = vector.shape_cast %broadcast_in_dim3A_3 : vector<16xf32> to vector<1x16xf32>
    tpu.vector_store %arg15[%swap3A_1102, %swap3A_1103], %swap3A_1106 {strides = array<i32>} : memref<80x16xf32, #tpu.memory_space<vmem>>, vector<1x16xf32>,
    %swap3A_1107 = arith.constant 40 : i32
    %swap3A_1108 = arith.index_cast %swap3A_1107 : i32 to index
    %swap3A_1109 = arith.constant 0 : index
    %swap3A_1110 = tpu.vector_load %arg15[%swap3A_1108, %swap3A_1109] {strides = array<i32>} : memref<80x16xf32, #tpu.memory_space<vmem>>, vector<1x16xf32>,
    %swap3A_1111 = vector.shape_cast %swap3A_1110 : vector<1x16xf32> to vector<16xf32>
    %swap3A_1112 = vector.shape_cast %broadcast_in_dim3A_3 : vector<16xf32> to vector<1x16xf32>
    tpu.vector_store %arg15[%swap3A_1108, %swap3A_1109], %swap3A_1112 {strides = array<i32>} : memref<80x16xf32, #tpu.memory_space<vmem>>, vector<1x16xf32>,
    %swap3A_1113 = arith.constant 41 : i32
    %swap3A_1114 = arith.index_cast %swap3A_1113 : i32 to index
    %swap3A_1115 = arith.constant 0 : index
    %swap3A_1116 = tpu.vector_load %arg15[%swap3A_1114, %swap3A_1115] {strides = array<i32>} : memref<80x16xf32, #tpu.memory_space<vmem>>, vector<1x16xf32>,
    %swap3A_1117 = vector.shape_cast %swap3A_1116 : vector<1x16xf32> to vector<16xf32>
    %swap3A_1118 = vector.shape_cast %broadcast_in_dim3A_3 : vector<16xf32> to vector<1x16xf32>
    tpu.vector_store %arg15[%swap3A_1114, %swap3A_1115], %swap3A_1118 {strides = array<i32>} : memref<80x16xf32, #tpu.memory_space<vmem>>, vector<1x16xf32>,
    %swap3A_1119 = arith.constant 42 : i32
    %swap3A_1120 = arith.index_cast %swap3A_1119 : i32 to index
    %swap3A_1121 = arith.constant 0 : index
    %swap3A_1122 = tpu.vector_load %arg15[%swap3A_1120, %swap3A_1121] {strides = array<i32>} : memref<80x16xf32, #tpu.memory_space<vmem>>, vector<1x16xf32>,
    %swap3A_1123 = vector.shape_cast %swap3A_1122 : vector<1x16xf32> to vector<16xf32>
    %swap3A_1124 = vector.shape_cast %broadcast_in_dim3A_3 : vector<16xf32> to vector<1x16xf32>
    tpu.vector_store %arg15[%swap3A_1120, %swap3A_1121], %swap3A_1124 {strides = array<i32>} : memref<80x16xf32, #tpu.memory_space<vmem>>, vector<1x16xf32>,
    %swap3A_1125 = arith.constant 43 : i32
    %swap3A_1126 = arith.index_cast %swap3A_1125 : i32 to index
    %swap3A_1127 = arith.constant 0 : index
    %swap3A_1128 = tpu.vector_load %arg15[%swap3A_1126, %swap3A_1127] {strides = array<i32>} : memref<80x16xf32, #tpu.memory_space<vmem>>, vector<1x16xf32>,
    %swap3A_1129 = vector.shape_cast %swap3A_1128 : vector<1x16xf32> to vector<16xf32>
    %swap3A_1130 = vector.shape_cast %broadcast_in_dim3A_3 : vector<16xf32> to vector<1x16xf32>
    tpu.vector_store %arg15[%swap3A_1126, %swap3A_1127], %swap3A_1130 {strides = array<i32>} : memref<80x16xf32, #tpu.memory_space<vmem>>, vector<1x16xf32>,
    %swap3A_1131 = arith.constant 44 : i32
    %swap3A_1132 = arith.index_cast %swap3A_1131 : i32 to index
    %swap3A_1133 = arith.constant 0 : index
    %swap3A_1134 = tpu.vector_load %arg15[%swap3A_1132, %swap3A_1133] {strides = array<i32>} : memref<80x16xf32, #tpu.memory_space<vmem>>, vector<1x16xf32>,
    %swap3A_1135 = vector.shape_cast %swap3A_1134 : vector<1x16xf32> to vector<16xf32>
    %swap3A_1136 = vector.shape_cast %broadcast_in_dim3A_3 : vector<16xf32> to vector<1x16xf32>
    tpu.vector_store %arg15[%swap3A_1132, %swap3A_1133], %swap3A_1136 {strides = array<i32>} : memref<80x16xf32, #tpu.memory_space<vmem>>, vector<1x16xf32>,
    %swap3A_1137 = arith.constant 45 : i32
    %swap3A_1138 = arith.index_cast %swap3A_1137 : i32 to index
    %swap3A_1139 = arith.constant 0 : index
    %swap3A_1140 = tpu.vector_load %arg15[%swap3A_1138, %swap3A_1139] {strides = array<i32>} : memref<80x16xf32, #tpu.memory_space<vmem>>, vector<1x16xf32>,
    %swap3A_1141 = vector.shape_cast %swap3A_1140 : vector<1x16xf32> to vector<16xf32>
    %swap3A_1142 = vector.shape_cast %broadcast_in_dim3A_3 : vector<16xf32> to vector<1x16xf32>
    tpu.vector_store %arg15[%swap3A_1138, %swap3A_1139], %swap3A_1142 {strides = array<i32>} : memref<80x16xf32, #tpu.memory_space<vmem>>, vector<1x16xf32>,
    %swap3A_1143 = arith.constant 46 : i32
    %swap3A_1144 = arith.index_cast %swap3A_1143 : i32 to index
    %swap3A_1145 = arith.constant 0 : index
    %swap3A_1146 = tpu.vector_load %arg15[%swap3A_1144, %swap3A_1145] {strides = array<i32>} : memref<80x16xf32, #tpu.memory_space<vmem>>, vector<1x16xf32>,
    %swap3A_1147 = vector.shape_cast %swap3A_1146 : vector<1x16xf32> to vector<16xf32>
    %swap3A_1148 = vector.shape_cast %broadcast_in_dim3A_3 : vector<16xf32> to vector<1x16xf32>
    tpu.vector_store %arg15[%swap3A_1144, %swap3A_1145], %swap3A_1148 {strides = array<i32>} : memref<80x16xf32, #tpu.memory_space<vmem>>, vector<1x16xf32>,
    %swap3A_1149 = arith.constant 47 : i32
    %swap3A_1150 = arith.index_cast %swap3A_1149 : i32 to index
    %swap3A_1151 = arith.constant 0 : index
    %swap3A_1152 = tpu.vector_load %arg15[%swap3A_1150, %swap3A_1151] {strides = array<i32>} : memref<80x16xf32, #tpu.memory_space<vmem>>, vector<1x16xf32>,
    %swap3A_1153 = vector.shape_cast %swap3A_1152 : vector<1x16xf32> to vector<16xf32>
    %swap3A_1154 = vector.shape_cast %broadcast_in_dim3A_3 : vector<16xf32> to vector<1x16xf32>
    tpu.vector_store %arg15[%swap3A_1150, %swap3A_1151], %swap3A_1154 {strides = array<i32>} : memref<80x16xf32, #tpu.memory_space<vmem>>, vector<1x16xf32>,
    %swap3A_1155 = arith.constant 48 : i32
    %swap3A_1156 = arith.index_cast %swap3A_1155 : i32 to index
    %swap3A_1157 = arith.constant 0 : index
    %swap3A_1158 = tpu.vector_load %arg15[%swap3A_1156, %swap3A_1157] {strides = array<i32>} : memref<80x16xf32, #tpu.memory_space<vmem>>, vector<1x16xf32>,
    %swap3A_1159 = vector.shape_cast %swap3A_1158 : vector<1x16xf32> to vector<16xf32>
    %swap3A_1160 = vector.shape_cast %broadcast_in_dim3A_3 : vector<16xf32> to vector<1x16xf32>
    tpu.vector_store %arg15[%swap3A_1156, %swap3A_1157], %swap3A_1160 {strides = array<i32>} : memref<80x16xf32, #tpu.memory_space<vmem>>, vector<1x16xf32>,
    %swap3A_1161 = arith.constant 49 : i32
    %swap3A_1162 = arith.index_cast %swap3A_1161 : i32 to index
    %swap3A_1163 = arith.constant 0 : index
    %swap3A_1164 = tpu.vector_load %arg15[%swap3A_1162, %swap3A_1163] {strides = array<i32>} : memref<80x16xf32, #tpu.memory_space<vmem>>, vector<1x16xf32>,
    %swap3A_1165 = vector.shape_cast %swap3A_1164 : vector<1x16xf32> to vector<16xf32>
    %swap3A_1166 = vector.shape_cast %broadcast_in_dim3A_3 : vector<16xf32> to vector<1x16xf32>
    tpu.vector_store %arg15[%swap3A_1162, %swap3A_1163], %swap3A_1166 {strides = array<i32>} : memref<80x16xf32, #tpu.memory_space<vmem>>, vector<1x16xf32>,
    %swap3A_1167 = arith.constant 50 : i32
    %swap3A_1168 = arith.index_cast %swap3A_1167 : i32 to index
    %swap3A_1169 = arith.constant 0 : index
    %swap3A_1170 = tpu.vector_load %arg15[%swap3A_1168, %swap3A_1169] {strides = array<i32>} : memref<80x16xf32, #tpu.memory_space<vmem>>, vector<1x16xf32>,
    %swap3A_1171 = vector.shape_cast %swap3A_1170 : vector<1x16xf32> to vector<16xf32>
    %swap3A_1172 = vector.shape_cast %broadcast_in_dim3A_3 : vector<16xf32> to vector<1x16xf32>
    tpu.vector_store %arg15[%swap3A_1168, %swap3A_1169], %swap3A_1172 {strides = array<i32>} : memref<80x16xf32, #tpu.memory_space<vmem>>, vector<1x16xf32>,
    %swap3A_1173 = arith.constant 51 : i32
    %swap3A_1174 = arith.index_cast %swap3A_1173 : i32 to index
    %swap3A_1175 = arith.constant 0 : index
    %swap3A_1176 = tpu.vector_load %arg15[%swap3A_1174, %swap3A_1175] {strides = array<i32>} : memref<80x16xf32, #tpu.memory_space<vmem>>, vector<1x16xf32>,
    %swap3A_1177 = vector.shape_cast %swap3A_1176 : vector<1x16xf32> to vector<16xf32>
    %swap3A_1178 = vector.shape_cast %broadcast_in_dim3A_3 : vector<16xf32> to vector<1x16xf32>
    tpu.vector_store %arg15[%swap3A_1174, %swap3A_1175], %swap3A_1178 {strides = array<i32>} : memref<80x16xf32, #tpu.memory_space<vmem>>, vector<1x16xf32>,
    %swap3A_1179 = arith.constant 52 : i32
    %swap3A_1180 = arith.index_cast %swap3A_1179 : i32 to index
    %swap3A_1181 = arith.constant 0 : index
    %swap3A_1182 = tpu.vector_load %arg15[%swap3A_1180, %swap3A_1181] {strides = array<i32>} : memref<80x16xf32, #tpu.memory_space<vmem>>, vector<1x16xf32>,
    %swap3A_1183 = vector.shape_cast %swap3A_1182 : vector<1x16xf32> to vector<16xf32>
    %swap3A_1184 = vector.shape_cast %broadcast_in_dim3A_3 : vector<16xf32> to vector<1x16xf32>
    tpu.vector_store %arg15[%swap3A_1180, %swap3A_1181], %swap3A_1184 {strides = array<i32>} : memref<80x16xf32, #tpu.memory_space<vmem>>, vector<1x16xf32>,
    %swap3A_1185 = arith.constant 53 : i32
    %swap3A_1186 = arith.index_cast %swap3A_1185 : i32 to index
    %swap3A_1187 = arith.constant 0 : index
    %swap3A_1188 = tpu.vector_load %arg15[%swap3A_1186, %swap3A_1187] {strides = array<i32>} : memref<80x16xf32, #tpu.memory_space<vmem>>, vector<1x16xf32>,
    %swap3A_1189 = vector.shape_cast %swap3A_1188 : vector<1x16xf32> to vector<16xf32>
    %swap3A_1190 = vector.shape_cast %broadcast_in_dim3A_3 : vector<16xf32> to vector<1x16xf32>
    tpu.vector_store %arg15[%swap3A_1186, %swap3A_1187], %swap3A_1190 {strides = array<i32>} : memref<80x16xf32, #tpu.memory_space<vmem>>, vector<1x16xf32>,
    %swap3A_1191 = arith.constant 54 : i32
    %swap3A_1192 = arith.index_cast %swap3A_1191 : i32 to index
    %swap3A_1193 = arith.constant 0 : index
    %swap3A_1194 = tpu.vector_load %arg15[%swap3A_1192, %swap3A_1193] {strides = array<i32>} : memref<80x16xf32, #tpu.memory_space<vmem>>, vector<1x16xf32>,
    %swap3A_1195 = vector.shape_cast %swap3A_1194 : vector<1x16xf32> to vector<16xf32>
    %swap3A_1196 = vector.shape_cast %broadcast_in_dim3A_3 : vector<16xf32> to vector<1x16xf32>
    tpu.vector_store %arg15[%swap3A_1192, %swap3A_1193], %swap3A_1196 {strides = array<i32>} : memref<80x16xf32, #tpu.memory_space<vmem>>, vector<1x16xf32>,
    %swap3A_1197 = arith.constant 55 : i32
    %swap3A_1198 = arith.index_cast %swap3A_1197 : i32 to index
    %swap3A_1199 = arith.constant 0 : index
    %swap3A_1200 = tpu.vector_load %arg15[%swap3A_1198, %swap3A_1199] {strides = array<i32>} : memref<80x16xf32, #tpu.memory_space<vmem>>, vector<1x16xf32>,
    %swap3A_1201 = vector.shape_cast %swap3A_1200 : vector<1x16xf32> to vector<16xf32>
    %swap3A_1202 = vector.shape_cast %broadcast_in_dim3A_3 : vector<16xf32> to vector<1x16xf32>
    tpu.vector_store %arg15[%swap3A_1198, %swap3A_1199], %swap3A_1202 {strides = array<i32>} : memref<80x16xf32, #tpu.memory_space<vmem>>, vector<1x16xf32>,
    %swap3A_1203 = arith.constant 56 : i32
    %swap3A_1204 = arith.index_cast %swap3A_1203 : i32 to index
    %swap3A_1205 = arith.constant 0 : index
    %swap3A_1206 = tpu.vector_load %arg15[%swap3A_1204, %swap3A_1205] {strides = array<i32>} : memref<80x16xf32, #tpu.memory_space<vmem>>, vector<1x16xf32>,
    %swap3A_1207 = vector.shape_cast %swap3A_1206 : vector<1x16xf32> to vector<16xf32>
    %swap3A_1208 = vector.shape_cast %broadcast_in_dim3A_3 : vector<16xf32> to vector<1x16xf32>
    tpu.vector_store %arg15[%swap3A_1204, %swap3A_1205], %swap3A_1208 {strides = array<i32>} : memref<80x16xf32, #tpu.memory_space<vmem>>, vector<1x16xf32>,
    %swap3A_1209 = arith.constant 57 : i32
    %swap3A_1210 = arith.index_cast %swap3A_1209 : i32 to index
    %swap3A_1211 = arith.constant 0 : index
    %swap3A_1212 = tpu.vector_load %arg15[%swap3A_1210, %swap3A_1211] {strides = array<i32>} : memref<80x16xf32, #tpu.memory_space<vmem>>, vector<1x16xf32>,
    %swap3A_1213 = vector.shape_cast %swap3A_1212 : vector<1x16xf32> to vector<16xf32>
    %swap3A_1214 = vector.shape_cast %broadcast_in_dim3A_3 : vector<16xf32> to vector<1x16xf32>
    tpu.vector_store %arg15[%swap3A_1210, %swap3A_1211], %swap3A_1214 {strides = array<i32>} : memref<80x16xf32, #tpu.memory_space<vmem>>, vector<1x16xf32>,
    %swap3A_1215 = arith.constant 58 : i32
    %swap3A_1216 = arith.index_cast %swap3A_1215 : i32 to index
    %swap3A_1217 = arith.constant 0 : index
    %swap3A_1218 = tpu.vector_load %arg15[%swap3A_1216, %swap3A_1217] {strides = array<i32>} : memref<80x16xf32, #tpu.memory_space<vmem>>, vector<1x16xf32>,
    %swap3A_1219 = vector.shape_cast %swap3A_1218 : vector<1x16xf32> to vector<16xf32>
    %swap3A_1220 = vector.shape_cast %broadcast_in_dim3A_3 : vector<16xf32> to vector<1x16xf32>
    tpu.vector_store %arg15[%swap3A_1216, %swap3A_1217], %swap3A_1220 {strides = array<i32>} : memref<80x16xf32, #tpu.memory_space<vmem>>, vector<1x16xf32>,
    %swap3A_1221 = arith.constant 59 : i32
    %swap3A_1222 = arith.index_cast %swap3A_1221 : i32 to index
    %swap3A_1223 = arith.constant 0 : index
    %swap3A_1224 = tpu.vector_load %arg15[%swap3A_1222, %swap3A_1223] {strides = array<i32>} : memref<80x16xf32, #tpu.memory_space<vmem>>, vector<1x16xf32>,
    %swap3A_1225 = vector.shape_cast %swap3A_1224 : vector<1x16xf32> to vector<16xf32>
    %swap3A_1226 = vector.shape_cast %broadcast_in_dim3A_3 : vector<16xf32> to vector<1x16xf32>
    tpu.vector_store %arg15[%swap3A_1222, %swap3A_1223], %swap3A_1226 {strides = array<i32>} : memref<80x16xf32, #tpu.memory_space<vmem>>, vector<1x16xf32>,
    %swap3A_1227 = arith.constant 60 : i32
    %swap3A_1228 = arith.index_cast %swap3A_1227 : i32 to index
    %swap3A_1229 = arith.constant 0 : index
    %swap3A_1230 = tpu.vector_load %arg15[%swap3A_1228, %swap3A_1229] {strides = array<i32>} : memref<80x16xf32, #tpu.memory_space<vmem>>, vector<1x16xf32>,
    %swap3A_1231 = vector.shape_cast %swap3A_1230 : vector<1x16xf32> to vector<16xf32>
    %swap3A_1232 = vector.shape_cast %broadcast_in_dim3A_3 : vector<16xf32> to vector<1x16xf32>
    tpu.vector_store %arg15[%swap3A_1228, %swap3A_1229], %swap3A_1232 {strides = array<i32>} : memref<80x16xf32, #tpu.memory_space<vmem>>, vector<1x16xf32>,
    %swap3A_1233 = arith.constant 61 : i32
    %swap3A_1234 = arith.index_cast %swap3A_1233 : i32 to index
    %swap3A_1235 = arith.constant 0 : index
    %swap3A_1236 = tpu.vector_load %arg15[%swap3A_1234, %swap3A_1235] {strides = array<i32>} : memref<80x16xf32, #tpu.memory_space<vmem>>, vector<1x16xf32>,
    %swap3A_1237 = vector.shape_cast %swap3A_1236 : vector<1x16xf32> to vector<16xf32>
    %swap3A_1238 = vector.shape_cast %broadcast_in_dim3A_3 : vector<16xf32> to vector<1x16xf32>
    tpu.vector_store %arg15[%swap3A_1234, %swap3A_1235], %swap3A_1238 {strides = array<i32>} : memref<80x16xf32, #tpu.memory_space<vmem>>, vector<1x16xf32>,
    %swap3A_1239 = arith.constant 62 : i32
    %swap3A_1240 = arith.index_cast %swap3A_1239 : i32 to index
    %swap3A_1241 = arith.constant 0 : index
    %swap3A_1242 = tpu.vector_load %arg15[%swap3A_1240, %swap3A_1241] {strides = array<i32>} : memref<80x16xf32, #tpu.memory_space<vmem>>, vector<1x16xf32>,
    %swap3A_1243 = vector.shape_cast %swap3A_1242 : vector<1x16xf32> to vector<16xf32>
    %swap3A_1244 = vector.shape_cast %broadcast_in_dim3A_3 : vector<16xf32> to vector<1x16xf32>
    tpu.vector_store %arg15[%swap3A_1240, %swap3A_1241], %swap3A_1244 {strides = array<i32>} : memref<80x16xf32, #tpu.memory_space<vmem>>, vector<1x16xf32>,
    %swap3A_1245 = arith.constant 63 : i32
    %swap3A_1246 = arith.index_cast %swap3A_1245 : i32 to index
    %swap3A_1247 = arith.constant 0 : index
    %swap3A_1248 = tpu.vector_load %arg15[%swap3A_1246, %swap3A_1247] {strides = array<i32>} : memref<80x16xf32, #tpu.memory_space<vmem>>, vector<1x16xf32>,
    %swap3A_1249 = vector.shape_cast %swap3A_1248 : vector<1x16xf32> to vector<16xf32>
    %swap3A_1250 = vector.shape_cast %broadcast_in_dim3A_3 : vector<16xf32> to vector<1x16xf32>
    tpu.vector_store %arg15[%swap3A_1246, %swap3A_1247], %swap3A_1250 {strides = array<i32>} : memref<80x16xf32, #tpu.memory_space<vmem>>, vector<1x16xf32>,
    %swap3A_1251 = arith.constant 64 : i32
    %swap3A_1252 = arith.index_cast %swap3A_1251 : i32 to index
    %swap3A_1253 = arith.constant 0 : index
    %swap3A_1254 = tpu.vector_load %arg15[%swap3A_1252, %swap3A_1253] {strides = array<i32>} : memref<80x16xf32, #tpu.memory_space<vmem>>, vector<1x16xf32>,
    %swap3A_1255 = vector.shape_cast %swap3A_1254 : vector<1x16xf32> to vector<16xf32>
    %swap3A_1256 = vector.shape_cast %broadcast_in_dim3A_3 : vector<16xf32> to vector<1x16xf32>
    tpu.vector_store %arg15[%swap3A_1252, %swap3A_1253], %swap3A_1256 {strides = array<i32>} : memref<80x16xf32, #tpu.memory_space<vmem>>, vector<1x16xf32>,
    %swap3A_1257 = arith.constant 65 : i32
    %swap3A_1258 = arith.index_cast %swap3A_1257 : i32 to index
    %swap3A_1259 = arith.constant 0 : index
    %swap3A_1260 = tpu.vector_load %arg15[%swap3A_1258, %swap3A_1259] {strides = array<i32>} : memref<80x16xf32, #tpu.memory_space<vmem>>, vector<1x16xf32>,
    %swap3A_1261 = vector.shape_cast %swap3A_1260 : vector<1x16xf32> to vector<16xf32>
    %swap3A_1262 = vector.shape_cast %broadcast_in_dim3A_3 : vector<16xf32> to vector<1x16xf32>
    tpu.vector_store %arg15[%swap3A_1258, %swap3A_1259], %swap3A_1262 {strides = array<i32>} : memref<80x16xf32, #tpu.memory_space<vmem>>, vector<1x16xf32>,
    %swap3A_1263 = arith.constant 66 : i32
    %swap3A_1264 = arith.index_cast %swap3A_1263 : i32 to index
    %swap3A_1265 = arith.constant 0 : index
    %swap3A_1266 = tpu.vector_load %arg15[%swap3A_1264, %swap3A_1265] {strides = array<i32>} : memref<80x16xf32, #tpu.memory_space<vmem>>, vector<1x16xf32>,
    %swap3A_1267 = vector.shape_cast %swap3A_1266 : vector<1x16xf32> to vector<16xf32>
    %swap3A_1268 = vector.shape_cast %broadcast_in_dim3A_3 : vector<16xf32> to vector<1x16xf32>
    tpu.vector_store %arg15[%swap3A_1264, %swap3A_1265], %swap3A_1268 {strides = array<i32>} : memref<80x16xf32, #tpu.memory_space<vmem>>, vector<1x16xf32>,
    %swap3A_1269 = arith.constant 67 : i32
    %swap3A_1270 = arith.index_cast %swap3A_1269 : i32 to index
    %swap3A_1271 = arith.constant 0 : index
    %swap3A_1272 = tpu.vector_load %arg15[%swap3A_1270, %swap3A_1271] {strides = array<i32>} : memref<80x16xf32, #tpu.memory_space<vmem>>, vector<1x16xf32>,
    %swap3A_1273 = vector.shape_cast %swap3A_1272 : vector<1x16xf32> to vector<16xf32>
    %swap3A_1274 = vector.shape_cast %broadcast_in_dim3A_3 : vector<16xf32> to vector<1x16xf32>
    tpu.vector_store %arg15[%swap3A_1270, %swap3A_1271], %swap3A_1274 {strides = array<i32>} : memref<80x16xf32, #tpu.memory_space<vmem>>, vector<1x16xf32>,
    %swap3A_1275 = arith.constant 68 : i32
    %swap3A_1276 = arith.index_cast %swap3A_1275 : i32 to index
    %swap3A_1277 = arith.constant 0 : index
    %swap3A_1278 = tpu.vector_load %arg15[%swap3A_1276, %swap3A_1277] {strides = array<i32>} : memref<80x16xf32, #tpu.memory_space<vmem>>, vector<1x16xf32>,
    %swap3A_1279 = vector.shape_cast %swap3A_1278 : vector<1x16xf32> to vector<16xf32>
    %swap3A_1280 = vector.shape_cast %broadcast_in_dim3A_3 : vector<16xf32> to vector<1x16xf32>
    tpu.vector_store %arg15[%swap3A_1276, %swap3A_1277], %swap3A_1280 {strides = array<i32>} : memref<80x16xf32, #tpu.memory_space<vmem>>, vector<1x16xf32>,
    %swap3A_1281 = arith.constant 69 : i32
    %swap3A_1282 = arith.index_cast %swap3A_1281 : i32 to index
    %swap3A_1283 = arith.constant 0 : index
    %swap3A_1284 = tpu.vector_load %arg15[%swap3A_1282, %swap3A_1283] {strides = array<i32>} : memref<80x16xf32, #tpu.memory_space<vmem>>, vector<1x16xf32>,
    %swap3A_1285 = vector.shape_cast %swap3A_1284 : vector<1x16xf32> to vector<16xf32>
    %swap3A_1286 = vector.shape_cast %broadcast_in_dim3A_3 : vector<16xf32> to vector<1x16xf32>
    tpu.vector_store %arg15[%swap3A_1282, %swap3A_1283], %swap3A_1286 {strides = array<i32>} : memref<80x16xf32, #tpu.memory_space<vmem>>, vector<1x16xf32>,
    %swap3A_1287 = arith.constant 70 : i32
    %swap3A_1288 = arith.index_cast %swap3A_1287 : i32 to index
    %swap3A_1289 = arith.constant 0 : index
    %swap3A_1290 = tpu.vector_load %arg15[%swap3A_1288, %swap3A_1289] {strides = array<i32>} : memref<80x16xf32, #tpu.memory_space<vmem>>, vector<1x16xf32>,
    %swap3A_1291 = vector.shape_cast %swap3A_1290 : vector<1x16xf32> to vector<16xf32>
    %swap3A_1292 = vector.shape_cast %broadcast_in_dim3A_3 : vector<16xf32> to vector<1x16xf32>
    tpu.vector_store %arg15[%swap3A_1288, %swap3A_1289], %swap3A_1292 {strides = array<i32>} : memref<80x16xf32, #tpu.memory_space<vmem>>, vector<1x16xf32>,
    %swap3A_1293 = arith.constant 71 : i32
    %swap3A_1294 = arith.index_cast %swap3A_1293 : i32 to index
    %swap3A_1295 = arith.constant 0 : index
    %swap3A_1296 = tpu.vector_load %arg15[%swap3A_1294, %swap3A_1295] {strides = array<i32>} : memref<80x16xf32, #tpu.memory_space<vmem>>, vector<1x16xf32>,
    %swap3A_1297 = vector.shape_cast %swap3A_1296 : vector<1x16xf32> to vector<16xf32>
    %swap3A_1298 = vector.shape_cast %broadcast_in_dim3A_3 : vector<16xf32> to vector<1x16xf32>
    tpu.vector_store %arg15[%swap3A_1294, %swap3A_1295], %swap3A_1298 {strides = array<i32>} : memref<80x16xf32, #tpu.memory_space<vmem>>, vector<1x16xf32>,
    %swap3A_1299 = arith.constant 72 : i32
    %swap3A_1300 = arith.index_cast %swap3A_1299 : i32 to index
    %swap3A_1301 = arith.constant 0 : index
    %swap3A_1302 = tpu.vector_load %arg15[%swap3A_1300, %swap3A_1301] {strides = array<i32>} : memref<80x16xf32, #tpu.memory_space<vmem>>, vector<1x16xf32>,
    %swap3A_1303 = vector.shape_cast %swap3A_1302 : vector<1x16xf32> to vector<16xf32>
    %swap3A_1304 = vector.shape_cast %broadcast_in_dim3A_3 : vector<16xf32> to vector<1x16xf32>
    tpu.vector_store %arg15[%swap3A_1300, %swap3A_1301], %swap3A_1304 {strides = array<i32>} : memref<80x16xf32, #tpu.memory_space<vmem>>, vector<1x16xf32>,
    %swap3A_1305 = arith.constant 73 : i32
    %swap3A_1306 = arith.index_cast %swap3A_1305 : i32 to index
    %swap3A_1307 = arith.constant 0 : index
    %swap3A_1308 = tpu.vector_load %arg15[%swap3A_1306, %swap3A_1307] {strides = array<i32>} : memref<80x16xf32, #tpu.memory_space<vmem>>, vector<1x16xf32>,
    %swap3A_1309 = vector.shape_cast %swap3A_1308 : vector<1x16xf32> to vector<16xf32>
    %swap3A_1310 = vector.shape_cast %broadcast_in_dim3A_3 : vector<16xf32> to vector<1x16xf32>
    tpu.vector_store %arg15[%swap3A_1306, %swap3A_1307], %swap3A_1310 {strides = array<i32>} : memref<80x16xf32, #tpu.memory_space<vmem>>, vector<1x16xf32>,
    %swap3A_1311 = arith.constant 74 : i32
    %swap3A_1312 = arith.index_cast %swap3A_1311 : i32 to index
    %swap3A_1313 = arith.constant 0 : index
    %swap3A_1314 = tpu.vector_load %arg15[%swap3A_1312, %swap3A_1313] {strides = array<i32>} : memref<80x16xf32, #tpu.memory_space<vmem>>, vector<1x16xf32>,
    %swap3A_1315 = vector.shape_cast %swap3A_1314 : vector<1x16xf32> to vector<16xf32>
    %swap3A_1316 = vector.shape_cast %broadcast_in_dim3A_3 : vector<16xf32> to vector<1x16xf32>
    tpu.vector_store %arg15[%swap3A_1312, %swap3A_1313], %swap3A_1316 {strides = array<i32>} : memref<80x16xf32, #tpu.memory_space<vmem>>, vector<1x16xf32>,
    %swap3A_1317 = arith.constant 75 : i32
    %swap3A_1318 = arith.index_cast %swap3A_1317 : i32 to index
    %swap3A_1319 = arith.constant 0 : index
    %swap3A_1320 = tpu.vector_load %arg15[%swap3A_1318, %swap3A_1319] {strides = array<i32>} : memref<80x16xf32, #tpu.memory_space<vmem>>, vector<1x16xf32>,
    %swap3A_1321 = vector.shape_cast %swap3A_1320 : vector<1x16xf32> to vector<16xf32>
    %swap3A_1322 = vector.shape_cast %broadcast_in_dim3A_3 : vector<16xf32> to vector<1x16xf32>
    tpu.vector_store %arg15[%swap3A_1318, %swap3A_1319], %swap3A_1322 {strides = array<i32>} : memref<80x16xf32, #tpu.memory_space<vmem>>, vector<1x16xf32>,
    %swap3A_1323 = arith.constant 76 : i32
    %swap3A_1324 = arith.index_cast %swap3A_1323 : i32 to index
    %swap3A_1325 = arith.constant 0 : index
    %swap3A_1326 = tpu.vector_load %arg15[%swap3A_1324, %swap3A_1325] {strides = array<i32>} : memref<80x16xf32, #tpu.memory_space<vmem>>, vector<1x16xf32>,
    %swap3A_1327 = vector.shape_cast %swap3A_1326 : vector<1x16xf32> to vector<16xf32>
    %swap3A_1328 = vector.shape_cast %broadcast_in_dim3A_3 : vector<16xf32> to vector<1x16xf32>
    tpu.vector_store %arg15[%swap3A_1324, %swap3A_1325], %swap3A_1328 {strides = array<i32>} : memref<80x16xf32, #tpu.memory_space<vmem>>, vector<1x16xf32>,
    %swap3A_1329 = arith.constant 77 : i32
    %swap3A_1330 = arith.index_cast %swap3A_1329 : i32 to index
    %swap3A_1331 = arith.constant 0 : index
    %swap3A_1332 = tpu.vector_load %arg15[%swap3A_1330, %swap3A_1331] {strides = array<i32>} : memref<80x16xf32, #tpu.memory_space<vmem>>, vector<1x16xf32>,
    %swap3A_1333 = vector.shape_cast %swap3A_1332 : vector<1x16xf32> to vector<16xf32>
    %swap3A_1334 = vector.shape_cast %broadcast_in_dim3A_3 : vector<16xf32> to vector<1x16xf32>
    tpu.vector_store %arg15[%swap3A_1330, %swap3A_1331], %swap3A_1334 {strides = array<i32>} : memref<80x16xf32, #tpu.memory_space<vmem>>, vector<1x16xf32>,
    %swap3A_1335 = arith.constant 78 : i32
    %swap3A_1336 = arith.index_cast %swap3A_1335 : i32 to index
    %swap3A_1337 = arith.constant 0 : index
    %swap3A_1338 = tpu.vector_load %arg15[%swap3A_1336, %swap3A_1337] {strides = array<i32>} : memref<80x16xf32, #tpu.memory_space<vmem>>, vector<1x16xf32>,
    %swap3A_1339 = vector.shape_cast %swap3A_1338 : vector<1x16xf32> to vector<16xf32>
    %swap3A_1340 = vector.shape_cast %broadcast_in_dim3A_3 : vector<16xf32> to vector<1x16xf32>
    tpu.vector_store %arg15[%swap3A_1336, %swap3A_1337], %swap3A_1340 {strides = array<i32>} : memref<80x16xf32, #tpu.memory_space<vmem>>, vector<1x16xf32>,
    %swap3A_1341 = arith.constant 79 : i32
    %swap3A_1342 = arith.index_cast %swap3A_1341 : i32 to index
    %swap3A_1343 = arith.constant 0 : index
    %swap3A_1344 = tpu.vector_load %arg15[%swap3A_1342, %swap3A_1343] {strides = array<i32>} : memref<80x16xf32, #tpu.memory_space<vmem>>, vector<1x16xf32>,
    %swap3A_1345 = vector.shape_cast %swap3A_1344 : vector<1x16xf32> to vector<16xf32>
    %swap3A_1346 = vector.shape_cast %broadcast_in_dim3A_3 : vector<16xf32> to vector<1x16xf32>
    tpu.vector_store %arg15[%swap3A_1342, %swap3A_1343], %swap3A_1346 {strides = array<i32>} : memref<80x16xf32, #tpu.memory_space<vmem>>, vector<1x16xf32>,
    %scan3A = arith.constant 0 : i32
    %scan3A_1347 = arith.constant 0 : i32
    %scan3A_1348 = arith.constant 39 : i32
    %scan3A_1349 = arith.addi %scan3A_1347, %scan3A_1348 : i32
    %scan3A_1350 = arith.constant 1 : i32
    scf.for %scan3A_1380 = %scan3A_1347 to %scan3A_1349 step %scan3A_1350  : i32 {
      %mul3A_1381 = arith.constant 624 : i32
      %mul3A_1382 = arith.muli %arg1, %mul3A_1381 : i32
      %mul3A_1383 = arith.constant 16 : i32
      %mul3A_1384 = arith.muli %scan3A_1380, %mul3A_1383 : i32
      %add3A_1385 = arith.addi %mul3A_1382, %mul3A_1384 : i32
      "tpu.region"() ({
        %run_scoped3A = tpu.sem_alloc : memref<!tpu.dma_semaphore, #tpu.memory_space<semaphore_mem>>
        %dma_start3A = arith.constant 0 : i32
        %dma_start3A_1391 = tpu.memref_slice %arg12[%add3A_1385, %dma_start3A] : memref<10000x128xf32, #tpu.memory_space<vmem_shared>> -> memref<16x128xf32, #tpu.memory_space<vmem_shared>>
        %dma_start3A_1392 = arith.constant 0 : i32
        %dma_start3A_1393 = tpu.memref_slice %arg12[%add3A_1385, %dma_start3A_1392] : memref<10000x128xf32, #tpu.memory_space<vmem_shared>> -> memref<16x128xf32, #tpu.memory_space<vmem_shared>>
        tpu.enqueue_dma source(%arg11 : memref<16x128xf32, #tpu.memory_space<vmem>>) target(%dma_start3A_1393 : memref<16x128xf32, #tpu.memory_space<vmem_shared>>) target_semaphore(%run_scoped3A : memref<!tpu.dma_semaphore, #tpu.memory_space<semaphore_mem>>)
        %dma_wait3A = arith.constant 0 : i32
        %dma_wait3A_1394 = tpu.memref_slice %arg12[%add3A_1385, %dma_wait3A] : memref<10000x128xf32, #tpu.memory_space<vmem_shared>> -> memref<16x128xf32, #tpu.memory_space<vmem_shared>>
        %dma_wait3A_1395 = arith.constant 0 : i32
        %dma_wait3A_1396 = tpu.memref_slice %arg12[%add3A_1385, %dma_wait3A_1395] : memref<10000x128xf32, #tpu.memory_space<vmem_shared>> -> memref<16x128xf32, #tpu.memory_space<vmem_shared>>
        tpu.wait_dma2 semaphore(%run_scoped3A : memref<!tpu.dma_semaphore, #tpu.memory_space<semaphore_mem>>) src(%arg11 : memref<16x128xf32, #tpu.memory_space<vmem>>) dst(%dma_wait3A_1396 : memref<16x128xf32, #tpu.memory_space<vmem_shared>>)
        tpu.yield
      }) : () -> ()
      %mul3A_1386 = arith.constant 624 : i32
      %mul3A_1387 = arith.muli %arg1, %mul3A_1386 : i32
      %mul3A_1388 = arith.constant 16 : i32
      %mul3A_1389 = arith.muli %scan3A_1380, %mul3A_1388 : i32
      %add3A_1390 = arith.addi %mul3A_1387, %mul3A_1389 : i32
      "tpu.region"() ({
        %run_scoped3A = tpu.sem_alloc : memref<!tpu.dma_semaphore, #tpu.memory_space<semaphore_mem>>
        %dma_start3A = arith.constant 0 : i32
        %dma_start3A_1391 = tpu.memref_slice %arg17[%add3A_1390, %dma_start3A] : memref<10000x16xf32, #tpu.memory_space<vmem_shared>> -> memref<16x16xf32, #tpu.memory_space<vmem_shared>>
        %dma_start3A_1392 = arith.constant 0 : i32
        %dma_start3A_1393 = tpu.memref_slice %arg17[%add3A_1390, %dma_start3A_1392] : memref<10000x16xf32, #tpu.memory_space<vmem_shared>> -> memref<16x16xf32, #tpu.memory_space<vmem_shared>>
        tpu.enqueue_dma source(%arg16 : memref<16x16xf32, #tpu.memory_space<vmem>>) target(%dma_start3A_1393 : memref<16x16xf32, #tpu.memory_space<vmem_shared>>) target_semaphore(%run_scoped3A : memref<!tpu.dma_semaphore, #tpu.memory_space<semaphore_mem>>)
        %dma_wait3A = arith.constant 0 : i32
        %dma_wait3A_1394 = tpu.memref_slice %arg17[%add3A_1390, %dma_wait3A] : memref<10000x16xf32, #tpu.memory_space<vmem_shared>> -> memref<16x16xf32, #tpu.memory_space<vmem_shared>>
        %dma_wait3A_1395 = arith.constant 0 : i32
        %dma_wait3A_1396 = tpu.memref_slice %arg17[%add3A_1390, %dma_wait3A_1395] : memref<10000x16xf32, #tpu.memory_space<vmem_shared>> -> memref<16x16xf32, #tpu.memory_space<vmem_shared>>
        tpu.wait_dma2 semaphore(%run_scoped3A : memref<!tpu.dma_semaphore, #tpu.memory_space<semaphore_mem>>) src(%arg16 : memref<16x16xf32, #tpu.memory_space<vmem>>) dst(%dma_wait3A_1396 : memref<16x16xf32, #tpu.memory_space<vmem_shared>>)
        tpu.yield
      }) : () -> ()
    }
    %scan3A_1351 = arith.constant 39 : i32
    %eq3A = arith.constant 15 : i32
    %eq3A_1352 = arith.cmpi eq, %arg1, %eq3A : i32
    %convert_element_type3A = arith.extui %eq3A_1352 : i1 to i32
    %cond3A = arith.constant 0 : i32
    %cond3A_1353 = arith.cmpi ne, %convert_element_type3A, %cond3A : i32
    scf.if %cond3A_1353 {
      "tpu.region"() ({
        %run_scoped3A = tpu.sem_alloc : memref<!tpu.dma_semaphore, #tpu.memory_space<semaphore_mem>>
        %dma_start3A = arith.constant 0 : i32
        %dma_start3A_1380 = arith.constant 0 : i32
        %dma_start3A_1381 = tpu.memref_slice %arg11[%dma_start3A, %dma_start3A_1380] : memref<16x128xf32, #tpu.memory_space<vmem>> -> memref<16x128xf32, #tpu.memory_space<vmem>>
        %dma_start3A_1382 = arith.constant 9984 : i32
        %dma_start3A_1383 = arith.constant 0 : i32
        %dma_start3A_1384 = tpu.memref_slice %arg12[%dma_start3A_1382, %dma_start3A_1383] : memref<10000x128xf32, #tpu.memory_space<vmem_shared>> -> memref<16x128xf32, #tpu.memory_space<vmem_shared>>
        %dma_start3A_1385 = arith.constant 9984 : i32
        %dma_start3A_1386 = arith.constant 0 : i32
        %dma_start3A_1387 = tpu.memref_slice %arg12[%dma_start3A_1385, %dma_start3A_1386] : memref<10000x128xf32, #tpu.memory_space<vmem_shared>> -> memref<16x128xf32, #tpu.memory_space<vmem_shared>>
        %dma_start3A_1388 = arith.constant 0 : i32
        %dma_start3A_1389 = arith.constant 0 : i32
        %dma_start3A_1390 = tpu.memref_slice %arg11[%dma_start3A_1388, %dma_start3A_1389] : memref<16x128xf32, #tpu.memory_space<vmem>> -> memref<16x128xf32, #tpu.memory_space<vmem>>
        tpu.enqueue_dma source(%dma_start3A_1390 : memref<16x128xf32, #tpu.memory_space<vmem>>) target(%dma_start3A_1387 : memref<16x128xf32, #tpu.memory_space<vmem_shared>>) target_semaphore(%run_scoped3A : memref<!tpu.dma_semaphore, #tpu.memory_space<semaphore_mem>>)
        %dma_wait3A = arith.constant 0 : i32
        %dma_wait3A_1391 = arith.constant 0 : i32
        %dma_wait3A_1392 = tpu.memref_slice %arg11[%dma_wait3A, %dma_wait3A_1391] : memref<16x128xf32, #tpu.memory_space<vmem>> -> memref<16x128xf32, #tpu.memory_space<vmem>>
        %dma_wait3A_1393 = arith.constant 9984 : i32
        %dma_wait3A_1394 = arith.constant 0 : i32
        %dma_wait3A_1395 = tpu.memref_slice %arg12[%dma_wait3A_1393, %dma_wait3A_1394] : memref<10000x128xf32, #tpu.memory_space<vmem_shared>> -> memref<16x128xf32, #tpu.memory_space<vmem_shared>>
        %dma_wait3A_1396 = arith.constant 9984 : i32
        %dma_wait3A_1397 = arith.constant 0 : i32
        %dma_wait3A_1398 = tpu.memref_slice %arg12[%dma_wait3A_1396, %dma_wait3A_1397] : memref<10000x128xf32, #tpu.memory_space<vmem_shared>> -> memref<16x128xf32, #tpu.memory_space<vmem_shared>>
        %dma_wait3A_1399 = arith.constant 0 : i32
        %dma_wait3A_1400 = arith.constant 0 : i32
        %dma_wait3A_1401 = tpu.memref_slice %arg11[%dma_wait3A_1399, %dma_wait3A_1400] : memref<16x128xf32, #tpu.memory_space<vmem>> -> memref<16x128xf32, #tpu.memory_space<vmem>>
        tpu.wait_dma2 semaphore(%run_scoped3A : memref<!tpu.dma_semaphore, #tpu.memory_space<semaphore_mem>>) src(%dma_wait3A_1401 : memref<16x128xf32, #tpu.memory_space<vmem>>) dst(%dma_wait3A_1398 : memref<16x128xf32, #tpu.memory_space<vmem_shared>>)
        tpu.yield
      }) : () -> ()
      "tpu.region"() ({
        %run_scoped3A = tpu.sem_alloc : memref<!tpu.dma_semaphore, #tpu.memory_space<semaphore_mem>>
        %dma_start3A = arith.constant 0 : i32
        %dma_start3A_1380 = arith.constant 0 : i32
        %dma_start3A_1381 = tpu.memref_slice %arg16[%dma_start3A, %dma_start3A_1380] : memref<16x16xf32, #tpu.memory_space<vmem>> -> memref<16x16xf32, #tpu.memory_space<vmem>>
        %dma_start3A_1382 = arith.constant 9984 : i32
        %dma_start3A_1383 = arith.constant 0 : i32
        %dma_start3A_1384 = tpu.memref_slice %arg17[%dma_start3A_1382, %dma_start3A_1383] : memref<10000x16xf32, #tpu.memory_space<vmem_shared>> -> memref<16x16xf32, #tpu.memory_space<vmem_shared>>
        %dma_start3A_1385 = arith.constant 9984 : i32
        %dma_start3A_1386 = arith.constant 0 : i32
        %dma_start3A_1387 = tpu.memref_slice %arg17[%dma_start3A_1385, %dma_start3A_1386] : memref<10000x16xf32, #tpu.memory_space<vmem_shared>> -> memref<16x16xf32, #tpu.memory_space<vmem_shared>>
        %dma_start3A_1388 = arith.constant 0 : i32
        %dma_start3A_1389 = arith.constant 0 : i32
        %dma_start3A_1390 = tpu.memref_slice %arg16[%dma_start3A_1388, %dma_start3A_1389] : memref<16x16xf32, #tpu.memory_space<vmem>> -> memref<16x16xf32, #tpu.memory_space<vmem>>
        tpu.enqueue_dma source(%dma_start3A_1390 : memref<16x16xf32, #tpu.memory_space<vmem>>) target(%dma_start3A_1387 : memref<16x16xf32, #tpu.memory_space<vmem_shared>>) target_semaphore(%run_scoped3A : memref<!tpu.dma_semaphore, #tpu.memory_space<semaphore_mem>>)
        %dma_wait3A = arith.constant 0 : i32
        %dma_wait3A_1391 = arith.constant 0 : i32
        %dma_wait3A_1392 = tpu.memref_slice %arg16[%dma_wait3A, %dma_wait3A_1391] : memref<16x16xf32, #tpu.memory_space<vmem>> -> memref<16x16xf32, #tpu.memory_space<vmem>>
        %dma_wait3A_1393 = arith.constant 9984 : i32
        %dma_wait3A_1394 = arith.constant 0 : i32
        %dma_wait3A_1395 = tpu.memref_slice %arg17[%dma_wait3A_1393, %dma_wait3A_1394] : memref<10000x16xf32, #tpu.memory_space<vmem_shared>> -> memref<16x16xf32, #tpu.memory_space<vmem_shared>>
        %dma_wait3A_1396 = arith.constant 9984 : i32
        %dma_wait3A_1397 = arith.constant 0 : i32
        %dma_wait3A_1398 = tpu.memref_slice %arg17[%dma_wait3A_1396, %dma_wait3A_1397] : memref<10000x16xf32, #tpu.memory_space<vmem_shared>> -> memref<16x16xf32, #tpu.memory_space<vmem_shared>>
        %dma_wait3A_1399 = arith.constant 0 : i32
        %dma_wait3A_1400 = arith.constant 0 : i32
        %dma_wait3A_1401 = tpu.memref_slice %arg16[%dma_wait3A_1399, %dma_wait3A_1400] : memref<16x16xf32, #tpu.memory_space<vmem>> -> memref<16x16xf32, #tpu.memory_space<vmem>>
        tpu.wait_dma2 semaphore(%run_scoped3A : memref<!tpu.dma_semaphore, #tpu.memory_space<semaphore_mem>>) src(%dma_wait3A_1401 : memref<16x16xf32, #tpu.memory_space<vmem>>) dst(%dma_wait3A_1398 : memref<16x16xf32, #tpu.memory_space<vmem_shared>>)
        tpu.yield
      }) : () -> ()
    } else {
    }
    %barrier3A = arith.constant 0 : index
    tpu.barrier barrier_id(%barrier3A)
    %scan3A_1354 = arith.constant 0 : i32
    %scan3A_1355 = arith.constant 0 : i32
    %scan3A_1356 = arith.constant 5 : i32
    %scan3A_1357 = arith.addi %scan3A_1355, %scan3A_1356 : i32
    %scan3A_1358 = arith.constant 1 : i32
    scf.for %scan3A_1380 = %scan3A_1355 to %scan3A_1357 step %scan3A_1358  : i32 {
      "tpu.region"() ({
        %run_scoped3A = tpu.sem_alloc : memref<!tpu.dma_semaphore, #tpu.memory_space<semaphore_mem>>
        %dma_start3A_1393 = arith.constant 0 : i32
        %dma_start3A_1394 = arith.constant 0 : i32
        %dma_start3A_1395 = tpu.memref_slice %arg3[%add3A, %scan3A_1380, %dma_start3A_1393, %dma_start3A_1394] : memref<32x5x25x80xi32, #tpu.memory_space<hbm>> -> memref<1x1x25x80xi32, #tpu.memory_space<hbm>>
        %dma_start3A_1396 = tpu.memref_squeeze %dma_start3A_1395 : memref<1x1x25x80xi32, #tpu.memory_space<hbm>> -> memref<25x80xi32, #tpu.memory_space<hbm>>
        %dma_start3A_1397 = arith.constant 0 : i32
        %dma_start3A_1398 = arith.constant 0 : i32
        %dma_start3A_1399 = tpu.memref_slice %arg3[%add3A, %scan3A_1380, %dma_start3A_1397, %dma_start3A_1398] : memref<32x5x25x80xi32, #tpu.memory_space<hbm>> -> memref<1x1x25x80xi32, #tpu.memory_space<hbm>>
        %dma_start3A_1400 = tpu.memref_squeeze %dma_start3A_1399 : memref<1x1x25x80xi32, #tpu.memory_space<hbm>> -> memref<25x80xi32, #tpu.memory_space<hbm>>
        tpu.enqueue_dma source(%dma_start3A_1400 : memref<25x80xi32, #tpu.memory_space<hbm>>) target(%arg7 : memref<25x80xi32, #tpu.memory_space<vmem>>) target_semaphore(%run_scoped3A : memref<!tpu.dma_semaphore, #tpu.memory_space<semaphore_mem>>)
        %dma_wait3A = arith.constant 0 : i32
        %dma_wait3A_1401 = arith.constant 0 : i32
        %dma_wait3A_1402 = tpu.memref_slice %arg3[%add3A, %scan3A_1380, %dma_wait3A, %dma_wait3A_1401] : memref<32x5x25x80xi32, #tpu.memory_space<hbm>> -> memref<1x1x25x80xi32, #tpu.memory_space<hbm>>
        %dma_wait3A_1403 = tpu.memref_squeeze %dma_wait3A_1402 : memref<1x1x25x80xi32, #tpu.memory_space<hbm>> -> memref<25x80xi32, #tpu.memory_space<hbm>>
        %dma_wait3A_1404 = arith.constant 0 : i32
        %dma_wait3A_1405 = arith.constant 0 : i32
        %dma_wait3A_1406 = tpu.memref_slice %arg3[%add3A, %scan3A_1380, %dma_wait3A_1404, %dma_wait3A_1405] : memref<32x5x25x80xi32, #tpu.memory_space<hbm>> -> memref<1x1x25x80xi32, #tpu.memory_space<hbm>>
        %dma_wait3A_1407 = tpu.memref_squeeze %dma_wait3A_1406 : memref<1x1x25x80xi32, #tpu.memory_space<hbm>> -> memref<25x80xi32, #tpu.memory_space<hbm>>
        tpu.wait_dma2 semaphore(%run_scoped3A : memref<!tpu.dma_semaphore, #tpu.memory_space<semaphore_mem>>) src(%dma_wait3A_1407 : memref<25x80xi32, #tpu.memory_space<hbm>>) dst(%arg7 : memref<25x80xi32, #tpu.memory_space<vmem>>)
        tpu.yield
      }) : () -> ()
      "tpu.region"() ({
        %run_scoped3A = tpu.sem_alloc : memref<!tpu.dma_semaphore, #tpu.memory_space<semaphore_mem>>
        %dma_start3A_1393 = arith.constant 0 : i32
        %dma_start3A_1394 = arith.constant 0 : i32
        %dma_start3A_1395 = tpu.memref_slice %arg4[%add3A, %scan3A_1380, %dma_start3A_1393, %dma_start3A_1394] : memref<32x5x25x80xi32, #tpu.memory_space<hbm>> -> memref<1x1x25x80xi32, #tpu.memory_space<hbm>>
        %dma_start3A_1396 = tpu.memref_squeeze %dma_start3A_1395 : memref<1x1x25x80xi32, #tpu.memory_space<hbm>> -> memref<25x80xi32, #tpu.memory_space<hbm>>
        %dma_start3A_1397 = arith.constant 0 : i32
        %dma_start3A_1398 = arith.constant 0 : i32
        %dma_start3A_1399 = tpu.memref_slice %arg4[%add3A, %scan3A_1380, %dma_start3A_1397, %dma_start3A_1398] : memref<32x5x25x80xi32, #tpu.memory_space<hbm>> -> memref<1x1x25x80xi32, #tpu.memory_space<hbm>>
        %dma_start3A_1400 = tpu.memref_squeeze %dma_start3A_1399 : memref<1x1x25x80xi32, #tpu.memory_space<hbm>> -> memref<25x80xi32, #tpu.memory_space<hbm>>
        tpu.enqueue_dma source(%dma_start3A_1400 : memref<25x80xi32, #tpu.memory_space<hbm>>) target(%arg8 : memref<25x80xi32, #tpu.memory_space<vmem>>) target_semaphore(%run_scoped3A : memref<!tpu.dma_semaphore, #tpu.memory_space<semaphore_mem>>)
        %dma_wait3A = arith.constant 0 : i32
        %dma_wait3A_1401 = arith.constant 0 : i32
        %dma_wait3A_1402 = tpu.memref_slice %arg4[%add3A, %scan3A_1380, %dma_wait3A, %dma_wait3A_1401] : memref<32x5x25x80xi32, #tpu.memory_space<hbm>> -> memref<1x1x25x80xi32, #tpu.memory_space<hbm>>
        %dma_wait3A_1403 = tpu.memref_squeeze %dma_wait3A_1402 : memref<1x1x25x80xi32, #tpu.memory_space<hbm>> -> memref<25x80xi32, #tpu.memory_space<hbm>>
        %dma_wait3A_1404 = arith.constant 0 : i32
        %dma_wait3A_1405 = arith.constant 0 : i32
        %dma_wait3A_1406 = tpu.memref_slice %arg4[%add3A, %scan3A_1380, %dma_wait3A_1404, %dma_wait3A_1405] : memref<32x5x25x80xi32, #tpu.memory_space<hbm>> -> memref<1x1x25x80xi32, #tpu.memory_space<hbm>>
        %dma_wait3A_1407 = tpu.memref_squeeze %dma_wait3A_1406 : memref<1x1x25x80xi32, #tpu.memory_space<hbm>> -> memref<25x80xi32, #tpu.memory_space<hbm>>
        tpu.wait_dma2 semaphore(%run_scoped3A : memref<!tpu.dma_semaphore, #tpu.memory_space<semaphore_mem>>) src(%dma_wait3A_1407 : memref<25x80xi32, #tpu.memory_space<hbm>>) dst(%arg8 : memref<25x80xi32, #tpu.memory_space<vmem>>)
        tpu.yield
      }) : () -> ()
      %dma_start3A = arith.constant 0 : i32
      %dma_start3A_1381 = arith.constant 0 : i32
      %dma_start3A_1382 = tpu.memref_slice %arg7[%dma_start3A, %dma_start3A_1381] : memref<25x80xi32, #tpu.memory_space<vmem>> -> memref<1x80xi32, #tpu.memory_space<vmem>>
      %dma_start3A_1383 = tpu.memref_squeeze %dma_start3A_1382 : memref<1x80xi32, #tpu.memory_space<vmem>> -> memref<80xi32, #tpu.memory_space<vmem>>
      %dma_start3A_1384 = arith.constant 0 : i32
      %dma_start3A_1385 = arith.constant 0 : i32
      %dma_start3A_1386 = tpu.memref_slice %arg2[%dma_start3A_1384, %dma_start3A_1385] : memref<10000x128xf32, #tpu.memory_space<hbm>> -> memref<10000x128xf32, #tpu.memory_space<hbm>>
      tpu.enqueue_indirect_dma source(%dma_start3A_1386 : memref<10000x128xf32, #tpu.memory_space<hbm>>) target(%arg9 : memref<80x128xf32, #tpu.memory_space<vmem>>) offsets(%dma_start3A_1383 : memref<80xi32, #tpu.memory_space<vmem>>) semaphore(%arg13 : memref<!tpu.dma_semaphore, #tpu.memory_space<semaphore_mem>>)
      %scan3A_1387 = arith.constant 0 : i32
      %scan3A_1388 = arith.constant 0 : i32
      %scan3A_1389 = arith.constant 25 : i32
      %scan3A_1390 = arith.addi %scan3A_1388, %scan3A_1389 : i32
      %scan3A_1391 = arith.constant 1 : i32
      scf.for %scan3A_1393 = %scan3A_1388 to %scan3A_1390 step %scan3A_1391  : i32 {
        %add3A_1394 = arith.constant 1 : i32
        %add3A_1395 = arith.addi %scan3A_1393, %add3A_1394 : i32
        %lt3A = arith.constant 25 : i32
        %lt3A_1396 = arith.cmpi slt, %add3A_1395, %lt3A : i32
        %rem3A = arith.constant 2 : i32
        %rem3A_1397 = arith.remsi %add3A_1395, %rem3A : i32
        %eq3A_1398 = arith.constant 0 : i32
        %eq3A_1399 = arith.cmpi eq, %rem3A_1397, %eq3A_1398 : i32
        %and3A = arith.andi %lt3A_1396, %eq3A_1399 : i1
        %convert_element_type3A_1400 = arith.extui %and3A : i1 to i32
        %cond3A_1401 = arith.constant 0 : i32
        %cond3A_1402 = arith.cmpi ne, %convert_element_type3A_1400, %cond3A_1401 : i32
        scf.if %cond3A_1402 {
          %dma_start3A_1427 = arith.constant 0 : i32
          %dma_start3A_1428 = tpu.memref_slice %arg7[%add3A_1395, %dma_start3A_1427] : memref<25x80xi32, #tpu.memory_space<vmem>> -> memref<1x80xi32, #tpu.memory_space<vmem>>
          %dma_start3A_1429 = tpu.memref_squeeze %dma_start3A_1428 : memref<1x80xi32, #tpu.memory_space<vmem>> -> memref<80xi32, #tpu.memory_space<vmem>>
          %dma_start3A_1430 = arith.constant 0 : i32
          %dma_start3A_1431 = arith.constant 0 : i32
          %dma_start3A_1432 = tpu.memref_slice %arg2[%dma_start3A_1430, %dma_start3A_1431] : memref<10000x128xf32, #tpu.memory_space<hbm>> -> memref<10000x128xf32, #tpu.memory_space<hbm>>
          tpu.enqueue_indirect_dma source(%dma_start3A_1432 : memref<10000x128xf32, #tpu.memory_space<hbm>>) target(%arg9 : memref<80x128xf32, #tpu.memory_space<vmem>>) offsets(%dma_start3A_1429 : memref<80xi32, #tpu.memory_space<vmem>>) semaphore(%arg13 : memref<!tpu.dma_semaphore, #tpu.memory_space<semaphore_mem>>)
        } else {
        }
        %lt3A_1403 = arith.constant 25 : i32
        %lt3A_1404 = arith.cmpi slt, %add3A_1395, %lt3A_1403 : i32
        %rem3A_1405 = arith.constant 2 : i32
        %rem3A_1406 = arith.remsi %add3A_1395, %rem3A_1405 : i32
        %eq3A_1407 = arith.constant 1 : i32
        %eq3A_1408 = arith.cmpi eq, %rem3A_1406, %eq3A_1407 : i32
        %and3A_1409 = arith.andi %lt3A_1404, %eq3A_1408 : i1
        %convert_element_type3A_1410 = arith.extui %and3A_1409 : i1 to i32
        %cond3A_1411 = arith.constant 0 : i32
        %cond3A_1412 = arith.cmpi ne, %convert_element_type3A_1410, %cond3A_1411 : i32
        scf.if %cond3A_1412 {
          %dma_start3A_1427 = arith.constant 0 : i32
          %dma_start3A_1428 = tpu.memref_slice %arg7[%add3A_1395, %dma_start3A_1427] : memref<25x80xi32, #tpu.memory_space<vmem>> -> memref<1x80xi32, #tpu.memory_space<vmem>>
          %dma_start3A_1429 = tpu.memref_squeeze %dma_start3A_1428 : memref<1x80xi32, #tpu.memory_space<vmem>> -> memref<80xi32, #tpu.memory_space<vmem>>
          %dma_start3A_1430 = arith.constant 0 : i32
          %dma_start3A_1431 = arith.constant 0 : i32
          %dma_start3A_1432 = tpu.memref_slice %arg2[%dma_start3A_1430, %dma_start3A_1431] : memref<10000x128xf32, #tpu.memory_space<hbm>> -> memref<10000x128xf32, #tpu.memory_space<hbm>>
          tpu.enqueue_indirect_dma source(%dma_start3A_1432 : memref<10000x128xf32, #tpu.memory_space<hbm>>) target(%arg10 : memref<80x128xf32, #tpu.memory_space<vmem>>) offsets(%dma_start3A_1429 : memref<80xi32, #tpu.memory_space<vmem>>) semaphore(%arg14 : memref<!tpu.dma_semaphore, #tpu.memory_space<semaphore_mem>>)
        } else {
        }
        %rem3A_1413 = arith.constant 2 : i32
        %rem3A_1414 = arith.remsi %scan3A_1393, %rem3A_1413 : i32
        %eq3A_1415 = arith.constant 0 : i32
        %eq3A_1416 = arith.cmpi eq, %rem3A_1414, %eq3A_1415 : i32
        %convert_element_type3A_1417 = arith.extui %eq3A_1416 : i1 to i32
        %cond3A_1418 = arith.constant 0 : i32
        %cond3A_1419 = arith.cmpi ne, %convert_element_type3A_1417, %cond3A_1418 : i32
        scf.if %cond3A_1419 {
          %dma_wait3A = arith.constant 0 : i32
          %dma_wait3A_1427 = tpu.memref_slice %arg7[%scan3A_1393, %dma_wait3A] : memref<25x80xi32, #tpu.memory_space<vmem>> -> memref<1x80xi32, #tpu.memory_space<vmem>>
          %dma_wait3A_1428 = tpu.memref_squeeze %dma_wait3A_1427 : memref<1x80xi32, #tpu.memory_space<vmem>> -> memref<80xi32, #tpu.memory_space<vmem>>
          %dma_wait3A_1429 = arith.constant 0 : i32
          %dma_wait3A_1430 = arith.constant 0 : i32
          %dma_wait3A_1431 = tpu.memref_slice %arg2[%dma_wait3A_1429, %dma_wait3A_1430] : memref<10000x128xf32, #tpu.memory_space<hbm>> -> memref<10000x128xf32, #tpu.memory_space<hbm>>
          tpu.wait_indirect_dma semaphore(%arg13 : memref<!tpu.dma_semaphore, #tpu.memory_space<semaphore_mem>>) src(%dma_wait3A_1431 : memref<10000x128xf32, #tpu.memory_space<hbm>>) dst(%arg9 : memref<80x128xf32, #tpu.memory_space<vmem>>)
          "tpu.region"() ({
            %run_scoped3A = tpu.sem_alloc : memref<!tpu.dma_semaphore, #tpu.memory_space<semaphore_mem>>
            %dma_start3A_1432 = arith.constant 0 : i32
            %dma_start3A_1433 = tpu.memref_slice %arg8[%scan3A_1393, %dma_start3A_1432] : memref<25x80xi32, #tpu.memory_space<vmem>> -> memref<1x80xi32, #tpu.memory_space<vmem>>
            %dma_start3A_1434 = tpu.memref_squeeze %dma_start3A_1433 : memref<1x80xi32, #tpu.memory_space<vmem>> -> memref<80xi32, #tpu.memory_space<vmem>>
            %dma_start3A_1435 = arith.constant 0 : i32
            %dma_start3A_1436 = arith.constant 0 : i32
            %dma_start3A_1437 = tpu.memref_slice %arg12[%dma_start3A_1435, %dma_start3A_1436] : memref<10000x128xf32, #tpu.memory_space<vmem_shared>> -> memref<10000x128xf32, #tpu.memory_space<vmem_shared>>
            tpu.enqueue_indirect_dma source(%arg9 : memref<80x128xf32, #tpu.memory_space<vmem>>) target(%dma_start3A_1437 : memref<10000x128xf32, #tpu.memory_space<vmem_shared>>) offsets(%dma_start3A_1434 : memref<80xi32, #tpu.memory_space<vmem>>) semaphore(%run_scoped3A : memref<!tpu.dma_semaphore, #tpu.memory_space<semaphore_mem>>) {add = true}
            %dma_wait3A_1438 = arith.constant 0 : i32
            %dma_wait3A_1439 = tpu.memref_slice %arg8[%scan3A_1393, %dma_wait3A_1438] : memref<25x80xi32, #tpu.memory_space<vmem>> -> memref<1x80xi32, #tpu.memory_space<vmem>>
            %dma_wait3A_1440 = tpu.memref_squeeze %dma_wait3A_1439 : memref<1x80xi32, #tpu.memory_space<vmem>> -> memref<80xi32, #tpu.memory_space<vmem>>
            %dma_wait3A_1441 = arith.constant 0 : i32
            %dma_wait3A_1442 = arith.constant 0 : i32
            %dma_wait3A_1443 = tpu.memref_slice %arg12[%dma_wait3A_1441, %dma_wait3A_1442] : memref<10000x128xf32, #tpu.memory_space<vmem_shared>> -> memref<10000x128xf32, #tpu.memory_space<vmem_shared>>
            tpu.wait_indirect_dma semaphore(%run_scoped3A : memref<!tpu.dma_semaphore, #tpu.memory_space<semaphore_mem>>) src(%arg9 : memref<80x128xf32, #tpu.memory_space<vmem>>) dst(%dma_wait3A_1443 : memref<10000x128xf32, #tpu.memory_space<vmem_shared>>)
            tpu.yield
          }) : () -> ()
        } else {
        }
        %rem3A_1420 = arith.constant 2 : i32
        %rem3A_1421 = arith.remsi %scan3A_1393, %rem3A_1420 : i32
        %eq3A_1422 = arith.constant 1 : i32
        %eq3A_1423 = arith.cmpi eq, %rem3A_1421, %eq3A_1422 : i32
        %convert_element_type3A_1424 = arith.extui %eq3A_1423 : i1 to i32
        %cond3A_1425 = arith.constant 0 : i32
        %cond3A_1426 = arith.cmpi ne, %convert_element_type3A_1424, %cond3A_1425 : i32
        scf.if %cond3A_1426 {
          %dma_wait3A = arith.constant 0 : i32
          %dma_wait3A_1427 = tpu.memref_slice %arg7[%scan3A_1393, %dma_wait3A] : memref<25x80xi32, #tpu.memory_space<vmem>> -> memref<1x80xi32, #tpu.memory_space<vmem>>
          %dma_wait3A_1428 = tpu.memref_squeeze %dma_wait3A_1427 : memref<1x80xi32, #tpu.memory_space<vmem>> -> memref<80xi32, #tpu.memory_space<vmem>>
          %dma_wait3A_1429 = arith.constant 0 : i32
          %dma_wait3A_1430 = arith.constant 0 : i32
          %dma_wait3A_1431 = tpu.memref_slice %arg2[%dma_wait3A_1429, %dma_wait3A_1430] : memref<10000x128xf32, #tpu.memory_space<hbm>> -> memref<10000x128xf32, #tpu.memory_space<hbm>>
          tpu.wait_indirect_dma semaphore(%arg14 : memref<!tpu.dma_semaphore, #tpu.memory_space<semaphore_mem>>) src(%dma_wait3A_1431 : memref<10000x128xf32, #tpu.memory_space<hbm>>) dst(%arg10 : memref<80x128xf32, #tpu.memory_space<vmem>>)
          "tpu.region"() ({
            %run_scoped3A = tpu.sem_alloc : memref<!tpu.dma_semaphore, #tpu.memory_space<semaphore_mem>>
            %dma_start3A_1432 = arith.constant 0 : i32
            %dma_start3A_1433 = tpu.memref_slice %arg8[%scan3A_1393, %dma_start3A_1432] : memref<25x80xi32, #tpu.memory_space<vmem>> -> memref<1x80xi32, #tpu.memory_space<vmem>>
            %dma_start3A_1434 = tpu.memref_squeeze %dma_start3A_1433 : memref<1x80xi32, #tpu.memory_space<vmem>> -> memref<80xi32, #tpu.memory_space<vmem>>
            %dma_start3A_1435 = arith.constant 0 : i32
            %dma_start3A_1436 = arith.constant 0 : i32
            %dma_start3A_1437 = tpu.memref_slice %arg12[%dma_start3A_1435, %dma_start3A_1436] : memref<10000x128xf32, #tpu.memory_space<vmem_shared>> -> memref<10000x128xf32, #tpu.memory_space<vmem_shared>>
            tpu.enqueue_indirect_dma source(%arg10 : memref<80x128xf32, #tpu.memory_space<vmem>>) target(%dma_start3A_1437 : memref<10000x128xf32, #tpu.memory_space<vmem_shared>>) offsets(%dma_start3A_1434 : memref<80xi32, #tpu.memory_space<vmem>>) semaphore(%run_scoped3A : memref<!tpu.dma_semaphore, #tpu.memory_space<semaphore_mem>>) {add = true}
            %dma_wait3A_1438 = arith.constant 0 : i32
            %dma_wait3A_1439 = tpu.memref_slice %arg8[%scan3A_1393, %dma_wait3A_1438] : memref<25x80xi32, #tpu.memory_space<vmem>> -> memref<1x80xi32, #tpu.memory_space<vmem>>
            %dma_wait3A_1440 = tpu.memref_squeeze %dma_wait3A_1439 : memref<1x80xi32, #tpu.memory_space<vmem>> -> memref<80xi32, #tpu.memory_space<vmem>>
            %dma_wait3A_1441 = arith.constant 0 : i32
            %dma_wait3A_1442 = arith.constant 0 : i32
            %dma_wait3A_1443 = tpu.memref_slice %arg12[%dma_wait3A_1441, %dma_wait3A_1442] : memref<10000x128xf32, #tpu.memory_space<vmem_shared>> -> memref<10000x128xf32, #tpu.memory_space<vmem_shared>>
            tpu.wait_indirect_dma semaphore(%run_scoped3A : memref<!tpu.dma_semaphore, #tpu.memory_space<semaphore_mem>>) src(%arg10 : memref<80x128xf32, #tpu.memory_space<vmem>>) dst(%dma_wait3A_1443 : memref<10000x128xf32, #tpu.memory_space<vmem_shared>>)
            tpu.yield
          }) : () -> ()
        } else {
        }
        "tpu.region"() ({
          %run_scoped3A = tpu.sem_alloc : memref<!tpu.dma_semaphore, #tpu.memory_space<semaphore_mem>>
          %dma_start3A_1427 = arith.constant 0 : i32
          %dma_start3A_1428 = tpu.memref_slice %arg8[%scan3A_1393, %dma_start3A_1427] : memref<25x80xi32, #tpu.memory_space<vmem>> -> memref<1x80xi32, #tpu.memory_space<vmem>>
          %dma_start3A_1429 = tpu.memref_squeeze %dma_start3A_1428 : memref<1x80xi32, #tpu.memory_space<vmem>> -> memref<80xi32, #tpu.memory_space<vmem>>
          %dma_start3A_1430 = arith.constant 0 : i32
          %dma_start3A_1431 = arith.constant 0 : i32
          %dma_start3A_1432 = tpu.memref_slice %arg17[%dma_start3A_1430, %dma_start3A_1431] : memref<10000x16xf32, #tpu.memory_space<vmem_shared>> -> memref<10000x16xf32, #tpu.memory_space<vmem_shared>>
          tpu.enqueue_indirect_dma source(%arg15 : memref<80x16xf32, #tpu.memory_space<vmem>>) target(%dma_start3A_1432 : memref<10000x16xf32, #tpu.memory_space<vmem_shared>>) offsets(%dma_start3A_1429 : memref<80xi32, #tpu.memory_space<vmem>>) semaphore(%run_scoped3A : memref<!tpu.dma_semaphore, #tpu.memory_space<semaphore_mem>>) {add = true}
          %dma_wait3A = arith.constant 0 : i32
          %dma_wait3A_1433 = tpu.memref_slice %arg8[%scan3A_1393, %dma_wait3A] : memref<25x80xi32, #tpu.memory_space<vmem>> -> memref<1x80xi32, #tpu.memory_space<vmem>>
          %dma_wait3A_1434 = tpu.memref_squeeze %dma_wait3A_1433 : memref<1x80xi32, #tpu.memory_space<vmem>> -> memref<80xi32, #tpu.memory_space<vmem>>
          %dma_wait3A_1435 = arith.constant 0 : i32
          %dma_wait3A_1436 = arith.constant 0 : i32
          %dma_wait3A_1437 = tpu.memref_slice %arg17[%dma_wait3A_1435, %dma_wait3A_1436] : memref<10000x16xf32, #tpu.memory_space<vmem_shared>> -> memref<10000x16xf32, #tpu.memory_space<vmem_shared>>
          tpu.wait_indirect_dma semaphore(%run_scoped3A : memref<!tpu.dma_semaphore, #tpu.memory_space<semaphore_mem>>) src(%arg15 : memref<80x16xf32, #tpu.memory_space<vmem>>) dst(%dma_wait3A_1437 : memref<10000x16xf32, #tpu.memory_space<vmem_shared>>)
          tpu.yield
        }) : () -> ()
      }
      %scan3A_1392 = arith.constant 25 : i32
    }
    %scan3A_1359 = arith.constant 5 : i32
    %barrier3A_1360 = arith.constant 0 : index
    tpu.barrier barrier_id(%barrier3A_1360)
    %mul3A_1361 = arith.constant 624 : i32
    %mul3A_1362 = arith.muli %arg1, %mul3A_1361 : i32
    %mul3A_1363 = arith.constant 10000 : i32
    %mul3A_1364 = arith.muli %arg0, %mul3A_1363 : i32
    %mul3A_1365 = arith.constant 624 : i32
    %mul3A_1366 = arith.muli %arg1, %mul3A_1365 : i32
    %add3A_1367 = arith.addi %mul3A_1364, %mul3A_1366 : i32
    "tpu.region"() ({
      %run_scoped3A = tpu.sem_alloc : memref<!tpu.dma_semaphore, #tpu.memory_space<semaphore_mem>>
      %dma_start3A = arith.constant 0 : i32
      %dma_start3A_1380 = tpu.memref_slice %arg5[%add3A_1367, %dma_start3A] : memref<20000x128xf32, #tpu.memory_space<hbm>> -> memref<624x128xf32, #tpu.memory_space<hbm>>
      %dma_start3A_1381 = arith.constant 0 : i32
      %dma_start3A_1382 = tpu.memref_slice %arg12[%mul3A_1362, %dma_start3A_1381] : memref<10000x128xf32, #tpu.memory_space<vmem_shared>> -> memref<624x128xf32, #tpu.memory_space<vmem_shared>>
      tpu.enqueue_dma source(%dma_start3A_1382 : memref<624x128xf32, #tpu.memory_space<vmem_shared>>) target(%dma_start3A_1380 : memref<624x128xf32, #tpu.memory_space<hbm>>) target_semaphore(%run_scoped3A : memref<!tpu.dma_semaphore, #tpu.memory_space<semaphore_mem>>)
      %dma_wait3A = arith.constant 0 : i32
      %dma_wait3A_1383 = tpu.memref_slice %arg5[%add3A_1367, %dma_wait3A] : memref<20000x128xf32, #tpu.memory_space<hbm>> -> memref<624x128xf32, #tpu.memory_space<hbm>>
      %dma_wait3A_1384 = arith.constant 0 : i32
      %dma_wait3A_1385 = tpu.memref_slice %arg12[%mul3A_1362, %dma_wait3A_1384] : memref<10000x128xf32, #tpu.memory_space<vmem_shared>> -> memref<624x128xf32, #tpu.memory_space<vmem_shared>>
      tpu.wait_dma2 semaphore(%run_scoped3A : memref<!tpu.dma_semaphore, #tpu.memory_space<semaphore_mem>>) src(%dma_wait3A_1385 : memref<624x128xf32, #tpu.memory_space<vmem_shared>>) dst(%dma_wait3A_1383 : memref<624x128xf32, #tpu.memory_space<hbm>>)
      tpu.yield
    }) : () -> ()
    %mul3A_1368 = arith.constant 624 : i32
    %mul3A_1369 = arith.muli %arg1, %mul3A_1368 : i32
    %mul3A_1370 = arith.constant 10000 : i32
    %mul3A_1371 = arith.muli %arg0, %mul3A_1370 : i32
    %mul3A_1372 = arith.constant 624 : i32
    %mul3A_1373 = arith.muli %arg1, %mul3A_1372 : i32
    %add3A_1374 = arith.addi %mul3A_1371, %mul3A_1373 : i32
    "tpu.region"() ({
      %run_scoped3A = tpu.sem_alloc : memref<!tpu.dma_semaphore, #tpu.memory_space<semaphore_mem>>
      %dma_start3A = arith.constant 0 : i32
      %dma_start3A_1380 = tpu.memref_slice %arg6[%add3A_1374, %dma_start3A] : memref<20000x16xf32, #tpu.memory_space<hbm>> -> memref<624x16xf32, #tpu.memory_space<hbm>>
      %dma_start3A_1381 = arith.constant 0 : i32
      %dma_start3A_1382 = tpu.memref_slice %arg17[%mul3A_1369, %dma_start3A_1381] : memref<10000x16xf32, #tpu.memory_space<vmem_shared>> -> memref<624x16xf32, #tpu.memory_space<vmem_shared>>
      tpu.enqueue_dma source(%dma_start3A_1382 : memref<624x16xf32, #tpu.memory_space<vmem_shared>>) target(%dma_start3A_1380 : memref<624x16xf32, #tpu.memory_space<hbm>>) target_semaphore(%run_scoped3A : memref<!tpu.dma_semaphore, #tpu.memory_space<semaphore_mem>>)
      %dma_wait3A = arith.constant 0 : i32
      %dma_wait3A_1383 = tpu.memref_slice %arg6[%add3A_1374, %dma_wait3A] : memref<20000x16xf32, #tpu.memory_space<hbm>> -> memref<624x16xf32, #tpu.memory_space<hbm>>
      %dma_wait3A_1384 = arith.constant 0 : i32
      %dma_wait3A_1385 = tpu.memref_slice %arg17[%mul3A_1369, %dma_wait3A_1384] : memref<10000x16xf32, #tpu.memory_space<vmem_shared>> -> memref<624x16xf32, #tpu.memory_space<vmem_shared>>
      tpu.wait_dma2 semaphore(%run_scoped3A : memref<!tpu.dma_semaphore, #tpu.memory_space<semaphore_mem>>) src(%dma_wait3A_1385 : memref<624x16xf32, #tpu.memory_space<vmem_shared>>) dst(%dma_wait3A_1383 : memref<624x16xf32, #tpu.memory_space<hbm>>)
      tpu.yield
    }) : () -> ()
    %eq3A_1375 = arith.constant 15 : i32
    %eq3A_1376 = arith.cmpi eq, %arg1, %eq3A_1375 : i32
    %convert_element_type3A_1377 = arith.extui %eq3A_1376 : i1 to i32
    %cond3A_1378 = arith.constant 0 : i32
    %cond3A_1379 = arith.cmpi ne, %convert_element_type3A_1377, %cond3A_1378 : i32
    scf.if %cond3A_1379 {
      %mul3A_1380 = arith.constant 10000 : i32
      %mul3A_1381 = arith.muli %arg0, %mul3A_1380 : i32
      %add3A_1382 = arith.constant 9984 : i32
      %add3A_1383 = arith.addi %mul3A_1381, %add3A_1382 : i32
      "tpu.region"() ({
        %run_scoped3A = tpu.sem_alloc : memref<!tpu.dma_semaphore, #tpu.memory_space<semaphore_mem>>
        %dma_start3A = arith.constant 0 : i32
        %dma_start3A_1388 = tpu.memref_slice %arg5[%add3A_1383, %dma_start3A] : memref<20000x128xf32, #tpu.memory_space<hbm>> -> memref<16x128xf32, #tpu.memory_space<hbm>>
        %dma_start3A_1389 = arith.constant 9984 : i32
        %dma_start3A_1390 = arith.constant 0 : i32
        %dma_start3A_1391 = tpu.memref_slice %arg12[%dma_start3A_1389, %dma_start3A_1390] : memref<10000x128xf32, #tpu.memory_space<vmem_shared>> -> memref<16x128xf32, #tpu.memory_space<vmem_shared>>
        tpu.enqueue_dma source(%dma_start3A_1391 : memref<16x128xf32, #tpu.memory_space<vmem_shared>>) target(%dma_start3A_1388 : memref<16x128xf32, #tpu.memory_space<hbm>>) target_semaphore(%run_scoped3A : memref<!tpu.dma_semaphore, #tpu.memory_space<semaphore_mem>>)
        %dma_wait3A = arith.constant 0 : i32
        %dma_wait3A_1392 = tpu.memref_slice %arg5[%add3A_1383, %dma_wait3A] : memref<20000x128xf32, #tpu.memory_space<hbm>> -> memref<16x128xf32, #tpu.memory_space<hbm>>
        %dma_wait3A_1393 = arith.constant 9984 : i32
        %dma_wait3A_1394 = arith.constant 0 : i32
        %dma_wait3A_1395 = tpu.memref_slice %arg12[%dma_wait3A_1393, %dma_wait3A_1394] : memref<10000x128xf32, #tpu.memory_space<vmem_shared>> -> memref<16x128xf32, #tpu.memory_space<vmem_shared>>
        tpu.wait_dma2 semaphore(%run_scoped3A : memref<!tpu.dma_semaphore, #tpu.memory_space<semaphore_mem>>) src(%dma_wait3A_1395 : memref<16x128xf32, #tpu.memory_space<vmem_shared>>) dst(%dma_wait3A_1392 : memref<16x128xf32, #tpu.memory_space<hbm>>)
        tpu.yield
      }) : () -> ()
      %mul3A_1384 = arith.constant 10000 : i32
      %mul3A_1385 = arith.muli %arg0, %mul3A_1384 : i32
      %add3A_1386 = arith.constant 9984 : i32
      %add3A_1387 = arith.addi %mul3A_1385, %add3A_1386 : i32
      "tpu.region"() ({
        %run_scoped3A = tpu.sem_alloc : memref<!tpu.dma_semaphore, #tpu.memory_space<semaphore_mem>>
        %dma_start3A = arith.constant 0 : i32
        %dma_start3A_1388 = tpu.memref_slice %arg6[%add3A_1387, %dma_start3A] : memref<20000x16xf32, #tpu.memory_space<hbm>> -> memref<16x16xf32, #tpu.memory_space<hbm>>
        %dma_start3A_1389 = arith.constant 9984 : i32
        %dma_start3A_1390 = arith.constant 0 : i32
        %dma_start3A_1391 = tpu.memref_slice %arg17[%dma_start3A_1389, %dma_start3A_1390] : memref<10000x16xf32, #tpu.memory_space<vmem_shared>> -> memref<16x16xf32, #tpu.memory_space<vmem_shared>>
        tpu.enqueue_dma source(%dma_start3A_1391 : memref<16x16xf32, #tpu.memory_space<vmem_shared>>) target(%dma_start3A_1388 : memref<16x16xf32, #tpu.memory_space<hbm>>) target_semaphore(%run_scoped3A : memref<!tpu.dma_semaphore, #tpu.memory_space<semaphore_mem>>)
        %dma_wait3A = arith.constant 0 : i32
        %dma_wait3A_1392 = tpu.memref_slice %arg6[%add3A_1387, %dma_wait3A] : memref<20000x16xf32, #tpu.memory_space<hbm>> -> memref<16x16xf32, #tpu.memory_space<hbm>>
        %dma_wait3A_1393 = arith.constant 9984 : i32
        %dma_wait3A_1394 = arith.constant 0 : i32
        %dma_wait3A_1395 = tpu.memref_slice %arg17[%dma_wait3A_1393, %dma_wait3A_1394] : memref<10000x16xf32, #tpu.memory_space<vmem_shared>> -> memref<16x16xf32, #tpu.memory_space<vmem_shared>>
        tpu.wait_dma2 semaphore(%run_scoped3A : memref<!tpu.dma_semaphore, #tpu.memory_space<semaphore_mem>>) src(%dma_wait3A_1395 : memref<16x16xf32, #tpu.memory_space<vmem_shared>>) dst(%dma_wait3A_1392 : memref<16x16xf32, #tpu.memory_space<hbm>>)
        tpu.yield
      }) : () -> ()
    } else {
    }
    return
  }
}

module attributes {stable_mosaic.version = 14 : i64} {
  func.func @_tc1_body(%arg0: i32, %arg1: memref<1000x128xf32, #tpu.memory_space<vmem>>, %arg2: memref<1000x128xf32, #tpu.memory_space<vmem>>, %arg3: memref<1000x16xf32, #tpu.memory_space<vmem>>, %arg4: memref<1000x16xf32, #tpu.memory_space<vmem>>, %arg5: memref<1000x128xf32, #tpu.memory_space<vmem>>, %arg6: memref<128x128xf32, #tpu.memory_space<vmem>>, %arg7: memref<1x128xf32, #tpu.memory_space<vmem>>, %arg8: memref<128x128xf32, #tpu.memory_space<vmem>>, %arg9: memref<64x128xf32, #tpu.memory_space<vmem>>, %arg10: memref<1000x128xf32, #tpu.memory_space<vmem>>, %arg11: memref<1000x64xf32, #tpu.memory_space<vmem>>) attributes {dimension_semantics = [#tpu.dimension_semantics<arbitrary>], iteration_bounds = array<i64: 10>, scalar_prefetch = 0 : i64, scratch_operands = 0 : i64, tpu.core_type = #tpu.core_type<tc>, window_params = [{transform_indices = @transform_0, window_bounds = array<i64: 1000, 128>}, {transform_indices = @transform_1, window_bounds = array<i64: 1000, 128>}, {transform_indices = @transform_2, window_bounds = array<i64: 1000, 16>}, {transform_indices = @transform_3, window_bounds = array<i64: 1000, 16>}, {transform_indices = @transform_4, window_bounds = array<i64: 1000, 128>}, {pipeline_mode = #tpu.pipeline_mode<synchronous>, transform_indices = @transform_5, window_bounds = array<i64: 128, 128>}, {pipeline_mode = #tpu.pipeline_mode<synchronous>, transform_indices = @transform_6, window_bounds = array<i64: 1, 128>}, {pipeline_mode = #tpu.pipeline_mode<synchronous>, transform_indices = @transform_7, window_bounds = array<i64: 128, 128>}, {pipeline_mode = #tpu.pipeline_mode<synchronous>, transform_indices = @transform_8, window_bounds = array<i64: 64, 128>}, {transform_indices = @transform_9, window_bounds = array<i64: 1000, 128>}, {transform_indices = @transform_10, window_bounds = array<i64: 1000, 64>}]} {
    %get3A = arith.constant 0 : index
    %get3A_0 = arith.constant 0 : index
    %get3A_1 = vector.load %arg3[%get3A, %get3A_0] : memref<1000x16xf32, #tpu.memory_space<vmem>>, vector<1000x16xf32>
    %slice3A = vector.extract_strided_slice %get3A_1 {offsets = [0, 0], sizes = [1000, 1], strides = [1, 1]} : vector<1000x16xf32> to vector<1000x1xf32>
    %squeeze3A = vector.shape_cast %slice3A : vector<1000x1xf32> to vector<1000xf32>
    %get3A_2 = arith.constant 0 : index
    %get3A_3 = arith.constant 0 : index
    %get3A_4 = vector.load %arg4[%get3A_2, %get3A_3] : memref<1000x16xf32, #tpu.memory_space<vmem>>, vector<1000x16xf32>
    %slice3A_5 = vector.extract_strided_slice %get3A_4 {offsets = [0, 0], sizes = [1000, 1], strides = [1, 1]} : vector<1000x16xf32> to vector<1000x1xf32>
    %squeeze3A_6 = vector.shape_cast %slice3A_5 : vector<1000x1xf32> to vector<1000xf32>
    %add3A = arith.addf %squeeze3A, %squeeze3A_6 : vector<1000xf32>
    %max3A = arith.constant 1.000000e+00 : f32
    %max3A_7 = vector.broadcast %max3A : f32 to vector<1000xf32>
    %max3A_8 = arith.maximumf %add3A, %max3A_7 : vector<1000xf32>
    %div3A = arith.constant 1.000000e+00 : f32
    %div3A_9 = vector.broadcast %div3A : f32 to vector<1000xf32>
    %div3A_10 = arith.divf %div3A_9, %max3A_8 : vector<1000xf32>
    %get3A_11 = arith.constant 0 : index
    %get3A_12 = arith.constant 0 : index
    %get3A_13 = vector.load %arg1[%get3A_11, %get3A_12] : memref<1000x128xf32, #tpu.memory_space<vmem>>, vector<1000x128xf32>
    %get3A_14 = arith.constant 0 : index
    %get3A_15 = arith.constant 0 : index
    %get3A_16 = vector.load %arg2[%get3A_14, %get3A_15] : memref<1000x128xf32, #tpu.memory_space<vmem>>, vector<1000x128xf32>
    %add3A_17 = arith.addf %get3A_13, %get3A_16 : vector<1000x128xf32>
    %broadcast_in_dim3A = vector.shape_cast %div3A_10 : vector<1000xf32> to vector<1000x1xf32>
    %mul3A = vector.broadcast %broadcast_in_dim3A : vector<1000x1xf32> to vector<1000x128xf32>
    %mul3A_18 = arith.mulf %add3A_17, %mul3A : vector<1000x128xf32>
    %get3A_19 = arith.constant 0 : index
    %get3A_20 = arith.constant 0 : index
    %get3A_21 = vector.load %arg6[%get3A_19, %get3A_20] : memref<128x128xf32, #tpu.memory_space<vmem>>, vector<128x128xf32>
    %dot_general3A = arith.constant dense<0.000000e+00> : vector<1000x128xf32>
    %dot_general3A_22 = tpu.matmul %mul3A_18, %get3A_21, %dot_general3A {dimension_numbers = #tpu.dot_dimension_numbers<[1], [1], [0], [0], [0, 0, 1, 0], [], []>, transpose_lhs_hint = false} : vector<1000x128xf32>, vector<128x128xf32>, vector<1000x128xf32> -> vector<1000x128xf32>
    %get3A_23 = arith.constant 0 : index
    %get3A_24 = arith.constant 0 : index
    %get3A_25 = vector.load %arg7[%get3A_23, %get3A_24] : memref<1x128xf32, #tpu.memory_space<vmem>>, vector<1x128xf32>
    %add3A_26 = vector.broadcast %get3A_25 : vector<1x128xf32> to vector<1000x128xf32>
    %add3A_27 = arith.addf %dot_general3A_22, %add3A_26 : vector<1000x128xf32>
    %get3A_28 = arith.constant 0 : index
    %get3A_29 = arith.constant 0 : index
    %get3A_30 = vector.load %arg5[%get3A_28, %get3A_29] : memref<1000x128xf32, #tpu.memory_space<vmem>>, vector<1000x128xf32>
    %get3A_31 = arith.constant 0 : index
    %get3A_32 = arith.constant 0 : index
    %get3A_33 = vector.load %arg8[%get3A_31, %get3A_32] : memref<128x128xf32, #tpu.memory_space<vmem>>, vector<128x128xf32>
    %dot_general3A_34 = arith.constant dense<0.000000e+00> : vector<1000x128xf32>
    %dot_general3A_35 = tpu.matmul %get3A_30, %get3A_33, %dot_general3A_34 {dimension_numbers = #tpu.dot_dimension_numbers<[1], [1], [0], [0], [0, 0, 1, 0], [], []>, transpose_lhs_hint = false} : vector<1000x128xf32>, vector<128x128xf32>, vector<1000x128xf32> -> vector<1000x128xf32>
    %add3A_36 = arith.addf %add3A_27, %dot_general3A_35 : vector<1000x128xf32>
    %max3A_37 = arith.constant 0.000000e+00 : f32
    %max3A_38 = vector.broadcast %max3A_37 : f32 to vector<1000x128xf32>
    %max3A_39 = arith.maximumf %add3A_36, %max3A_38 : vector<1000x128xf32>
    %swap3A = arith.constant 0 : index
    %swap3A_40 = arith.constant 0 : index
    %swap3A_41 = vector.load %arg10[%swap3A, %swap3A_40] : memref<1000x128xf32, #tpu.memory_space<vmem>>, vector<1000x128xf32>
    tpu.vector_store %arg10[%swap3A, %swap3A_40], %max3A_39 {strides = array<i32>} : memref<1000x128xf32, #tpu.memory_space<vmem>>, vector<1000x128xf32>,
    %get3A_42 = arith.constant 0 : index
    %get3A_43 = arith.constant 0 : index
    %get3A_44 = vector.load %arg9[%get3A_42, %get3A_43] : memref<64x128xf32, #tpu.memory_space<vmem>>, vector<64x128xf32>
    %dot_general3A_45 = arith.constant dense<0.000000e+00> : vector<1000x64xf32>
    %dot_general3A_46 = tpu.matmul %max3A_39, %get3A_44, %dot_general3A_45 {dimension_numbers = #tpu.dot_dimension_numbers<[1], [1], [0], [0], [0, 0, 1, 0], [], []>, transpose_lhs_hint = false} : vector<1000x128xf32>, vector<64x128xf32>, vector<1000x64xf32> -> vector<1000x64xf32>
    %swap3A_47 = arith.constant 0 : index
    %swap3A_48 = arith.constant 0 : index
    %swap3A_49 = vector.load %arg11[%swap3A_47, %swap3A_48] : memref<1000x64xf32, #tpu.memory_space<vmem>>, vector<1000x64xf32>
    tpu.vector_store %arg11[%swap3A_47, %swap3A_48], %dot_general3A_46 {strides = array<i32>} : memref<1000x64xf32, #tpu.memory_space<vmem>>, vector<1000x64xf32>,
    return
  }
  func.func @transform_0(%arg0: i32) -> (i32, i32) {
    %c0_i32 = arith.constant 0 : i32
    %c0_i32_0 = arith.constant 0 : i32
    return %arg0, %c0_i32 : i32, i32
  }
  func.func @transform_1(%arg0: i32) -> (i32, i32) {
    %c0_i32 = arith.constant 0 : i32
    %c0_i32_0 = arith.constant 0 : i32
    return %arg0, %c0_i32 : i32, i32
  }
  func.func @transform_2(%arg0: i32) -> (i32, i32) {
    %c0_i32 = arith.constant 0 : i32
    %c0_i32_0 = arith.constant 0 : i32
    return %arg0, %c0_i32 : i32, i32
  }
  func.func @transform_3(%arg0: i32) -> (i32, i32) {
    %c0_i32 = arith.constant 0 : i32
    %c0_i32_0 = arith.constant 0 : i32
    return %arg0, %c0_i32 : i32, i32
  }
  func.func @transform_4(%arg0: i32) -> (i32, i32) {
    %c0_i32 = arith.constant 0 : i32
    %c0_i32_0 = arith.constant 0 : i32
    return %arg0, %c0_i32 : i32, i32
  }
  func.func @transform_5(%arg0: i32) -> (i32, i32) {
    %c0_i32 = arith.constant 0 : i32
    %c0_i32_0 = arith.constant 0 : i32
    %c0_i32_1 = arith.constant 0 : i32
    return %c0_i32, %c0_i32_0 : i32, i32
  }
  func.func @transform_6(%arg0: i32) -> (i32, i32) {
    %c0_i32 = arith.constant 0 : i32
    %c0_i32_0 = arith.constant 0 : i32
    %c0_i32_1 = arith.constant 0 : i32
    return %c0_i32, %c0_i32_0 : i32, i32
  }
  func.func @transform_7(%arg0: i32) -> (i32, i32) {
    %c0_i32 = arith.constant 0 : i32
    %c0_i32_0 = arith.constant 0 : i32
    %c0_i32_1 = arith.constant 0 : i32
    return %c0_i32, %c0_i32_0 : i32, i32
  }
  func.func @transform_8(%arg0: i32) -> (i32, i32) {
    %c0_i32 = arith.constant 0 : i32
    %c0_i32_0 = arith.constant 0 : i32
    %c0_i32_1 = arith.constant 0 : i32
    return %c0_i32, %c0_i32_0 : i32, i32
  }
  func.func @transform_9(%arg0: i32) -> (i32, i32) {
    %c0_i32 = arith.constant 0 : i32
    %c0_i32_0 = arith.constant 0 : i32
    return %arg0, %c0_i32 : i32, i32
  }
  func.func @transform_10(%arg0: i32) -> (i32, i32) {
    %c0_i32 = arith.constant 0 : i32
    %c0_i32_0 = arith.constant 0 : i32
    return %arg0, %c0_i32 : i32, i32
  }
}

module attributes {stable_mosaic.version = 14 : i64} {
  func.func @_tc2_body(%arg0: i32, %arg1: memref<1000x64xf32, #tpu.memory_space<vmem>>, %arg2: memref<1000x64xf32, #tpu.memory_space<vmem>>, %arg3: memref<1000x16xf32, #tpu.memory_space<vmem>>, %arg4: memref<1000x16xf32, #tpu.memory_space<vmem>>, %arg5: memref<1000x128xf32, #tpu.memory_space<vmem>>, %arg6: memref<64x128xf32, #tpu.memory_space<vmem>>, %arg7: memref<1x64xf32, #tpu.memory_space<vmem>>, %arg8: memref<1000x64xf32, #tpu.memory_space<vmem>>) attributes {dimension_semantics = [#tpu.dimension_semantics<arbitrary>], iteration_bounds = array<i64: 10>, scalar_prefetch = 0 : i64, scratch_operands = 0 : i64, tpu.core_type = #tpu.core_type<tc>, window_params = [{transform_indices = @transform_0, window_bounds = array<i64: 1000, 64>}, {transform_indices = @transform_1, window_bounds = array<i64: 1000, 64>}, {transform_indices = @transform_2, window_bounds = array<i64: 1000, 16>}, {transform_indices = @transform_3, window_bounds = array<i64: 1000, 16>}, {transform_indices = @transform_4, window_bounds = array<i64: 1000, 128>}, {pipeline_mode = #tpu.pipeline_mode<synchronous>, transform_indices = @transform_5, window_bounds = array<i64: 64, 128>}, {pipeline_mode = #tpu.pipeline_mode<synchronous>, transform_indices = @transform_6, window_bounds = array<i64: 1, 64>}, {transform_indices = @transform_7, window_bounds = array<i64: 1000, 64>}]} {
    %get3A = arith.constant 0 : index
    %get3A_0 = arith.constant 0 : index
    %get3A_1 = vector.load %arg3[%get3A, %get3A_0] : memref<1000x16xf32, #tpu.memory_space<vmem>>, vector<1000x16xf32>
    %slice3A = vector.extract_strided_slice %get3A_1 {offsets = [0, 0], sizes = [1000, 1], strides = [1, 1]} : vector<1000x16xf32> to vector<1000x1xf32>
    %squeeze3A = vector.shape_cast %slice3A : vector<1000x1xf32> to vector<1000xf32>
    %get3A_2 = arith.constant 0 : index
    %get3A_3 = arith.constant 0 : index
    %get3A_4 = vector.load %arg4[%get3A_2, %get3A_3] : memref<1000x16xf32, #tpu.memory_space<vmem>>, vector<1000x16xf32>
    %slice3A_5 = vector.extract_strided_slice %get3A_4 {offsets = [0, 0], sizes = [1000, 1], strides = [1, 1]} : vector<1000x16xf32> to vector<1000x1xf32>
    %squeeze3A_6 = vector.shape_cast %slice3A_5 : vector<1000x1xf32> to vector<1000xf32>
    %add3A = arith.addf %squeeze3A, %squeeze3A_6 : vector<1000xf32>
    %max3A = arith.constant 1.000000e+00 : f32
    %max3A_7 = vector.broadcast %max3A : f32 to vector<1000xf32>
    %max3A_8 = arith.maximumf %add3A, %max3A_7 : vector<1000xf32>
    %div3A = arith.constant 1.000000e+00 : f32
    %div3A_9 = vector.broadcast %div3A : f32 to vector<1000xf32>
    %div3A_10 = arith.divf %div3A_9, %max3A_8 : vector<1000xf32>
    %get3A_11 = arith.constant 0 : index
    %get3A_12 = arith.constant 0 : index
    %get3A_13 = vector.load %arg1[%get3A_11, %get3A_12] : memref<1000x64xf32, #tpu.memory_space<vmem>>, vector<1000x64xf32>
    %get3A_14 = arith.constant 0 : index
    %get3A_15 = arith.constant 0 : index
    %get3A_16 = vector.load %arg2[%get3A_14, %get3A_15] : memref<1000x64xf32, #tpu.memory_space<vmem>>, vector<1000x64xf32>
    %add3A_17 = arith.addf %get3A_13, %get3A_16 : vector<1000x64xf32>
    %broadcast_in_dim3A = vector.shape_cast %div3A_10 : vector<1000xf32> to vector<1000x1xf32>
    %mul3A = vector.broadcast %broadcast_in_dim3A : vector<1000x1xf32> to vector<1000x64xf32>
    %mul3A_18 = arith.mulf %add3A_17, %mul3A : vector<1000x64xf32>
    %get3A_19 = arith.constant 0 : index
    %get3A_20 = arith.constant 0 : index
    %get3A_21 = vector.load %arg7[%get3A_19, %get3A_20] : memref<1x64xf32, #tpu.memory_space<vmem>>, vector<1x64xf32>
    %add3A_22 = vector.broadcast %get3A_21 : vector<1x64xf32> to vector<1000x64xf32>
    %add3A_23 = arith.addf %mul3A_18, %add3A_22 : vector<1000x64xf32>
    %get3A_24 = arith.constant 0 : index
    %get3A_25 = arith.constant 0 : index
    %get3A_26 = vector.load %arg5[%get3A_24, %get3A_25] : memref<1000x128xf32, #tpu.memory_space<vmem>>, vector<1000x128xf32>
    %get3A_27 = arith.constant 0 : index
    %get3A_28 = arith.constant 0 : index
    %get3A_29 = vector.load %arg6[%get3A_27, %get3A_28] : memref<64x128xf32, #tpu.memory_space<vmem>>, vector<64x128xf32>
    %dot_general3A = arith.constant dense<0.000000e+00> : vector<1000x64xf32>
    %dot_general3A_30 = tpu.matmul %get3A_26, %get3A_29, %dot_general3A {dimension_numbers = #tpu.dot_dimension_numbers<[1], [1], [0], [0], [0, 0, 1, 0], [], []>, transpose_lhs_hint = false} : vector<1000x128xf32>, vector<64x128xf32>, vector<1000x64xf32> -> vector<1000x64xf32>
    %add3A_31 = arith.addf %add3A_23, %dot_general3A_30 : vector<1000x64xf32>
    %reduce_max3A = arith.constant dense<0xFF800000> : vector<1000xf32>
    %reduce_max3A_32 = vector.multi_reduction <maximumf>, %add3A_31, %reduce_max3A [1] : vector<1000x64xf32> to vector<1000xf32>
    %broadcast_in_dim3A_33 = vector.shape_cast %reduce_max3A_32 : vector<1000xf32> to vector<1000x1xf32>
    %sub3A = vector.broadcast %broadcast_in_dim3A_33 : vector<1000x1xf32> to vector<1000x64xf32>
    %sub3A_34 = arith.subf %add3A_31, %sub3A : vector<1000x64xf32>
    %exp3A = math.exp %sub3A_34 : vector<1000x64xf32>
    %reduce_sum3A = arith.constant dense<0.000000e+00> : vector<1000xf32>
    %reduce_sum3A_35 = vector.multi_reduction <add>, %exp3A, %reduce_sum3A [1] : vector<1000x64xf32> to vector<1000xf32>
    %broadcast_in_dim3A_36 = vector.shape_cast %reduce_sum3A_35 : vector<1000xf32> to vector<1000x1xf32>
    %log3A = math.log %broadcast_in_dim3A_36 : vector<1000x1xf32>
    %sub3A_37 = vector.broadcast %broadcast_in_dim3A_33 : vector<1000x1xf32> to vector<1000x64xf32>
    %sub3A_38 = arith.subf %add3A_31, %sub3A_37 : vector<1000x64xf32>
    %sub3A_39 = vector.broadcast %log3A : vector<1000x1xf32> to vector<1000x64xf32>
    %sub3A_40 = arith.subf %sub3A_38, %sub3A_39 : vector<1000x64xf32>
    %swap3A = arith.constant 0 : index
    %swap3A_41 = arith.constant 0 : index
    %swap3A_42 = vector.load %arg8[%swap3A, %swap3A_41] : memref<1000x64xf32, #tpu.memory_space<vmem>>, vector<1000x64xf32>
    tpu.vector_store %arg8[%swap3A, %swap3A_41], %sub3A_40 {strides = array<i32>} : memref<1000x64xf32, #tpu.memory_space<vmem>>, vector<1000x64xf32>,
    return
  }
  func.func @transform_0(%arg0: i32) -> (i32, i32) {
    %c0_i32 = arith.constant 0 : i32
    %c0_i32_0 = arith.constant 0 : i32
    return %arg0, %c0_i32 : i32, i32
  }
  func.func @transform_1(%arg0: i32) -> (i32, i32) {
    %c0_i32 = arith.constant 0 : i32
    %c0_i32_0 = arith.constant 0 : i32
    return %arg0, %c0_i32 : i32, i32
  }
  func.func @transform_2(%arg0: i32) -> (i32, i32) {
    %c0_i32 = arith.constant 0 : i32
    %c0_i32_0 = arith.constant 0 : i32
    return %arg0, %c0_i32 : i32, i32
  }
  func.func @transform_3(%arg0: i32) -> (i32, i32) {
    %c0_i32 = arith.constant 0 : i32
    %c0_i32_0 = arith.constant 0 : i32
    return %arg0, %c0_i32 : i32, i32
  }
  func.func @transform_4(%arg0: i32) -> (i32, i32) {
    %c0_i32 = arith.constant 0 : i32
    %c0_i32_0 = arith.constant 0 : i32
    return %arg0, %c0_i32 : i32, i32
  }
  func.func @transform_5(%arg0: i32) -> (i32, i32) {
    %c0_i32 = arith.constant 0 : i32
    %c0_i32_0 = arith.constant 0 : i32
    %c0_i32_1 = arith.constant 0 : i32
    return %c0_i32, %c0_i32_0 : i32, i32
  }
  func.func @transform_6(%arg0: i32) -> (i32, i32) {
    %c0_i32 = arith.constant 0 : i32
    %c0_i32_0 = arith.constant 0 : i32
    %c0_i32_1 = arith.constant 0 : i32
    return %c0_i32, %c0_i32_0 : i32, i32
  }
  func.func @transform_7(%arg0: i32) -> (i32, i32) {
    %c0_i32 = arith.constant 0 : i32
    %c0_i32_0 = arith.constant 0 : i32
    return %arg0, %c0_i32 : i32, i32
  }
}

</mosaic_0001>

<sc_bundles>
// kernel: kernel.6.cloned.1.call-start
scs
__scs_entry_jumppad:
0x0: {  	(pc) =	sbr.rel $0x88, $3  }
0x1: {  	(tag) =	ssettag $0x0;
	lr =	simm.s32 $0x1  }
0x2: {  	[smem:$0x3F99] =	sst lr;
	_ =	strace $0xD0000000  }
0x3: {  	_ = 	snop  }
0x4: {  	_ = 	snop  }
0x5: {  	_ = 	snop  }
0x6: {  	_ = 	snop  }
0x7: {  	_ = 	snop  }
__scs_overlays_trampoline_lowered:
0x8: {  	[smem:$0x3FA8] =	sst s0  }
0x9: {  	[smem:$0x3FA9] =	sst s1  }
0xa: {  	[smem:$0x3FAA] =	sst s2  }
0xb: {  	[smem:$0x3FAB] =	sst s3  }
0xc: {  	[smem:$0x3FAC] =	sst s4  }
0xd: {  	[smem:$0x3FAD] =	sst s5  }
0xe: {  	[smem:$0x3FAE] =	sst s6  }
0xf: {  	[smem:$0x3FAF] =	sst s7  }
0x10: {  	[smem:$0x3FB0] =	sst s8  }
0x11: {  	[smem:$0x3FB1] =	sst s9;
	s0 =	simm.s32 @!p0 $0x0  }
0x12: {  	s1 =	sld [smem:$0x3F97];
	s0 =	simm.s32 @p0 $0x1  }
0x13: {  	[smem:$0x3FB2] =	sst s0;
	s0 =	simm.s32 @!p1 $0x0  }
0x14: {  	s2 =	sld [smem:$0x3F96];
	s0 =	simm.s32 @p1 $0x1  }
0x15: {  	[smem:$0x3FB3] =	sst s0;
	s0 =	simm.s32 @!p2 $0x0  }
0x16: {  	s3 =	sld [smem:$0x3FDB];
	s0 =	simm.s32 @p2 $0x1  }
0x17: {  	s4 =	simm.s32 $0x1BF5;
	[smem:$0x3FB5] =	sst s0  }
0x18: {  	s0 =	sld [smem:$0x3F98];
	_ =	swait.ge [sflag:s4], $0x0  }
0x19: {  	s7 =	sld [smem:$0x3F99]  }
0x1a: {  	s8 =	sadd.s32 $0xFFFFE003, lr  }
0x1b: {  	s9 =	sadd.s32 $0xFFFFFEF7, lr;
	s5 =	simm.s32 $0xFFFFFFFF;
	p2 =	slt.u32 s8, $0xFFFFF086  }
0x1c: {  	p1 =	slt.u32 s9, $0xF7A;
	s5 =	simm.s32 @!p2 $0x0  }
0x1d: {  	s5 =	simm.s32 @p1 $0x1;
	p0 =	seq.s32 s7, s2  }
0x1e: {  	s7 =	smul.u32 @!p0 $0xF7A, s2;
	p2 =	seq.s32 @!p0 s5, $0x0  }
0x1f: {  	s9 =	smul.u32 $0xF7A, s1;
	s8 =	simm.s32 @!p0 $0x1BF5;
	p2 =	por !p2, p0  }
0x20: {  	[sflag:s8] =	ssyncset.s32 @!p0 $0xFFFFF086;
	s6 =	sadd.s32 @!p0 s3, s7;
	s7 =	simm.s32 @!p0 $0x108  }
0x21: {  	s3 =	sadd.s32 s3, s9;
	s6 =	sadd.s32 @!p0 $0x88, s6;
	s7 =	simm.s32 @p2 $0x1082  }
0x22: {  	[simem:s7], [sflag:s8] =	dma.local @!p0 [hbm:s6], $0xF7A  }
0x23: {  	s9 =	sor.u32 $0xD0000000, s2;
	s6 =	simm.s32 $0x108;
	_ =	swait.ge @!p0 [sflag:s8], $0x0  }
0x24: {  	s3 =	sadd.s32 $0x88, s3;
	s6 =	simm.s32 @!p1 $0x1082;
	[sflag:s4] =	ssyncset.s32 $0xFFFFF086  }
0x25: {  	[simem:s6], [sflag:s4] =	dma.local [hbm:s3], $0xF7A  }
0x26: {  	[smem:$0x3F99] =	sst s1;
	(tag) =	ssettag s2;
	_ =	strace s9  }
0x27: {  	s1 =	sld [smem:$0x3FA9]  }
0x28: {  	s2 =	sld [smem:$0x3FAA]  }
0x29: {  	s4 =	sld [smem:$0x3FAC]  }
0x2a: {  	p0 =	seq.s32 s5, $0x0;
	s5 =	sld [smem:$0x3FAD]  }
0x2b: {  	s6 =	sld [smem:$0x3FAE]  }
0x2c: {  	s7 =	sld [smem:$0x3FAF]  }
0x2d: {  	s3 =	simm.s32 $0x108;
	s8 =	sld [smem:$0x3FB0]  }
0x2e: {  	s3 =	simm.s32 @!p0 $0x1082;
	s9 =	sld [smem:$0x3FB1]  }
0x2f: {  	lr =	sadd.s32 s0, s3;
	s0 =	sld [smem:$0x3FA8]  }
0x30: {  	s3 =	sld [smem:$0x3FAB]  }
0x31: {  	[smem:$0x3FB4] =	sst s10  }
0x32: {  	s10 =	sld [smem:$0x3FB2];
	_ =	sdelay $0x3  }
0x33: {  	p0 =	seq.s32 s10, $0x1;
	s10 =	sld [smem:$0x3FB4];
	_ =	sdelay $0x3  }
0x34: {  	[smem:$0x3FB4] =	sst s10  }
0x35: {  	s10 =	sld [smem:$0x3FB3];
	_ =	sdelay $0x3  }
0x36: {  	p1 =	seq.s32 s10, $0x1;
	s10 =	sld [smem:$0x3FB4];
	_ =	sdelay $0x3  }
0x37: {  	[smem:$0x3FB4] =	sst s10  }
0x38: {  	s10 =	sld [smem:$0x3FB5]  }
0x39: {  	_ = 	snop;
	(pc) =	sbr.ind lr, $3  }
0x3a: {  	_ = 	snop  }
0x3b: {  	_ = 	snop  }
0x3c: {  	p2 =	seq.s32 s10, $0x1;
	s10 =	sld [smem:$0x3FB4]  }
0x3d: {  	_ =	shalt  }
0x3e: {  	_ =	shalt  }
0x3f: {  	_ =	shalt  }
0x40: {  	_ =	shalt  }
0x41: {  	_ =	shalt  }
0x42: {  	_ =	shalt  }
0x43: {  	_ =	shalt  }
0x44: {  	_ =	shalt  }
0x45: {  	_ =	shalt  }
0x46: {  	_ =	shalt  }
0x47: {  	_ =	shalt  }
0x48: {  	_ =	shalt  }
0x49: {  	_ =	shalt  }
0x4a: {  	_ =	shalt  }
0x4b: {  	_ =	shalt  }
0x4c: {  	_ =	shalt  }
0x4d: {  	_ =	shalt  }
0x4e: {  	_ =	shalt  }
0x4f: {  	_ =	shalt  }
0x50: {  	_ =	shalt  }
0x51: {  	_ =	shalt  }
0x52: {  	_ =	shalt  }
0x53: {  	_ =	shalt  }
0x54: {  	_ =	shalt  }
0x55: {  	_ =	shalt  }
0x56: {  	_ =	shalt  }
0x57: {  	_ =	shalt  }
0x58: {  	_ =	shalt  }
0x59: {  	_ =	shalt  }
0x5a: {  	_ =	shalt  }
0x5b: {  	_ =	shalt  }
0x5c: {  	_ =	shalt  }
0x5d: {  	_ =	shalt  }
0x5e: {  	_ =	shalt  }
0x5f: {  	_ =	shalt  }
0x60: {  	_ =	shalt  }
0x61: {  	_ =	shalt  }
0x62: {  	_ =	shalt  }
0x63: {  	_ =	shalt  }
0x64: {  	_ =	shalt  }
0x65: {  	_ =	shalt  }
0x66: {  	_ =	shalt  }
0x67: {  	_ =	shalt  }
0x68: {  	_ =	shalt  }
0x69: {  	_ =	shalt  }
0x6a: {  	_ =	shalt  }
0x6b: {  	_ =	shalt  }
0x6c: {  	_ =	shalt  }
0x6d: {  	_ =	shalt  }
0x6e: {  	_ =	shalt  }
0x6f: {  	_ =	shalt  }
0x70: {  	_ =	shalt  }
0x71: {  	_ =	shalt  }
0x72: {  	_ =	shalt  }
0x73: {  	_ =	shalt  }
0x74: {  	_ =	shalt  }
0x75: {  	_ =	shalt  }
0x76: {  	_ =	shalt  }
0x77: {  	_ =	shalt  }
0x78: {  	_ =	shalt  }
0x79: {  	_ =	shalt  }
0x7a: {  	_ =	shalt  }
0x7b: {  	_ =	shalt  }
0x7c: {  	_ =	shalt  }
0x7d: {  	_ =	shalt  }
0x7e: {  	_ =	shalt  }
0x7f: {  	_ =	shalt  }
0x80: {  	_ =	shalt  }
0x81: {  	_ =	shalt  }
0x82: {  	_ =	shalt  }
0x83: {  	_ =	shalt  }
0x84: {  	_ =	shalt  }
0x85: {  	_ =	shalt  }
0x86: {  	_ =	shalt  }
0x87: {  	_ =	shalt  }
.Lfunc_end0:
.L_simem_size_0:
called_computation_lowered:
.L_overlay_start_0:
0x88: {  	s2 =	sld [smem:$0x3FD9]  }
0x89: {  	s3 =	sld [smem:$0x3FFE];
	_ =	sdelay $0x1  }
0x8a: {  	s1 =	srdreg.scid  }
0x8b: {  	s0 =	sand.u32 $0x1, s1  }
0x8c: {  	s17 =	sshll.u32 s0, $0xA;
	s2 =	sadd.s32 s3, s2  }
0x8d: {  	s2 =	sadd.s32 s2, s17  }
0x8e: {  	[smem:$0x3FC0] =	sst s2  }
0x8f: {  	_ = 	snop  }
0x90: {  	s2 =	sld [smem:$0x3FC9]  }
0x91: {  	s18 =	sld [smem:$0x3FD0];
	(tm) =	ssettm $0x1  }
0x92: {  	s4 =	sld [smem:$0x3FFB];
	_ =	sdelay $0x3  }
0x93: {  	_ =	strace s4  }
0x94: {  	s4 =	sld [smem:$0x3FFC];
	_ =	sdelay $0x3  }
0x95: {  	_ =	strace s4  }
0x96: {  	s4 =	sld [smem:$0x3FFD];
	_ =	sdelay $0x3  }
0x97: {  	_ =	strace s4  }
0x98: {  	_ =	strace $0x8FFFFFFF  }
0x99: {  	s19 =	sld [smem:$0x3FDB];
	_ =	sdelay $0x1  }
0x9a: {  	s5 =	simm.s32 $_scs_section_size  }
0x9b: {  	s6 =	simm.s32 $_size__tile_overlayer_lowered;
	s7 =	simm.s32 $_tile_overlayer_lowered  }
0x9c: {  	s22 =	simm.s32 $0x1BFF;
	s21 =	sshll.u32 s7, $0x1;
	s4 =	sadd.s32 s5, s19  }
0x9d: {  	s8 =	simm.s32 $0x0;
	s20 =	sshll.u32 s6, $0x1;
	s6 =	sadd.s32 s21, s4  }
0x9e: {  	[timem:s8], [sflag:s22] =	dma.local [hbm:s6], s20  }
0x9f: {  	_ =	swait.ge [sflag:s22], s20  }
0xa0: {  	s5 =	ssub.s32 $0x0, s20;
	[sflag:s22] =	ssyncset.done $0x0  }
0xa1: {  	[sflag:s22] =	ssyncadd.s32 s5;
	_ =	sdelay $0x1  }
0xa2: {  	s23 =	simm.s32 $0x1B8B  }
0xa3: {  	_ =	swait.ge [sflag:s23], $0x1  }
0xa4: {  	[sflag:s23] =	ssyncset.done $0x0  }
0xa5: {  	s25 =	simm.s32 $0x1B8E;
	s24 =	sld [smem:$0x3FFE];
	[sflag:s23] =	ssyncadd.s32 $0xFFFFFFFF  }
0xa6: {  	s26 =	simm.s32 $execute0_lowered;
	[smem:$0x3FD2] =	sst s25  }
0xa7: {  	s6 =	sshll.u32 s26, $0x1;
	_ =	strace $0x80000046;
	[dreg:$0x1] =	wrdreg $0xFFFFFFFF  }
0xa8: {  	s28 =	simm.s32 $_size_execute0_lowered;
	s4 =	sadd.s32 s4, s6;
	[dreg:$0x0] =	wrdreg $0x0  }
0xa9: {  	s6 =	sshll.u32 s28, $0x1;
	[dreg:$0x2] =	wrdreg s4  }
0xaa: {  	[dreg:$0x3] =	wrdreg s6  }
0xab: {  	[dreg:$0x4] =	wrdreg $0xC0  }
0xac: {  	_ =	task [dreg:s8], $0x5FFFF  }
0xad: {  	[dreg:$0x1] =	wrdreg $0xFFFFFFFF  }
0xae: {  	[dreg:$0x0] =	wrdreg $0x60  }
0xaf: {  	[dreg:$0x2] =	wrdreg s2  }
0xb0: {  	[dreg:$0x3] =	wrdreg s24  }
0xb1: {  	[dreg:$0x4] =	wrdreg s18  }
0xb2: {  	[dreg:$0x5] =	wrdreg $0x67A00  }
0xb3: {  	[dreg:$0x6] =	wrdreg $0x1A6200  }
0xb4: {  	[dreg:$0x7] =	wrdreg $0x9  }
0xb5: {  	_ =	task.clear_ibuf [dreg:s8], $0x8FFFF;
	_ =	strace $0x90000046  }
0xb6: {  	s29 =	simm.s32 $0x9;
	_ =	strace $0x80000048  }
0xb7: {  	_ =	swait.ge [sflag:s29], $0x1  }
0xb8: {  	[sflag:s29] =	ssyncadd.s32 $0xFFFFFFFF  }
0xb9: {  	_ =	strace $0x90000048  }
0xba: {  	_ =	sfence  }
0xbb: {  	s30 =	sld [smem:$0x0];
	_ =	sdelay $0x2  }
0xbc: {  	s31 =	sshll.u32 s1, $0xD;
	s1 =	sshrl.u32 s1, $0x2  }
0xbd: {  	s3 =	sand.u32 $0x4000, s31;
	s1 =	sadd.s32 s1, s30  }
0xbe: {  	s0 =	sor.u32 s3, s0;
	s1 =	sshll.u32 s1, $0x11  }
0xbf: {  	s0 =	sor.u32 s1, s0  }
0xc0: {  	s0 =	sadd.s32 $0x8F2B, s0  }
0xc1: {  	[sflag:s0] =	ssyncadd.remote.s32 $0x1  }
0xc2: {  	_ =	sfence.sel $0xFFFF  }
0xc3: {  	[dreg:$0x0] =	wrdreg $0xFFFFFFFF;
	(pc) =	sbr.abs _section_cstart, $3  }
0xc4: {  	[dreg:$0x1] =	wrdreg $0xFFFFFFFF  }
0xc5: {  	_ =	task.clear_ibuf [dreg:s8], $0x2FFFF;
	_ =	strace $0x9FFFFFFF  }
0xc6: {  	(tm) =	ssettm $0x7FFFFFFF  }
0xc7: {  	_ =	shalt  }
tec
execute0_lowered:
.L_overlay_start_1:
0x0: {  	(tag) =	ssettag $0x1  }
0x1: {  	s1 =	rddreg [dreg:$0x0]  }
0x2: {  	s0 =	rddreg [dreg:$0x1]  }
0x3: {  	s5 =	rddreg [dreg:$0x2]  }
0x4: {  	s2 =	rddreg [dreg:$0x3]  }
0x5: {  	s3 =	rddreg [dreg:$0x4];
	s4 =	simm.s32 $0x0  }
0x6: {  	s7 =	srdreg.scid;
	s21 =	stileid.u32;
	s18 =	simm.s32 $0x5FA0  }
0x7: {  	s19 =	simm.s32 $0x3;
	s20 =	simm.s32 $0x1A520;
	s22 =	simm.s32 $0x50  }
0x8: {  	s23 =	simm.s32 $0x1A020;
	[smem:$0x7FF] =	sst s4;
	s10 =	smul.u32 $0x270, s21  }
0x9: {  	s6 =	sadd.s32 $0xC200, s0;
	s8 =	sand.u32 $0x1, s7;
	s25 =	smul.u32 $0x4E000, s21  }
0xa: {  	s7 =	sadd.s32 $0x2400, s0;
	s0 =	sadd.s32 $0x16000, s0;
	s15 =	smul.u32 $0x9C00, s21  }
0xb: {  	p0 =	sne.s32 s21, $0xF;
	_ =	strace $0x80000047;
	s9 =	ssub.s32 $0x2, s8  }
0xc: {  	s12 =	sshll.u32 s8, $0x4;
	s13 =	smul.u32 $0x2710, s8;
	s8 =	sadd.s32 $0x138000, s2  }
0xd: {  	s11 =	sshrl.u32 s9, $0x1;
	s24 =	sor.u32 s21, s12;
	s12 =	sshrl.u32 s25, $0x2  }
0xe: {  	s29 =	sshrl.u32 s15, $0x2;
	s21 =	simm.s32 $0xFA0;
	s25 =	simm.s32 $0xF50  }
0xf: {  	s17 =	ssub.s32 s9, s11;
	s14 =	sadd.s32 s10, s13;
	s9 =	sadd.s32 $0x27000, s3  }
0x10: {  	s10 =	smul.u32 $0x2710, s24;
	s12 =	sadd.s32 s12, s2;
	s16 =	sadd.s32 $0x2700, s13  }
0x11: {  	s24 =	simm.s32 $0x1;
	s26 =	sshll.u32 s14, $0x4;
	s14 =	sshll.u32 s14, $0x1  }
0x12: {  	s30 =	sshll.u32 s16, $0x4;
	s31 =	sshll.u32 s16, $0x1;
	s11 =	sadd.s32 s0, s26  }
0x13: {  	s17 =	smax.u32 s17, $0x1;
	s28 =	sadd.s32 s5, s14;
	[dreg:$0x6] =	wrdreg s11  }
0x14: {  	s14 =	sadd.s32 s29, s3;
	s0 =	sadd.s32 s0, s30;
	[dreg:$0x7] =	wrdreg s28  }
0x15: {  	v0 =	vimm.f32 $0.0e+00;
	v1 =	vimm.f32 $1.000000000e+00;
	s16 =	sadd.s32 s5, s31;
	s26 =	simm.s32 $0x0;
	[dreg:$0x8] =	wrdreg s0  }
.LBB2_1:
0x16: {  	[tilespmem:$0x5FA0] =	vst v0  }
0x17: {  	[tilespmem:$0x5FB0] =	vst v0  }
0x18: {  	[tilespmem:$0x5FC0] =	vst v0  }
0x19: {  	[tilespmem:$0x5FD0] =	vst v0  }
0x1a: {  	[tilespmem:$0x5FE0] =	vst v0  }
0x1b: {  	[tilespmem:$0x5FF0] =	vst v0  }
0x1c: {  	[tilespmem:$0x6000] =	vst v0  }
0x1d: {  	[tilespmem:$0x6010] =	vst v0  }
0x1e: {  	[tilespmem:$0x6020] =	vst v0  }
0x1f: {  	[tilespmem:$0x6030] =	vst v0  }
0x20: {  	[tilespmem:$0x6040] =	vst v0  }
0x21: {  	[tilespmem:$0x6050] =	vst v0  }
0x22: {  	[tilespmem:$0x6060] =	vst v0  }
0x23: {  	[tilespmem:$0x6070] =	vst v0  }
0x24: {  	[tilespmem:$0x6080] =	vst v0  }
0x25: {  	[tilespmem:$0x6090] =	vst v0  }
0x26: {  	[tilespmem:$0x60A0] =	vst v0  }
0x27: {  	[tilespmem:$0x60B0] =	vst v0  }
0x28: {  	[tilespmem:$0x60C0] =	vst v0  }
0x29: {  	[tilespmem:$0x60D0] =	vst v0  }
0x2a: {  	[tilespmem:$0x60E0] =	vst v0  }
0x2b: {  	[tilespmem:$0x60F0] =	vst v0  }
0x2c: {  	[tilespmem:$0x6100] =	vst v0  }
0x2d: {  	[tilespmem:$0x6110] =	vst v0  }
0x2e: {  	[tilespmem:$0x6120] =	vst v0  }
0x2f: {  	[tilespmem:$0x6130] =	vst v0  }
0x30: {  	[tilespmem:$0x6140] =	vst v0  }
0x31: {  	[tilespmem:$0x6150] =	vst v0  }
0x32: {  	[tilespmem:$0x6160] =	vst v0  }
0x33: {  	[tilespmem:$0x6170] =	vst v0  }
0x34: {  	[tilespmem:$0x6180] =	vst v0  }
0x35: {  	[tilespmem:$0x6190] =	vst v0  }
0x36: {  	[tilespmem:$0x61A0] =	vst v0  }
0x37: {  	[tilespmem:$0x61B0] =	vst v0  }
0x38: {  	[tilespmem:$0x61C0] =	vst v0  }
0x39: {  	[tilespmem:$0x61D0] =	vst v0  }
0x3a: {  	[tilespmem:$0x61E0] =	vst v0  }
0x3b: {  	[tilespmem:$0x61F0] =	vst v0  }
0x3c: {  	[tilespmem:$0x6200] =	vst v0  }
0x3d: {  	[tilespmem:$0x6210] =	vst v0  }
0x3e: {  	[tilespmem:$0x6220] =	vst v0  }
0x3f: {  	[tilespmem:$0x6230] =	vst v0  }
0x40: {  	[tilespmem:$0x6240] =	vst v0  }
0x41: {  	[tilespmem:$0x6250] =	vst v0  }
0x42: {  	[tilespmem:$0x6260] =	vst v0  }
0x43: {  	[tilespmem:$0x6270] =	vst v0  }
0x44: {  	[tilespmem:$0x6280] =	vst v0  }
0x45: {  	[tilespmem:$0x6290] =	vst v0  }
0x46: {  	[tilespmem:$0x62A0] =	vst v0  }
0x47: {  	[tilespmem:$0x62B0] =	vst v0  }
0x48: {  	[tilespmem:$0x62C0] =	vst v0  }
0x49: {  	[tilespmem:$0x62D0] =	vst v0  }
0x4a: {  	[tilespmem:$0x62E0] =	vst v0  }
0x4b: {  	[tilespmem:$0x62F0] =	vst v0  }
0x4c: {  	[tilespmem:$0x6300] =	vst v0  }
0x4d: {  	[tilespmem:$0x6310] =	vst v0  }
0x4e: {  	[tilespmem:$0x6320] =	vst v0  }
0x4f: {  	[tilespmem:$0x6330] =	vst v0  }
0x50: {  	[tilespmem:$0x6340] =	vst v0  }
0x51: {  	[tilespmem:$0x6350] =	vst v0  }
0x52: {  	[tilespmem:$0x6360] =	vst v0  }
0x53: {  	[tilespmem:$0x6370] =	vst v0  }
0x54: {  	[tilespmem:$0x6380] =	vst v0  }
0x55: {  	[tilespmem:$0x6390] =	vst v0  }
0x56: {  	[tilespmem:$0x63A0] =	vst v0  }
0x57: {  	[tilespmem:$0x63B0] =	vst v0  }
0x58: {  	[tilespmem:$0x63C0] =	vst v0  }
0x59: {  	[tilespmem:$0x63D0] =	vst v0  }
0x5a: {  	[tilespmem:$0x63E0] =	vst v0  }
0x5b: {  	[tilespmem:$0x63F0] =	vst v0  }
0x5c: {  	[tilespmem:$0x6400] =	vst v0  }
0x5d: {  	[tilespmem:$0x6410] =	vst v0  }
0x5e: {  	[tilespmem:$0x6420] =	vst v0  }
0x5f: {  	[tilespmem:$0x6430] =	vst v0  }
0x60: {  	[tilespmem:$0x6440] =	vst v0  }
0x61: {  	[tilespmem:$0x6450] =	vst v0  }
0x62: {  	[tilespmem:$0x6460] =	vst v0  }
0x63: {  	[tilespmem:$0x6470] =	vst v0  }
0x64: {  	[tilespmem:$0x6480] =	vst v0  }
0x65: {  	[tilespmem:$0x6490] =	vst v0  }
0x66: {  	[tilespmem:$0x64A0] =	vst v0  }
0x67: {  	[tilespmem:$0x64B0] =	vst v0  }
0x68: {  	[tilespmem:$0x64C0] =	vst v0  }
0x69: {  	[tilespmem:$0x64D0] =	vst v0  }
0x6a: {  	[tilespmem:$0x64E0] =	vst v0  }
0x6b: {  	[tilespmem:$0x64F0] =	vst v0  }
0x6c: {  	[tilespmem:$0x6500] =	vst v0  }
0x6d: {  	[tilespmem:$0x6510] =	vst v0  }
0x6e: {  	[tilespmem:$0x6520] =	vst v0  }
0x6f: {  	[tilespmem:$0x6530] =	vst v0  }
0x70: {  	[tilespmem:$0x6540] =	vst v0  }
0x71: {  	[tilespmem:$0x6550] =	vst v0  }
0x72: {  	[tilespmem:$0x6560] =	vst v0  }
0x73: {  	[tilespmem:$0x6570] =	vst v0  }
0x74: {  	[tilespmem:$0x6580] =	vst v0  }
0x75: {  	[tilespmem:$0x6590] =	vst v0  }
0x76: {  	[tilespmem:$0x65A0] =	vst v0  }
0x77: {  	[tilespmem:$0x65B0] =	vst v0  }
0x78: {  	[tilespmem:$0x65C0] =	vst v0  }
0x79: {  	[tilespmem:$0x65D0] =	vst v0  }
0x7a: {  	[tilespmem:$0x65E0] =	vst v0  }
0x7b: {  	[tilespmem:$0x65F0] =	vst v0  }
0x7c: {  	[tilespmem:$0x6600] =	vst v0  }
0x7d: {  	[tilespmem:$0x6610] =	vst v0  }
0x7e: {  	[tilespmem:$0x6620] =	vst v0  }
0x7f: {  	[tilespmem:$0x6630] =	vst v0  }
0x80: {  	[tilespmem:$0x6640] =	vst v0  }
0x81: {  	[tilespmem:$0x6650] =	vst v0  }
0x82: {  	[tilespmem:$0x6660] =	vst v0  }
0x83: {  	[tilespmem:$0x6670] =	vst v0  }
0x84: {  	[tilespmem:$0x6680] =	vst v0  }
0x85: {  	[tilespmem:$0x6690] =	vst v0  }
0x86: {  	[tilespmem:$0x66A0] =	vst v0  }
0x87: {  	[tilespmem:$0x66B0] =	vst v0  }
0x88: {  	[tilespmem:$0x66C0] =	vst v0  }
0x89: {  	[tilespmem:$0x66D0] =	vst v0  }
0x8a: {  	[tilespmem:$0x66E0] =	vst v0  }
0x8b: {  	[tilespmem:$0x66F0] =	vst v0  }
0x8c: {  	[tilespmem:$0x6700] =	vst v0  }
0x8d: {  	[tilespmem:$0x6710] =	vst v0  }
0x8e: {  	[tilespmem:$0x6720] =	vst v0  }
0x8f: {  	[tilespmem:$0x6730] =	vst v0  }
0x90: {  	[tilespmem:$0x6740] =	vst v0  }
0x91: {  	[tilespmem:$0x6750] =	vst v0  }
0x92: {  	[tilespmem:$0x6760] =	vst v0  }
0x93: {  	[tilespmem:$0x6770] =	vst v0  }
0x94: {  	[tilespmem:$0x6780] =	vst v0  }
0x95: {  	[tilespmem:$0x6790] =	vst v0  }
0x96: {  	[tilespmem:$0x1A520] =	vst v0  }
0x97: {  	[tilespmem:$0x1A530] =	vst v0  }
0x98: {  	[tilespmem:$0x1A540] =	vst v0  }
0x99: {  	[tilespmem:$0x1A550] =	vst v0  }
0x9a: {  	[tilespmem:$0x1A560] =	vst v0  }
0x9b: {  	[tilespmem:$0x1A570] =	vst v0  }
0x9c: {  	[tilespmem:$0x1A580] =	vst v0  }
0x9d: {  	[tilespmem:$0x1A590] =	vst v0  }
0x9e: {  	[tilespmem:$0x1A5A0] =	vst v0  }
0x9f: {  	[tilespmem:$0x1A5B0] =	vst v0  }
0xa0: {  	[tilespmem:$0x1A5C0] =	vst v0  }
0xa1: {  	[tilespmem:$0x1A5D0] =	vst v0  }
0xa2: {  	[tilespmem:$0x1A5E0] =	vst v0  }
0xa3: {  	[tilespmem:$0x1A5F0] =	vst v0  }
0xa4: {  	[tilespmem:$0x1A600] =	vst v0  }
0xa5: {  	[tilespmem:$0x1A610] =	vst v0  }
0xa6: {  	[tilespmem:$0x1A020] =	vst v1  }
0xa7: {  	[tilespmem:$0x1A030] =	vst v1  }
0xa8: {  	[tilespmem:$0x1A040] =	vst v1  }
0xa9: {  	[tilespmem:$0x1A050] =	vst v1  }
0xaa: {  	[tilespmem:$0x1A060] =	vst v1  }
0xab: {  	[tilespmem:$0x1A070] =	vst v1  }
0xac: {  	[tilespmem:$0x1A080] =	vst v1  }
0xad: {  	[tilespmem:$0x1A090] =	vst v1  }
0xae: {  	[tilespmem:$0x1A0A0] =	vst v1  }
0xaf: {  	[tilespmem:$0x1A0B0] =	vst v1  }
0xb0: {  	[tilespmem:$0x1A0C0] =	vst v1  }
0xb1: {  	[tilespmem:$0x1A0D0] =	vst v1  }
0xb2: {  	[tilespmem:$0x1A0E0] =	vst v1  }
0xb3: {  	[tilespmem:$0x1A0F0] =	vst v1  }
0xb4: {  	[tilespmem:$0x1A100] =	vst v1  }
0xb5: {  	[tilespmem:$0x1A110] =	vst v1  }
0xb6: {  	[tilespmem:$0x1A120] =	vst v1  }
0xb7: {  	[tilespmem:$0x1A130] =	vst v1  }
0xb8: {  	[tilespmem:$0x1A140] =	vst v1  }
0xb9: {  	[tilespmem:$0x1A150] =	vst v1  }
0xba: {  	[tilespmem:$0x1A160] =	vst v1  }
0xbb: {  	[tilespmem:$0x1A170] =	vst v1  }
0xbc: {  	[tilespmem:$0x1A180] =	vst v1  }
0xbd: {  	[tilespmem:$0x1A190] =	vst v1  }
0xbe: {  	[tilespmem:$0x1A1A0] =	vst v1  }
0xbf: {  	[tilespmem:$0x1A1B0] =	vst v1  }
0xc0: {  	[tilespmem:$0x1A1C0] =	vst v1  }
0xc1: {  	[tilespmem:$0x1A1D0] =	vst v1  }
0xc2: {  	[tilespmem:$0x1A1E0] =	vst v1  }
0xc3: {  	[tilespmem:$0x1A1F0] =	vst v1  }
0xc4: {  	[tilespmem:$0x1A200] =	vst v1  }
0xc5: {  	[tilespmem:$0x1A210] =	vst v1  }
0xc6: {  	[tilespmem:$0x1A220] =	vst v1  }
0xc7: {  	[tilespmem:$0x1A230] =	vst v1  }
0xc8: {  	[tilespmem:$0x1A240] =	vst v1  }
0xc9: {  	[tilespmem:$0x1A250] =	vst v1  }
0xca: {  	[tilespmem:$0x1A260] =	vst v1  }
0xcb: {  	[tilespmem:$0x1A270] =	vst v1  }
0xcc: {  	[tilespmem:$0x1A280] =	vst v1  }
0xcd: {  	[tilespmem:$0x1A290] =	vst v1  }
0xce: {  	[tilespmem:$0x1A2A0] =	vst v1  }
0xcf: {  	[tilespmem:$0x1A2B0] =	vst v1  }
0xd0: {  	[tilespmem:$0x1A2C0] =	vst v1  }
0xd1: {  	[tilespmem:$0x1A2D0] =	vst v1  }
0xd2: {  	[tilespmem:$0x1A2E0] =	vst v1  }
0xd3: {  	[tilespmem:$0x1A2F0] =	vst v1  }
0xd4: {  	[tilespmem:$0x1A300] =	vst v1  }
0xd5: {  	[tilespmem:$0x1A310] =	vst v1  }
0xd6: {  	[tilespmem:$0x1A320] =	vst v1  }
0xd7: {  	[tilespmem:$0x1A330] =	vst v1  }
0xd8: {  	[tilespmem:$0x1A340] =	vst v1  }
0xd9: {  	[tilespmem:$0x1A350] =	vst v1  }
0xda: {  	[tilespmem:$0x1A360] =	vst v1  }
0xdb: {  	[tilespmem:$0x1A370] =	vst v1  }
0xdc: {  	[tilespmem:$0x1A380] =	vst v1  }
0xdd: {  	[tilespmem:$0x1A390] =	vst v1  }
0xde: {  	[tilespmem:$0x1A3A0] =	vst v1  }
0xdf: {  	[tilespmem:$0x1A3B0] =	vst v1  }
0xe0: {  	[tilespmem:$0x1A3C0] =	vst v1  }
0xe1: {  	[tilespmem:$0x1A3D0] =	vst v1  }
0xe2: {  	[tilespmem:$0x1A3E0] =	vst v1  }
0xe3: {  	[tilespmem:$0x1A3F0] =	vst v1  }
0xe4: {  	[tilespmem:$0x1A400] =	vst v1  }
0xe5: {  	[tilespmem:$0x1A410] =	vst v1  }
0xe6: {  	[tilespmem:$0x1A420] =	vst v1  }
0xe7: {  	[tilespmem:$0x1A430] =	vst v1  }
0xe8: {  	[tilespmem:$0x1A440] =	vst v1  }
0xe9: {  	[tilespmem:$0x1A450] =	vst v1  }
0xea: {  	[tilespmem:$0x1A460] =	vst v1  }
0xeb: {  	[tilespmem:$0x1A470] =	vst v1  }
0xec: {  	[tilespmem:$0x1A480] =	vst v1  }
0xed: {  	[tilespmem:$0x1A490] =	vst v1  }
0xee: {  	[tilespmem:$0x1A4A0] =	vst v1  }
0xef: {  	[tilespmem:$0x1A4B0] =	vst v1  }
0xf0: {  	[tilespmem:$0x1A4C0] =	vst v1  }
0xf1: {  	[tilespmem:$0x1A4D0] =	vst v1  }
0xf2: {  	[tilespmem:$0x1A4E0] =	vst v1  }
0xf3: {  	[tilespmem:$0x1A4F0] =	vst v1  }
0xf4: {  	[tilespmem:$0x1A500] =	vst v1  }
0xf5: {  	[tilespmem:$0x1A510] =	vst v1  }
0xf6: {  	[spmem:s12] =	stream.linear.scatter [tilespmem:s18], [sflag:$0x3], $0x800, $0x38;
	[tilespmem:$0x1CD30] =	vst v63  }
0xf7: {  	_ =	swait.ge [sflag:s19], $0x800  }
0xf8: {  	[sflag:s19] =	ssyncset.done $0x0  }
0xf9: {  	s0 =	sadd.s32 $0x0, s14;
	[sflag:s19] =	ssyncadd.s32 $0xFFFFF800  }
0xfa: {  	[spmem:s0] =	stream.linear.scatter [tilespmem:s20], [sflag:$0x3], $0x100, $0x38;
	[tilespmem:$0x1CD30] =	vst v63  }
0xfb: {  	_ =	swait.ge [sflag:s19], $0x100  }
0xfc: {  	s5 =	smov.u32 s12;
	s0 =	simm.s32 $0x400;
	[sflag:s19] =	ssyncset.done $0x0  }
.LBB2_2:
0xfd: {  	p1 =	sne.s32 s0, $0x9800;
	[sflag:s19] =	ssyncadd.s32 $0xFFFFFF00;
	s5 =	sadd.s32 $0x800, s5  }
0xfe: {  	[spmem:s5] =	stream.linear.scatter [tilespmem:s18], [sflag:$0x3], $0x800, $0x38;
	[tilespmem:$0x1CD30] =	vst v63  }
0xff: {  	s28 =	smov.u32 s0;
	s0 =	sadd.s32 $0x400, s0;
	_ =	swait.ge [sflag:s19], $0x800  }
.Ltmp0:
0x100: {  	s28 =	sshra.s32 s28, $0x2;
	[sflag:s19] =	ssyncset.done $0x0;
	(pc) =	sbr.rel @p1 .LBB2_2-.Ltmp0, $4  }
0x101: {  	s28 =	sadd.s32 s28, s14;
	[sflag:s19] =	ssyncadd.s32 $0xFFFFF800  }
0x102: {  	[spmem:s28] =	stream.linear.scatter [tilespmem:s20], [sflag:$0x3], $0x100, $0x38;
	[tilespmem:$0x1CD30] =	vst v63  }
0x103: {  	_ =	swait.ge [sflag:s19], $0x100  }
0x104: {  	[sflag:s19] =	ssyncset.done $0x0  }
0x105: {  	[sflag:s19] =	ssyncadd.s32 $0xFFFFFF00;
	s0 =	simm.s32 @!p0 $0x5FA0  }
0x106: {  	[spmem:s8] =	stream.linear.scatter @!p0 [tilespmem:s0], [sflag:$0x3], $0x800, $0x38;
	[tilespmem:$0x1CD30] =	vst v63  }
0x107: {  	s0 =	simm.s32 @!p0 $0x3  }
0x108: {  	_ =	swait.ge @!p0 [sflag:s0], $0x800  }
0x109: {  	[sflag:s0] =	ssyncset.done @!p0 $0x0  }
0x10a: {  	s5 =	simm.s32 @!p0 $0x1A520;
	[sflag:s0] =	ssyncadd.s32 @!p0 $0xFFFFF800  }
0x10b: {  	[spmem:s9] =	stream.linear.scatter @!p0 [tilespmem:s5], [sflag:$0x3], $0x100, $0x38;
	[tilespmem:$0x1CD30] =	vst v63  }
0x10c: {  	_ =	swait.ge @!p0 [sflag:s0], $0x100  }
0x10d: {  	[sflag:s0] =	ssyncset.done @!p0 $0x0  }
0x10e: {  	[sflag:s0] =	ssyncadd.s32 @!p0 $0xFFFFFF00  }
0x10f: {  	s28 =	simm.s32 $0x0;
	[bflag:$0x0] =	sbarrier.arrive $0xFFFF  }
.LBB2_4:
0x110: {  	s0 =	smul.u32 $0x7D0, s28;
	_ =	sdelay $0x1  }
0x111: {  	s0 =	sadd.s32 s10, s0  }
0x112: {  	s0 =	sshrl.u32 s0, $0x3  }
0x113: {  	s5 =	sadd.s32 s6, s0  }
0x114: {  	[tilespmem:s4], [sflag:$0x3] =	stream.linear.gather [hbm4b:s5+s4], $0x7D0, $0x38;
	[tilespmem:$0x1CD30] =	vst v63  }
0x115: {  	_ =	swait.ge [sflag:s19], $0x7D0  }
0x116: {  	[sflag:s19] =	ssyncset.done $0x0  }
0x117: {  	s13 =	simm.s32 $0x7D0;
	s0 =	sadd.s32 s7, s0;
	[sflag:s19] =	ssyncadd.s32 $0xFFFFF830  }
0x118: {  	[tilespmem:s13], [sflag:$0x3] =	stream.linear.gather [hbm4b:s0+s4], $0x7D0, $0x38;
	[tilespmem:$0x1CD30] =	vst v63  }
0x119: {  	s29 =	simm.s32 $0x0;
	_ =	swait.ge [sflag:s19], $0x7D0  }
0x11a: {  	s30 =	simm.s32 $0x1;
	s29 =	sand.u32 $0x1, s29;
	[sflag:s19] =	ssyncset.done $0x0  }
0x11b: {  	p1 =	seq.s32 s29, $0x0;
	s0 =	simm.s32 $0x50;
	[sflag:s19] =	ssyncadd.s32 $0xFFFFF830  }
0x11c: {  	[tilespmem:s21], [sflag:$0x1] =	stream.indirect.gather [hbm4b:s1+s0], $0x80, s4, s0, $0xb8;
	[tilespmem:$0x1CD30] =	vst v63  }
0x11d: {  	s30 =	sand.u32 $0x1, s30;
	s31 =	simm.s32 @!p1 $0x50;
	s11 =	simm.s32 @!p1 $0xFA0  }
0x11e: {  	[tilespmem:s11], [sflag:$0x1] =	stream.indirect.gather @!p1 [hbm4b:s1+s31], $0x80, s0, s31, $0xb8;
	[tilespmem:$0x1CD30] =	vst v63  }
0x11f: {  	p2 =	seq.s32 s29, $0x1;
	p1 =	seq.s32 s30, $0x0;
	s11 =	simm.s32 $0x2  }
0x120: {  	s29 =	simm.s32 @!p1 $0x50;
	s30 =	simm.s32 @!p1 $0x37A0;
	s11 =	simm.s32 @!p2 $0x1  }
0x121: {  	[tilespmem:s30], [sflag:$0x2] =	stream.indirect.gather @!p1 [hbm4b:s1+s29], $0x80, s0, s29, $0xb8;
	[tilespmem:$0x1CD30] =	vst v63  }
0x122: {  	_ =	swait.ge [sflag:s11], $0x2800  }
0x123: {  	s0 =	simm.s32 $0x37A0;
	[sflag:s11] =	ssyncset.done $0x0  }
0x124: {  	s0 =	simm.s32 @!p2 $0xFA0;
	[sflag:s11] =	ssyncadd.s32 $0xFFFFD800  }
0x125: {  	[spmem:s2] =	stream.indirect.scatter.add.f32 [tilespmem:s0], [sflag:$0x3], $0x80, s13, s22, $0xb8;
	[tilespmem:$0x1CD30] =	vst v63  }
0x126: {  	s15 =	simm.s32 $0x1;
	_ =	swait.ge [sflag:s19], $0x2800  }
0x127: {  	s5 =	sand.u32 $0x1, s15;
	[sflag:s19] =	ssyncset.done $0x0  }
0x128: {  	s31 =	simm.s32 $0x2;
	s30 =	simm.s32 $0xA0;
	[sflag:s19] =	ssyncadd.s32 $0xFFFFD800  }
0x129: {  	[spmem:s3] =	stream.indirect.scatter.add.f32 [tilespmem:s23], [sflag:$0x3], $0x10, s13, s22, $0xb8;
	[tilespmem:$0x1CD30] =	vst v63  }
0x12a: {  	s29 =	simm.s32 $0x820;
	s0 =	simm.s32 $0x3;
	_ =	swait.ge [sflag:s19], $0x500  }
.LBB2_5:
0x12b: {  	p1 =	seq.s32 s5, $0x0;
	s11 =	sand.u32 $0x1, s31  }
0x12c: {  	[sflag:s19] =	ssyncset.done $0x0;
	s31 =	smov.u32 s0;
	s0 =	sadd.s32 $0x1, s0  }
0x12d: {  	s13 =	simm.s32 @!p1 $0x50;
	s15 =	simm.s32 @!p1 $0xFA0;
	[sflag:s19] =	ssyncadd.s32 $0xFFFFFB00  }
0x12e: {  	[tilespmem:s15], [sflag:$0x1] =	stream.indirect.gather @!p1 [hbm4b:s1+s13], $0x80, s30, s13, $0xb8;
	[tilespmem:$0x1CD30] =	vst v63  }
0x12f: {  	p2 =	seq.s32 s5, $0x1;
	p1 =	seq.s32 s11, $0x0;
	s13 =	simm.s32 $0x2  }
0x130: {  	s5 =	simm.s32 @!p1 $0x50;
	s11 =	simm.s32 @!p1 $0x37A0;
	s13 =	simm.s32 @!p2 $0x1  }
0x131: {  	[tilespmem:s11], [sflag:$0x2] =	stream.indirect.gather @!p1 [hbm4b:s1+s5], $0x80, s30, s5, $0xb8;
	[tilespmem:$0x1CD30] =	vst v63  }
0x132: {  	p1 =	sne.s32 s0, $0x19;
	s5 =	simm.s32 $0x37A0;
	_ =	swait.ge [sflag:s13], $0x2800  }
0x133: {  	s5 =	simm.s32 @!p2 $0xFA0;
	[sflag:s13] =	ssyncset.done $0x0  }
0x134: {  	[sflag:s13] =	ssyncadd.s32 $0xFFFFD800  }
0x135: {  	[spmem:s2] =	stream.indirect.scatter.add.f32 [tilespmem:s5], [sflag:$0x3], $0x80, s29, s22, $0xb8;
	[tilespmem:$0x1CD30] =	vst v63  }
.Ltmp1:
0x136: {  	_ =	swait.ge [sflag:s19], $0x2800;
	(pc) =	sbr.rel @p1 .LBB2_5-.Ltmp1, $4  }
0x137: {  	[sflag:s19] =	ssyncset.done $0x0  }
0x138: {  	s30 =	sadd.s32 $0x50, s30;
	s5 =	sadd.s32 $0xFFFFFFFF, s31;
	[sflag:s19] =	ssyncadd.s32 $0xFFFFD800  }
0x139: {  	[spmem:s3] =	stream.indirect.scatter.add.f32 [tilespmem:s23], [sflag:$0x3], $0x10, s29, s22, $0xb8;
	[tilespmem:$0x1CD30] =	vst v63  }
0x13a: {  	s5 =	sand.u32 $0x1, s5;
	s29 =	sadd.s32 $0x50, s29;
	_ =	swait.ge [sflag:s19], $0x500  }
0x13b: {  	p1 =	seq.s32 s5, $0x0;
	s0 =	sand.u32 $0x1, s31;
	[sflag:s19] =	ssyncset.done $0x0  }
0x13c: {  	s11 =	simm.s32 @!p1 $0x50;
	s13 =	simm.s32 @!p1 $0xFA0;
	[sflag:s19] =	ssyncadd.s32 $0xFFFFFB00  }
0x13d: {  	[tilespmem:s13], [sflag:$0x1] =	stream.indirect.gather @!p1 [hbm4b:s1+s11], $0x80, s30, s11, $0xb8;
	[tilespmem:$0x1CD30] =	vst v63  }
0x13e: {  	p2 =	seq.s32 s5, $0x1;
	p1 =	seq.s32 s0, $0x0;
	s0 =	simm.s32 $0x2  }
0x13f: {  	s5 =	simm.s32 @!p1 $0x50;
	s11 =	simm.s32 @!p1 $0x37A0;
	s0 =	simm.s32 @!p2 $0x1  }
0x140: {  	[tilespmem:s11], [sflag:$0x2] =	stream.indirect.gather @!p1 [hbm4b:s1+s5], $0x80, s30, s5, $0xb8;
	[tilespmem:$0x1CD30] =	vst v63  }
0x141: {  	_ =	swait.ge [sflag:s0], $0x2800  }
0x142: {  	s5 =	simm.s32 $0x37A0;
	[sflag:s0] =	ssyncset.done $0x0  }
0x143: {  	s5 =	simm.s32 @!p2 $0xFA0;
	[sflag:s0] =	ssyncadd.s32 $0xFFFFD800  }
0x144: {  	[spmem:s2] =	stream.indirect.scatter.add.f32 [tilespmem:s5], [sflag:$0x3], $0x80, s29, s22, $0xb8;
	[tilespmem:$0x1CD30] =	vst v63  }
0x145: {  	_ =	swait.ge [sflag:s19], $0x2800  }
0x146: {  	[sflag:s19] =	ssyncset.done $0x0  }
0x147: {  	[sflag:s19] =	ssyncadd.s32 $0xFFFFD800  }
0x148: {  	[spmem:s3] =	stream.indirect.scatter.add.f32 [tilespmem:s23], [sflag:$0x3], $0x10, s29, s22, $0xb8;
	[tilespmem:$0x1CD30] =	vst v63  }
0x149: {  	_ =	swait.ge [sflag:s19], $0x500  }
0x14a: {  	[sflag:s19] =	ssyncset.done $0x0  }
0x14b: {  	[sflag:s19] =	ssyncadd.s32 $0xFFFFFB00  }
0x14c: {  	_ =	swait.ge [sflag:s24], $0x2800  }
0x14d: {  	[sflag:s24] =	ssyncset.done $0x0  }
0x14e: {  	[sflag:s24] =	ssyncadd.s32 $0xFFFFD800  }
0x14f: {  	[spmem:s2] =	stream.indirect.scatter.add.f32 [tilespmem:s21], [sflag:$0x3], $0x80, s25, s22, $0xb8;
	[tilespmem:$0x1CD30] =	vst v63  }
0x150: {  	s28 =	sadd.s32 $0x1, s28;
	_ =	swait.ge [sflag:s19], $0x2800  }
0x151: {  	p1 =	sne.s32 s28, $0x5;
	[sflag:s19] =	ssyncset.done $0x0  }
.Ltmp2:
0x152: {  	[sflag:s19] =	ssyncadd.s32 $0xFFFFD800;
	(pc) =	sbr.rel @p1 .LBB2_4-.Ltmp2, $4  }
0x153: {  	[spmem:s3] =	stream.indirect.scatter.add.f32 [tilespmem:s23], [sflag:$0x3], $0x10, s25, s22, $0xb8;
	[tilespmem:$0x1CD30] =	vst v63  }
0x154: {  	_ =	swait.ge [sflag:s19], $0x500  }
0x155: {  	[sflag:s19] =	ssyncset.done $0x0  }
0x156: {  	[sflag:s19] =	ssyncadd.s32 $0xFFFFFB00  }
0x157: {  	s0 =	stileid.u32  }
0x158: {  	[bflag:$0x0] =	sbarrier.arrive $0xFFFF;
	s0 =	sshll.u32 s0, $0x6  }
0x159: {  	s5 =	sshrl.u32 s12, $0x3;
	s11 =	rddreg [dreg:$0x6];
	s0 =	sor.u32 $0x1C03, s0  }
0x15a: {  	[hbm:s11], [sflag:s0] =	dma.local [spmem:s5], $0x2700  }
0x15b: {  	_ =	swait.ge [sflag:s19], $0x2700  }
0x15c: {  	[sflag:s19] =	ssyncset.done $0x0  }
0x15d: {  	s30 =	sshrl.u32 s14, $0x3;
	s31 =	rddreg [dreg:$0x7];
	[sflag:s19] =	ssyncadd.s32 $0xFFFFD900  }
0x15e: {  	[hbm:s31], [sflag:s0] =	dma.local [spmem:s30], $0x4E0  }
0x15f: {  	_ =	swait.ge [sflag:s19], $0x4E0  }
0x160: {  	[sflag:s19] =	ssyncset.done $0x0  }
0x161: {  	s5 =	sshrl.u32 @!p0 s8, $0x3;
	s11 =	rddreg [dreg:$0x8];
	[sflag:s19] =	ssyncadd.s32 $0xFFFFFB20  }
0x162: {  	[hbm:s11], [sflag:s0] =	dma.local @!p0 [spmem:s5], $0x100  }
0x163: {  	s5 =	simm.s32 @!p0 $0x3  }
0x164: {  	s26 =	sadd.s32 $0x1, s26;
	_ =	swait.ge @!p0 [sflag:s5], $0x100  }
0x165: {  	p1 =	sne.s32 s26, s17;
	[sflag:s5] =	ssyncset.done @!p0 $0x0  }
.Ltmp3:
0x166: {  	s11 =	sshrl.u32 @!p0 s9, $0x3;
	[sflag:s5] =	ssyncadd.s32 @!p0 $0xFFFFFF00;
	(pc) =	sbr.rel @p1 .LBB2_1-.Ltmp3, $4  }
0x167: {  	[hbm:s16], [sflag:s0] =	dma.local @!p0 [spmem:s11], $0x20  }
0x168: {  	_ =	swait.ge @!p0 [sflag:s5], $0x20  }
0x169: {  	[sflag:s5] =	ssyncset.done @!p0 $0x0  }
0x16a: {  	[sflag:s5] =	ssyncadd.s32 @!p0 $0xFFFFFFE0  }
0x16b: {  	_ =	sfence.sel $0x180000  }
0x16c: {  	[bflag:$0x0] =	sbarrier.arrive $0xFFFF  }
0x16d: {  	_ =	strace $0x90000047  }
0x16e: {  	s0 =	stileid.u32;
	[bflag:$0x2] =	sbarrier.arrive $0xFFFF  }
0x16f: {  	p0 =	sne.s32 s0, $0x0;
	s0 =	rddreg [dreg:$0x5]  }
0x170: {  	s0 =	sadd.s32 @!p0 $0x100000, s0  }
0x171: {  	[sflag:s0] =	ssyncadd.tile.s32 @!p0 $0x1;
	_ =	shalt  }
.Lfunc_end2:
_tile_overlayer_lowered:
.L_overlay_start_2:
0x172: {  	(tag) =	ssettag $0x2  }
0x173: {  	s0 =	rddreg [dreg:$0x0];
	s2 =	stileid.u32  }
0x174: {  	s1 =	rddreg [dreg:$0x1];
	p0 =	sne.s32 s2, $0x0  }
0x175: {  	s3 =	rddreg [dreg:$0x2];
	[bflag:$0x3] =	sbarrier.arrive $0xFFFF;
	s2 =	simm.s32 @!p0 $0x1C03  }
0x176: {  	[timem:s3], [sflag:s2] =	dma.local @!p0 [hbm:s0], s1  }
0x177: {  	s0 =	simm.s32 @!p0 $0x3  }
0x178: {  	_ =	swait.ge @!p0 [sflag:s0], s1  }
0x179: {  	s1 =	ssub.s32 @!p0 $0x0, s1;
	[sflag:s0] =	ssyncset.done @!p0 $0x0  }
0x17a: {  	[sflag:s0] =	ssyncadd.s32 @!p0 s1  }
0x17b: {  	[bflag:$0x3] =	sbarrier.arrive $0xFFFF  }
0x17c: {  	_ =	shalt  }

// kernel: kernel.9.cloned.1.call-start
scs
__scs_entry_jumppad:
0x0: {  	(pc) =	sbr.rel $0x88, $3  }
0x1: {  	(tag) =	ssettag $0x0;
	lr =	simm.s32 $0x1  }
0x2: {  	[smem:$0x3F99] =	sst lr;
	_ =	strace $0xD0000000  }
0x3: {  	_ = 	snop  }
0x4: {  	_ = 	snop  }
0x5: {  	_ = 	snop  }
0x6: {  	_ = 	snop  }
0x7: {  	_ = 	snop  }
__scs_overlays_trampoline_lowered:
0x8: {  	[smem:$0x3FA8] =	sst s0  }
0x9: {  	[smem:$0x3FA9] =	sst s1  }
0xa: {  	[smem:$0x3FAA] =	sst s2  }
0xb: {  	[smem:$0x3FAB] =	sst s3  }
0xc: {  	[smem:$0x3FAC] =	sst s4  }
0xd: {  	[smem:$0x3FAD] =	sst s5  }
0xe: {  	[smem:$0x3FAE] =	sst s6  }
0xf: {  	[smem:$0x3FAF] =	sst s7  }
0x10: {  	[smem:$0x3FB0] =	sst s8  }
0x11: {  	[smem:$0x3FB1] =	sst s9;
	s0 =	simm.s32 @!p0 $0x0  }
0x12: {  	s1 =	sld [smem:$0x3F97];
	s0 =	simm.s32 @p0 $0x1  }
0x13: {  	[smem:$0x3FB2] =	sst s0;
	s0 =	simm.s32 @!p1 $0x0  }
0x14: {  	s2 =	sld [smem:$0x3F96];
	s0 =	simm.s32 @p1 $0x1  }
0x15: {  	[smem:$0x3FB3] =	sst s0;
	s0 =	simm.s32 @!p2 $0x0  }
0x16: {  	s3 =	sld [smem:$0x3FDB];
	s0 =	simm.s32 @p2 $0x1  }
0x17: {  	s4 =	simm.s32 $0x1BF5;
	[smem:$0x3FB5] =	sst s0  }
0x18: {  	s0 =	sld [smem:$0x3F98];
	_ =	swait.ge [sflag:s4], $0x0  }
0x19: {  	s7 =	sld [smem:$0x3F99]  }
0x1a: {  	s8 =	sadd.s32 $0xFFFFE003, lr  }
0x1b: {  	s9 =	sadd.s32 $0xFFFFFEF7, lr;
	s5 =	simm.s32 $0xFFFFFFFF;
	p2 =	slt.u32 s8, $0xFFFFF086  }
0x1c: {  	p1 =	slt.u32 s9, $0xF7A;
	s5 =	simm.s32 @!p2 $0x0  }
0x1d: {  	s5 =	simm.s32 @p1 $0x1;
	p0 =	seq.s32 s7, s2  }
0x1e: {  	s7 =	smul.u32 @!p0 $0xF7A, s2;
	p2 =	seq.s32 @!p0 s5, $0x0  }
0x1f: {  	s9 =	smul.u32 $0xF7A, s1;
	s8 =	simm.s32 @!p0 $0x1BF5;
	p2 =	por !p2, p0  }
0x20: {  	[sflag:s8] =	ssyncset.s32 @!p0 $0xFFFFF086;
	s6 =	sadd.s32 @!p0 s3, s7;
	s7 =	simm.s32 @!p0 $0x108  }
0x21: {  	s3 =	sadd.s32 s3, s9;
	s6 =	sadd.s32 @!p0 $0x88, s6;
	s7 =	simm.s32 @p2 $0x1082  }
0x22: {  	[simem:s7], [sflag:s8] =	dma.local @!p0 [hbm:s6], $0xF7A  }
0x23: {  	s9 =	sor.u32 $0xD0000000, s2;
	s6 =	simm.s32 $0x108;
	_ =	swait.ge @!p0 [sflag:s8], $0x0  }
0x24: {  	s3 =	sadd.s32 $0x88, s3;
	s6 =	simm.s32 @!p1 $0x1082;
	[sflag:s4] =	ssyncset.s32 $0xFFFFF086  }
0x25: {  	[simem:s6], [sflag:s4] =	dma.local [hbm:s3], $0xF7A  }
0x26: {  	[smem:$0x3F99] =	sst s1;
	(tag) =	ssettag s2;
	_ =	strace s9  }
0x27: {  	s1 =	sld [smem:$0x3FA9]  }
0x28: {  	s2 =	sld [smem:$0x3FAA]  }
0x29: {  	s4 =	sld [smem:$0x3FAC]  }
0x2a: {  	p0 =	seq.s32 s5, $0x0;
	s5 =	sld [smem:$0x3FAD]  }
0x2b: {  	s6 =	sld [smem:$0x3FAE]  }
0x2c: {  	s7 =	sld [smem:$0x3FAF]  }
0x2d: {  	s3 =	simm.s32 $0x108;
	s8 =	sld [smem:$0x3FB0]  }
0x2e: {  	s3 =	simm.s32 @!p0 $0x1082;
	s9 =	sld [smem:$0x3FB1]  }
0x2f: {  	lr =	sadd.s32 s0, s3;
	s0 =	sld [smem:$0x3FA8]  }
0x30: {  	s3 =	sld [smem:$0x3FAB]  }
0x31: {  	[smem:$0x3FB4] =	sst s10  }
0x32: {  	s10 =	sld [smem:$0x3FB2];
	_ =	sdelay $0x3  }
0x33: {  	p0 =	seq.s32 s10, $0x1;
	s10 =	sld [smem:$0x3FB4];
	_ =	sdelay $0x3  }
0x34: {  	[smem:$0x3FB4] =	sst s10  }
0x35: {  	s10 =	sld [smem:$0x3FB3];
	_ =	sdelay $0x3  }
0x36: {  	p1 =	seq.s32 s10, $0x1;
	s10 =	sld [smem:$0x3FB4];
	_ =	sdelay $0x3  }
0x37: {  	[smem:$0x3FB4] =	sst s10  }
0x38: {  	s10 =	sld [smem:$0x3FB5]  }
0x39: {  	_ = 	snop;
	(pc) =	sbr.ind lr, $3  }
0x3a: {  	_ = 	snop  }
0x3b: {  	_ = 	snop  }
0x3c: {  	p2 =	seq.s32 s10, $0x1;
	s10 =	sld [smem:$0x3FB4]  }
0x3d: {  	_ =	shalt  }
0x3e: {  	_ =	shalt  }
0x3f: {  	_ =	shalt  }
0x40: {  	_ =	shalt  }
0x41: {  	_ =	shalt  }
0x42: {  	_ =	shalt  }
0x43: {  	_ =	shalt  }
0x44: {  	_ =	shalt  }
0x45: {  	_ =	shalt  }
0x46: {  	_ =	shalt  }
0x47: {  	_ =	shalt  }
0x48: {  	_ =	shalt  }
0x49: {  	_ =	shalt  }
0x4a: {  	_ =	shalt  }
0x4b: {  	_ =	shalt  }
0x4c: {  	_ =	shalt  }
0x4d: {  	_ =	shalt  }
0x4e: {  	_ =	shalt  }
0x4f: {  	_ =	shalt  }
0x50: {  	_ =	shalt  }
0x51: {  	_ =	shalt  }
0x52: {  	_ =	shalt  }
0x53: {  	_ =	shalt  }
0x54: {  	_ =	shalt  }
0x55: {  	_ =	shalt  }
0x56: {  	_ =	shalt  }
0x57: {  	_ =	shalt  }
0x58: {  	_ =	shalt  }
0x59: {  	_ =	shalt  }
0x5a: {  	_ =	shalt  }
0x5b: {  	_ =	shalt  }
0x5c: {  	_ =	shalt  }
0x5d: {  	_ =	shalt  }
0x5e: {  	_ =	shalt  }
0x5f: {  	_ =	shalt  }
0x60: {  	_ =	shalt  }
0x61: {  	_ =	shalt  }
0x62: {  	_ =	shalt  }
0x63: {  	_ =	shalt  }
0x64: {  	_ =	shalt  }
0x65: {  	_ =	shalt  }
0x66: {  	_ =	shalt  }
0x67: {  	_ =	shalt  }
0x68: {  	_ =	shalt  }
0x69: {  	_ =	shalt  }
0x6a: {  	_ =	shalt  }
0x6b: {  	_ =	shalt  }
0x6c: {  	_ =	shalt  }
0x6d: {  	_ =	shalt  }
0x6e: {  	_ =	shalt  }
0x6f: {  	_ =	shalt  }
0x70: {  	_ =	shalt  }
0x71: {  	_ =	shalt  }
0x72: {  	_ =	shalt  }
0x73: {  	_ =	shalt  }
0x74: {  	_ =	shalt  }
0x75: {  	_ =	shalt  }
0x76: {  	_ =	shalt  }
0x77: {  	_ =	shalt  }
0x78: {  	_ =	shalt  }
0x79: {  	_ =	shalt  }
0x7a: {  	_ =	shalt  }
0x7b: {  	_ =	shalt  }
0x7c: {  	_ =	shalt  }
0x7d: {  	_ =	shalt  }
0x7e: {  	_ =	shalt  }
0x7f: {  	_ =	shalt  }
0x80: {  	_ =	shalt  }
0x81: {  	_ =	shalt  }
0x82: {  	_ =	shalt  }
0x83: {  	_ =	shalt  }
0x84: {  	_ =	shalt  }
0x85: {  	_ =	shalt  }
0x86: {  	_ =	shalt  }
0x87: {  	_ =	shalt  }
.Lfunc_end0:
.L_simem_size_0:
called_computation.1_lowered:
.L_overlay_start_0:
0x88: {  	s2 =	sld [smem:$0x3FD9]  }
0x89: {  	s3 =	sld [smem:$0x3FFE];
	_ =	sdelay $0x1  }
0x8a: {  	s1 =	srdreg.scid  }
0x8b: {  	s0 =	sand.u32 $0x1, s1  }
0x8c: {  	s17 =	sshll.u32 s0, $0xA;
	s2 =	sadd.s32 s3, s2  }
0x8d: {  	s2 =	sadd.s32 s2, s17  }
0x8e: {  	[smem:$0x3FC0] =	sst s2  }
0x8f: {  	_ = 	snop  }
0x90: {  	s2 =	sld [smem:$0x3FD0];
	(tm) =	ssettm $0x1  }
0x91: {  	s18 =	sld [smem:$0x3FFB];
	_ =	sdelay $0x3  }
0x92: {  	_ =	strace s18  }
0x93: {  	s3 =	sld [smem:$0x3FFC];
	_ =	sdelay $0x3  }
0x94: {  	_ =	strace s3  }
0x95: {  	s3 =	sld [smem:$0x3FFD];
	_ =	sdelay $0x3  }
0x96: {  	_ =	strace s3  }
0x97: {  	_ =	strace $0x8FFFFFFF  }
0x98: {  	s19 =	sld [smem:$0x3FDB];
	_ =	sdelay $0x1  }
0x99: {  	s4 =	simm.s32 $_scs_section_size  }
0x9a: {  	s5 =	simm.s32 $_size__tile_overlayer_lowered;
	s6 =	simm.s32 $_tile_overlayer_lowered  }
0x9b: {  	s22 =	simm.s32 $0x1BFF;
	s21 =	sshll.u32 s6, $0x1;
	s3 =	sadd.s32 s4, s19  }
0x9c: {  	s7 =	simm.s32 $0x0;
	s20 =	sshll.u32 s5, $0x1;
	s5 =	sadd.s32 s21, s3  }
0x9d: {  	[timem:s7], [sflag:s22] =	dma.local [hbm:s5], s20  }
0x9e: {  	_ =	swait.ge [sflag:s22], s20  }
0x9f: {  	s4 =	ssub.s32 $0x0, s20;
	[sflag:s22] =	ssyncset.done $0x0  }
0xa0: {  	[sflag:s22] =	ssyncadd.s32 s4;
	_ =	sdelay $0x1  }
0xa1: {  	s23 =	simm.s32 $0x1B8B  }
0xa2: {  	_ =	swait.ge [sflag:s23], $0x1  }
0xa3: {  	[sflag:s23] =	ssyncset.done $0x0  }
0xa4: {  	s25 =	simm.s32 $0x1B8E;
	s24 =	sld [smem:$0x3FFE];
	[sflag:s23] =	ssyncadd.s32 $0xFFFFFFFF  }
0xa5: {  	s26 =	simm.s32 $execute0_lowered;
	[smem:$0x3FD2] =	sst s25  }
0xa6: {  	s5 =	sshll.u32 s26, $0x1;
	_ =	strace $0x80000049;
	[dreg:$0x1] =	wrdreg $0xFFFFFFFF  }
0xa7: {  	s28 =	simm.s32 $_size_execute0_lowered;
	s3 =	sadd.s32 s3, s5;
	[dreg:$0x0] =	wrdreg $0x0  }
0xa8: {  	s5 =	sshll.u32 s28, $0x1;
	[dreg:$0x2] =	wrdreg s3  }
0xa9: {  	[dreg:$0x3] =	wrdreg s5  }
0xaa: {  	[dreg:$0x4] =	wrdreg $0xC0  }
0xab: {  	_ =	task [dreg:s7], $0x5FFFF  }
0xac: {  	[dreg:$0x1] =	wrdreg $0xFFFFFFFF  }
0xad: {  	[dreg:$0x0] =	wrdreg $0x60  }
0xae: {  	[dreg:$0x2] =	wrdreg s2  }
0xaf: {  	[dreg:$0x3] =	wrdreg s24  }
0xb0: {  	[dreg:$0x4] =	wrdreg $0x3BA00  }
0xb1: {  	[dreg:$0x5] =	wrdreg $0x9  }
0xb2: {  	_ =	task.clear_ibuf [dreg:s7], $0x6FFFF;
	_ =	strace $0x90000049  }
0xb3: {  	s29 =	simm.s32 $0x9;
	_ =	strace $0x8000004B  }
0xb4: {  	_ =	swait.ge [sflag:s29], $0x1  }
0xb5: {  	[sflag:s29] =	ssyncadd.s32 $0xFFFFFFFF  }
0xb6: {  	_ =	strace $0x9000004B  }
0xb7: {  	_ =	sfence  }
0xb8: {  	s30 =	sld [smem:$0x0];
	_ =	sdelay $0x2  }
0xb9: {  	s31 =	sshll.u32 s1, $0xD;
	s1 =	sshrl.u32 s1, $0x2  }
0xba: {  	s3 =	sand.u32 $0x4000, s31;
	s1 =	sadd.s32 s1, s30  }
0xbb: {  	s0 =	sor.u32 s3, s0;
	s1 =	sshll.u32 s1, $0x11  }
0xbc: {  	s0 =	sor.u32 s1, s0  }
0xbd: {  	s0 =	sadd.s32 $0x8F2B, s0  }
0xbe: {  	[sflag:s0] =	ssyncadd.remote.s32 $0x1  }
0xbf: {  	_ =	sfence.sel $0xFFFF  }
0xc0: {  	[dreg:$0x0] =	wrdreg $0xFFFFFFFF;
	(pc) =	sbr.abs _section_cstart, $3  }
0xc1: {  	[dreg:$0x1] =	wrdreg $0xFFFFFFFF  }
0xc2: {  	_ =	task.clear_ibuf [dreg:s7], $0x2FFFF;
	_ =	strace $0x9FFFFFFF  }
0xc3: {  	(tm) =	ssettm $0x7FFFFFFF  }
tec
execute0_lowered:
.L_overlay_start_1:
0x0: {  	(tag) =	ssettag $0x1  }
0x1: {  	s1 =	rddreg [dreg:$0x0]  }
0x2: {  	s7 =	rddreg [dreg:$0x1]  }
0x3: {  	s2 =	rddreg [dreg:$0x2]  }
0x4: {  	s0 =	rddreg [dreg:$0x3];
	s3 =	simm.s32 $0x0  }
0x5: {  	s6 =	srdreg.scid;
	s4 =	stileid.u32;
	s16 =	simm.s32 $0x1  }
0x6: {  	s17 =	simm.s32 $0x50;
	s18 =	simm.s32 $0xF50;
	s19 =	simm.s32 $0x4  }
0x7: {  	s20 =	simm.s32 $0x0;
	[smem:$0x7FF] =	sst s3;
	s5 =	sadd.s32 $0xC200, s7  }
0x8: {  	s8 =	sand.u32 $0x1, s6;
	s6 =	sadd.s32 $0x2400, s7;
	s10 =	smul.u32 $0x27000, s4  }
0x9: {  	s11 =	sadd.s32 $0x8B600, s7;
	s30 =	smul.u32 $0x1380, s4;
	p0 =	sne.s32 s4, $0xF  }
0xa: {  	_ =	strace $0x8000004A;
	s9 =	ssub.s32 $0x2, s8;
	s12 =	smul.u32 $0x13880, s8  }
0xb: {  	s26 =	sshll.u32 s8, $0x4;
	s28 =	smul.u32 $0x9C400, s8;
	s8 =	sadd.s32 $0x9C000, s2  }
0xc: {  	s25 =	sshrl.u32 s9, $0x1;
	s14 =	sor.u32 s4, s26;
	s29 =	sshrl.u32 s10, $0x2  }
0xd: {  	s13 =	ssub.s32 s9, s25;
	s7 =	sadd.s32 s29, s2;
	s15 =	sshrl.u32 s28, $0x3  }
0xe: {  	s9 =	smul.u32 $0x2710, s14;
	s10 =	sadd.s32 s30, s12;
	s14 =	simm.s32 $0x3  }
0xf: {  	s31 =	sadd.s32 s11, s15;
	s10 =	sadd.s32 s11, s10;
	s12 =	smax.u32 s13, $0x1  }
0x10: {  	v0 =	vimm.f32 $0.0e+00;
	s13 =	simm.s32 $0x37A0;
	s15 =	simm.s32 $0xFA0;
	s11 =	sadd.s32 $0x13800, s31  }
.LBB2_1:
0x11: {  	[tilespmem:$0x37A0] =	vst v0  }
0x12: {  	[tilespmem:$0x37B0] =	vst v0  }
0x13: {  	[tilespmem:$0x37C0] =	vst v0  }
0x14: {  	[tilespmem:$0x37D0] =	vst v0  }
0x15: {  	[tilespmem:$0x37E0] =	vst v0  }
0x16: {  	[tilespmem:$0x37F0] =	vst v0  }
0x17: {  	[tilespmem:$0x3800] =	vst v0  }
0x18: {  	[tilespmem:$0x3810] =	vst v0  }
0x19: {  	[tilespmem:$0x3820] =	vst v0  }
0x1a: {  	[tilespmem:$0x3830] =	vst v0  }
0x1b: {  	[tilespmem:$0x3840] =	vst v0  }
0x1c: {  	[tilespmem:$0x3850] =	vst v0  }
0x1d: {  	[tilespmem:$0x3860] =	vst v0  }
0x1e: {  	[tilespmem:$0x3870] =	vst v0  }
0x1f: {  	[tilespmem:$0x3880] =	vst v0  }
0x20: {  	[tilespmem:$0x3890] =	vst v0  }
0x21: {  	[tilespmem:$0x38A0] =	vst v0  }
0x22: {  	[tilespmem:$0x38B0] =	vst v0  }
0x23: {  	[tilespmem:$0x38C0] =	vst v0  }
0x24: {  	[tilespmem:$0x38D0] =	vst v0  }
0x25: {  	[tilespmem:$0x38E0] =	vst v0  }
0x26: {  	[tilespmem:$0x38F0] =	vst v0  }
0x27: {  	[tilespmem:$0x3900] =	vst v0  }
0x28: {  	[tilespmem:$0x3910] =	vst v0  }
0x29: {  	[tilespmem:$0x3920] =	vst v0  }
0x2a: {  	[tilespmem:$0x3930] =	vst v0  }
0x2b: {  	[tilespmem:$0x3940] =	vst v0  }
0x2c: {  	[tilespmem:$0x3950] =	vst v0  }
0x2d: {  	[tilespmem:$0x3960] =	vst v0  }
0x2e: {  	[tilespmem:$0x3970] =	vst v0  }
0x2f: {  	[tilespmem:$0x3980] =	vst v0  }
0x30: {  	[tilespmem:$0x3990] =	vst v0  }
0x31: {  	[tilespmem:$0x39A0] =	vst v0  }
0x32: {  	[tilespmem:$0x39B0] =	vst v0  }
0x33: {  	[tilespmem:$0x39C0] =	vst v0  }
0x34: {  	[tilespmem:$0x39D0] =	vst v0  }
0x35: {  	[tilespmem:$0x39E0] =	vst v0  }
0x36: {  	[tilespmem:$0x39F0] =	vst v0  }
0x37: {  	[tilespmem:$0x3A00] =	vst v0  }
0x38: {  	[tilespmem:$0x3A10] =	vst v0  }
0x39: {  	[tilespmem:$0x3A20] =	vst v0  }
0x3a: {  	[tilespmem:$0x3A30] =	vst v0  }
0x3b: {  	[tilespmem:$0x3A40] =	vst v0  }
0x3c: {  	[tilespmem:$0x3A50] =	vst v0  }
0x3d: {  	[tilespmem:$0x3A60] =	vst v0  }
0x3e: {  	[tilespmem:$0x3A70] =	vst v0  }
0x3f: {  	[tilespmem:$0x3A80] =	vst v0  }
0x40: {  	[tilespmem:$0x3A90] =	vst v0  }
0x41: {  	[tilespmem:$0x3AA0] =	vst v0  }
0x42: {  	[tilespmem:$0x3AB0] =	vst v0  }
0x43: {  	[tilespmem:$0x3AC0] =	vst v0  }
0x44: {  	[tilespmem:$0x3AD0] =	vst v0  }
0x45: {  	[tilespmem:$0x3AE0] =	vst v0  }
0x46: {  	[tilespmem:$0x3AF0] =	vst v0  }
0x47: {  	[tilespmem:$0x3B00] =	vst v0  }
0x48: {  	[tilespmem:$0x3B10] =	vst v0  }
0x49: {  	[tilespmem:$0x3B20] =	vst v0  }
0x4a: {  	[tilespmem:$0x3B30] =	vst v0  }
0x4b: {  	[tilespmem:$0x3B40] =	vst v0  }
0x4c: {  	[tilespmem:$0x3B50] =	vst v0  }
0x4d: {  	[tilespmem:$0x3B60] =	vst v0  }
0x4e: {  	[tilespmem:$0x3B70] =	vst v0  }
0x4f: {  	[tilespmem:$0x3B80] =	vst v0  }
0x50: {  	[tilespmem:$0x3B90] =	vst v0;
	s21 =	sadd.s32 $0x0, s7  }
0x51: {  	[spmem:s21] =	stream.linear.scatter [tilespmem:s13], [sflag:$0x3], $0x400, $0x38;
	[tilespmem:$0xD7E0] =	vst v63  }
0x52: {  	s21 =	simm.s32 $0x1000;
	_ =	swait.ge [sflag:s14], $0x400  }
.LBB2_2:
0x53: {  	s22 =	sshra.s32 s21, $0x2;
	[sflag:s14] =	ssyncset.done $0x0;
	p1 =	sne.s32 s21, $0x26000  }
.Ltmp0:
0x54: {  	s22 =	sadd.s32 s22, s7;
	[sflag:s14] =	ssyncadd.s32 $0xFFFFFC00;
	(pc) =	sbr.rel @p1 .LBB2_2-.Ltmp0, $3  }
0x55: {  	[spmem:s22] =	stream.linear.scatter [tilespmem:s13], [sflag:$0x3], $0x400, $0x38;
	[tilespmem:$0xD7E0] =	vst v63  }
0x56: {  	s21 =	sadd.s32 $0x1000, s21;
	_ =	sdelay $0x1  }
0x57: {  	_ =	swait.ge [sflag:s14], $0x400  }
0x58: {  	[sflag:s14] =	ssyncset.done $0x0  }
0x59: {  	s21 =	simm.s32 @!p0 $0x37A0;
	[sflag:s14] =	ssyncadd.s32 $0xFFFFFC00  }
0x5a: {  	[spmem:s8] =	stream.linear.scatter @!p0 [tilespmem:s21], [sflag:$0x3], $0x400, $0x38;
	[tilespmem:$0xD7E0] =	vst v63  }
0x5b: {  	s21 =	simm.s32 @!p0 $0x3  }
0x5c: {  	_ =	swait.ge @!p0 [sflag:s21], $0x400  }
0x5d: {  	[sflag:s21] =	ssyncset.done @!p0 $0x0  }
0x5e: {  	[sflag:s21] =	ssyncadd.s32 @!p0 $0xFFFFFC00  }
0x5f: {  	s21 =	simm.s32 $0x0;
	[bflag:$0x0] =	sbarrier.arrive $0xFFFF  }
.LBB2_4:
0x60: {  	s22 =	smul.u32 $0x7D0, s21;
	_ =	sdelay $0x1  }
0x61: {  	s22 =	sadd.s32 s9, s22  }
0x62: {  	s22 =	sshrl.u32 s22, $0x3  }
0x63: {  	s23 =	sadd.s32 s5, s22  }
0x64: {  	[tilespmem:s3], [sflag:$0x3] =	stream.linear.gather [hbm4b:s23+s3], $0x7D0, $0x38;
	[tilespmem:$0xD7E0] =	vst v63  }
0x65: {  	_ =	swait.ge [sflag:s14], $0x7D0  }
0x66: {  	[sflag:s14] =	ssyncset.done $0x0  }
0x67: {  	s22 =	sadd.s32 s6, s22;
	s23 =	simm.s32 $0x7D0;
	[sflag:s14] =	ssyncadd.s32 $0xFFFFF830  }
0x68: {  	[tilespmem:s23], [sflag:$0x3] =	stream.linear.gather [hbm4b:s22+s3], $0x7D0, $0x38;
	[tilespmem:$0xD7E0] =	vst v63  }
0x69: {  	s24 =	simm.s32 $0x0;
	_ =	swait.ge [sflag:s14], $0x7D0  }
0x6a: {  	s25 =	simm.s32 $0x1;
	s24 =	sand.u32 $0x1, s24;
	[sflag:s14] =	ssyncset.done $0x0  }
0x6b: {  	p1 =	seq.s32 s24, $0x0;
	s22 =	simm.s32 $0x50;
	[sflag:s14] =	ssyncadd.s32 $0xFFFFF830  }
0x6c: {  	[tilespmem:s15], [sflag:$0x1] =	stream.indirect.gather [hbm4b:s1+s22], $0x40, s3, s22, $0xb8;
	[tilespmem:$0xD7E0] =	vst v63  }
0x6d: {  	s25 =	sand.u32 $0x1, s25;
	s26 =	simm.s32 @!p1 $0x50;
	s28 =	simm.s32 @!p1 $0xFA0  }
0x6e: {  	[tilespmem:s28], [sflag:$0x1] =	stream.indirect.gather @!p1 [hbm4b:s1+s26], $0x40, s22, s26, $0xb8;
	[tilespmem:$0xD7E0] =	vst v63  }
0x6f: {  	p2 =	seq.s32 s25, $0x0;
	p1 =	sne.s32 s24, $0x0  }
0x70: {  	s25 =	simm.s32 @!p2 $0x23A0;
	s24 =	simm.s32 @!p2 $0x50;
	s26 =	simm.s32 @p1 $0x2  }
0x71: {  	[tilespmem:s25], [sflag:$0x2] =	stream.indirect.gather @!p2 [hbm4b:s1+s24], $0x40, s22, s24, $0xb8;
	[tilespmem:$0xD7E0] =	vst v63  }
0x72: {  	s31 =	simm.s32 $0x1;
	_ =	swait.ge @p1 [sflag:s26], $0x1400  }
0x73: {  	s28 =	simm.s32 @!p1 $0x1;
	s29 =	simm.s32 @!p1 $0xFA0;
	[sflag:s26] =	ssyncset.done @p1 $0x0  }
0x74: {  	s22 =	simm.s32 @p1 $0x50;
	s24 =	simm.s32 @p1 $0x23A0;
	[sflag:s26] =	ssyncadd.s32 @p1 $0xFFFFEC00  }
0x75: {  	[spmem:s2] =	stream.indirect.scatter.add.f32 @p1 [tilespmem:s24], [sflag:$0x3], $0x40, s23, s22, $0xb8;
	[tilespmem:$0xD7E0] =	vst v63  }
0x76: {  	s25 =	simm.s32 $0x3;
	s26 =	simm.s32 @!p1 $0x4;
	_ =	swait.ge @!p1 [sflag:s28], $0x1400  }
0x77: {  	s24 =	simm.s32 $0x2;
	s22 =	simm.s32 @!p1 $0x50;
	[sflag:s28] =	ssyncset.done @!p1 $0x0  }
0x78: {  	s26 =	simm.s32 @p1 $0x3;
	[sflag:s28] =	ssyncadd.s32 @!p1 $0xFFFFEC00;
	s28 =	sand.u32 $0x1, s31  }
0x79: {  	[spmem:s2] =	stream.indirect.scatter.add.f32 @!p1 [tilespmem:s29], [sflag:$0x4], $0x40, s23, s22, $0xb8;
	[tilespmem:$0xD7E0] =	vst v63  }
0x7a: {  	s23 =	simm.s32 $0xA0;
	s22 =	simm.s32 $0x820;
	_ =	swait.ge [sflag:s26], $0x1400  }
.LBB2_5:
0x7b: {  	p1 =	seq.s32 s28, $0x0  }
0x7c: {  	s29 =	sand.u32 $0x1, s24;
	[sflag:s26] =	ssyncset.done $0x0;
	s24 =	smov.u32 s25  }
0x7d: {  	s30 =	simm.s32 @!p1 $0x50;
	s31 =	simm.s32 @!p1 $0xFA0;
	[sflag:s26] =	ssyncadd.s32 $0xFFFFEC00  }
0x7e: {  	[tilespmem:s31], [sflag:$0x1] =	stream.indirect.gather @!p1 [hbm4b:s1+s30], $0x40, s23, s30, $0xb8;
	[tilespmem:$0xD7E0] =	vst v63  }
0x7f: {  	s25 =	sadd.s32 $0x1, s25;
	p2 =	seq.s32 s29, $0x0;
	p1 =	sne.s32 s28, $0x0  }
0x80: {  	s26 =	simm.s32 @!p2 $0x50;
	s28 =	simm.s32 @!p2 $0x23A0;
	s29 =	simm.s32 @p1 $0x2  }
0x81: {  	[tilespmem:s28], [sflag:$0x2] =	stream.indirect.gather @!p2 [hbm4b:s1+s26], $0x40, s23, s26, $0xb8;
	[tilespmem:$0xD7E0] =	vst v63  }
0x82: {  	p2 =	sne.s32 s25, $0x19;
	_ =	swait.ge @p1 [sflag:s29], $0x1400  }
0x83: {  	s26 =	simm.s32 @p1 $0x50;
	s28 =	simm.s32 @p1 $0x23A0;
	[sflag:s29] =	ssyncset.done @p1 $0x0  }
0x84: {  	s23 =	sadd.s32 $0x50, s23;
	[sflag:s29] =	ssyncadd.s32 @p1 $0xFFFFEC00;
	s29 =	simm.s32 @!p1 $0x1  }
0x85: {  	[spmem:s2] =	stream.indirect.scatter.add.f32 @p1 [tilespmem:s28], [sflag:$0x3], $0x40, s22, s26, $0xb8;
	[tilespmem:$0xD7E0] =	vst v63  }
.Ltmp1:
0x86: {  	s26 =	simm.s32 @!p1 $0x4;
	_ =	swait.ge @!p1 [sflag:s29], $0x1400;
	(pc) =	sbr.rel @p2 .LBB2_5-.Ltmp1, $4  }
0x87: {  	s30 =	simm.s32 @!p1 $0xFA0;
	s28 =	simm.s32 @!p1 $0x50;
	[sflag:s29] =	ssyncset.done @!p1 $0x0  }
0x88: {  	s31 =	sadd.s32 $0xFFFFFFFF, s24;
	s26 =	simm.s32 @p1 $0x3;
	[sflag:s29] =	ssyncadd.s32 @!p1 $0xFFFFEC00  }
0x89: {  	[spmem:s2] =	stream.indirect.scatter.add.f32 @!p1 [tilespmem:s30], [sflag:$0x4], $0x40, s22, s28, $0xb8;
	[tilespmem:$0xD7E0] =	vst v63  }
0x8a: {  	s28 =	sand.u32 $0x1, s31;
	s22 =	sadd.s32 $0x50, s22;
	_ =	swait.ge [sflag:s26], $0x1400  }
0x8b: {  	p1 =	seq.s32 s28, $0x0;
	s24 =	sand.u32 $0x1, s24;
	[sflag:s26] =	ssyncset.done $0x0  }
0x8c: {  	s25 =	simm.s32 @!p1 $0x50;
	s29 =	simm.s32 @!p1 $0xFA0;
	[sflag:s26] =	ssyncadd.s32 $0xFFFFEC00  }
0x8d: {  	[tilespmem:s29], [sflag:$0x1] =	stream.indirect.gather @!p1 [hbm4b:s1+s25], $0x40, s23, s25, $0xb8;
	[tilespmem:$0xD7E0] =	vst v63  }
0x8e: {  	p2 =	seq.s32 s24, $0x0;
	p1 =	sne.s32 s28, $0x0  }
0x8f: {  	s24 =	simm.s32 @!p2 $0x50;
	s25 =	simm.s32 @!p2 $0x23A0;
	s26 =	simm.s32 @p1 $0x2  }
0x90: {  	[tilespmem:s25], [sflag:$0x2] =	stream.indirect.gather @!p2 [hbm4b:s1+s24], $0x40, s23, s24, $0xb8;
	[tilespmem:$0xD7E0] =	vst v63  }
0x91: {  	_ =	swait.ge @p1 [sflag:s26], $0x1400  }
0x92: {  	s23 =	simm.s32 @p1 $0x50;
	[sflag:s26] =	ssyncset.done @p1 $0x0  }
0x93: {  	s24 =	simm.s32 @p1 $0x23A0;
	s25 =	simm.s32 @!p1 $0x1;
	[sflag:s26] =	ssyncadd.s32 @p1 $0xFFFFEC00  }
0x94: {  	[spmem:s2] =	stream.indirect.scatter.add.f32 @p1 [tilespmem:s24], [sflag:$0x3], $0x40, s22, s23, $0xb8;
	[tilespmem:$0xD7E0] =	vst v63  }
0x95: {  	_ =	swait.ge @!p1 [sflag:s25], $0x1400  }
0x96: {  	s26 =	simm.s32 @!p1 $0xFA0;
	s23 =	simm.s32 @!p1 $0x4;
	[sflag:s25] =	ssyncset.done @!p1 $0x0  }
0x97: {  	s24 =	simm.s32 @!p1 $0x50;
	s23 =	simm.s32 @p1 $0x3;
	[sflag:s25] =	ssyncadd.s32 @!p1 $0xFFFFEC00  }
0x98: {  	[spmem:s2] =	stream.indirect.scatter.add.f32 @!p1 [tilespmem:s26], [sflag:$0x4], $0x40, s22, s24, $0xb8;
	[tilespmem:$0xD7E0] =	vst v63  }
0x99: {  	_ =	swait.ge [sflag:s23], $0x1400  }
0x9a: {  	[sflag:s23] =	ssyncset.done $0x0  }
0x9b: {  	[sflag:s23] =	ssyncadd.s32 $0xFFFFEC00  }
0x9c: {  	s21 =	sadd.s32 $0x1, s21;
	_ =	swait.ge [sflag:s16], $0x1400  }
0x9d: {  	p1 =	sne.s32 s21, $0x5;
	[sflag:s16] =	ssyncset.done $0x0  }
.Ltmp2:
0x9e: {  	[sflag:s16] =	ssyncadd.s32 $0xFFFFEC00;
	(pc) =	sbr.rel @p1 .LBB2_4-.Ltmp2, $4  }
0x9f: {  	[spmem:s2] =	stream.indirect.scatter.add.f32 [tilespmem:s15], [sflag:$0x4], $0x40, s18, s17, $0xb8;
	[tilespmem:$0xD7E0] =	vst v63  }
0xa0: {  	_ =	swait.ge [sflag:s19], $0x1400  }
0xa1: {  	[sflag:s19] =	ssyncset.done $0x0  }
0xa2: {  	[sflag:s19] =	ssyncadd.s32 $0xFFFFEC00  }
0xa3: {  	s21 =	sshll.u32 s4, $0x6  }
0xa4: {  	[bflag:$0x0] =	sbarrier.arrive $0xFFFF;
	s22 =	sshrl.u32 s7, $0x3;
	s21 =	sor.u32 $0x1C03, s21  }
0xa5: {  	[hbm:s10], [sflag:s21] =	dma.local [spmem:s22], $0x1380  }
0xa6: {  	_ =	swait.ge [sflag:s14], $0x1380  }
0xa7: {  	s20 =	sadd.s32 $0x1, s20;
	[sflag:s14] =	ssyncset.done $0x0  }
0xa8: {  	p1 =	sne.s32 s20, s12;
	s22 =	sshrl.u32 @!p0 s8, $0x3;
	[sflag:s14] =	ssyncadd.s32 $0xFFFFEC80  }
0xa9: {  	[hbm:s11], [sflag:s21] =	dma.local @!p0 [spmem:s22], $0x80  }
.Ltmp3:
0xaa: {  	_ = 	snop;
	(pc) =	sbr.rel @p1 .LBB2_1-.Ltmp3, $4  }
0xab: {  	s21 =	simm.s32 @!p0 $0x3  }
0xac: {  	_ =	swait.ge @!p0 [sflag:s21], $0x80  }
0xad: {  	[sflag:s21] =	ssyncset.done @!p0 $0x0  }
0xae: {  	[sflag:s21] =	ssyncadd.s32 @!p0 $0xFFFFFF80  }
0xaf: {  	_ =	sfence.sel $0x180000  }
0xb0: {  	[bflag:$0x0] =	sbarrier.arrive $0xFFFF  }
0xb1: {  	p0 =	sne.s32 s4, $0x0;
	_ =	strace $0x9000004A  }
0xb2: {  	s0 =	sadd.s32 @!p0 $0x100000, s0;
	[bflag:$0x2] =	sbarrier.arrive $0xFFFF  }
0xb3: {  	[sflag:s0] =	ssyncadd.tile.s32 @!p0 $0x1;
	_ =	shalt  }
.Lfunc_end2:
_tile_overlayer_lowered:
.L_overlay_start_2:
0xb4: {  	(tag) =	ssettag $0x2  }
0xb5: {  	s0 =	rddreg [dreg:$0x0];
	s2 =	stileid.u32  }
0xb6: {  	s1 =	rddreg [dreg:$0x1];
	p0 =	sne.s32 s2, $0x0  }
0xb7: {  	s3 =	rddreg [dreg:$0x2];
	[bflag:$0x3] =	sbarrier.arrive $0xFFFF;
	s2 =	simm.s32 @!p0 $0x1C03  }
0xb8: {  	[timem:s3], [sflag:s2] =	dma.local @!p0 [hbm:s0], s1  }
0xb9: {  	s0 =	simm.s32 @!p0 $0x3  }
0xba: {  	_ =	swait.ge @!p0 [sflag:s0], s1  }
0xbb: {  	s1 =	ssub.s32 @!p0 $0x0, s1;
	[sflag:s0] =	ssyncset.done @!p0 $0x0  }
0xbc: {  	[sflag:s0] =	ssyncadd.s32 @!p0 s1  }
0xbd: {  	[bflag:$0x3] =	sbarrier.arrive $0xFFFF  }
0xbe: {  	_ =	shalt  }

</sc_bundles>
